<compile_context>
chip_gen: v7x
topology: tpu7x:2x2x1
jax: 0.10.2.dev20260603
libtpu: 0.0.44.dev20260713+nightly
codegen_flags: <defaults>
</compile_context>

<pallas_src>
import functools

import jax
import jax.numpy as jnp
from jax import lax
from jax.experimental import pallas as pl
from jax.experimental.pallas import tpu as pltpu
from jax.experimental.pallas import tpu_sc as plsc

N = 10000
E = 320000
D = 128
P = 2

NC = 2
NS = 16
CHUNK = 128
SUP = 40
NSUP = -(-E // (NS * SUP * CHUNK))
TPT = NSUP * SUP * CHUNK
E_PAD = NS * TPT

BN = 1000
NB = N // BN


def _tc1_body(feats_ref, wft_ref, bf_ref, w0t_ref, w1t_ref, out_ref):
    x = feats_ref[...]
    h = jnp.dot(x, wft_ref[...], preferred_element_type=jnp.float32)
    h = h + bf_ref[...]
    h = jnp.where(h > 0, h, jnp.exp(jnp.minimum(h, 0.0)) - 1.0)
    out_ref[0] = jnp.dot(h, w0t_ref[...], preferred_element_type=jnp.float32)
    out_ref[1] = jnp.dot(h, w1t_ref[...], preferred_element_type=jnp.float32)


def _tc1(feats, wft, bf, w0t, w1t):
    return pl.pallas_call(
        _tc1_body,
        grid=(NB,),
        in_specs=[
            pl.BlockSpec((BN, D), lambda i: (i, 0)),
            pl.BlockSpec((D, D), lambda i: (0, 0)),
            pl.BlockSpec((1, D), lambda i: (0, 0)),
            pl.BlockSpec((D, D), lambda i: (0, 0)),
            pl.BlockSpec((D, D), lambda i: (0, 0)),
        ],
        out_specs=pl.BlockSpec((P, BN, D), lambda i: (0, i, 0)),
        out_shape=jax.ShapeDtypeStruct((P, N, D), jnp.float32),
    )(feats, wft, bf, w0t, w1t)


def _sc_body(seq_hbm, src_hbm, dst_hbm, val_hbm, out_hbm,
             idx_src, idx_dst, vals_v, rows, acc, sem, sem2, ssem):
    cid = lax.axis_index("c")
    sid = lax.axis_index("s")

    def _zrow(r, _):
        for j in range(D // 16):
            rows[0, r, pl.ds(j * 16, 16)] = jnp.zeros((16,), jnp.float32)
        return 0
    lax.fori_loop(0, CHUNK, _zrow, 0)

    base = sid * 624
    for i in range(4):
        pltpu.sync_copy(rows.at[0], acc.at[pl.ds(base + i * 128, 128)])
    pltpu.sync_copy(rows.at[0, pl.ds(0, 112)],
                    acc.at[pl.ds(base + 512, 112)])

    @pl.when(sid == 0)
    def _():
        pltpu.sync_copy(rows.at[0, pl.ds(0, 16)],
                        acc.at[pl.ds(NS * 624, 16)])
    plsc.subcore_barrier()

    def _scale(slot, c):
        def _grp(g, _):
            vv = vals_v[c, pl.ds(g * 16, 16)]
            for k in range(16):
                e = g * 16 + k
                v = vv[k]
                for j in range(D // 16):
                    sl = pl.ds(j * 16, 16)
                    rows[slot, e, sl] = rows[slot, e, sl] * v
            return 0
        lax.fori_loop(0, CHUNK // 16, _grp, 0)

    def _gather_start(c, slot, gsem):
        pltpu.async_copy(seq_hbm.at[idx_src.at[c]], rows.at[slot], gsem)

    def _gather_wait(c, slot, gsem):
        pltpu.make_async_copy(seq_hbm.at[idx_src.at[c]], rows.at[slot],
                              gsem).wait()

    def _sup(s, _):
        pltpu.sync_copy(src_hbm.at[cid, sid, s], idx_src)
        pltpu.sync_copy(dst_hbm.at[cid, sid, s], idx_dst)
        pltpu.sync_copy(val_hbm.at[cid, sid, s], vals_v)

        _gather_start(0, 0, sem)

        def _step(j, _):
            c0 = 2 * j
            c1 = 2 * j + 1
            _gather_wait(c0, 0, sem)
            _gather_start(c1, 1, sem2)
            _scale(0, c0)
            pltpu.sync_copy(rows.at[0], acc.at[idx_dst.at[c0]], add=True)

            _gather_wait(c1, 1, sem2)

            @pl.when(j < SUP // 2 - 1)
            def _():
                _gather_start(c1 + 1, 0, sem)
            _scale(1, c1)
            pltpu.sync_copy(rows.at[1], acc.at[idx_dst.at[c1]], add=True)
            return 0

        lax.fori_loop(0, SUP // 2, _step, 0)
        return 0

    lax.fori_loop(0, NSUP, _sup, 0)
    plsc.subcore_barrier()

    out_base = cid * N + base
    pltpu.sync_copy(acc.at[pl.ds(base, 624)],
                    out_hbm.at[pl.ds(out_base, 624)])

    @pl.when(sid == 0)
    def _():
        pltpu.sync_copy(acc.at[pl.ds(NS * 624, 16)],
                        out_hbm.at[pl.ds(cid * N + NS * 624, 16)])


@functools.partial(
    pl.kernel,
    out_type=jax.ShapeDtypeStruct((P * N, D), jnp.float32),
    mesh=plsc.VectorSubcoreMesh(core_axis_name="c", subcore_axis_name="s"),
    scratch_types=[
        pltpu.VMEM((SUP, CHUNK), jnp.int32),
        pltpu.VMEM((SUP, CHUNK), jnp.int32),
        pltpu.VMEM((SUP, CHUNK), jnp.float32),
        pltpu.VMEM((2, CHUNK, D), jnp.float32),
        pltpu.VMEM_SHARED((N, D), jnp.float32),
        pltpu.SemaphoreType.DMA,
        pltpu.SemaphoreType.DMA,
        pltpu.SemaphoreType.DMA,
    ],
)
def _sc_aggregate(seq_hbm, src_hbm, dst_hbm, val_hbm, out_hbm,
                  idx_src, idx_dst, vals_v, rows, acc, sem, sem2, ssem):
    _sc_body(seq_hbm, src_hbm, dst_hbm, val_hbm, out_hbm,
             idx_src, idx_dst, vals_v, rows, acc, sem, sem2, ssem)


def _tc2a_body(sums_ref, bg_ref, ag_ref, wat_ref, ba_ref, e_ref, tsum_ref):
    i = pl.program_id(0)
    x = sums_ref[...] + bg_ref[...]
    e = jnp.where(x >= 0, x, ag_ref[...] * x)
    e_ref[...] = e
    t0 = jnp.tanh(jnp.dot(e[0], wat_ref[...],
                          preferred_element_type=jnp.float32) + ba_ref[...])
    t1 = jnp.tanh(jnp.dot(e[1], wat_ref[...],
                          preferred_element_type=jnp.float32) + ba_ref[...])
    part = jnp.stack([jnp.sum(t0, axis=0), jnp.sum(t1, axis=0)])

    @pl.when(i == 0)
    def _():
        tsum_ref[...] = part

    @pl.when(i > 0)
    def _():
        tsum_ref[...] = tsum_ref[...] + part


def _tc2a(sums, bg, ag, wat, ba):
    return pl.pallas_call(
        _tc2a_body,
        grid=(NB,),
        in_specs=[
            pl.BlockSpec((P, BN, D), lambda i: (0, i, 0)),
            pl.BlockSpec((P, 1, D), lambda i: (0, 0, 0)),
            pl.BlockSpec((P, 1, D), lambda i: (0, 0, 0)),
            pl.BlockSpec((D, D), lambda i: (0, 0)),
            pl.BlockSpec((1, D), lambda i: (0, 0)),
        ],
        out_specs=[
            pl.BlockSpec((P, BN, D), lambda i: (0, i, 0)),
            pl.BlockSpec((P, D), lambda i: (0, 0)),
        ],
        out_shape=[
            jax.ShapeDtypeStruct((P, N, D), jnp.float32),
            jax.ShapeDtypeStruct((P, D), jnp.float32),
        ],
    )(sums, bg, ag, wat, ba)


def _tc2b_body(e_ref, tsum_ref, att_ref, z_ref):
    sp = tsum_ref[...] * (1.0 / N)
    logits = jnp.sum(sp * att_ref[...], axis=1)
    m = jnp.max(logits)
    w = jnp.exp(logits - m)
    beta = w / jnp.sum(w)
    z_ref[...] = beta[0] * e_ref[0] + beta[1] * e_ref[1]


def _tc2b(e, tsum, att):
    return pl.pallas_call(
        _tc2b_body,
        grid=(NB,),
        in_specs=[
            pl.BlockSpec((P, BN, D), lambda i: (0, i, 0)),
            pl.BlockSpec((P, D), lambda i: (0, 0)),
            pl.BlockSpec((1, D), lambda i: (0, 0)),
        ],
        out_specs=pl.BlockSpec((BN, D), lambda i: (i, 0)),
        out_shape=jax.ShapeDtypeStruct((N, D), jnp.float32),
    )(e, tsum, att)


def kernel(feats_0, adj0_indices, adj0_values, adj1_indices, adj1_values,
           W_feat, b_feat, W_gcn0, b_gcn0, a_gcn0, W_gcn1, b_gcn1, a_gcn1,
           W_attfc, b_attfc, att_vec):
    pad = E_PAD - E
    z_i = jnp.zeros((pad,), jnp.int32)
    z_f = jnp.zeros((pad,), jnp.float32)

    src0 = jnp.concatenate([adj0_indices[1].astype(jnp.int32), z_i])
    dst0 = jnp.concatenate([adj0_indices[0].astype(jnp.int32), z_i])
    val0 = jnp.concatenate([adj0_values, z_f])
    src1 = jnp.concatenate([adj1_indices[1].astype(jnp.int32), z_i]) + N
    dst1 = jnp.concatenate([adj1_indices[0].astype(jnp.int32), z_i])
    val1 = jnp.concatenate([adj1_values, z_f])

    srcs = jnp.stack([src0, src1]).reshape(P, NS, NSUP, SUP, CHUNK)
    dsts = jnp.stack([dst0, dst1]).reshape(P, NS, NSUP, SUP, CHUNK)
    vals = jnp.stack([val0, val1]).reshape(P, NS, NSUP, SUP, CHUNK)

    seq = _tc1(feats_0, W_feat.T, b_feat.reshape(1, D),
               W_gcn0.T, W_gcn1.T)

    sums = _sc_aggregate(seq.reshape(P * N, D), srcs, dsts, vals)
    sums = sums.reshape(P, N, D)

    bg = jnp.stack([b_gcn0, b_gcn1]).reshape(P, 1, D)
    ag = jnp.stack([jnp.broadcast_to(a_gcn0, (D,)),
                    jnp.broadcast_to(a_gcn1, (D,))]).reshape(P, 1, D)
    e, tsum = _tc2a(sums, bg, ag, W_attfc.T, b_attfc.reshape(1, D))
    return _tc2b(e, tsum, att_vec)

# --- scband reference (transcript-rebuilt; emitter-appended) ---
"""Pipeline reference for scband-student-my-he-co-30374008717606 (READ-ONLY COPY).

The authoritative reference and input builder live on the scoring server;
editing this copy changes nothing except your own understanding.
"""

import jax, jax.numpy as jnp
import numpy as np

N = 10000
E = 320000
D = 128  # student_dim = hidden_dim(256) * compression_ratio(0.5)
P = 2

def _xavier(key, shape, gain=1.414):
    fan_in, fan_out = shape[1], shape[0]
    std = gain * np.sqrt(2.0 / (fan_in + fan_out))
    return jax.random.normal(key, shape, dtype=jnp.float32) * std

def setup_inputs(seed: int = 0) -> dict:
    key = jax.random.key(seed)
    ks = [jax.random.fold_in(key, i) for i in range(20)]
    inp = {}
    inp['feats_0'] = jax.random.normal(ks[0], (N, D), dtype=jnp.float32)
    inp['adj0_indices'] = jax.random.randint(ks[1], (2, E), 0, N, dtype=jnp.int64)
    inp['adj0_values'] = jax.random.uniform(ks[2], (E,), dtype=jnp.float32)
    inp['adj1_indices'] = jax.random.randint(ks[3], (2, E), 0, N, dtype=jnp.int64)
    inp['adj1_values'] = jax.random.uniform(ks[4], (E,), dtype=jnp.float32)
    # fc_list[0]: Linear(feats_dim=128 -> student_dim=128), xavier_normal gain=1.414
    inp['W_feat'] = _xavier(ks[5], (D, D)); inp['b_feat'] = jnp.zeros((D,), jnp.float32)
    # GCN per metapath: Linear(D->D, bias=False) + bias param + PReLU (single slope, init 0.25)
    inp['W_gcn0'] = _xavier(ks[6], (D, D)); inp['b_gcn0'] = jnp.zeros((D,), jnp.float32); inp['a_gcn0'] = jnp.asarray(0.25, jnp.float32)
    inp['W_gcn1'] = _xavier(ks[7], (D, D)); inp['b_gcn1'] = jnp.zeros((D,), jnp.float32); inp['a_gcn1'] = jnp.asarray(0.25, jnp.float32)
    # Attention: fc Linear(D->D) + att vector [1, D]
    inp['W_attfc'] = _xavier(ks[8], (D, D)); inp['b_attfc'] = jnp.zeros((D,), jnp.float32)
    inp['att_vec'] = _xavier(ks[9], (1, D))
    return inp

def _gcn(h, idx, vals, W, b, a):
    seq_fts = h @ W.T  # Linear, bias=False
    # sparse adj (row=dst, col=src) @ seq_fts via gather + scatter-add
    msg = jnp.take(seq_fts, idx[1], axis=0) * vals[:, None]
    out = jax.ops.segment_sum(msg, idx[0], num_segments=N)
    out = out + b
    return jnp.where(out >= 0, out, a * out)  # PReLU

def reference(feats_0, adj0_indices, adj0_values, adj1_indices, adj1_values,
              W_feat, b_feat, W_gcn0, b_gcn0, a_gcn0, W_gcn1, b_gcn1, a_gcn1,
              W_attfc, b_attfc, att_vec):
    # feature projection: elu(feat_drop(fc(feats))) ; drop=0 in eval
    h = jax.nn.elu(feats_0 @ W_feat.T + b_feat)
    embeds = [
        _gcn(h, adj0_indices, adj0_values, W_gcn0, b_gcn0, a_gcn0),
        _gcn(h, adj1_indices, adj1_values, W_gcn1, b_gcn1, a_gcn1),
    ]
    # semantic attention over metapaths
    betas = []
    for e in embeds:
        sp = jnp.tanh(e @ W_attfc.T + b_attfc).mean(axis=0)  # [D]
        betas.append((att_vec @ sp)[0])
    beta = jax.nn.softmax(jnp.stack(betas))
    z_mp = beta[0] * embeds[0] + beta[1] * embeds[1]
    return z_mp

if __name__ == "__main__":
    import jax
    _d = setup_inputs()
    print(jax.jit(kernel)(*tuple(_d.values())))

</pallas_src>

<mosaic_0001>
#map = affine_map<(d0, d1) -> (0, 0)>
#map1 = affine_map<(d0, d1) -> (0, 0, 0, 0, 0)>
module attributes {stable_mosaic.version = 14 : i64} {
  func.func @_sc_aggregate(%arg0: i32, %arg1: i32, %arg2: memref<20000x128xf32, #tpu.memory_space<hbm>>, %arg3: memref<2x16x4x40x128xi32, #tpu.memory_space<hbm>>, %arg4: memref<2x16x4x40x128xi32, #tpu.memory_space<hbm>>, %arg5: memref<2x16x4x40x128xf32, #tpu.memory_space<hbm>>, %arg6: memref<20000x128xf32, #tpu.memory_space<hbm>>, %arg7: memref<40x128xi32, #tpu.memory_space<vmem>>, %arg8: memref<40x128xi32, #tpu.memory_space<vmem>>, %arg9: memref<40x128xf32, #tpu.memory_space<vmem>>, %arg10: memref<2x128x128xf32, #tpu.memory_space<vmem>>, %arg11: memref<10000x128xf32, #tpu.memory_space<vmem_shared>>, %arg12: memref<!tpu.dma_semaphore, #tpu.memory_space<semaphore_mem>>, %arg13: memref<!tpu.dma_semaphore, #tpu.memory_space<semaphore_mem>>, %arg14: memref<!tpu.dma_semaphore, #tpu.memory_space<semaphore_mem>>) attributes {dimension_semantics = [#tpu.dimension_semantics<core_parallel>, #tpu.dimension_semantics<subcore_parallel>], iteration_bounds = array<i64: 2, 16>, scalar_prefetch = 0 : i64, scratch_operands = 8 : i64, tpu.core_type = #tpu.core_type<sc_vector_subcore>, window_params = [{transform_indices = #map}, {transform_indices = #map1}, {transform_indices = #map1}, {transform_indices = #map1}, {transform_indices = #map}]} {
    %scan3A = arith.constant 0 : i32
    %scan3A_0 = arith.constant 0 : i32
    %scan3A_1 = arith.constant 128 : i32
    %scan3A_2 = arith.addi %scan3A_0, %scan3A_1 : i32
    %scan3A_3 = arith.constant 1 : i32
    %scan3A_4 = scf.for %scan3A_38 = %scan3A_0 to %scan3A_2 step %scan3A_3 iter_args(%scan3A_39 = %scan3A) -> (i32)  : i32 {
      %broadcast_in_dim3A = arith.constant 0.000000e+00 : f32
      %broadcast_in_dim3A_40 = vector.broadcast %broadcast_in_dim3A : f32 to vector<16xf32>
      %swap3A = arith.constant 0 : i32
      %swap3A_41 = arith.index_cast %swap3A : i32 to index
      %swap3A_42 = arith.index_cast %scan3A_38 : i32 to index
      %swap3A_43 = arith.constant 0 : index
      %swap3A_44 = tpu.vector_load %arg10[%swap3A_41, %swap3A_42, %swap3A_43] {strides = array<i32>} : memref<2x128x128xf32, #tpu.memory_space<vmem>>, vector<1x1x16xf32>,
      %swap3A_45 = vector.shape_cast %swap3A_44 : vector<1x1x16xf32> to vector<16xf32>
      %swap3A_46 = vector.shape_cast %broadcast_in_dim3A_40 : vector<16xf32> to vector<1x1x16xf32>
      tpu.vector_store %arg10[%swap3A_41, %swap3A_42, %swap3A_43], %swap3A_46 {strides = array<i32>} : memref<2x128x128xf32, #tpu.memory_space<vmem>>, vector<1x1x16xf32>,
      %broadcast_in_dim3A_47 = arith.constant 0.000000e+00 : f32
      %broadcast_in_dim3A_48 = vector.broadcast %broadcast_in_dim3A_47 : f32 to vector<16xf32>
      %swap3A_49 = arith.constant 0 : i32
      %swap3A_50 = arith.index_cast %swap3A_49 : i32 to index
      %swap3A_51 = arith.index_cast %scan3A_38 : i32 to index
      %swap3A_52 = arith.constant 16 : index
      %swap3A_53 = tpu.vector_load %arg10[%swap3A_50, %swap3A_51, %swap3A_52] {strides = array<i32>} : memref<2x128x128xf32, #tpu.memory_space<vmem>>, vector<1x1x16xf32>,
      %swap3A_54 = vector.shape_cast %swap3A_53 : vector<1x1x16xf32> to vector<16xf32>
      %swap3A_55 = vector.shape_cast %broadcast_in_dim3A_48 : vector<16xf32> to vector<1x1x16xf32>
      tpu.vector_store %arg10[%swap3A_50, %swap3A_51, %swap3A_52], %swap3A_55 {strides = array<i32>} : memref<2x128x128xf32, #tpu.memory_space<vmem>>, vector<1x1x16xf32>,
      %broadcast_in_dim3A_56 = arith.constant 0.000000e+00 : f32
      %broadcast_in_dim3A_57 = vector.broadcast %broadcast_in_dim3A_56 : f32 to vector<16xf32>
      %swap3A_58 = arith.constant 0 : i32
      %swap3A_59 = arith.index_cast %swap3A_58 : i32 to index
      %swap3A_60 = arith.index_cast %scan3A_38 : i32 to index
      %swap3A_61 = arith.constant 32 : index
      %swap3A_62 = tpu.vector_load %arg10[%swap3A_59, %swap3A_60, %swap3A_61] {strides = array<i32>} : memref<2x128x128xf32, #tpu.memory_space<vmem>>, vector<1x1x16xf32>,
      %swap3A_63 = vector.shape_cast %swap3A_62 : vector<1x1x16xf32> to vector<16xf32>
      %swap3A_64 = vector.shape_cast %broadcast_in_dim3A_57 : vector<16xf32> to vector<1x1x16xf32>
      tpu.vector_store %arg10[%swap3A_59, %swap3A_60, %swap3A_61], %swap3A_64 {strides = array<i32>} : memref<2x128x128xf32, #tpu.memory_space<vmem>>, vector<1x1x16xf32>,
      %broadcast_in_dim3A_65 = arith.constant 0.000000e+00 : f32
      %broadcast_in_dim3A_66 = vector.broadcast %broadcast_in_dim3A_65 : f32 to vector<16xf32>
      %swap3A_67 = arith.constant 0 : i32
      %swap3A_68 = arith.index_cast %swap3A_67 : i32 to index
      %swap3A_69 = arith.index_cast %scan3A_38 : i32 to index
      %swap3A_70 = arith.constant 48 : index
      %swap3A_71 = tpu.vector_load %arg10[%swap3A_68, %swap3A_69, %swap3A_70] {strides = array<i32>} : memref<2x128x128xf32, #tpu.memory_space<vmem>>, vector<1x1x16xf32>,
      %swap3A_72 = vector.shape_cast %swap3A_71 : vector<1x1x16xf32> to vector<16xf32>
      %swap3A_73 = vector.shape_cast %broadcast_in_dim3A_66 : vector<16xf32> to vector<1x1x16xf32>
      tpu.vector_store %arg10[%swap3A_68, %swap3A_69, %swap3A_70], %swap3A_73 {strides = array<i32>} : memref<2x128x128xf32, #tpu.memory_space<vmem>>, vector<1x1x16xf32>,
      %broadcast_in_dim3A_74 = arith.constant 0.000000e+00 : f32
      %broadcast_in_dim3A_75 = vector.broadcast %broadcast_in_dim3A_74 : f32 to vector<16xf32>
      %swap3A_76 = arith.constant 0 : i32
      %swap3A_77 = arith.index_cast %swap3A_76 : i32 to index
      %swap3A_78 = arith.index_cast %scan3A_38 : i32 to index
      %swap3A_79 = arith.constant 64 : index
      %swap3A_80 = tpu.vector_load %arg10[%swap3A_77, %swap3A_78, %swap3A_79] {strides = array<i32>} : memref<2x128x128xf32, #tpu.memory_space<vmem>>, vector<1x1x16xf32>,
      %swap3A_81 = vector.shape_cast %swap3A_80 : vector<1x1x16xf32> to vector<16xf32>
      %swap3A_82 = vector.shape_cast %broadcast_in_dim3A_75 : vector<16xf32> to vector<1x1x16xf32>
      tpu.vector_store %arg10[%swap3A_77, %swap3A_78, %swap3A_79], %swap3A_82 {strides = array<i32>} : memref<2x128x128xf32, #tpu.memory_space<vmem>>, vector<1x1x16xf32>,
      %broadcast_in_dim3A_83 = arith.constant 0.000000e+00 : f32
      %broadcast_in_dim3A_84 = vector.broadcast %broadcast_in_dim3A_83 : f32 to vector<16xf32>
      %swap3A_85 = arith.constant 0 : i32
      %swap3A_86 = arith.index_cast %swap3A_85 : i32 to index
      %swap3A_87 = arith.index_cast %scan3A_38 : i32 to index
      %swap3A_88 = arith.constant 80 : index
      %swap3A_89 = tpu.vector_load %arg10[%swap3A_86, %swap3A_87, %swap3A_88] {strides = array<i32>} : memref<2x128x128xf32, #tpu.memory_space<vmem>>, vector<1x1x16xf32>,
      %swap3A_90 = vector.shape_cast %swap3A_89 : vector<1x1x16xf32> to vector<16xf32>
      %swap3A_91 = vector.shape_cast %broadcast_in_dim3A_84 : vector<16xf32> to vector<1x1x16xf32>
      tpu.vector_store %arg10[%swap3A_86, %swap3A_87, %swap3A_88], %swap3A_91 {strides = array<i32>} : memref<2x128x128xf32, #tpu.memory_space<vmem>>, vector<1x1x16xf32>,
      %broadcast_in_dim3A_92 = arith.constant 0.000000e+00 : f32
      %broadcast_in_dim3A_93 = vector.broadcast %broadcast_in_dim3A_92 : f32 to vector<16xf32>
      %swap3A_94 = arith.constant 0 : i32
      %swap3A_95 = arith.index_cast %swap3A_94 : i32 to index
      %swap3A_96 = arith.index_cast %scan3A_38 : i32 to index
      %swap3A_97 = arith.constant 96 : index
      %swap3A_98 = tpu.vector_load %arg10[%swap3A_95, %swap3A_96, %swap3A_97] {strides = array<i32>} : memref<2x128x128xf32, #tpu.memory_space<vmem>>, vector<1x1x16xf32>,
      %swap3A_99 = vector.shape_cast %swap3A_98 : vector<1x1x16xf32> to vector<16xf32>
      %swap3A_100 = vector.shape_cast %broadcast_in_dim3A_93 : vector<16xf32> to vector<1x1x16xf32>
      tpu.vector_store %arg10[%swap3A_95, %swap3A_96, %swap3A_97], %swap3A_100 {strides = array<i32>} : memref<2x128x128xf32, #tpu.memory_space<vmem>>, vector<1x1x16xf32>,
      %broadcast_in_dim3A_101 = arith.constant 0.000000e+00 : f32
      %broadcast_in_dim3A_102 = vector.broadcast %broadcast_in_dim3A_101 : f32 to vector<16xf32>
      %swap3A_103 = arith.constant 0 : i32
      %swap3A_104 = arith.index_cast %swap3A_103 : i32 to index
      %swap3A_105 = arith.index_cast %scan3A_38 : i32 to index
      %swap3A_106 = arith.constant 112 : index
      %swap3A_107 = tpu.vector_load %arg10[%swap3A_104, %swap3A_105, %swap3A_106] {strides = array<i32>} : memref<2x128x128xf32, #tpu.memory_space<vmem>>, vector<1x1x16xf32>,
      %swap3A_108 = vector.shape_cast %swap3A_107 : vector<1x1x16xf32> to vector<16xf32>
      %swap3A_109 = vector.shape_cast %broadcast_in_dim3A_102 : vector<16xf32> to vector<1x1x16xf32>
      tpu.vector_store %arg10[%swap3A_104, %swap3A_105, %swap3A_106], %swap3A_109 {strides = array<i32>} : memref<2x128x128xf32, #tpu.memory_space<vmem>>, vector<1x1x16xf32>,
      %scan3A_110 = arith.constant 0 : i32
      scf.yield %scan3A_110 : i32
    }
    %scan3A_5 = arith.constant 128 : i32
    %mul3A = arith.constant 624 : i32
    %mul3A_6 = arith.muli %arg1, %mul3A : i32
    %add3A = arith.constant 0 : i32
    %add3A_7 = arith.addi %mul3A_6, %add3A : i32
    %run_scoped3A = arith.constant 0 : i32
    "tpu.region"() ({
      %run_scoped3A_38 = tpu.sem_alloc : memref<!tpu.dma_semaphore, #tpu.memory_space<semaphore_mem>>
      %dma_start3A = arith.constant 0 : i32
      %dma_start3A_39 = arith.constant 0 : i32
      %dma_start3A_40 = tpu.memref_slice %arg10[%run_scoped3A, %dma_start3A, %dma_start3A_39] : memref<2x128x128xf32, #tpu.memory_space<vmem>> -> memref<1x128x128xf32, #tpu.memory_space<vmem>>
      %dma_start3A_41 = tpu.memref_squeeze %dma_start3A_40 : memref<1x128x128xf32, #tpu.memory_space<vmem>> -> memref<128x128xf32, #tpu.memory_space<vmem>>
      %dma_start3A_42 = arith.constant 0 : i32
      %dma_start3A_43 = tpu.memref_slice %arg11[%add3A_7, %dma_start3A_42] : memref<10000x128xf32, #tpu.memory_space<vmem_shared>> -> memref<128x128xf32, #tpu.memory_space<vmem_shared>>
      %dma_start3A_44 = arith.constant 0 : i32
      %dma_start3A_45 = tpu.memref_slice %arg11[%add3A_7, %dma_start3A_44] : memref<10000x128xf32, #tpu.memory_space<vmem_shared>> -> memref<128x128xf32, #tpu.memory_space<vmem_shared>>
      %dma_start3A_46 = arith.constant 0 : i32
      %dma_start3A_47 = arith.constant 0 : i32
      %dma_start3A_48 = tpu.memref_slice %arg10[%run_scoped3A, %dma_start3A_46, %dma_start3A_47] : memref<2x128x128xf32, #tpu.memory_space<vmem>> -> memref<1x128x128xf32, #tpu.memory_space<vmem>>
      %dma_start3A_49 = tpu.memref_squeeze %dma_start3A_48 : memref<1x128x128xf32, #tpu.memory_space<vmem>> -> memref<128x128xf32, #tpu.memory_space<vmem>>
      tpu.enqueue_dma source(%dma_start3A_49 : memref<128x128xf32, #tpu.memory_space<vmem>>) target(%dma_start3A_45 : memref<128x128xf32, #tpu.memory_space<vmem_shared>>) target_semaphore(%run_scoped3A_38 : memref<!tpu.dma_semaphore, #tpu.memory_space<semaphore_mem>>)
      %dma_wait3A = arith.constant 0 : i32
      %dma_wait3A_50 = arith.constant 0 : i32
      %dma_wait3A_51 = tpu.memref_slice %arg10[%run_scoped3A, %dma_wait3A, %dma_wait3A_50] : memref<2x128x128xf32, #tpu.memory_space<vmem>> -> memref<1x128x128xf32, #tpu.memory_space<vmem>>
      %dma_wait3A_52 = tpu.memref_squeeze %dma_wait3A_51 : memref<1x128x128xf32, #tpu.memory_space<vmem>> -> memref<128x128xf32, #tpu.memory_space<vmem>>
      %dma_wait3A_53 = arith.constant 0 : i32
      %dma_wait3A_54 = tpu.memref_slice %arg11[%add3A_7, %dma_wait3A_53] : memref<10000x128xf32, #tpu.memory_space<vmem_shared>> -> memref<128x128xf32, #tpu.memory_space<vmem_shared>>
      %dma_wait3A_55 = arith.constant 0 : i32
      %dma_wait3A_56 = tpu.memref_slice %arg11[%add3A_7, %dma_wait3A_55] : memref<10000x128xf32, #tpu.memory_space<vmem_shared>> -> memref<128x128xf32, #tpu.memory_space<vmem_shared>>
      %dma_wait3A_57 = arith.constant 0 : i32
      %dma_wait3A_58 = arith.constant 0 : i32
      %dma_wait3A_59 = tpu.memref_slice %arg10[%run_scoped3A, %dma_wait3A_57, %dma_wait3A_58] : memref<2x128x128xf32, #tpu.memory_space<vmem>> -> memref<1x128x128xf32, #tpu.memory_space<vmem>>
      %dma_wait3A_60 = tpu.memref_squeeze %dma_wait3A_59 : memref<1x128x128xf32, #tpu.memory_space<vmem>> -> memref<128x128xf32, #tpu.memory_space<vmem>>
      tpu.wait_dma2 semaphore(%run_scoped3A_38 : memref<!tpu.dma_semaphore, #tpu.memory_space<semaphore_mem>>) src(%dma_wait3A_60 : memref<128x128xf32, #tpu.memory_space<vmem>>) dst(%dma_wait3A_56 : memref<128x128xf32, #tpu.memory_space<vmem_shared>>)
      tpu.yield
    }) : () -> ()
    %add3A_8 = arith.constant 128 : i32
    %add3A_9 = arith.addi %mul3A_6, %add3A_8 : i32
    %run_scoped3A_10 = arith.constant 0 : i32
    "tpu.region"() ({
      %run_scoped3A_38 = tpu.sem_alloc : memref<!tpu.dma_semaphore, #tpu.memory_space<semaphore_mem>>
      %dma_start3A = arith.constant 0 : i32
      %dma_start3A_39 = arith.constant 0 : i32
      %dma_start3A_40 = tpu.memref_slice %arg10[%run_scoped3A_10, %dma_start3A, %dma_start3A_39] : memref<2x128x128xf32, #tpu.memory_space<vmem>> -> memref<1x128x128xf32, #tpu.memory_space<vmem>>
      %dma_start3A_41 = tpu.memref_squeeze %dma_start3A_40 : memref<1x128x128xf32, #tpu.memory_space<vmem>> -> memref<128x128xf32, #tpu.memory_space<vmem>>
      %dma_start3A_42 = arith.constant 0 : i32
      %dma_start3A_43 = tpu.memref_slice %arg11[%add3A_9, %dma_start3A_42] : memref<10000x128xf32, #tpu.memory_space<vmem_shared>> -> memref<128x128xf32, #tpu.memory_space<vmem_shared>>
      %dma_start3A_44 = arith.constant 0 : i32
      %dma_start3A_45 = tpu.memref_slice %arg11[%add3A_9, %dma_start3A_44] : memref<10000x128xf32, #tpu.memory_space<vmem_shared>> -> memref<128x128xf32, #tpu.memory_space<vmem_shared>>
      %dma_start3A_46 = arith.constant 0 : i32
      %dma_start3A_47 = arith.constant 0 : i32
      %dma_start3A_48 = tpu.memref_slice %arg10[%run_scoped3A_10, %dma_start3A_46, %dma_start3A_47] : memref<2x128x128xf32, #tpu.memory_space<vmem>> -> memref<1x128x128xf32, #tpu.memory_space<vmem>>
      %dma_start3A_49 = tpu.memref_squeeze %dma_start3A_48 : memref<1x128x128xf32, #tpu.memory_space<vmem>> -> memref<128x128xf32, #tpu.memory_space<vmem>>
      tpu.enqueue_dma source(%dma_start3A_49 : memref<128x128xf32, #tpu.memory_space<vmem>>) target(%dma_start3A_45 : memref<128x128xf32, #tpu.memory_space<vmem_shared>>) target_semaphore(%run_scoped3A_38 : memref<!tpu.dma_semaphore, #tpu.memory_space<semaphore_mem>>)
      %dma_wait3A = arith.constant 0 : i32
      %dma_wait3A_50 = arith.constant 0 : i32
      %dma_wait3A_51 = tpu.memref_slice %arg10[%run_scoped3A_10, %dma_wait3A, %dma_wait3A_50] : memref<2x128x128xf32, #tpu.memory_space<vmem>> -> memref<1x128x128xf32, #tpu.memory_space<vmem>>
      %dma_wait3A_52 = tpu.memref_squeeze %dma_wait3A_51 : memref<1x128x128xf32, #tpu.memory_space<vmem>> -> memref<128x128xf32, #tpu.memory_space<vmem>>
      %dma_wait3A_53 = arith.constant 0 : i32
      %dma_wait3A_54 = tpu.memref_slice %arg11[%add3A_9, %dma_wait3A_53] : memref<10000x128xf32, #tpu.memory_space<vmem_shared>> -> memref<128x128xf32, #tpu.memory_space<vmem_shared>>
      %dma_wait3A_55 = arith.constant 0 : i32
      %dma_wait3A_56 = tpu.memref_slice %arg11[%add3A_9, %dma_wait3A_55] : memref<10000x128xf32, #tpu.memory_space<vmem_shared>> -> memref<128x128xf32, #tpu.memory_space<vmem_shared>>
      %dma_wait3A_57 = arith.constant 0 : i32
      %dma_wait3A_58 = arith.constant 0 : i32
      %dma_wait3A_59 = tpu.memref_slice %arg10[%run_scoped3A_10, %dma_wait3A_57, %dma_wait3A_58] : memref<2x128x128xf32, #tpu.memory_space<vmem>> -> memref<1x128x128xf32, #tpu.memory_space<vmem>>
      %dma_wait3A_60 = tpu.memref_squeeze %dma_wait3A_59 : memref<1x128x128xf32, #tpu.memory_space<vmem>> -> memref<128x128xf32, #tpu.memory_space<vmem>>
      tpu.wait_dma2 semaphore(%run_scoped3A_38 : memref<!tpu.dma_semaphore, #tpu.memory_space<semaphore_mem>>) src(%dma_wait3A_60 : memref<128x128xf32, #tpu.memory_space<vmem>>) dst(%dma_wait3A_56 : memref<128x128xf32, #tpu.memory_space<vmem_shared>>)
      tpu.yield
    }) : () -> ()
    %add3A_11 = arith.constant 256 : i32
    %add3A_12 = arith.addi %mul3A_6, %add3A_11 : i32
    %run_scoped3A_13 = arith.constant 0 : i32
    "tpu.region"() ({
      %run_scoped3A_38 = tpu.sem_alloc : memref<!tpu.dma_semaphore, #tpu.memory_space<semaphore_mem>>
      %dma_start3A = arith.constant 0 : i32
      %dma_start3A_39 = arith.constant 0 : i32
      %dma_start3A_40 = tpu.memref_slice %arg10[%run_scoped3A_13, %dma_start3A, %dma_start3A_39] : memref<2x128x128xf32, #tpu.memory_space<vmem>> -> memref<1x128x128xf32, #tpu.memory_space<vmem>>
      %dma_start3A_41 = tpu.memref_squeeze %dma_start3A_40 : memref<1x128x128xf32, #tpu.memory_space<vmem>> -> memref<128x128xf32, #tpu.memory_space<vmem>>
      %dma_start3A_42 = arith.constant 0 : i32
      %dma_start3A_43 = tpu.memref_slice %arg11[%add3A_12, %dma_start3A_42] : memref<10000x128xf32, #tpu.memory_space<vmem_shared>> -> memref<128x128xf32, #tpu.memory_space<vmem_shared>>
      %dma_start3A_44 = arith.constant 0 : i32
      %dma_start3A_45 = tpu.memref_slice %arg11[%add3A_12, %dma_start3A_44] : memref<10000x128xf32, #tpu.memory_space<vmem_shared>> -> memref<128x128xf32, #tpu.memory_space<vmem_shared>>
      %dma_start3A_46 = arith.constant 0 : i32
      %dma_start3A_47 = arith.constant 0 : i32
      %dma_start3A_48 = tpu.memref_slice %arg10[%run_scoped3A_13, %dma_start3A_46, %dma_start3A_47] : memref<2x128x128xf32, #tpu.memory_space<vmem>> -> memref<1x128x128xf32, #tpu.memory_space<vmem>>
      %dma_start3A_49 = tpu.memref_squeeze %dma_start3A_48 : memref<1x128x128xf32, #tpu.memory_space<vmem>> -> memref<128x128xf32, #tpu.memory_space<vmem>>
      tpu.enqueue_dma source(%dma_start3A_49 : memref<128x128xf32, #tpu.memory_space<vmem>>) target(%dma_start3A_45 : memref<128x128xf32, #tpu.memory_space<vmem_shared>>) target_semaphore(%run_scoped3A_38 : memref<!tpu.dma_semaphore, #tpu.memory_space<semaphore_mem>>)
      %dma_wait3A = arith.constant 0 : i32
      %dma_wait3A_50 = arith.constant 0 : i32
      %dma_wait3A_51 = tpu.memref_slice %arg10[%run_scoped3A_13, %dma_wait3A, %dma_wait3A_50] : memref<2x128x128xf32, #tpu.memory_space<vmem>> -> memref<1x128x128xf32, #tpu.memory_space<vmem>>
      %dma_wait3A_52 = tpu.memref_squeeze %dma_wait3A_51 : memref<1x128x128xf32, #tpu.memory_space<vmem>> -> memref<128x128xf32, #tpu.memory_space<vmem>>
      %dma_wait3A_53 = arith.constant 0 : i32
      %dma_wait3A_54 = tpu.memref_slice %arg11[%add3A_12, %dma_wait3A_53] : memref<10000x128xf32, #tpu.memory_space<vmem_shared>> -> memref<128x128xf32, #tpu.memory_space<vmem_shared>>
      %dma_wait3A_55 = arith.constant 0 : i32
      %dma_wait3A_56 = tpu.memref_slice %arg11[%add3A_12, %dma_wait3A_55] : memref<10000x128xf32, #tpu.memory_space<vmem_shared>> -> memref<128x128xf32, #tpu.memory_space<vmem_shared>>
      %dma_wait3A_57 = arith.constant 0 : i32
      %dma_wait3A_58 = arith.constant 0 : i32
      %dma_wait3A_59 = tpu.memref_slice %arg10[%run_scoped3A_13, %dma_wait3A_57, %dma_wait3A_58] : memref<2x128x128xf32, #tpu.memory_space<vmem>> -> memref<1x128x128xf32, #tpu.memory_space<vmem>>
      %dma_wait3A_60 = tpu.memref_squeeze %dma_wait3A_59 : memref<1x128x128xf32, #tpu.memory_space<vmem>> -> memref<128x128xf32, #tpu.memory_space<vmem>>
      tpu.wait_dma2 semaphore(%run_scoped3A_38 : memref<!tpu.dma_semaphore, #tpu.memory_space<semaphore_mem>>) src(%dma_wait3A_60 : memref<128x128xf32, #tpu.memory_space<vmem>>) dst(%dma_wait3A_56 : memref<128x128xf32, #tpu.memory_space<vmem_shared>>)
      tpu.yield
    }) : () -> ()
    %add3A_14 = arith.constant 384 : i32
    %add3A_15 = arith.addi %mul3A_6, %add3A_14 : i32
    %run_scoped3A_16 = arith.constant 0 : i32
    "tpu.region"() ({
      %run_scoped3A_38 = tpu.sem_alloc : memref<!tpu.dma_semaphore, #tpu.memory_space<semaphore_mem>>
      %dma_start3A = arith.constant 0 : i32
      %dma_start3A_39 = arith.constant 0 : i32
      %dma_start3A_40 = tpu.memref_slice %arg10[%run_scoped3A_16, %dma_start3A, %dma_start3A_39] : memref<2x128x128xf32, #tpu.memory_space<vmem>> -> memref<1x128x128xf32, #tpu.memory_space<vmem>>
      %dma_start3A_41 = tpu.memref_squeeze %dma_start3A_40 : memref<1x128x128xf32, #tpu.memory_space<vmem>> -> memref<128x128xf32, #tpu.memory_space<vmem>>
      %dma_start3A_42 = arith.constant 0 : i32
      %dma_start3A_43 = tpu.memref_slice %arg11[%add3A_15, %dma_start3A_42] : memref<10000x128xf32, #tpu.memory_space<vmem_shared>> -> memref<128x128xf32, #tpu.memory_space<vmem_shared>>
      %dma_start3A_44 = arith.constant 0 : i32
      %dma_start3A_45 = tpu.memref_slice %arg11[%add3A_15, %dma_start3A_44] : memref<10000x128xf32, #tpu.memory_space<vmem_shared>> -> memref<128x128xf32, #tpu.memory_space<vmem_shared>>
      %dma_start3A_46 = arith.constant 0 : i32
      %dma_start3A_47 = arith.constant 0 : i32
      %dma_start3A_48 = tpu.memref_slice %arg10[%run_scoped3A_16, %dma_start3A_46, %dma_start3A_47] : memref<2x128x128xf32, #tpu.memory_space<vmem>> -> memref<1x128x128xf32, #tpu.memory_space<vmem>>
      %dma_start3A_49 = tpu.memref_squeeze %dma_start3A_48 : memref<1x128x128xf32, #tpu.memory_space<vmem>> -> memref<128x128xf32, #tpu.memory_space<vmem>>
      tpu.enqueue_dma source(%dma_start3A_49 : memref<128x128xf32, #tpu.memory_space<vmem>>) target(%dma_start3A_45 : memref<128x128xf32, #tpu.memory_space<vmem_shared>>) target_semaphore(%run_scoped3A_38 : memref<!tpu.dma_semaphore, #tpu.memory_space<semaphore_mem>>)
      %dma_wait3A = arith.constant 0 : i32
      %dma_wait3A_50 = arith.constant 0 : i32
      %dma_wait3A_51 = tpu.memref_slice %arg10[%run_scoped3A_16, %dma_wait3A, %dma_wait3A_50] : memref<2x128x128xf32, #tpu.memory_space<vmem>> -> memref<1x128x128xf32, #tpu.memory_space<vmem>>
      %dma_wait3A_52 = tpu.memref_squeeze %dma_wait3A_51 : memref<1x128x128xf32, #tpu.memory_space<vmem>> -> memref<128x128xf32, #tpu.memory_space<vmem>>
      %dma_wait3A_53 = arith.constant 0 : i32
      %dma_wait3A_54 = tpu.memref_slice %arg11[%add3A_15, %dma_wait3A_53] : memref<10000x128xf32, #tpu.memory_space<vmem_shared>> -> memref<128x128xf32, #tpu.memory_space<vmem_shared>>
      %dma_wait3A_55 = arith.constant 0 : i32
      %dma_wait3A_56 = tpu.memref_slice %arg11[%add3A_15, %dma_wait3A_55] : memref<10000x128xf32, #tpu.memory_space<vmem_shared>> -> memref<128x128xf32, #tpu.memory_space<vmem_shared>>
      %dma_wait3A_57 = arith.constant 0 : i32
      %dma_wait3A_58 = arith.constant 0 : i32
      %dma_wait3A_59 = tpu.memref_slice %arg10[%run_scoped3A_16, %dma_wait3A_57, %dma_wait3A_58] : memref<2x128x128xf32, #tpu.memory_space<vmem>> -> memref<1x128x128xf32, #tpu.memory_space<vmem>>
      %dma_wait3A_60 = tpu.memref_squeeze %dma_wait3A_59 : memref<1x128x128xf32, #tpu.memory_space<vmem>> -> memref<128x128xf32, #tpu.memory_space<vmem>>
      tpu.wait_dma2 semaphore(%run_scoped3A_38 : memref<!tpu.dma_semaphore, #tpu.memory_space<semaphore_mem>>) src(%dma_wait3A_60 : memref<128x128xf32, #tpu.memory_space<vmem>>) dst(%dma_wait3A_56 : memref<128x128xf32, #tpu.memory_space<vmem_shared>>)
      tpu.yield
    }) : () -> ()
    %add3A_17 = arith.constant 512 : i32
    %add3A_18 = arith.addi %mul3A_6, %add3A_17 : i32
    %run_scoped3A_19 = arith.constant 0 : i32
    "tpu.region"() ({
      %run_scoped3A_38 = tpu.sem_alloc : memref<!tpu.dma_semaphore, #tpu.memory_space<semaphore_mem>>
      %dma_start3A = arith.constant 0 : i32
      %dma_start3A_39 = arith.constant 0 : i32
      %dma_start3A_40 = tpu.memref_slice %arg10[%run_scoped3A_19, %dma_start3A, %dma_start3A_39] : memref<2x128x128xf32, #tpu.memory_space<vmem>> -> memref<1x112x128xf32, #tpu.memory_space<vmem>>
      %dma_start3A_41 = tpu.memref_squeeze %dma_start3A_40 : memref<1x112x128xf32, #tpu.memory_space<vmem>> -> memref<112x128xf32, #tpu.memory_space<vmem>>
      %dma_start3A_42 = arith.constant 0 : i32
      %dma_start3A_43 = tpu.memref_slice %arg11[%add3A_18, %dma_start3A_42] : memref<10000x128xf32, #tpu.memory_space<vmem_shared>> -> memref<112x128xf32, #tpu.memory_space<vmem_shared>>
      %dma_start3A_44 = arith.constant 0 : i32
      %dma_start3A_45 = tpu.memref_slice %arg11[%add3A_18, %dma_start3A_44] : memref<10000x128xf32, #tpu.memory_space<vmem_shared>> -> memref<112x128xf32, #tpu.memory_space<vmem_shared>>
      %dma_start3A_46 = arith.constant 0 : i32
      %dma_start3A_47 = arith.constant 0 : i32
      %dma_start3A_48 = tpu.memref_slice %arg10[%run_scoped3A_19, %dma_start3A_46, %dma_start3A_47] : memref<2x128x128xf32, #tpu.memory_space<vmem>> -> memref<1x112x128xf32, #tpu.memory_space<vmem>>
      %dma_start3A_49 = tpu.memref_squeeze %dma_start3A_48 : memref<1x112x128xf32, #tpu.memory_space<vmem>> -> memref<112x128xf32, #tpu.memory_space<vmem>>
      tpu.enqueue_dma source(%dma_start3A_49 : memref<112x128xf32, #tpu.memory_space<vmem>>) target(%dma_start3A_45 : memref<112x128xf32, #tpu.memory_space<vmem_shared>>) target_semaphore(%run_scoped3A_38 : memref<!tpu.dma_semaphore, #tpu.memory_space<semaphore_mem>>)
      %dma_wait3A = arith.constant 0 : i32
      %dma_wait3A_50 = arith.constant 0 : i32
      %dma_wait3A_51 = tpu.memref_slice %arg10[%run_scoped3A_19, %dma_wait3A, %dma_wait3A_50] : memref<2x128x128xf32, #tpu.memory_space<vmem>> -> memref<1x112x128xf32, #tpu.memory_space<vmem>>
      %dma_wait3A_52 = tpu.memref_squeeze %dma_wait3A_51 : memref<1x112x128xf32, #tpu.memory_space<vmem>> -> memref<112x128xf32, #tpu.memory_space<vmem>>
      %dma_wait3A_53 = arith.constant 0 : i32
      %dma_wait3A_54 = tpu.memref_slice %arg11[%add3A_18, %dma_wait3A_53] : memref<10000x128xf32, #tpu.memory_space<vmem_shared>> -> memref<112x128xf32, #tpu.memory_space<vmem_shared>>
      %dma_wait3A_55 = arith.constant 0 : i32
      %dma_wait3A_56 = tpu.memref_slice %arg11[%add3A_18, %dma_wait3A_55] : memref<10000x128xf32, #tpu.memory_space<vmem_shared>> -> memref<112x128xf32, #tpu.memory_space<vmem_shared>>
      %dma_wait3A_57 = arith.constant 0 : i32
      %dma_wait3A_58 = arith.constant 0 : i32
      %dma_wait3A_59 = tpu.memref_slice %arg10[%run_scoped3A_19, %dma_wait3A_57, %dma_wait3A_58] : memref<2x128x128xf32, #tpu.memory_space<vmem>> -> memref<1x112x128xf32, #tpu.memory_space<vmem>>
      %dma_wait3A_60 = tpu.memref_squeeze %dma_wait3A_59 : memref<1x112x128xf32, #tpu.memory_space<vmem>> -> memref<112x128xf32, #tpu.memory_space<vmem>>
      tpu.wait_dma2 semaphore(%run_scoped3A_38 : memref<!tpu.dma_semaphore, #tpu.memory_space<semaphore_mem>>) src(%dma_wait3A_60 : memref<112x128xf32, #tpu.memory_space<vmem>>) dst(%dma_wait3A_56 : memref<112x128xf32, #tpu.memory_space<vmem_shared>>)
      tpu.yield
    }) : () -> ()
    %eq3A = arith.constant 0 : i32
    %eq3A_20 = arith.cmpi eq, %arg1, %eq3A : i32
    %convert_element_type3A = arith.extui %eq3A_20 : i1 to i32
    %cond3A = arith.constant 0 : i32
    %cond3A_21 = arith.cmpi ne, %convert_element_type3A, %cond3A : i32
    scf.if %cond3A_21 {
      %run_scoped3A_38 = arith.constant 0 : i32
      "tpu.region"() ({
        %run_scoped3A_39 = tpu.sem_alloc : memref<!tpu.dma_semaphore, #tpu.memory_space<semaphore_mem>>
        %dma_start3A = arith.constant 0 : i32
        %dma_start3A_40 = arith.constant 0 : i32
        %dma_start3A_41 = tpu.memref_slice %arg10[%run_scoped3A_38, %dma_start3A, %dma_start3A_40] : memref<2x128x128xf32, #tpu.memory_space<vmem>> -> memref<1x16x128xf32, #tpu.memory_space<vmem>>
        %dma_start3A_42 = tpu.memref_squeeze %dma_start3A_41 : memref<1x16x128xf32, #tpu.memory_space<vmem>> -> memref<16x128xf32, #tpu.memory_space<vmem>>
        %dma_start3A_43 = arith.constant 9984 : i32
        %dma_start3A_44 = arith.constant 0 : i32
        %dma_start3A_45 = tpu.memref_slice %arg11[%dma_start3A_43, %dma_start3A_44] : memref<10000x128xf32, #tpu.memory_space<vmem_shared>> -> memref<16x128xf32, #tpu.memory_space<vmem_shared>>
        %dma_start3A_46 = arith.constant 9984 : i32
        %dma_start3A_47 = arith.constant 0 : i32
        %dma_start3A_48 = tpu.memref_slice %arg11[%dma_start3A_46, %dma_start3A_47] : memref<10000x128xf32, #tpu.memory_space<vmem_shared>> -> memref<16x128xf32, #tpu.memory_space<vmem_shared>>
        %dma_start3A_49 = arith.constant 0 : i32
        %dma_start3A_50 = arith.constant 0 : i32
        %dma_start3A_51 = tpu.memref_slice %arg10[%run_scoped3A_38, %dma_start3A_49, %dma_start3A_50] : memref<2x128x128xf32, #tpu.memory_space<vmem>> -> memref<1x16x128xf32, #tpu.memory_space<vmem>>
        %dma_start3A_52 = tpu.memref_squeeze %dma_start3A_51 : memref<1x16x128xf32, #tpu.memory_space<vmem>> -> memref<16x128xf32, #tpu.memory_space<vmem>>
        tpu.enqueue_dma source(%dma_start3A_52 : memref<16x128xf32, #tpu.memory_space<vmem>>) target(%dma_start3A_48 : memref<16x128xf32, #tpu.memory_space<vmem_shared>>) target_semaphore(%run_scoped3A_39 : memref<!tpu.dma_semaphore, #tpu.memory_space<semaphore_mem>>)
        %dma_wait3A = arith.constant 0 : i32
        %dma_wait3A_53 = arith.constant 0 : i32
        %dma_wait3A_54 = tpu.memref_slice %arg10[%run_scoped3A_38, %dma_wait3A, %dma_wait3A_53] : memref<2x128x128xf32, #tpu.memory_space<vmem>> -> memref<1x16x128xf32, #tpu.memory_space<vmem>>
        %dma_wait3A_55 = tpu.memref_squeeze %dma_wait3A_54 : memref<1x16x128xf32, #tpu.memory_space<vmem>> -> memref<16x128xf32, #tpu.memory_space<vmem>>
        %dma_wait3A_56 = arith.constant 9984 : i32
        %dma_wait3A_57 = arith.constant 0 : i32
        %dma_wait3A_58 = tpu.memref_slice %arg11[%dma_wait3A_56, %dma_wait3A_57] : memref<10000x128xf32, #tpu.memory_space<vmem_shared>> -> memref<16x128xf32, #tpu.memory_space<vmem_shared>>
        %dma_wait3A_59 = arith.constant 9984 : i32
        %dma_wait3A_60 = arith.constant 0 : i32
        %dma_wait3A_61 = tpu.memref_slice %arg11[%dma_wait3A_59, %dma_wait3A_60] : memref<10000x128xf32, #tpu.memory_space<vmem_shared>> -> memref<16x128xf32, #tpu.memory_space<vmem_shared>>
        %dma_wait3A_62 = arith.constant 0 : i32
        %dma_wait3A_63 = arith.constant 0 : i32
        %dma_wait3A_64 = tpu.memref_slice %arg10[%run_scoped3A_38, %dma_wait3A_62, %dma_wait3A_63] : memref<2x128x128xf32, #tpu.memory_space<vmem>> -> memref<1x16x128xf32, #tpu.memory_space<vmem>>
        %dma_wait3A_65 = tpu.memref_squeeze %dma_wait3A_64 : memref<1x16x128xf32, #tpu.memory_space<vmem>> -> memref<16x128xf32, #tpu.memory_space<vmem>>
        tpu.wait_dma2 semaphore(%run_scoped3A_39 : memref<!tpu.dma_semaphore, #tpu.memory_space<semaphore_mem>>) src(%dma_wait3A_65 : memref<16x128xf32, #tpu.memory_space<vmem>>) dst(%dma_wait3A_61 : memref<16x128xf32, #tpu.memory_space<vmem_shared>>)
        tpu.yield
      }) : () -> ()
    } else {
    }
    %barrier3A = arith.constant 0 : index
    tpu.barrier barrier_id(%barrier3A)
    %scan3A_22 = arith.constant 0 : i32
    %scan3A_23 = arith.constant 0 : i32
    %scan3A_24 = arith.constant 4 : i32
    %scan3A_25 = arith.addi %scan3A_23, %scan3A_24 : i32
    %scan3A_26 = arith.constant 1 : i32
    %scan3A_27 = scf.for %scan3A_38 = %scan3A_23 to %scan3A_25 step %scan3A_26 iter_args(%scan3A_39 = %scan3A_22) -> (i32)  : i32 {
      "tpu.region"() ({
        %run_scoped3A_59 = tpu.sem_alloc : memref<!tpu.dma_semaphore, #tpu.memory_space<semaphore_mem>>
        %dma_start3A_60 = arith.constant 0 : i32
        %dma_start3A_61 = arith.constant 0 : i32
        %dma_start3A_62 = tpu.memref_slice %arg3[%arg0, %arg1, %scan3A_38, %dma_start3A_60, %dma_start3A_61] : memref<2x16x4x40x128xi32, #tpu.memory_space<hbm>> -> memref<1x1x1x40x128xi32, #tpu.memory_space<hbm>>
        %dma_start3A_63 = tpu.memref_squeeze %dma_start3A_62 : memref<1x1x1x40x128xi32, #tpu.memory_space<hbm>> -> memref<40x128xi32, #tpu.memory_space<hbm>>
        %dma_start3A_64 = arith.constant 0 : i32
        %dma_start3A_65 = arith.constant 0 : i32
        %dma_start3A_66 = tpu.memref_slice %arg3[%arg0, %arg1, %scan3A_38, %dma_start3A_64, %dma_start3A_65] : memref<2x16x4x40x128xi32, #tpu.memory_space<hbm>> -> memref<1x1x1x40x128xi32, #tpu.memory_space<hbm>>
        %dma_start3A_67 = tpu.memref_squeeze %dma_start3A_66 : memref<1x1x1x40x128xi32, #tpu.memory_space<hbm>> -> memref<40x128xi32, #tpu.memory_space<hbm>>
        tpu.enqueue_dma source(%dma_start3A_67 : memref<40x128xi32, #tpu.memory_space<hbm>>) target(%arg7 : memref<40x128xi32, #tpu.memory_space<vmem>>) target_semaphore(%run_scoped3A_59 : memref<!tpu.dma_semaphore, #tpu.memory_space<semaphore_mem>>)
        %dma_wait3A = arith.constant 0 : i32
        %dma_wait3A_68 = arith.constant 0 : i32
        %dma_wait3A_69 = tpu.memref_slice %arg3[%arg0, %arg1, %scan3A_38, %dma_wait3A, %dma_wait3A_68] : memref<2x16x4x40x128xi32, #tpu.memory_space<hbm>> -> memref<1x1x1x40x128xi32, #tpu.memory_space<hbm>>
        %dma_wait3A_70 = tpu.memref_squeeze %dma_wait3A_69 : memref<1x1x1x40x128xi32, #tpu.memory_space<hbm>> -> memref<40x128xi32, #tpu.memory_space<hbm>>
        %dma_wait3A_71 = arith.constant 0 : i32
        %dma_wait3A_72 = arith.constant 0 : i32
        %dma_wait3A_73 = tpu.memref_slice %arg3[%arg0, %arg1, %scan3A_38, %dma_wait3A_71, %dma_wait3A_72] : memref<2x16x4x40x128xi32, #tpu.memory_space<hbm>> -> memref<1x1x1x40x128xi32, #tpu.memory_space<hbm>>
        %dma_wait3A_74 = tpu.memref_squeeze %dma_wait3A_73 : memref<1x1x1x40x128xi32, #tpu.memory_space<hbm>> -> memref<40x128xi32, #tpu.memory_space<hbm>>
        tpu.wait_dma2 semaphore(%run_scoped3A_59 : memref<!tpu.dma_semaphore, #tpu.memory_space<semaphore_mem>>) src(%dma_wait3A_74 : memref<40x128xi32, #tpu.memory_space<hbm>>) dst(%arg7 : memref<40x128xi32, #tpu.memory_space<vmem>>)
        tpu.yield
      }) : () -> ()
      "tpu.region"() ({
        %run_scoped3A_59 = tpu.sem_alloc : memref<!tpu.dma_semaphore, #tpu.memory_space<semaphore_mem>>
        %dma_start3A_60 = arith.constant 0 : i32
        %dma_start3A_61 = arith.constant 0 : i32
        %dma_start3A_62 = tpu.memref_slice %arg4[%arg0, %arg1, %scan3A_38, %dma_start3A_60, %dma_start3A_61] : memref<2x16x4x40x128xi32, #tpu.memory_space<hbm>> -> memref<1x1x1x40x128xi32, #tpu.memory_space<hbm>>
        %dma_start3A_63 = tpu.memref_squeeze %dma_start3A_62 : memref<1x1x1x40x128xi32, #tpu.memory_space<hbm>> -> memref<40x128xi32, #tpu.memory_space<hbm>>
        %dma_start3A_64 = arith.constant 0 : i32
        %dma_start3A_65 = arith.constant 0 : i32
        %dma_start3A_66 = tpu.memref_slice %arg4[%arg0, %arg1, %scan3A_38, %dma_start3A_64, %dma_start3A_65] : memref<2x16x4x40x128xi32, #tpu.memory_space<hbm>> -> memref<1x1x1x40x128xi32, #tpu.memory_space<hbm>>
        %dma_start3A_67 = tpu.memref_squeeze %dma_start3A_66 : memref<1x1x1x40x128xi32, #tpu.memory_space<hbm>> -> memref<40x128xi32, #tpu.memory_space<hbm>>
        tpu.enqueue_dma source(%dma_start3A_67 : memref<40x128xi32, #tpu.memory_space<hbm>>) target(%arg8 : memref<40x128xi32, #tpu.memory_space<vmem>>) target_semaphore(%run_scoped3A_59 : memref<!tpu.dma_semaphore, #tpu.memory_space<semaphore_mem>>)
        %dma_wait3A = arith.constant 0 : i32
        %dma_wait3A_68 = arith.constant 0 : i32
        %dma_wait3A_69 = tpu.memref_slice %arg4[%arg0, %arg1, %scan3A_38, %dma_wait3A, %dma_wait3A_68] : memref<2x16x4x40x128xi32, #tpu.memory_space<hbm>> -> memref<1x1x1x40x128xi32, #tpu.memory_space<hbm>>
        %dma_wait3A_70 = tpu.memref_squeeze %dma_wait3A_69 : memref<1x1x1x40x128xi32, #tpu.memory_space<hbm>> -> memref<40x128xi32, #tpu.memory_space<hbm>>
        %dma_wait3A_71 = arith.constant 0 : i32
        %dma_wait3A_72 = arith.constant 0 : i32
        %dma_wait3A_73 = tpu.memref_slice %arg4[%arg0, %arg1, %scan3A_38, %dma_wait3A_71, %dma_wait3A_72] : memref<2x16x4x40x128xi32, #tpu.memory_space<hbm>> -> memref<1x1x1x40x128xi32, #tpu.memory_space<hbm>>
        %dma_wait3A_74 = tpu.memref_squeeze %dma_wait3A_73 : memref<1x1x1x40x128xi32, #tpu.memory_space<hbm>> -> memref<40x128xi32, #tpu.memory_space<hbm>>
        tpu.wait_dma2 semaphore(%run_scoped3A_59 : memref<!tpu.dma_semaphore, #tpu.memory_space<semaphore_mem>>) src(%dma_wait3A_74 : memref<40x128xi32, #tpu.memory_space<hbm>>) dst(%arg8 : memref<40x128xi32, #tpu.memory_space<vmem>>)
        tpu.yield
      }) : () -> ()
      "tpu.region"() ({
        %run_scoped3A_59 = tpu.sem_alloc : memref<!tpu.dma_semaphore, #tpu.memory_space<semaphore_mem>>
        %dma_start3A_60 = arith.constant 0 : i32
        %dma_start3A_61 = arith.constant 0 : i32
        %dma_start3A_62 = tpu.memref_slice %arg5[%arg0, %arg1, %scan3A_38, %dma_start3A_60, %dma_start3A_61] : memref<2x16x4x40x128xf32, #tpu.memory_space<hbm>> -> memref<1x1x1x40x128xf32, #tpu.memory_space<hbm>>
        %dma_start3A_63 = tpu.memref_squeeze %dma_start3A_62 : memref<1x1x1x40x128xf32, #tpu.memory_space<hbm>> -> memref<40x128xf32, #tpu.memory_space<hbm>>
        %dma_start3A_64 = arith.constant 0 : i32
        %dma_start3A_65 = arith.constant 0 : i32
        %dma_start3A_66 = tpu.memref_slice %arg5[%arg0, %arg1, %scan3A_38, %dma_start3A_64, %dma_start3A_65] : memref<2x16x4x40x128xf32, #tpu.memory_space<hbm>> -> memref<1x1x1x40x128xf32, #tpu.memory_space<hbm>>
        %dma_start3A_67 = tpu.memref_squeeze %dma_start3A_66 : memref<1x1x1x40x128xf32, #tpu.memory_space<hbm>> -> memref<40x128xf32, #tpu.memory_space<hbm>>
        tpu.enqueue_dma source(%dma_start3A_67 : memref<40x128xf32, #tpu.memory_space<hbm>>) target(%arg9 : memref<40x128xf32, #tpu.memory_space<vmem>>) target_semaphore(%run_scoped3A_59 : memref<!tpu.dma_semaphore, #tpu.memory_space<semaphore_mem>>)
        %dma_wait3A = arith.constant 0 : i32
        %dma_wait3A_68 = arith.constant 0 : i32
        %dma_wait3A_69 = tpu.memref_slice %arg5[%arg0, %arg1, %scan3A_38, %dma_wait3A, %dma_wait3A_68] : memref<2x16x4x40x128xf32, #tpu.memory_space<hbm>> -> memref<1x1x1x40x128xf32, #tpu.memory_space<hbm>>
        %dma_wait3A_70 = tpu.memref_squeeze %dma_wait3A_69 : memref<1x1x1x40x128xf32, #tpu.memory_space<hbm>> -> memref<40x128xf32, #tpu.memory_space<hbm>>
        %dma_wait3A_71 = arith.constant 0 : i32
        %dma_wait3A_72 = arith.constant 0 : i32
        %dma_wait3A_73 = tpu.memref_slice %arg5[%arg0, %arg1, %scan3A_38, %dma_wait3A_71, %dma_wait3A_72] : memref<2x16x4x40x128xf32, #tpu.memory_space<hbm>> -> memref<1x1x1x40x128xf32, #tpu.memory_space<hbm>>
        %dma_wait3A_74 = tpu.memref_squeeze %dma_wait3A_73 : memref<1x1x1x40x128xf32, #tpu.memory_space<hbm>> -> memref<40x128xf32, #tpu.memory_space<hbm>>
        tpu.wait_dma2 semaphore(%run_scoped3A_59 : memref<!tpu.dma_semaphore, #tpu.memory_space<semaphore_mem>>) src(%dma_wait3A_74 : memref<40x128xf32, #tpu.memory_space<hbm>>) dst(%arg9 : memref<40x128xf32, #tpu.memory_space<vmem>>)
        tpu.yield
      }) : () -> ()
      %dma_start3A = arith.constant 0 : i32
      %dma_start3A_40 = arith.constant 0 : i32
      %dma_start3A_41 = arith.constant 0 : i32
      %dma_start3A_42 = arith.constant 0 : i32
      %dma_start3A_43 = tpu.memref_slice %arg10[%dma_start3A_40, %dma_start3A_41, %dma_start3A_42] : memref<2x128x128xf32, #tpu.memory_space<vmem>> -> memref<1x128x128xf32, #tpu.memory_space<vmem>>
      %dma_start3A_44 = tpu.memref_squeeze %dma_start3A_43 : memref<1x128x128xf32, #tpu.memory_space<vmem>> -> memref<128x128xf32, #tpu.memory_space<vmem>>
      %dma_start3A_45 = arith.constant 0 : i32
      %dma_start3A_46 = tpu.memref_slice %arg7[%dma_start3A, %dma_start3A_45] : memref<40x128xi32, #tpu.memory_space<vmem>> -> memref<1x128xi32, #tpu.memory_space<vmem>>
      %dma_start3A_47 = tpu.memref_squeeze %dma_start3A_46 : memref<1x128xi32, #tpu.memory_space<vmem>> -> memref<128xi32, #tpu.memory_space<vmem>>
      %dma_start3A_48 = arith.constant 0 : i32
      %dma_start3A_49 = arith.constant 0 : i32
      %dma_start3A_50 = tpu.memref_slice %arg2[%dma_start3A_48, %dma_start3A_49] : memref<20000x128xf32, #tpu.memory_space<hbm>> -> memref<20000x128xf32, #tpu.memory_space<hbm>>
      tpu.enqueue_indirect_dma source(%dma_start3A_50 : memref<20000x128xf32, #tpu.memory_space<hbm>>) target(%dma_start3A_44 : memref<128x128xf32, #tpu.memory_space<vmem>>) offsets(%dma_start3A_47 : memref<128xi32, #tpu.memory_space<vmem>>) semaphore(%arg12 : memref<!tpu.dma_semaphore, #tpu.memory_space<semaphore_mem>>)
      %scan3A_51 = arith.constant 0 : i32
      %scan3A_52 = arith.constant 0 : i32
      %scan3A_53 = arith.constant 20 : i32
      %scan3A_54 = arith.addi %scan3A_52, %scan3A_53 : i32
      %scan3A_55 = arith.constant 1 : i32
      %scan3A_56 = scf.for %scan3A_59 = %scan3A_52 to %scan3A_54 step %scan3A_55 iter_args(%scan3A_60 = %scan3A_51) -> (i32)  : i32 {
        %mul3A_61 = arith.constant 2 : i32
        %mul3A_62 = arith.muli %mul3A_61, %scan3A_59 : i32
        %mul3A_63 = arith.constant 2 : i32
        %mul3A_64 = arith.muli %mul3A_63, %scan3A_59 : i32
        %add3A_65 = arith.constant 1 : i32
        %add3A_66 = arith.addi %mul3A_64, %add3A_65 : i32
        %dma_wait3A = arith.constant 0 : i32
        %dma_wait3A_67 = arith.constant 0 : i32
        %dma_wait3A_68 = arith.constant 0 : i32
        %dma_wait3A_69 = tpu.memref_slice %arg10[%dma_wait3A, %dma_wait3A_67, %dma_wait3A_68] : memref<2x128x128xf32, #tpu.memory_space<vmem>> -> memref<1x128x128xf32, #tpu.memory_space<vmem>>
        %dma_wait3A_70 = tpu.memref_squeeze %dma_wait3A_69 : memref<1x128x128xf32, #tpu.memory_space<vmem>> -> memref<128x128xf32, #tpu.memory_space<vmem>>
        %dma_wait3A_71 = arith.constant 0 : i32
        %dma_wait3A_72 = tpu.memref_slice %arg7[%mul3A_62, %dma_wait3A_71] : memref<40x128xi32, #tpu.memory_space<vmem>> -> memref<1x128xi32, #tpu.memory_space<vmem>>
        %dma_wait3A_73 = tpu.memref_squeeze %dma_wait3A_72 : memref<1x128xi32, #tpu.memory_space<vmem>> -> memref<128xi32, #tpu.memory_space<vmem>>
        %dma_wait3A_74 = arith.constant 0 : i32
        %dma_wait3A_75 = arith.constant 0 : i32
        %dma_wait3A_76 = tpu.memref_slice %arg2[%dma_wait3A_74, %dma_wait3A_75] : memref<20000x128xf32, #tpu.memory_space<hbm>> -> memref<20000x128xf32, #tpu.memory_space<hbm>>
        tpu.wait_indirect_dma semaphore(%arg12 : memref<!tpu.dma_semaphore, #tpu.memory_space<semaphore_mem>>) src(%dma_wait3A_76 : memref<20000x128xf32, #tpu.memory_space<hbm>>) dst(%dma_wait3A_70 : memref<128x128xf32, #tpu.memory_space<vmem>>)
        %dma_start3A_77 = arith.constant 1 : i32
        %dma_start3A_78 = arith.constant 0 : i32
        %dma_start3A_79 = arith.constant 0 : i32
        %dma_start3A_80 = tpu.memref_slice %arg10[%dma_start3A_77, %dma_start3A_78, %dma_start3A_79] : memref<2x128x128xf32, #tpu.memory_space<vmem>> -> memref<1x128x128xf32, #tpu.memory_space<vmem>>
        %dma_start3A_81 = tpu.memref_squeeze %dma_start3A_80 : memref<1x128x128xf32, #tpu.memory_space<vmem>> -> memref<128x128xf32, #tpu.memory_space<vmem>>
        %dma_start3A_82 = arith.constant 0 : i32
        %dma_start3A_83 = tpu.memref_slice %arg7[%add3A_66, %dma_start3A_82] : memref<40x128xi32, #tpu.memory_space<vmem>> -> memref<1x128xi32, #tpu.memory_space<vmem>>
        %dma_start3A_84 = tpu.memref_squeeze %dma_start3A_83 : memref<1x128xi32, #tpu.memory_space<vmem>> -> memref<128xi32, #tpu.memory_space<vmem>>
        %dma_start3A_85 = arith.constant 0 : i32
        %dma_start3A_86 = arith.constant 0 : i32
        %dma_start3A_87 = tpu.memref_slice %arg2[%dma_start3A_85, %dma_start3A_86] : memref<20000x128xf32, #tpu.memory_space<hbm>> -> memref<20000x128xf32, #tpu.memory_space<hbm>>
        tpu.enqueue_indirect_dma source(%dma_start3A_87 : memref<20000x128xf32, #tpu.memory_space<hbm>>) target(%dma_start3A_81 : memref<128x128xf32, #tpu.memory_space<vmem>>) offsets(%dma_start3A_84 : memref<128xi32, #tpu.memory_space<vmem>>) semaphore(%arg13 : memref<!tpu.dma_semaphore, #tpu.memory_space<semaphore_mem>>)
        %scan3A_88 = arith.constant 0 : i32
        %scan3A_89 = arith.constant 0 : i32
        %scan3A_90 = arith.constant 8 : i32
        %scan3A_91 = arith.addi %scan3A_89, %scan3A_90 : i32
        %scan3A_92 = arith.constant 1 : i32
        %scan3A_93 = scf.for %scan3A_120 = %scan3A_89 to %scan3A_91 step %scan3A_92 iter_args(%scan3A_121 = %scan3A_88) -> (i32)  : i32 {
          %mul3A_122 = arith.constant 16 : i32
          %mul3A_123 = arith.muli %scan3A_120, %mul3A_122 : i32
          %get3A = arith.index_cast %mul3A_62 : i32 to index
          %get3A_124 = arith.index_cast %mul3A_123 : i32 to index
          %get3A_125 = tpu.vector_load %arg9[%get3A, %get3A_124] {strides = array<i32>} : memref<40x128xf32, #tpu.memory_space<vmem>>, vector<1x16xf32>,
          %get3A_126 = vector.shape_cast %get3A_125 : vector<1x16xf32> to vector<16xf32>
          %mul3A_127 = arith.constant 16 : i32
          %mul3A_128 = arith.muli %scan3A_120, %mul3A_127 : i32
          %add3A_129 = arith.constant 0 : i32
          %add3A_130 = arith.addi %mul3A_128, %add3A_129 : i32
          %slice3A = vector.extract_strided_slice %get3A_126 {offsets = [0], sizes = [1], strides = [1]} : vector<16xf32> to vector<1xf32>
          %squeeze3A = vector.extract %slice3A[0] : f32 from vector<1xf32>
          %get3A_131 = arith.constant 0 : i32
          %get3A_132 = arith.index_cast %get3A_131 : i32 to index
          %get3A_133 = arith.index_cast %add3A_130 : i32 to index
          %get3A_134 = arith.constant 0 : index
          %get3A_135 = tpu.vector_load %arg10[%get3A_132, %get3A_133, %get3A_134] {strides = array<i32>} : memref<2x128x128xf32, #tpu.memory_space<vmem>>, vector<1x1x16xf32>,
          %get3A_136 = vector.shape_cast %get3A_135 : vector<1x1x16xf32> to vector<16xf32>
          %mul3A_137 = vector.broadcast %squeeze3A : f32 to vector<16xf32>
          %mul3A_138 = arith.mulf %get3A_136, %mul3A_137 : vector<16xf32>
          %swap3A = arith.constant 0 : i32
          %swap3A_139 = arith.index_cast %swap3A : i32 to index
          %swap3A_140 = arith.index_cast %add3A_130 : i32 to index
          %swap3A_141 = arith.constant 0 : index
          %swap3A_142 = tpu.vector_load %arg10[%swap3A_139, %swap3A_140, %swap3A_141] {strides = array<i32>} : memref<2x128x128xf32, #tpu.memory_space<vmem>>, vector<1x1x16xf32>,
          %swap3A_143 = vector.shape_cast %swap3A_142 : vector<1x1x16xf32> to vector<16xf32>
          %swap3A_144 = vector.shape_cast %mul3A_138 : vector<16xf32> to vector<1x1x16xf32>
          tpu.vector_store %arg10[%swap3A_139, %swap3A_140, %swap3A_141], %swap3A_144 {strides = array<i32>} : memref<2x128x128xf32, #tpu.memory_space<vmem>>, vector<1x1x16xf32>,
          %get3A_145 = arith.constant 0 : i32
          %get3A_146 = arith.index_cast %get3A_145 : i32 to index
          %get3A_147 = arith.index_cast %add3A_130 : i32 to index
          %get3A_148 = arith.constant 16 : index
          %get3A_149 = tpu.vector_load %arg10[%get3A_146, %get3A_147, %get3A_148] {strides = array<i32>} : memref<2x128x128xf32, #tpu.memory_space<vmem>>, vector<1x1x16xf32>,
          %get3A_150 = vector.shape_cast %get3A_149 : vector<1x1x16xf32> to vector<16xf32>
          %mul3A_151 = vector.broadcast %squeeze3A : f32 to vector<16xf32>
          %mul3A_152 = arith.mulf %get3A_150, %mul3A_151 : vector<16xf32>
          %swap3A_153 = arith.constant 0 : i32
          %swap3A_154 = arith.index_cast %swap3A_153 : i32 to index
          %swap3A_155 = arith.index_cast %add3A_130 : i32 to index
          %swap3A_156 = arith.constant 16 : index
          %swap3A_157 = tpu.vector_load %arg10[%swap3A_154, %swap3A_155, %swap3A_156] {strides = array<i32>} : memref<2x128x128xf32, #tpu.memory_space<vmem>>, vector<1x1x16xf32>,
          %swap3A_158 = vector.shape_cast %swap3A_157 : vector<1x1x16xf32> to vector<16xf32>
          %swap3A_159 = vector.shape_cast %mul3A_152 : vector<16xf32> to vector<1x1x16xf32>
          tpu.vector_store %arg10[%swap3A_154, %swap3A_155, %swap3A_156], %swap3A_159 {strides = array<i32>} : memref<2x128x128xf32, #tpu.memory_space<vmem>>, vector<1x1x16xf32>,
          %get3A_160 = arith.constant 0 : i32
          %get3A_161 = arith.index_cast %get3A_160 : i32 to index
          %get3A_162 = arith.index_cast %add3A_130 : i32 to index
          %get3A_163 = arith.constant 32 : index
          %get3A_164 = tpu.vector_load %arg10[%get3A_161, %get3A_162, %get3A_163] {strides = array<i32>} : memref<2x128x128xf32, #tpu.memory_space<vmem>>, vector<1x1x16xf32>,
          %get3A_165 = vector.shape_cast %get3A_164 : vector<1x1x16xf32> to vector<16xf32>
          %mul3A_166 = vector.broadcast %squeeze3A : f32 to vector<16xf32>
          %mul3A_167 = arith.mulf %get3A_165, %mul3A_166 : vector<16xf32>
          %swap3A_168 = arith.constant 0 : i32
          %swap3A_169 = arith.index_cast %swap3A_168 : i32 to index
          %swap3A_170 = arith.index_cast %add3A_130 : i32 to index
          %swap3A_171 = arith.constant 32 : index
          %swap3A_172 = tpu.vector_load %arg10[%swap3A_169, %swap3A_170, %swap3A_171] {strides = array<i32>} : memref<2x128x128xf32, #tpu.memory_space<vmem>>, vector<1x1x16xf32>,
          %swap3A_173 = vector.shape_cast %swap3A_172 : vector<1x1x16xf32> to vector<16xf32>
          %swap3A_174 = vector.shape_cast %mul3A_167 : vector<16xf32> to vector<1x1x16xf32>
          tpu.vector_store %arg10[%swap3A_169, %swap3A_170, %swap3A_171], %swap3A_174 {strides = array<i32>} : memref<2x128x128xf32, #tpu.memory_space<vmem>>, vector<1x1x16xf32>,
          %get3A_175 = arith.constant 0 : i32
          %get3A_176 = arith.index_cast %get3A_175 : i32 to index
          %get3A_177 = arith.index_cast %add3A_130 : i32 to index
          %get3A_178 = arith.constant 48 : index
          %get3A_179 = tpu.vector_load %arg10[%get3A_176, %get3A_177, %get3A_178] {strides = array<i32>} : memref<2x128x128xf32, #tpu.memory_space<vmem>>, vector<1x1x16xf32>,
          %get3A_180 = vector.shape_cast %get3A_179 : vector<1x1x16xf32> to vector<16xf32>
          %mul3A_181 = vector.broadcast %squeeze3A : f32 to vector<16xf32>
          %mul3A_182 = arith.mulf %get3A_180, %mul3A_181 : vector<16xf32>
          %swap3A_183 = arith.constant 0 : i32
          %swap3A_184 = arith.index_cast %swap3A_183 : i32 to index
          %swap3A_185 = arith.index_cast %add3A_130 : i32 to index
          %swap3A_186 = arith.constant 48 : index
          %swap3A_187 = tpu.vector_load %arg10[%swap3A_184, %swap3A_185, %swap3A_186] {strides = array<i32>} : memref<2x128x128xf32, #tpu.memory_space<vmem>>, vector<1x1x16xf32>,
          %swap3A_188 = vector.shape_cast %swap3A_187 : vector<1x1x16xf32> to vector<16xf32>
          %swap3A_189 = vector.shape_cast %mul3A_182 : vector<16xf32> to vector<1x1x16xf32>
          tpu.vector_store %arg10[%swap3A_184, %swap3A_185, %swap3A_186], %swap3A_189 {strides = array<i32>} : memref<2x128x128xf32, #tpu.memory_space<vmem>>, vector<1x1x16xf32>,
          %get3A_190 = arith.constant 0 : i32
          %get3A_191 = arith.index_cast %get3A_190 : i32 to index
          %get3A_192 = arith.index_cast %add3A_130 : i32 to index
          %get3A_193 = arith.constant 64 : index
          %get3A_194 = tpu.vector_load %arg10[%get3A_191, %get3A_192, %get3A_193] {strides = array<i32>} : memref<2x128x128xf32, #tpu.memory_space<vmem>>, vector<1x1x16xf32>,
          %get3A_195 = vector.shape_cast %get3A_194 : vector<1x1x16xf32> to vector<16xf32>
          %mul3A_196 = vector.broadcast %squeeze3A : f32 to vector<16xf32>
          %mul3A_197 = arith.mulf %get3A_195, %mul3A_196 : vector<16xf32>
          %swap3A_198 = arith.constant 0 : i32
          %swap3A_199 = arith.index_cast %swap3A_198 : i32 to index
          %swap3A_200 = arith.index_cast %add3A_130 : i32 to index
          %swap3A_201 = arith.constant 64 : index
          %swap3A_202 = tpu.vector_load %arg10[%swap3A_199, %swap3A_200, %swap3A_201] {strides = array<i32>} : memref<2x128x128xf32, #tpu.memory_space<vmem>>, vector<1x1x16xf32>,
          %swap3A_203 = vector.shape_cast %swap3A_202 : vector<1x1x16xf32> to vector<16xf32>
          %swap3A_204 = vector.shape_cast %mul3A_197 : vector<16xf32> to vector<1x1x16xf32>
          tpu.vector_store %arg10[%swap3A_199, %swap3A_200, %swap3A_201], %swap3A_204 {strides = array<i32>} : memref<2x128x128xf32, #tpu.memory_space<vmem>>, vector<1x1x16xf32>,
          %get3A_205 = arith.constant 0 : i32
          %get3A_206 = arith.index_cast %get3A_205 : i32 to index
          %get3A_207 = arith.index_cast %add3A_130 : i32 to index
          %get3A_208 = arith.constant 80 : index
          %get3A_209 = tpu.vector_load %arg10[%get3A_206, %get3A_207, %get3A_208] {strides = array<i32>} : memref<2x128x128xf32, #tpu.memory_space<vmem>>, vector<1x1x16xf32>,
          %get3A_210 = vector.shape_cast %get3A_209 : vector<1x1x16xf32> to vector<16xf32>
          %mul3A_211 = vector.broadcast %squeeze3A : f32 to vector<16xf32>
          %mul3A_212 = arith.mulf %get3A_210, %mul3A_211 : vector<16xf32>
          %swap3A_213 = arith.constant 0 : i32
          %swap3A_214 = arith.index_cast %swap3A_213 : i32 to index
          %swap3A_215 = arith.index_cast %add3A_130 : i32 to index
          %swap3A_216 = arith.constant 80 : index
          %swap3A_217 = tpu.vector_load %arg10[%swap3A_214, %swap3A_215, %swap3A_216] {strides = array<i32>} : memref<2x128x128xf32, #tpu.memory_space<vmem>>, vector<1x1x16xf32>,
          %swap3A_218 = vector.shape_cast %swap3A_217 : vector<1x1x16xf32> to vector<16xf32>
          %swap3A_219 = vector.shape_cast %mul3A_212 : vector<16xf32> to vector<1x1x16xf32>
          tpu.vector_store %arg10[%swap3A_214, %swap3A_215, %swap3A_216], %swap3A_219 {strides = array<i32>} : memref<2x128x128xf32, #tpu.memory_space<vmem>>, vector<1x1x16xf32>,
          %get3A_220 = arith.constant 0 : i32
          %get3A_221 = arith.index_cast %get3A_220 : i32 to index
          %get3A_222 = arith.index_cast %add3A_130 : i32 to index
          %get3A_223 = arith.constant 96 : index
          %get3A_224 = tpu.vector_load %arg10[%get3A_221, %get3A_222, %get3A_223] {strides = array<i32>} : memref<2x128x128xf32, #tpu.memory_space<vmem>>, vector<1x1x16xf32>,
          %get3A_225 = vector.shape_cast %get3A_224 : vector<1x1x16xf32> to vector<16xf32>
          %mul3A_226 = vector.broadcast %squeeze3A : f32 to vector<16xf32>
          %mul3A_227 = arith.mulf %get3A_225, %mul3A_226 : vector<16xf32>
          %swap3A_228 = arith.constant 0 : i32
          %swap3A_229 = arith.index_cast %swap3A_228 : i32 to index
          %swap3A_230 = arith.index_cast %add3A_130 : i32 to index
          %swap3A_231 = arith.constant 96 : index
          %swap3A_232 = tpu.vector_load %arg10[%swap3A_229, %swap3A_230, %swap3A_231] {strides = array<i32>} : memref<2x128x128xf32, #tpu.memory_space<vmem>>, vector<1x1x16xf32>,
          %swap3A_233 = vector.shape_cast %swap3A_232 : vector<1x1x16xf32> to vector<16xf32>
          %swap3A_234 = vector.shape_cast %mul3A_227 : vector<16xf32> to vector<1x1x16xf32>
          tpu.vector_store %arg10[%swap3A_229, %swap3A_230, %swap3A_231], %swap3A_234 {strides = array<i32>} : memref<2x128x128xf32, #tpu.memory_space<vmem>>, vector<1x1x16xf32>,
          %get3A_235 = arith.constant 0 : i32
          %get3A_236 = arith.index_cast %get3A_235 : i32 to index
          %get3A_237 = arith.index_cast %add3A_130 : i32 to index
          %get3A_238 = arith.constant 112 : index
          %get3A_239 = tpu.vector_load %arg10[%get3A_236, %get3A_237, %get3A_238] {strides = array<i32>} : memref<2x128x128xf32, #tpu.memory_space<vmem>>, vector<1x1x16xf32>,
          %get3A_240 = vector.shape_cast %get3A_239 : vector<1x1x16xf32> to vector<16xf32>
          %mul3A_241 = vector.broadcast %squeeze3A : f32 to vector<16xf32>
          %mul3A_242 = arith.mulf %get3A_240, %mul3A_241 : vector<16xf32>
          %swap3A_243 = arith.constant 0 : i32
          %swap3A_244 = arith.index_cast %swap3A_243 : i32 to index
          %swap3A_245 = arith.index_cast %add3A_130 : i32 to index
          %swap3A_246 = arith.constant 112 : index
          %swap3A_247 = tpu.vector_load %arg10[%swap3A_244, %swap3A_245, %swap3A_246] {strides = array<i32>} : memref<2x128x128xf32, #tpu.memory_space<vmem>>, vector<1x1x16xf32>,
          %swap3A_248 = vector.shape_cast %swap3A_247 : vector<1x1x16xf32> to vector<16xf32>
          %swap3A_249 = vector.shape_cast %mul3A_242 : vector<16xf32> to vector<1x1x16xf32>
          tpu.vector_store %arg10[%swap3A_244, %swap3A_245, %swap3A_246], %swap3A_249 {strides = array<i32>} : memref<2x128x128xf32, #tpu.memory_space<vmem>>, vector<1x1x16xf32>,
          %mul3A_250 = arith.constant 16 : i32
          %mul3A_251 = arith.muli %scan3A_120, %mul3A_250 : i32
          %add3A_252 = arith.constant 1 : i32
          %add3A_253 = arith.addi %mul3A_251, %add3A_252 : i32
          %slice3A_254 = vector.extract_strided_slice %get3A_126 {offsets = [1], sizes = [1], strides = [1]} : vector<16xf32> to vector<1xf32>
          %squeeze3A_255 = vector.extract %slice3A_254[0] : f32 from vector<1xf32>
          %get3A_256 = arith.constant 0 : i32
          %get3A_257 = arith.index_cast %get3A_256 : i32 to index
          %get3A_258 = arith.index_cast %add3A_253 : i32 to index
          %get3A_259 = arith.constant 0 : index
          %get3A_260 = tpu.vector_load %arg10[%get3A_257, %get3A_258, %get3A_259] {strides = array<i32>} : memref<2x128x128xf32, #tpu.memory_space<vmem>>, vector<1x1x16xf32>,
          %get3A_261 = vector.shape_cast %get3A_260 : vector<1x1x16xf32> to vector<16xf32>
          %mul3A_262 = vector.broadcast %squeeze3A_255 : f32 to vector<16xf32>
          %mul3A_263 = arith.mulf %get3A_261, %mul3A_262 : vector<16xf32>
          %swap3A_264 = arith.constant 0 : i32
          %swap3A_265 = arith.index_cast %swap3A_264 : i32 to index
          %swap3A_266 = arith.index_cast %add3A_253 : i32 to index
          %swap3A_267 = arith.constant 0 : index
          %swap3A_268 = tpu.vector_load %arg10[%swap3A_265, %swap3A_266, %swap3A_267] {strides = array<i32>} : memref<2x128x128xf32, #tpu.memory_space<vmem>>, vector<1x1x16xf32>,
          %swap3A_269 = vector.shape_cast %swap3A_268 : vector<1x1x16xf32> to vector<16xf32>
          %swap3A_270 = vector.shape_cast %mul3A_263 : vector<16xf32> to vector<1x1x16xf32>
          tpu.vector_store %arg10[%swap3A_265, %swap3A_266, %swap3A_267], %swap3A_270 {strides = array<i32>} : memref<2x128x128xf32, #tpu.memory_space<vmem>>, vector<1x1x16xf32>,
          %get3A_271 = arith.constant 0 : i32
          %get3A_272 = arith.index_cast %get3A_271 : i32 to index
          %get3A_273 = arith.index_cast %add3A_253 : i32 to index
          %get3A_274 = arith.constant 16 : index
          %get3A_275 = tpu.vector_load %arg10[%get3A_272, %get3A_273, %get3A_274] {strides = array<i32>} : memref<2x128x128xf32, #tpu.memory_space<vmem>>, vector<1x1x16xf32>,
          %get3A_276 = vector.shape_cast %get3A_275 : vector<1x1x16xf32> to vector<16xf32>
          %mul3A_277 = vector.broadcast %squeeze3A_255 : f32 to vector<16xf32>
          %mul3A_278 = arith.mulf %get3A_276, %mul3A_277 : vector<16xf32>
          %swap3A_279 = arith.constant 0 : i32
          %swap3A_280 = arith.index_cast %swap3A_279 : i32 to index
          %swap3A_281 = arith.index_cast %add3A_253 : i32 to index
          %swap3A_282 = arith.constant 16 : index
          %swap3A_283 = tpu.vector_load %arg10[%swap3A_280, %swap3A_281, %swap3A_282] {strides = array<i32>} : memref<2x128x128xf32, #tpu.memory_space<vmem>>, vector<1x1x16xf32>,
          %swap3A_284 = vector.shape_cast %swap3A_283 : vector<1x1x16xf32> to vector<16xf32>
          %swap3A_285 = vector.shape_cast %mul3A_278 : vector<16xf32> to vector<1x1x16xf32>
          tpu.vector_store %arg10[%swap3A_280, %swap3A_281, %swap3A_282], %swap3A_285 {strides = array<i32>} : memref<2x128x128xf32, #tpu.memory_space<vmem>>, vector<1x1x16xf32>,
          %get3A_286 = arith.constant 0 : i32
          %get3A_287 = arith.index_cast %get3A_286 : i32 to index
          %get3A_288 = arith.index_cast %add3A_253 : i32 to index
          %get3A_289 = arith.constant 32 : index
          %get3A_290 = tpu.vector_load %arg10[%get3A_287, %get3A_288, %get3A_289] {strides = array<i32>} : memref<2x128x128xf32, #tpu.memory_space<vmem>>, vector<1x1x16xf32>,
          %get3A_291 = vector.shape_cast %get3A_290 : vector<1x1x16xf32> to vector<16xf32>
          %mul3A_292 = vector.broadcast %squeeze3A_255 : f32 to vector<16xf32>
          %mul3A_293 = arith.mulf %get3A_291, %mul3A_292 : vector<16xf32>
          %swap3A_294 = arith.constant 0 : i32
          %swap3A_295 = arith.index_cast %swap3A_294 : i32 to index
          %swap3A_296 = arith.index_cast %add3A_253 : i32 to index
          %swap3A_297 = arith.constant 32 : index
          %swap3A_298 = tpu.vector_load %arg10[%swap3A_295, %swap3A_296, %swap3A_297] {strides = array<i32>} : memref<2x128x128xf32, #tpu.memory_space<vmem>>, vector<1x1x16xf32>,
          %swap3A_299 = vector.shape_cast %swap3A_298 : vector<1x1x16xf32> to vector<16xf32>
          %swap3A_300 = vector.shape_cast %mul3A_293 : vector<16xf32> to vector<1x1x16xf32>
          tpu.vector_store %arg10[%swap3A_295, %swap3A_296, %swap3A_297], %swap3A_300 {strides = array<i32>} : memref<2x128x128xf32, #tpu.memory_space<vmem>>, vector<1x1x16xf32>,
          %get3A_301 = arith.constant 0 : i32
          %get3A_302 = arith.index_cast %get3A_301 : i32 to index
          %get3A_303 = arith.index_cast %add3A_253 : i32 to index
          %get3A_304 = arith.constant 48 : index
          %get3A_305 = tpu.vector_load %arg10[%get3A_302, %get3A_303, %get3A_304] {strides = array<i32>} : memref<2x128x128xf32, #tpu.memory_space<vmem>>, vector<1x1x16xf32>,
          %get3A_306 = vector.shape_cast %get3A_305 : vector<1x1x16xf32> to vector<16xf32>
          %mul3A_307 = vector.broadcast %squeeze3A_255 : f32 to vector<16xf32>
          %mul3A_308 = arith.mulf %get3A_306, %mul3A_307 : vector<16xf32>
          %swap3A_309 = arith.constant 0 : i32
          %swap3A_310 = arith.index_cast %swap3A_309 : i32 to index
          %swap3A_311 = arith.index_cast %add3A_253 : i32 to index
          %swap3A_312 = arith.constant 48 : index
          %swap3A_313 = tpu.vector_load %arg10[%swap3A_310, %swap3A_311, %swap3A_312] {strides = array<i32>} : memref<2x128x128xf32, #tpu.memory_space<vmem>>, vector<1x1x16xf32>,
          %swap3A_314 = vector.shape_cast %swap3A_313 : vector<1x1x16xf32> to vector<16xf32>
          %swap3A_315 = vector.shape_cast %mul3A_308 : vector<16xf32> to vector<1x1x16xf32>
          tpu.vector_store %arg10[%swap3A_310, %swap3A_311, %swap3A_312], %swap3A_315 {strides = array<i32>} : memref<2x128x128xf32, #tpu.memory_space<vmem>>, vector<1x1x16xf32>,
          %get3A_316 = arith.constant 0 : i32
          %get3A_317 = arith.index_cast %get3A_316 : i32 to index
          %get3A_318 = arith.index_cast %add3A_253 : i32 to index
          %get3A_319 = arith.constant 64 : index
          %get3A_320 = tpu.vector_load %arg10[%get3A_317, %get3A_318, %get3A_319] {strides = array<i32>} : memref<2x128x128xf32, #tpu.memory_space<vmem>>, vector<1x1x16xf32>,
          %get3A_321 = vector.shape_cast %get3A_320 : vector<1x1x16xf32> to vector<16xf32>
          %mul3A_322 = vector.broadcast %squeeze3A_255 : f32 to vector<16xf32>
          %mul3A_323 = arith.mulf %get3A_321, %mul3A_322 : vector<16xf32>
          %swap3A_324 = arith.constant 0 : i32
          %swap3A_325 = arith.index_cast %swap3A_324 : i32 to index
          %swap3A_326 = arith.index_cast %add3A_253 : i32 to index
          %swap3A_327 = arith.constant 64 : index
          %swap3A_328 = tpu.vector_load %arg10[%swap3A_325, %swap3A_326, %swap3A_327] {strides = array<i32>} : memref<2x128x128xf32, #tpu.memory_space<vmem>>, vector<1x1x16xf32>,
          %swap3A_329 = vector.shape_cast %swap3A_328 : vector<1x1x16xf32> to vector<16xf32>
          %swap3A_330 = vector.shape_cast %mul3A_323 : vector<16xf32> to vector<1x1x16xf32>
          tpu.vector_store %arg10[%swap3A_325, %swap3A_326, %swap3A_327], %swap3A_330 {strides = array<i32>} : memref<2x128x128xf32, #tpu.memory_space<vmem>>, vector<1x1x16xf32>,
          %get3A_331 = arith.constant 0 : i32
          %get3A_332 = arith.index_cast %get3A_331 : i32 to index
          %get3A_333 = arith.index_cast %add3A_253 : i32 to index
          %get3A_334 = arith.constant 80 : index
          %get3A_335 = tpu.vector_load %arg10[%get3A_332, %get3A_333, %get3A_334] {strides = array<i32>} : memref<2x128x128xf32, #tpu.memory_space<vmem>>, vector<1x1x16xf32>,
          %get3A_336 = vector.shape_cast %get3A_335 : vector<1x1x16xf32> to vector<16xf32>
          %mul3A_337 = vector.broadcast %squeeze3A_255 : f32 to vector<16xf32>
          %mul3A_338 = arith.mulf %get3A_336, %mul3A_337 : vector<16xf32>
          %swap3A_339 = arith.constant 0 : i32
          %swap3A_340 = arith.index_cast %swap3A_339 : i32 to index
          %swap3A_341 = arith.index_cast %add3A_253 : i32 to index
          %swap3A_342 = arith.constant 80 : index
          %swap3A_343 = tpu.vector_load %arg10[%swap3A_340, %swap3A_341, %swap3A_342] {strides = array<i32>} : memref<2x128x128xf32, #tpu.memory_space<vmem>>, vector<1x1x16xf32>,
          %swap3A_344 = vector.shape_cast %swap3A_343 : vector<1x1x16xf32> to vector<16xf32>
          %swap3A_345 = vector.shape_cast %mul3A_338 : vector<16xf32> to vector<1x1x16xf32>
          tpu.vector_store %arg10[%swap3A_340, %swap3A_341, %swap3A_342], %swap3A_345 {strides = array<i32>} : memref<2x128x128xf32, #tpu.memory_space<vmem>>, vector<1x1x16xf32>,
          %get3A_346 = arith.constant 0 : i32
          %get3A_347 = arith.index_cast %get3A_346 : i32 to index
          %get3A_348 = arith.index_cast %add3A_253 : i32 to index
          %get3A_349 = arith.constant 96 : index
          %get3A_350 = tpu.vector_load %arg10[%get3A_347, %get3A_348, %get3A_349] {strides = array<i32>} : memref<2x128x128xf32, #tpu.memory_space<vmem>>, vector<1x1x16xf32>,
          %get3A_351 = vector.shape_cast %get3A_350 : vector<1x1x16xf32> to vector<16xf32>
          %mul3A_352 = vector.broadcast %squeeze3A_255 : f32 to vector<16xf32>
          %mul3A_353 = arith.mulf %get3A_351, %mul3A_352 : vector<16xf32>
          %swap3A_354 = arith.constant 0 : i32
          %swap3A_355 = arith.index_cast %swap3A_354 : i32 to index
          %swap3A_356 = arith.index_cast %add3A_253 : i32 to index
          %swap3A_357 = arith.constant 96 : index
          %swap3A_358 = tpu.vector_load %arg10[%swap3A_355, %swap3A_356, %swap3A_357] {strides = array<i32>} : memref<2x128x128xf32, #tpu.memory_space<vmem>>, vector<1x1x16xf32>,
          %swap3A_359 = vector.shape_cast %swap3A_358 : vector<1x1x16xf32> to vector<16xf32>
          %swap3A_360 = vector.shape_cast %mul3A_353 : vector<16xf32> to vector<1x1x16xf32>
          tpu.vector_store %arg10[%swap3A_355, %swap3A_356, %swap3A_357], %swap3A_360 {strides = array<i32>} : memref<2x128x128xf32, #tpu.memory_space<vmem>>, vector<1x1x16xf32>,
          %get3A_361 = arith.constant 0 : i32
          %get3A_362 = arith.index_cast %get3A_361 : i32 to index
          %get3A_363 = arith.index_cast %add3A_253 : i32 to index
          %get3A_364 = arith.constant 112 : index
          %get3A_365 = tpu.vector_load %arg10[%get3A_362, %get3A_363, %get3A_364] {strides = array<i32>} : memref<2x128x128xf32, #tpu.memory_space<vmem>>, vector<1x1x16xf32>,
          %get3A_366 = vector.shape_cast %get3A_365 : vector<1x1x16xf32> to vector<16xf32>
          %mul3A_367 = vector.broadcast %squeeze3A_255 : f32 to vector<16xf32>
          %mul3A_368 = arith.mulf %get3A_366, %mul3A_367 : vector<16xf32>
          %swap3A_369 = arith.constant 0 : i32
          %swap3A_370 = arith.index_cast %swap3A_369 : i32 to index
          %swap3A_371 = arith.index_cast %add3A_253 : i32 to index
          %swap3A_372 = arith.constant 112 : index
          %swap3A_373 = tpu.vector_load %arg10[%swap3A_370, %swap3A_371, %swap3A_372] {strides = array<i32>} : memref<2x128x128xf32, #tpu.memory_space<vmem>>, vector<1x1x16xf32>,
          %swap3A_374 = vector.shape_cast %swap3A_373 : vector<1x1x16xf32> to vector<16xf32>
          %swap3A_375 = vector.shape_cast %mul3A_368 : vector<16xf32> to vector<1x1x16xf32>
          tpu.vector_store %arg10[%swap3A_370, %swap3A_371, %swap3A_372], %swap3A_375 {strides = array<i32>} : memref<2x128x128xf32, #tpu.memory_space<vmem>>, vector<1x1x16xf32>,
          %mul3A_376 = arith.constant 16 : i32
          %mul3A_377 = arith.muli %scan3A_120, %mul3A_376 : i32
          %add3A_378 = arith.constant 2 : i32
          %add3A_379 = arith.addi %mul3A_377, %add3A_378 : i32
          %slice3A_380 = vector.extract_strided_slice %get3A_126 {offsets = [2], sizes = [1], strides = [1]} : vector<16xf32> to vector<1xf32>
          %squeeze3A_381 = vector.extract %slice3A_380[0] : f32 from vector<1xf32>
          %get3A_382 = arith.constant 0 : i32
          %get3A_383 = arith.index_cast %get3A_382 : i32 to index
          %get3A_384 = arith.index_cast %add3A_379 : i32 to index
          %get3A_385 = arith.constant 0 : index
          %get3A_386 = tpu.vector_load %arg10[%get3A_383, %get3A_384, %get3A_385] {strides = array<i32>} : memref<2x128x128xf32, #tpu.memory_space<vmem>>, vector<1x1x16xf32>,
          %get3A_387 = vector.shape_cast %get3A_386 : vector<1x1x16xf32> to vector<16xf32>
          %mul3A_388 = vector.broadcast %squeeze3A_381 : f32 to vector<16xf32>
          %mul3A_389 = arith.mulf %get3A_387, %mul3A_388 : vector<16xf32>
          %swap3A_390 = arith.constant 0 : i32
          %swap3A_391 = arith.index_cast %swap3A_390 : i32 to index
          %swap3A_392 = arith.index_cast %add3A_379 : i32 to index
          %swap3A_393 = arith.constant 0 : index
          %swap3A_394 = tpu.vector_load %arg10[%swap3A_391, %swap3A_392, %swap3A_393] {strides = array<i32>} : memref<2x128x128xf32, #tpu.memory_space<vmem>>, vector<1x1x16xf32>,
          %swap3A_395 = vector.shape_cast %swap3A_394 : vector<1x1x16xf32> to vector<16xf32>
          %swap3A_396 = vector.shape_cast %mul3A_389 : vector<16xf32> to vector<1x1x16xf32>
          tpu.vector_store %arg10[%swap3A_391, %swap3A_392, %swap3A_393], %swap3A_396 {strides = array<i32>} : memref<2x128x128xf32, #tpu.memory_space<vmem>>, vector<1x1x16xf32>,
          %get3A_397 = arith.constant 0 : i32
          %get3A_398 = arith.index_cast %get3A_397 : i32 to index
          %get3A_399 = arith.index_cast %add3A_379 : i32 to index
          %get3A_400 = arith.constant 16 : index
          %get3A_401 = tpu.vector_load %arg10[%get3A_398, %get3A_399, %get3A_400] {strides = array<i32>} : memref<2x128x128xf32, #tpu.memory_space<vmem>>, vector<1x1x16xf32>,
          %get3A_402 = vector.shape_cast %get3A_401 : vector<1x1x16xf32> to vector<16xf32>
          %mul3A_403 = vector.broadcast %squeeze3A_381 : f32 to vector<16xf32>
          %mul3A_404 = arith.mulf %get3A_402, %mul3A_403 : vector<16xf32>
          %swap3A_405 = arith.constant 0 : i32
          %swap3A_406 = arith.index_cast %swap3A_405 : i32 to index
          %swap3A_407 = arith.index_cast %add3A_379 : i32 to index
          %swap3A_408 = arith.constant 16 : index
          %swap3A_409 = tpu.vector_load %arg10[%swap3A_406, %swap3A_407, %swap3A_408] {strides = array<i32>} : memref<2x128x128xf32, #tpu.memory_space<vmem>>, vector<1x1x16xf32>,
          %swap3A_410 = vector.shape_cast %swap3A_409 : vector<1x1x16xf32> to vector<16xf32>
          %swap3A_411 = vector.shape_cast %mul3A_404 : vector<16xf32> to vector<1x1x16xf32>
          tpu.vector_store %arg10[%swap3A_406, %swap3A_407, %swap3A_408], %swap3A_411 {strides = array<i32>} : memref<2x128x128xf32, #tpu.memory_space<vmem>>, vector<1x1x16xf32>,
          %get3A_412 = arith.constant 0 : i32
          %get3A_413 = arith.index_cast %get3A_412 : i32 to index
          %get3A_414 = arith.index_cast %add3A_379 : i32 to index
          %get3A_415 = arith.constant 32 : index
          %get3A_416 = tpu.vector_load %arg10[%get3A_413, %get3A_414, %get3A_415] {strides = array<i32>} : memref<2x128x128xf32, #tpu.memory_space<vmem>>, vector<1x1x16xf32>,
          %get3A_417 = vector.shape_cast %get3A_416 : vector<1x1x16xf32> to vector<16xf32>
          %mul3A_418 = vector.broadcast %squeeze3A_381 : f32 to vector<16xf32>
          %mul3A_419 = arith.mulf %get3A_417, %mul3A_418 : vector<16xf32>
          %swap3A_420 = arith.constant 0 : i32
          %swap3A_421 = arith.index_cast %swap3A_420 : i32 to index
          %swap3A_422 = arith.index_cast %add3A_379 : i32 to index
          %swap3A_423 = arith.constant 32 : index
          %swap3A_424 = tpu.vector_load %arg10[%swap3A_421, %swap3A_422, %swap3A_423] {strides = array<i32>} : memref<2x128x128xf32, #tpu.memory_space<vmem>>, vector<1x1x16xf32>,
          %swap3A_425 = vector.shape_cast %swap3A_424 : vector<1x1x16xf32> to vector<16xf32>
          %swap3A_426 = vector.shape_cast %mul3A_419 : vector<16xf32> to vector<1x1x16xf32>
          tpu.vector_store %arg10[%swap3A_421, %swap3A_422, %swap3A_423], %swap3A_426 {strides = array<i32>} : memref<2x128x128xf32, #tpu.memory_space<vmem>>, vector<1x1x16xf32>,
          %get3A_427 = arith.constant 0 : i32
          %get3A_428 = arith.index_cast %get3A_427 : i32 to index
          %get3A_429 = arith.index_cast %add3A_379 : i32 to index
          %get3A_430 = arith.constant 48 : index
          %get3A_431 = tpu.vector_load %arg10[%get3A_428, %get3A_429, %get3A_430] {strides = array<i32>} : memref<2x128x128xf32, #tpu.memory_space<vmem>>, vector<1x1x16xf32>,
          %get3A_432 = vector.shape_cast %get3A_431 : vector<1x1x16xf32> to vector<16xf32>
          %mul3A_433 = vector.broadcast %squeeze3A_381 : f32 to vector<16xf32>
          %mul3A_434 = arith.mulf %get3A_432, %mul3A_433 : vector<16xf32>
          %swap3A_435 = arith.constant 0 : i32
          %swap3A_436 = arith.index_cast %swap3A_435 : i32 to index
          %swap3A_437 = arith.index_cast %add3A_379 : i32 to index
          %swap3A_438 = arith.constant 48 : index
          %swap3A_439 = tpu.vector_load %arg10[%swap3A_436, %swap3A_437, %swap3A_438] {strides = array<i32>} : memref<2x128x128xf32, #tpu.memory_space<vmem>>, vector<1x1x16xf32>,
          %swap3A_440 = vector.shape_cast %swap3A_439 : vector<1x1x16xf32> to vector<16xf32>
          %swap3A_441 = vector.shape_cast %mul3A_434 : vector<16xf32> to vector<1x1x16xf32>
          tpu.vector_store %arg10[%swap3A_436, %swap3A_437, %swap3A_438], %swap3A_441 {strides = array<i32>} : memref<2x128x128xf32, #tpu.memory_space<vmem>>, vector<1x1x16xf32>,
          %get3A_442 = arith.constant 0 : i32
          %get3A_443 = arith.index_cast %get3A_442 : i32 to index
          %get3A_444 = arith.index_cast %add3A_379 : i32 to index
          %get3A_445 = arith.constant 64 : index
          %get3A_446 = tpu.vector_load %arg10[%get3A_443, %get3A_444, %get3A_445] {strides = array<i32>} : memref<2x128x128xf32, #tpu.memory_space<vmem>>, vector<1x1x16xf32>,
          %get3A_447 = vector.shape_cast %get3A_446 : vector<1x1x16xf32> to vector<16xf32>
          %mul3A_448 = vector.broadcast %squeeze3A_381 : f32 to vector<16xf32>
          %mul3A_449 = arith.mulf %get3A_447, %mul3A_448 : vector<16xf32>
          %swap3A_450 = arith.constant 0 : i32
          %swap3A_451 = arith.index_cast %swap3A_450 : i32 to index
          %swap3A_452 = arith.index_cast %add3A_379 : i32 to index
          %swap3A_453 = arith.constant 64 : index
          %swap3A_454 = tpu.vector_load %arg10[%swap3A_451, %swap3A_452, %swap3A_453] {strides = array<i32>} : memref<2x128x128xf32, #tpu.memory_space<vmem>>, vector<1x1x16xf32>,
          %swap3A_455 = vector.shape_cast %swap3A_454 : vector<1x1x16xf32> to vector<16xf32>
          %swap3A_456 = vector.shape_cast %mul3A_449 : vector<16xf32> to vector<1x1x16xf32>
          tpu.vector_store %arg10[%swap3A_451, %swap3A_452, %swap3A_453], %swap3A_456 {strides = array<i32>} : memref<2x128x128xf32, #tpu.memory_space<vmem>>, vector<1x1x16xf32>,
          %get3A_457 = arith.constant 0 : i32
          %get3A_458 = arith.index_cast %get3A_457 : i32 to index
          %get3A_459 = arith.index_cast %add3A_379 : i32 to index
          %get3A_460 = arith.constant 80 : index
          %get3A_461 = tpu.vector_load %arg10[%get3A_458, %get3A_459, %get3A_460] {strides = array<i32>} : memref<2x128x128xf32, #tpu.memory_space<vmem>>, vector<1x1x16xf32>,
          %get3A_462 = vector.shape_cast %get3A_461 : vector<1x1x16xf32> to vector<16xf32>
          %mul3A_463 = vector.broadcast %squeeze3A_381 : f32 to vector<16xf32>
          %mul3A_464 = arith.mulf %get3A_462, %mul3A_463 : vector<16xf32>
          %swap3A_465 = arith.constant 0 : i32
          %swap3A_466 = arith.index_cast %swap3A_465 : i32 to index
          %swap3A_467 = arith.index_cast %add3A_379 : i32 to index
          %swap3A_468 = arith.constant 80 : index
          %swap3A_469 = tpu.vector_load %arg10[%swap3A_466, %swap3A_467, %swap3A_468] {strides = array<i32>} : memref<2x128x128xf32, #tpu.memory_space<vmem>>, vector<1x1x16xf32>,
          %swap3A_470 = vector.shape_cast %swap3A_469 : vector<1x1x16xf32> to vector<16xf32>
          %swap3A_471 = vector.shape_cast %mul3A_464 : vector<16xf32> to vector<1x1x16xf32>
          tpu.vector_store %arg10[%swap3A_466, %swap3A_467, %swap3A_468], %swap3A_471 {strides = array<i32>} : memref<2x128x128xf32, #tpu.memory_space<vmem>>, vector<1x1x16xf32>,
          %get3A_472 = arith.constant 0 : i32
          %get3A_473 = arith.index_cast %get3A_472 : i32 to index
          %get3A_474 = arith.index_cast %add3A_379 : i32 to index
          %get3A_475 = arith.constant 96 : index
          %get3A_476 = tpu.vector_load %arg10[%get3A_473, %get3A_474, %get3A_475] {strides = array<i32>} : memref<2x128x128xf32, #tpu.memory_space<vmem>>, vector<1x1x16xf32>,
          %get3A_477 = vector.shape_cast %get3A_476 : vector<1x1x16xf32> to vector<16xf32>
          %mul3A_478 = vector.broadcast %squeeze3A_381 : f32 to vector<16xf32>
          %mul3A_479 = arith.mulf %get3A_477, %mul3A_478 : vector<16xf32>
          %swap3A_480 = arith.constant 0 : i32
          %swap3A_481 = arith.index_cast %swap3A_480 : i32 to index
          %swap3A_482 = arith.index_cast %add3A_379 : i32 to index
          %swap3A_483 = arith.constant 96 : index
          %swap3A_484 = tpu.vector_load %arg10[%swap3A_481, %swap3A_482, %swap3A_483] {strides = array<i32>} : memref<2x128x128xf32, #tpu.memory_space<vmem>>, vector<1x1x16xf32>,
          %swap3A_485 = vector.shape_cast %swap3A_484 : vector<1x1x16xf32> to vector<16xf32>
          %swap3A_486 = vector.shape_cast %mul3A_479 : vector<16xf32> to vector<1x1x16xf32>
          tpu.vector_store %arg10[%swap3A_481, %swap3A_482, %swap3A_483], %swap3A_486 {strides = array<i32>} : memref<2x128x128xf32, #tpu.memory_space<vmem>>, vector<1x1x16xf32>,
          %get3A_487 = arith.constant 0 : i32
          %get3A_488 = arith.index_cast %get3A_487 : i32 to index
          %get3A_489 = arith.index_cast %add3A_379 : i32 to index
          %get3A_490 = arith.constant 112 : index
          %get3A_491 = tpu.vector_load %arg10[%get3A_488, %get3A_489, %get3A_490] {strides = array<i32>} : memref<2x128x128xf32, #tpu.memory_space<vmem>>, vector<1x1x16xf32>,
          %get3A_492 = vector.shape_cast %get3A_491 : vector<1x1x16xf32> to vector<16xf32>
          %mul3A_493 = vector.broadcast %squeeze3A_381 : f32 to vector<16xf32>
          %mul3A_494 = arith.mulf %get3A_492, %mul3A_493 : vector<16xf32>
          %swap3A_495 = arith.constant 0 : i32
          %swap3A_496 = arith.index_cast %swap3A_495 : i32 to index
          %swap3A_497 = arith.index_cast %add3A_379 : i32 to index
          %swap3A_498 = arith.constant 112 : index
          %swap3A_499 = tpu.vector_load %arg10[%swap3A_496, %swap3A_497, %swap3A_498] {strides = array<i32>} : memref<2x128x128xf32, #tpu.memory_space<vmem>>, vector<1x1x16xf32>,
          %swap3A_500 = vector.shape_cast %swap3A_499 : vector<1x1x16xf32> to vector<16xf32>
          %swap3A_501 = vector.shape_cast %mul3A_494 : vector<16xf32> to vector<1x1x16xf32>
          tpu.vector_store %arg10[%swap3A_496, %swap3A_497, %swap3A_498], %swap3A_501 {strides = array<i32>} : memref<2x128x128xf32, #tpu.memory_space<vmem>>, vector<1x1x16xf32>,
          %mul3A_502 = arith.constant 16 : i32
          %mul3A_503 = arith.muli %scan3A_120, %mul3A_502 : i32
          %add3A_504 = arith.constant 3 : i32
          %add3A_505 = arith.addi %mul3A_503, %add3A_504 : i32
          %slice3A_506 = vector.extract_strided_slice %get3A_126 {offsets = [3], sizes = [1], strides = [1]} : vector<16xf32> to vector<1xf32>
          %squeeze3A_507 = vector.extract %slice3A_506[0] : f32 from vector<1xf32>
          %get3A_508 = arith.constant 0 : i32
          %get3A_509 = arith.index_cast %get3A_508 : i32 to index
          %get3A_510 = arith.index_cast %add3A_505 : i32 to index
          %get3A_511 = arith.constant 0 : index
          %get3A_512 = tpu.vector_load %arg10[%get3A_509, %get3A_510, %get3A_511] {strides = array<i32>} : memref<2x128x128xf32, #tpu.memory_space<vmem>>, vector<1x1x16xf32>,
          %get3A_513 = vector.shape_cast %get3A_512 : vector<1x1x16xf32> to vector<16xf32>
          %mul3A_514 = vector.broadcast %squeeze3A_507 : f32 to vector<16xf32>
          %mul3A_515 = arith.mulf %get3A_513, %mul3A_514 : vector<16xf32>
          %swap3A_516 = arith.constant 0 : i32
          %swap3A_517 = arith.index_cast %swap3A_516 : i32 to index
          %swap3A_518 = arith.index_cast %add3A_505 : i32 to index
          %swap3A_519 = arith.constant 0 : index
          %swap3A_520 = tpu.vector_load %arg10[%swap3A_517, %swap3A_518, %swap3A_519] {strides = array<i32>} : memref<2x128x128xf32, #tpu.memory_space<vmem>>, vector<1x1x16xf32>,
          %swap3A_521 = vector.shape_cast %swap3A_520 : vector<1x1x16xf32> to vector<16xf32>
          %swap3A_522 = vector.shape_cast %mul3A_515 : vector<16xf32> to vector<1x1x16xf32>
          tpu.vector_store %arg10[%swap3A_517, %swap3A_518, %swap3A_519], %swap3A_522 {strides = array<i32>} : memref<2x128x128xf32, #tpu.memory_space<vmem>>, vector<1x1x16xf32>,
          %get3A_523 = arith.constant 0 : i32
          %get3A_524 = arith.index_cast %get3A_523 : i32 to index
          %get3A_525 = arith.index_cast %add3A_505 : i32 to index
          %get3A_526 = arith.constant 16 : index
          %get3A_527 = tpu.vector_load %arg10[%get3A_524, %get3A_525, %get3A_526] {strides = array<i32>} : memref<2x128x128xf32, #tpu.memory_space<vmem>>, vector<1x1x16xf32>,
          %get3A_528 = vector.shape_cast %get3A_527 : vector<1x1x16xf32> to vector<16xf32>
          %mul3A_529 = vector.broadcast %squeeze3A_507 : f32 to vector<16xf32>
          %mul3A_530 = arith.mulf %get3A_528, %mul3A_529 : vector<16xf32>
          %swap3A_531 = arith.constant 0 : i32
          %swap3A_532 = arith.index_cast %swap3A_531 : i32 to index
          %swap3A_533 = arith.index_cast %add3A_505 : i32 to index
          %swap3A_534 = arith.constant 16 : index
          %swap3A_535 = tpu.vector_load %arg10[%swap3A_532, %swap3A_533, %swap3A_534] {strides = array<i32>} : memref<2x128x128xf32, #tpu.memory_space<vmem>>, vector<1x1x16xf32>,
          %swap3A_536 = vector.shape_cast %swap3A_535 : vector<1x1x16xf32> to vector<16xf32>
          %swap3A_537 = vector.shape_cast %mul3A_530 : vector<16xf32> to vector<1x1x16xf32>
          tpu.vector_store %arg10[%swap3A_532, %swap3A_533, %swap3A_534], %swap3A_537 {strides = array<i32>} : memref<2x128x128xf32, #tpu.memory_space<vmem>>, vector<1x1x16xf32>,
          %get3A_538 = arith.constant 0 : i32
          %get3A_539 = arith.index_cast %get3A_538 : i32 to index
          %get3A_540 = arith.index_cast %add3A_505 : i32 to index
          %get3A_541 = arith.constant 32 : index
          %get3A_542 = tpu.vector_load %arg10[%get3A_539, %get3A_540, %get3A_541] {strides = array<i32>} : memref<2x128x128xf32, #tpu.memory_space<vmem>>, vector<1x1x16xf32>,
          %get3A_543 = vector.shape_cast %get3A_542 : vector<1x1x16xf32> to vector<16xf32>
          %mul3A_544 = vector.broadcast %squeeze3A_507 : f32 to vector<16xf32>
          %mul3A_545 = arith.mulf %get3A_543, %mul3A_544 : vector<16xf32>
          %swap3A_546 = arith.constant 0 : i32
          %swap3A_547 = arith.index_cast %swap3A_546 : i32 to index
          %swap3A_548 = arith.index_cast %add3A_505 : i32 to index
          %swap3A_549 = arith.constant 32 : index
          %swap3A_550 = tpu.vector_load %arg10[%swap3A_547, %swap3A_548, %swap3A_549] {strides = array<i32>} : memref<2x128x128xf32, #tpu.memory_space<vmem>>, vector<1x1x16xf32>,
          %swap3A_551 = vector.shape_cast %swap3A_550 : vector<1x1x16xf32> to vector<16xf32>
          %swap3A_552 = vector.shape_cast %mul3A_545 : vector<16xf32> to vector<1x1x16xf32>
          tpu.vector_store %arg10[%swap3A_547, %swap3A_548, %swap3A_549], %swap3A_552 {strides = array<i32>} : memref<2x128x128xf32, #tpu.memory_space<vmem>>, vector<1x1x16xf32>,
          %get3A_553 = arith.constant 0 : i32
          %get3A_554 = arith.index_cast %get3A_553 : i32 to index
          %get3A_555 = arith.index_cast %add3A_505 : i32 to index
          %get3A_556 = arith.constant 48 : index
          %get3A_557 = tpu.vector_load %arg10[%get3A_554, %get3A_555, %get3A_556] {strides = array<i32>} : memref<2x128x128xf32, #tpu.memory_space<vmem>>, vector<1x1x16xf32>,
          %get3A_558 = vector.shape_cast %get3A_557 : vector<1x1x16xf32> to vector<16xf32>
          %mul3A_559 = vector.broadcast %squeeze3A_507 : f32 to vector<16xf32>
          %mul3A_560 = arith.mulf %get3A_558, %mul3A_559 : vector<16xf32>
          %swap3A_561 = arith.constant 0 : i32
          %swap3A_562 = arith.index_cast %swap3A_561 : i32 to index
          %swap3A_563 = arith.index_cast %add3A_505 : i32 to index
          %swap3A_564 = arith.constant 48 : index
          %swap3A_565 = tpu.vector_load %arg10[%swap3A_562, %swap3A_563, %swap3A_564] {strides = array<i32>} : memref<2x128x128xf32, #tpu.memory_space<vmem>>, vector<1x1x16xf32>,
          %swap3A_566 = vector.shape_cast %swap3A_565 : vector<1x1x16xf32> to vector<16xf32>
          %swap3A_567 = vector.shape_cast %mul3A_560 : vector<16xf32> to vector<1x1x16xf32>
          tpu.vector_store %arg10[%swap3A_562, %swap3A_563, %swap3A_564], %swap3A_567 {strides = array<i32>} : memref<2x128x128xf32, #tpu.memory_space<vmem>>, vector<1x1x16xf32>,
          %get3A_568 = arith.constant 0 : i32
          %get3A_569 = arith.index_cast %get3A_568 : i32 to index
          %get3A_570 = arith.index_cast %add3A_505 : i32 to index
          %get3A_571 = arith.constant 64 : index
          %get3A_572 = tpu.vector_load %arg10[%get3A_569, %get3A_570, %get3A_571] {strides = array<i32>} : memref<2x128x128xf32, #tpu.memory_space<vmem>>, vector<1x1x16xf32>,
          %get3A_573 = vector.shape_cast %get3A_572 : vector<1x1x16xf32> to vector<16xf32>
          %mul3A_574 = vector.broadcast %squeeze3A_507 : f32 to vector<16xf32>
          %mul3A_575 = arith.mulf %get3A_573, %mul3A_574 : vector<16xf32>
          %swap3A_576 = arith.constant 0 : i32
          %swap3A_577 = arith.index_cast %swap3A_576 : i32 to index
          %swap3A_578 = arith.index_cast %add3A_505 : i32 to index
          %swap3A_579 = arith.constant 64 : index
          %swap3A_580 = tpu.vector_load %arg10[%swap3A_577, %swap3A_578, %swap3A_579] {strides = array<i32>} : memref<2x128x128xf32, #tpu.memory_space<vmem>>, vector<1x1x16xf32>,
          %swap3A_581 = vector.shape_cast %swap3A_580 : vector<1x1x16xf32> to vector<16xf32>
          %swap3A_582 = vector.shape_cast %mul3A_575 : vector<16xf32> to vector<1x1x16xf32>
          tpu.vector_store %arg10[%swap3A_577, %swap3A_578, %swap3A_579], %swap3A_582 {strides = array<i32>} : memref<2x128x128xf32, #tpu.memory_space<vmem>>, vector<1x1x16xf32>,
          %get3A_583 = arith.constant 0 : i32
          %get3A_584 = arith.index_cast %get3A_583 : i32 to index
          %get3A_585 = arith.index_cast %add3A_505 : i32 to index
          %get3A_586 = arith.constant 80 : index
          %get3A_587 = tpu.vector_load %arg10[%get3A_584, %get3A_585, %get3A_586] {strides = array<i32>} : memref<2x128x128xf32, #tpu.memory_space<vmem>>, vector<1x1x16xf32>,
          %get3A_588 = vector.shape_cast %get3A_587 : vector<1x1x16xf32> to vector<16xf32>
          %mul3A_589 = vector.broadcast %squeeze3A_507 : f32 to vector<16xf32>
          %mul3A_590 = arith.mulf %get3A_588, %mul3A_589 : vector<16xf32>
          %swap3A_591 = arith.constant 0 : i32
          %swap3A_592 = arith.index_cast %swap3A_591 : i32 to index
          %swap3A_593 = arith.index_cast %add3A_505 : i32 to index
          %swap3A_594 = arith.constant 80 : index
          %swap3A_595 = tpu.vector_load %arg10[%swap3A_592, %swap3A_593, %swap3A_594] {strides = array<i32>} : memref<2x128x128xf32, #tpu.memory_space<vmem>>, vector<1x1x16xf32>,
          %swap3A_596 = vector.shape_cast %swap3A_595 : vector<1x1x16xf32> to vector<16xf32>
          %swap3A_597 = vector.shape_cast %mul3A_590 : vector<16xf32> to vector<1x1x16xf32>
          tpu.vector_store %arg10[%swap3A_592, %swap3A_593, %swap3A_594], %swap3A_597 {strides = array<i32>} : memref<2x128x128xf32, #tpu.memory_space<vmem>>, vector<1x1x16xf32>,
          %get3A_598 = arith.constant 0 : i32
          %get3A_599 = arith.index_cast %get3A_598 : i32 to index
          %get3A_600 = arith.index_cast %add3A_505 : i32 to index
          %get3A_601 = arith.constant 96 : index
          %get3A_602 = tpu.vector_load %arg10[%get3A_599, %get3A_600, %get3A_601] {strides = array<i32>} : memref<2x128x128xf32, #tpu.memory_space<vmem>>, vector<1x1x16xf32>,
          %get3A_603 = vector.shape_cast %get3A_602 : vector<1x1x16xf32> to vector<16xf32>
          %mul3A_604 = vector.broadcast %squeeze3A_507 : f32 to vector<16xf32>
          %mul3A_605 = arith.mulf %get3A_603, %mul3A_604 : vector<16xf32>
          %swap3A_606 = arith.constant 0 : i32
          %swap3A_607 = arith.index_cast %swap3A_606 : i32 to index
          %swap3A_608 = arith.index_cast %add3A_505 : i32 to index
          %swap3A_609 = arith.constant 96 : index
          %swap3A_610 = tpu.vector_load %arg10[%swap3A_607, %swap3A_608, %swap3A_609] {strides = array<i32>} : memref<2x128x128xf32, #tpu.memory_space<vmem>>, vector<1x1x16xf32>,
          %swap3A_611 = vector.shape_cast %swap3A_610 : vector<1x1x16xf32> to vector<16xf32>
          %swap3A_612 = vector.shape_cast %mul3A_605 : vector<16xf32> to vector<1x1x16xf32>
          tpu.vector_store %arg10[%swap3A_607, %swap3A_608, %swap3A_609], %swap3A_612 {strides = array<i32>} : memref<2x128x128xf32, #tpu.memory_space<vmem>>, vector<1x1x16xf32>,
          %get3A_613 = arith.constant 0 : i32
          %get3A_614 = arith.index_cast %get3A_613 : i32 to index
          %get3A_615 = arith.index_cast %add3A_505 : i32 to index
          %get3A_616 = arith.constant 112 : index
          %get3A_617 = tpu.vector_load %arg10[%get3A_614, %get3A_615, %get3A_616] {strides = array<i32>} : memref<2x128x128xf32, #tpu.memory_space<vmem>>, vector<1x1x16xf32>,
          %get3A_618 = vector.shape_cast %get3A_617 : vector<1x1x16xf32> to vector<16xf32>
          %mul3A_619 = vector.broadcast %squeeze3A_507 : f32 to vector<16xf32>
          %mul3A_620 = arith.mulf %get3A_618, %mul3A_619 : vector<16xf32>
          %swap3A_621 = arith.constant 0 : i32
          %swap3A_622 = arith.index_cast %swap3A_621 : i32 to index
          %swap3A_623 = arith.index_cast %add3A_505 : i32 to index
          %swap3A_624 = arith.constant 112 : index
          %swap3A_625 = tpu.vector_load %arg10[%swap3A_622, %swap3A_623, %swap3A_624] {strides = array<i32>} : memref<2x128x128xf32, #tpu.memory_space<vmem>>, vector<1x1x16xf32>,
          %swap3A_626 = vector.shape_cast %swap3A_625 : vector<1x1x16xf32> to vector<16xf32>
          %swap3A_627 = vector.shape_cast %mul3A_620 : vector<16xf32> to vector<1x1x16xf32>
          tpu.vector_store %arg10[%swap3A_622, %swap3A_623, %swap3A_624], %swap3A_627 {strides = array<i32>} : memref<2x128x128xf32, #tpu.memory_space<vmem>>, vector<1x1x16xf32>,
          %mul3A_628 = arith.constant 16 : i32
          %mul3A_629 = arith.muli %scan3A_120, %mul3A_628 : i32
          %add3A_630 = arith.constant 4 : i32
          %add3A_631 = arith.addi %mul3A_629, %add3A_630 : i32
          %slice3A_632 = vector.extract_strided_slice %get3A_126 {offsets = [4], sizes = [1], strides = [1]} : vector<16xf32> to vector<1xf32>
          %squeeze3A_633 = vector.extract %slice3A_632[0] : f32 from vector<1xf32>
          %get3A_634 = arith.constant 0 : i32
          %get3A_635 = arith.index_cast %get3A_634 : i32 to index
          %get3A_636 = arith.index_cast %add3A_631 : i32 to index
          %get3A_637 = arith.constant 0 : index
          %get3A_638 = tpu.vector_load %arg10[%get3A_635, %get3A_636, %get3A_637] {strides = array<i32>} : memref<2x128x128xf32, #tpu.memory_space<vmem>>, vector<1x1x16xf32>,
          %get3A_639 = vector.shape_cast %get3A_638 : vector<1x1x16xf32> to vector<16xf32>
          %mul3A_640 = vector.broadcast %squeeze3A_633 : f32 to vector<16xf32>
          %mul3A_641 = arith.mulf %get3A_639, %mul3A_640 : vector<16xf32>
          %swap3A_642 = arith.constant 0 : i32
          %swap3A_643 = arith.index_cast %swap3A_642 : i32 to index
          %swap3A_644 = arith.index_cast %add3A_631 : i32 to index
          %swap3A_645 = arith.constant 0 : index
          %swap3A_646 = tpu.vector_load %arg10[%swap3A_643, %swap3A_644, %swap3A_645] {strides = array<i32>} : memref<2x128x128xf32, #tpu.memory_space<vmem>>, vector<1x1x16xf32>,
          %swap3A_647 = vector.shape_cast %swap3A_646 : vector<1x1x16xf32> to vector<16xf32>
          %swap3A_648 = vector.shape_cast %mul3A_641 : vector<16xf32> to vector<1x1x16xf32>
          tpu.vector_store %arg10[%swap3A_643, %swap3A_644, %swap3A_645], %swap3A_648 {strides = array<i32>} : memref<2x128x128xf32, #tpu.memory_space<vmem>>, vector<1x1x16xf32>,
          %get3A_649 = arith.constant 0 : i32
          %get3A_650 = arith.index_cast %get3A_649 : i32 to index
          %get3A_651 = arith.index_cast %add3A_631 : i32 to index
          %get3A_652 = arith.constant 16 : index
          %get3A_653 = tpu.vector_load %arg10[%get3A_650, %get3A_651, %get3A_652] {strides = array<i32>} : memref<2x128x128xf32, #tpu.memory_space<vmem>>, vector<1x1x16xf32>,
          %get3A_654 = vector.shape_cast %get3A_653 : vector<1x1x16xf32> to vector<16xf32>
          %mul3A_655 = vector.broadcast %squeeze3A_633 : f32 to vector<16xf32>
          %mul3A_656 = arith.mulf %get3A_654, %mul3A_655 : vector<16xf32>
          %swap3A_657 = arith.constant 0 : i32
          %swap3A_658 = arith.index_cast %swap3A_657 : i32 to index
          %swap3A_659 = arith.index_cast %add3A_631 : i32 to index
          %swap3A_660 = arith.constant 16 : index
          %swap3A_661 = tpu.vector_load %arg10[%swap3A_658, %swap3A_659, %swap3A_660] {strides = array<i32>} : memref<2x128x128xf32, #tpu.memory_space<vmem>>, vector<1x1x16xf32>,
          %swap3A_662 = vector.shape_cast %swap3A_661 : vector<1x1x16xf32> to vector<16xf32>
          %swap3A_663 = vector.shape_cast %mul3A_656 : vector<16xf32> to vector<1x1x16xf32>
          tpu.vector_store %arg10[%swap3A_658, %swap3A_659, %swap3A_660], %swap3A_663 {strides = array<i32>} : memref<2x128x128xf32, #tpu.memory_space<vmem>>, vector<1x1x16xf32>,
          %get3A_664 = arith.constant 0 : i32
          %get3A_665 = arith.index_cast %get3A_664 : i32 to index
          %get3A_666 = arith.index_cast %add3A_631 : i32 to index
          %get3A_667 = arith.constant 32 : index
          %get3A_668 = tpu.vector_load %arg10[%get3A_665, %get3A_666, %get3A_667] {strides = array<i32>} : memref<2x128x128xf32, #tpu.memory_space<vmem>>, vector<1x1x16xf32>,
          %get3A_669 = vector.shape_cast %get3A_668 : vector<1x1x16xf32> to vector<16xf32>
          %mul3A_670 = vector.broadcast %squeeze3A_633 : f32 to vector<16xf32>
          %mul3A_671 = arith.mulf %get3A_669, %mul3A_670 : vector<16xf32>
          %swap3A_672 = arith.constant 0 : i32
          %swap3A_673 = arith.index_cast %swap3A_672 : i32 to index
          %swap3A_674 = arith.index_cast %add3A_631 : i32 to index
          %swap3A_675 = arith.constant 32 : index
          %swap3A_676 = tpu.vector_load %arg10[%swap3A_673, %swap3A_674, %swap3A_675] {strides = array<i32>} : memref<2x128x128xf32, #tpu.memory_space<vmem>>, vector<1x1x16xf32>,
          %swap3A_677 = vector.shape_cast %swap3A_676 : vector<1x1x16xf32> to vector<16xf32>
          %swap3A_678 = vector.shape_cast %mul3A_671 : vector<16xf32> to vector<1x1x16xf32>
          tpu.vector_store %arg10[%swap3A_673, %swap3A_674, %swap3A_675], %swap3A_678 {strides = array<i32>} : memref<2x128x128xf32, #tpu.memory_space<vmem>>, vector<1x1x16xf32>,
          %get3A_679 = arith.constant 0 : i32
          %get3A_680 = arith.index_cast %get3A_679 : i32 to index
          %get3A_681 = arith.index_cast %add3A_631 : i32 to index
          %get3A_682 = arith.constant 48 : index
          %get3A_683 = tpu.vector_load %arg10[%get3A_680, %get3A_681, %get3A_682] {strides = array<i32>} : memref<2x128x128xf32, #tpu.memory_space<vmem>>, vector<1x1x16xf32>,
          %get3A_684 = vector.shape_cast %get3A_683 : vector<1x1x16xf32> to vector<16xf32>
          %mul3A_685 = vector.broadcast %squeeze3A_633 : f32 to vector<16xf32>
          %mul3A_686 = arith.mulf %get3A_684, %mul3A_685 : vector<16xf32>
          %swap3A_687 = arith.constant 0 : i32
          %swap3A_688 = arith.index_cast %swap3A_687 : i32 to index
          %swap3A_689 = arith.index_cast %add3A_631 : i32 to index
          %swap3A_690 = arith.constant 48 : index
          %swap3A_691 = tpu.vector_load %arg10[%swap3A_688, %swap3A_689, %swap3A_690] {strides = array<i32>} : memref<2x128x128xf32, #tpu.memory_space<vmem>>, vector<1x1x16xf32>,
          %swap3A_692 = vector.shape_cast %swap3A_691 : vector<1x1x16xf32> to vector<16xf32>
          %swap3A_693 = vector.shape_cast %mul3A_686 : vector<16xf32> to vector<1x1x16xf32>
          tpu.vector_store %arg10[%swap3A_688, %swap3A_689, %swap3A_690], %swap3A_693 {strides = array<i32>} : memref<2x128x128xf32, #tpu.memory_space<vmem>>, vector<1x1x16xf32>,
          %get3A_694 = arith.constant 0 : i32
          %get3A_695 = arith.index_cast %get3A_694 : i32 to index
          %get3A_696 = arith.index_cast %add3A_631 : i32 to index
          %get3A_697 = arith.constant 64 : index
          %get3A_698 = tpu.vector_load %arg10[%get3A_695, %get3A_696, %get3A_697] {strides = array<i32>} : memref<2x128x128xf32, #tpu.memory_space<vmem>>, vector<1x1x16xf32>,
          %get3A_699 = vector.shape_cast %get3A_698 : vector<1x1x16xf32> to vector<16xf32>
          %mul3A_700 = vector.broadcast %squeeze3A_633 : f32 to vector<16xf32>
          %mul3A_701 = arith.mulf %get3A_699, %mul3A_700 : vector<16xf32>
          %swap3A_702 = arith.constant 0 : i32
          %swap3A_703 = arith.index_cast %swap3A_702 : i32 to index
          %swap3A_704 = arith.index_cast %add3A_631 : i32 to index
          %swap3A_705 = arith.constant 64 : index
          %swap3A_706 = tpu.vector_load %arg10[%swap3A_703, %swap3A_704, %swap3A_705] {strides = array<i32>} : memref<2x128x128xf32, #tpu.memory_space<vmem>>, vector<1x1x16xf32>,
          %swap3A_707 = vector.shape_cast %swap3A_706 : vector<1x1x16xf32> to vector<16xf32>
          %swap3A_708 = vector.shape_cast %mul3A_701 : vector<16xf32> to vector<1x1x16xf32>
          tpu.vector_store %arg10[%swap3A_703, %swap3A_704, %swap3A_705], %swap3A_708 {strides = array<i32>} : memref<2x128x128xf32, #tpu.memory_space<vmem>>, vector<1x1x16xf32>,
          %get3A_709 = arith.constant 0 : i32
          %get3A_710 = arith.index_cast %get3A_709 : i32 to index
          %get3A_711 = arith.index_cast %add3A_631 : i32 to index
          %get3A_712 = arith.constant 80 : index
          %get3A_713 = tpu.vector_load %arg10[%get3A_710, %get3A_711, %get3A_712] {strides = array<i32>} : memref<2x128x128xf32, #tpu.memory_space<vmem>>, vector<1x1x16xf32>,
          %get3A_714 = vector.shape_cast %get3A_713 : vector<1x1x16xf32> to vector<16xf32>
          %mul3A_715 = vector.broadcast %squeeze3A_633 : f32 to vector<16xf32>
          %mul3A_716 = arith.mulf %get3A_714, %mul3A_715 : vector<16xf32>
          %swap3A_717 = arith.constant 0 : i32
          %swap3A_718 = arith.index_cast %swap3A_717 : i32 to index
          %swap3A_719 = arith.index_cast %add3A_631 : i32 to index
          %swap3A_720 = arith.constant 80 : index
          %swap3A_721 = tpu.vector_load %arg10[%swap3A_718, %swap3A_719, %swap3A_720] {strides = array<i32>} : memref<2x128x128xf32, #tpu.memory_space<vmem>>, vector<1x1x16xf32>,
          %swap3A_722 = vector.shape_cast %swap3A_721 : vector<1x1x16xf32> to vector<16xf32>
          %swap3A_723 = vector.shape_cast %mul3A_716 : vector<16xf32> to vector<1x1x16xf32>
          tpu.vector_store %arg10[%swap3A_718, %swap3A_719, %swap3A_720], %swap3A_723 {strides = array<i32>} : memref<2x128x128xf32, #tpu.memory_space<vmem>>, vector<1x1x16xf32>,
          %get3A_724 = arith.constant 0 : i32
          %get3A_725 = arith.index_cast %get3A_724 : i32 to index
          %get3A_726 = arith.index_cast %add3A_631 : i32 to index
          %get3A_727 = arith.constant 96 : index
          %get3A_728 = tpu.vector_load %arg10[%get3A_725, %get3A_726, %get3A_727] {strides = array<i32>} : memref<2x128x128xf32, #tpu.memory_space<vmem>>, vector<1x1x16xf32>,
          %get3A_729 = vector.shape_cast %get3A_728 : vector<1x1x16xf32> to vector<16xf32>
          %mul3A_730 = vector.broadcast %squeeze3A_633 : f32 to vector<16xf32>
          %mul3A_731 = arith.mulf %get3A_729, %mul3A_730 : vector<16xf32>
          %swap3A_732 = arith.constant 0 : i32
          %swap3A_733 = arith.index_cast %swap3A_732 : i32 to index
          %swap3A_734 = arith.index_cast %add3A_631 : i32 to index
          %swap3A_735 = arith.constant 96 : index
          %swap3A_736 = tpu.vector_load %arg10[%swap3A_733, %swap3A_734, %swap3A_735] {strides = array<i32>} : memref<2x128x128xf32, #tpu.memory_space<vmem>>, vector<1x1x16xf32>,
          %swap3A_737 = vector.shape_cast %swap3A_736 : vector<1x1x16xf32> to vector<16xf32>
          %swap3A_738 = vector.shape_cast %mul3A_731 : vector<16xf32> to vector<1x1x16xf32>
          tpu.vector_store %arg10[%swap3A_733, %swap3A_734, %swap3A_735], %swap3A_738 {strides = array<i32>} : memref<2x128x128xf32, #tpu.memory_space<vmem>>, vector<1x1x16xf32>,
          %get3A_739 = arith.constant 0 : i32
          %get3A_740 = arith.index_cast %get3A_739 : i32 to index
          %get3A_741 = arith.index_cast %add3A_631 : i32 to index
          %get3A_742 = arith.constant 112 : index
          %get3A_743 = tpu.vector_load %arg10[%get3A_740, %get3A_741, %get3A_742] {strides = array<i32>} : memref<2x128x128xf32, #tpu.memory_space<vmem>>, vector<1x1x16xf32>,
          %get3A_744 = vector.shape_cast %get3A_743 : vector<1x1x16xf32> to vector<16xf32>
          %mul3A_745 = vector.broadcast %squeeze3A_633 : f32 to vector<16xf32>
          %mul3A_746 = arith.mulf %get3A_744, %mul3A_745 : vector<16xf32>
          %swap3A_747 = arith.constant 0 : i32
          %swap3A_748 = arith.index_cast %swap3A_747 : i32 to index
          %swap3A_749 = arith.index_cast %add3A_631 : i32 to index
          %swap3A_750 = arith.constant 112 : index
          %swap3A_751 = tpu.vector_load %arg10[%swap3A_748, %swap3A_749, %swap3A_750] {strides = array<i32>} : memref<2x128x128xf32, #tpu.memory_space<vmem>>, vector<1x1x16xf32>,
          %swap3A_752 = vector.shape_cast %swap3A_751 : vector<1x1x16xf32> to vector<16xf32>
          %swap3A_753 = vector.shape_cast %mul3A_746 : vector<16xf32> to vector<1x1x16xf32>
          tpu.vector_store %arg10[%swap3A_748, %swap3A_749, %swap3A_750], %swap3A_753 {strides = array<i32>} : memref<2x128x128xf32, #tpu.memory_space<vmem>>, vector<1x1x16xf32>,
          %mul3A_754 = arith.constant 16 : i32
          %mul3A_755 = arith.muli %scan3A_120, %mul3A_754 : i32
          %add3A_756 = arith.constant 5 : i32
          %add3A_757 = arith.addi %mul3A_755, %add3A_756 : i32
          %slice3A_758 = vector.extract_strided_slice %get3A_126 {offsets = [5], sizes = [1], strides = [1]} : vector<16xf32> to vector<1xf32>
          %squeeze3A_759 = vector.extract %slice3A_758[0] : f32 from vector<1xf32>
          %get3A_760 = arith.constant 0 : i32
          %get3A_761 = arith.index_cast %get3A_760 : i32 to index
          %get3A_762 = arith.index_cast %add3A_757 : i32 to index
          %get3A_763 = arith.constant 0 : index
          %get3A_764 = tpu.vector_load %arg10[%get3A_761, %get3A_762, %get3A_763] {strides = array<i32>} : memref<2x128x128xf32, #tpu.memory_space<vmem>>, vector<1x1x16xf32>,
          %get3A_765 = vector.shape_cast %get3A_764 : vector<1x1x16xf32> to vector<16xf32>
          %mul3A_766 = vector.broadcast %squeeze3A_759 : f32 to vector<16xf32>
          %mul3A_767 = arith.mulf %get3A_765, %mul3A_766 : vector<16xf32>
          %swap3A_768 = arith.constant 0 : i32
          %swap3A_769 = arith.index_cast %swap3A_768 : i32 to index
          %swap3A_770 = arith.index_cast %add3A_757 : i32 to index
          %swap3A_771 = arith.constant 0 : index
          %swap3A_772 = tpu.vector_load %arg10[%swap3A_769, %swap3A_770, %swap3A_771] {strides = array<i32>} : memref<2x128x128xf32, #tpu.memory_space<vmem>>, vector<1x1x16xf32>,
          %swap3A_773 = vector.shape_cast %swap3A_772 : vector<1x1x16xf32> to vector<16xf32>
          %swap3A_774 = vector.shape_cast %mul3A_767 : vector<16xf32> to vector<1x1x16xf32>
          tpu.vector_store %arg10[%swap3A_769, %swap3A_770, %swap3A_771], %swap3A_774 {strides = array<i32>} : memref<2x128x128xf32, #tpu.memory_space<vmem>>, vector<1x1x16xf32>,
          %get3A_775 = arith.constant 0 : i32
          %get3A_776 = arith.index_cast %get3A_775 : i32 to index
          %get3A_777 = arith.index_cast %add3A_757 : i32 to index
          %get3A_778 = arith.constant 16 : index
          %get3A_779 = tpu.vector_load %arg10[%get3A_776, %get3A_777, %get3A_778] {strides = array<i32>} : memref<2x128x128xf32, #tpu.memory_space<vmem>>, vector<1x1x16xf32>,
          %get3A_780 = vector.shape_cast %get3A_779 : vector<1x1x16xf32> to vector<16xf32>
          %mul3A_781 = vector.broadcast %squeeze3A_759 : f32 to vector<16xf32>
          %mul3A_782 = arith.mulf %get3A_780, %mul3A_781 : vector<16xf32>
          %swap3A_783 = arith.constant 0 : i32
          %swap3A_784 = arith.index_cast %swap3A_783 : i32 to index
          %swap3A_785 = arith.index_cast %add3A_757 : i32 to index
          %swap3A_786 = arith.constant 16 : index
          %swap3A_787 = tpu.vector_load %arg10[%swap3A_784, %swap3A_785, %swap3A_786] {strides = array<i32>} : memref<2x128x128xf32, #tpu.memory_space<vmem>>, vector<1x1x16xf32>,
          %swap3A_788 = vector.shape_cast %swap3A_787 : vector<1x1x16xf32> to vector<16xf32>
          %swap3A_789 = vector.shape_cast %mul3A_782 : vector<16xf32> to vector<1x1x16xf32>
          tpu.vector_store %arg10[%swap3A_784, %swap3A_785, %swap3A_786], %swap3A_789 {strides = array<i32>} : memref<2x128x128xf32, #tpu.memory_space<vmem>>, vector<1x1x16xf32>,
          %get3A_790 = arith.constant 0 : i32
          %get3A_791 = arith.index_cast %get3A_790 : i32 to index
          %get3A_792 = arith.index_cast %add3A_757 : i32 to index
          %get3A_793 = arith.constant 32 : index
          %get3A_794 = tpu.vector_load %arg10[%get3A_791, %get3A_792, %get3A_793] {strides = array<i32>} : memref<2x128x128xf32, #tpu.memory_space<vmem>>, vector<1x1x16xf32>,
          %get3A_795 = vector.shape_cast %get3A_794 : vector<1x1x16xf32> to vector<16xf32>
          %mul3A_796 = vector.broadcast %squeeze3A_759 : f32 to vector<16xf32>
          %mul3A_797 = arith.mulf %get3A_795, %mul3A_796 : vector<16xf32>
          %swap3A_798 = arith.constant 0 : i32
          %swap3A_799 = arith.index_cast %swap3A_798 : i32 to index
          %swap3A_800 = arith.index_cast %add3A_757 : i32 to index
          %swap3A_801 = arith.constant 32 : index
          %swap3A_802 = tpu.vector_load %arg10[%swap3A_799, %swap3A_800, %swap3A_801] {strides = array<i32>} : memref<2x128x128xf32, #tpu.memory_space<vmem>>, vector<1x1x16xf32>,
          %swap3A_803 = vector.shape_cast %swap3A_802 : vector<1x1x16xf32> to vector<16xf32>
          %swap3A_804 = vector.shape_cast %mul3A_797 : vector<16xf32> to vector<1x1x16xf32>
          tpu.vector_store %arg10[%swap3A_799, %swap3A_800, %swap3A_801], %swap3A_804 {strides = array<i32>} : memref<2x128x128xf32, #tpu.memory_space<vmem>>, vector<1x1x16xf32>,
          %get3A_805 = arith.constant 0 : i32
          %get3A_806 = arith.index_cast %get3A_805 : i32 to index
          %get3A_807 = arith.index_cast %add3A_757 : i32 to index
          %get3A_808 = arith.constant 48 : index
          %get3A_809 = tpu.vector_load %arg10[%get3A_806, %get3A_807, %get3A_808] {strides = array<i32>} : memref<2x128x128xf32, #tpu.memory_space<vmem>>, vector<1x1x16xf32>,
          %get3A_810 = vector.shape_cast %get3A_809 : vector<1x1x16xf32> to vector<16xf32>
          %mul3A_811 = vector.broadcast %squeeze3A_759 : f32 to vector<16xf32>
          %mul3A_812 = arith.mulf %get3A_810, %mul3A_811 : vector<16xf32>
          %swap3A_813 = arith.constant 0 : i32
          %swap3A_814 = arith.index_cast %swap3A_813 : i32 to index
          %swap3A_815 = arith.index_cast %add3A_757 : i32 to index
          %swap3A_816 = arith.constant 48 : index
          %swap3A_817 = tpu.vector_load %arg10[%swap3A_814, %swap3A_815, %swap3A_816] {strides = array<i32>} : memref<2x128x128xf32, #tpu.memory_space<vmem>>, vector<1x1x16xf32>,
          %swap3A_818 = vector.shape_cast %swap3A_817 : vector<1x1x16xf32> to vector<16xf32>
          %swap3A_819 = vector.shape_cast %mul3A_812 : vector<16xf32> to vector<1x1x16xf32>
          tpu.vector_store %arg10[%swap3A_814, %swap3A_815, %swap3A_816], %swap3A_819 {strides = array<i32>} : memref<2x128x128xf32, #tpu.memory_space<vmem>>, vector<1x1x16xf32>,
          %get3A_820 = arith.constant 0 : i32
          %get3A_821 = arith.index_cast %get3A_820 : i32 to index
          %get3A_822 = arith.index_cast %add3A_757 : i32 to index
          %get3A_823 = arith.constant 64 : index
          %get3A_824 = tpu.vector_load %arg10[%get3A_821, %get3A_822, %get3A_823] {strides = array<i32>} : memref<2x128x128xf32, #tpu.memory_space<vmem>>, vector<1x1x16xf32>,
          %get3A_825 = vector.shape_cast %get3A_824 : vector<1x1x16xf32> to vector<16xf32>
          %mul3A_826 = vector.broadcast %squeeze3A_759 : f32 to vector<16xf32>
          %mul3A_827 = arith.mulf %get3A_825, %mul3A_826 : vector<16xf32>
          %swap3A_828 = arith.constant 0 : i32
          %swap3A_829 = arith.index_cast %swap3A_828 : i32 to index
          %swap3A_830 = arith.index_cast %add3A_757 : i32 to index
          %swap3A_831 = arith.constant 64 : index
          %swap3A_832 = tpu.vector_load %arg10[%swap3A_829, %swap3A_830, %swap3A_831] {strides = array<i32>} : memref<2x128x128xf32, #tpu.memory_space<vmem>>, vector<1x1x16xf32>,
          %swap3A_833 = vector.shape_cast %swap3A_832 : vector<1x1x16xf32> to vector<16xf32>
          %swap3A_834 = vector.shape_cast %mul3A_827 : vector<16xf32> to vector<1x1x16xf32>
          tpu.vector_store %arg10[%swap3A_829, %swap3A_830, %swap3A_831], %swap3A_834 {strides = array<i32>} : memref<2x128x128xf32, #tpu.memory_space<vmem>>, vector<1x1x16xf32>,
          %get3A_835 = arith.constant 0 : i32
          %get3A_836 = arith.index_cast %get3A_835 : i32 to index
          %get3A_837 = arith.index_cast %add3A_757 : i32 to index
          %get3A_838 = arith.constant 80 : index
          %get3A_839 = tpu.vector_load %arg10[%get3A_836, %get3A_837, %get3A_838] {strides = array<i32>} : memref<2x128x128xf32, #tpu.memory_space<vmem>>, vector<1x1x16xf32>,
          %get3A_840 = vector.shape_cast %get3A_839 : vector<1x1x16xf32> to vector<16xf32>
          %mul3A_841 = vector.broadcast %squeeze3A_759 : f32 to vector<16xf32>
          %mul3A_842 = arith.mulf %get3A_840, %mul3A_841 : vector<16xf32>
          %swap3A_843 = arith.constant 0 : i32
          %swap3A_844 = arith.index_cast %swap3A_843 : i32 to index
          %swap3A_845 = arith.index_cast %add3A_757 : i32 to index
          %swap3A_846 = arith.constant 80 : index
          %swap3A_847 = tpu.vector_load %arg10[%swap3A_844, %swap3A_845, %swap3A_846] {strides = array<i32>} : memref<2x128x128xf32, #tpu.memory_space<vmem>>, vector<1x1x16xf32>,
          %swap3A_848 = vector.shape_cast %swap3A_847 : vector<1x1x16xf32> to vector<16xf32>
          %swap3A_849 = vector.shape_cast %mul3A_842 : vector<16xf32> to vector<1x1x16xf32>
          tpu.vector_store %arg10[%swap3A_844, %swap3A_845, %swap3A_846], %swap3A_849 {strides = array<i32>} : memref<2x128x128xf32, #tpu.memory_space<vmem>>, vector<1x1x16xf32>,
          %get3A_850 = arith.constant 0 : i32
          %get3A_851 = arith.index_cast %get3A_850 : i32 to index
          %get3A_852 = arith.index_cast %add3A_757 : i32 to index
          %get3A_853 = arith.constant 96 : index
          %get3A_854 = tpu.vector_load %arg10[%get3A_851, %get3A_852, %get3A_853] {strides = array<i32>} : memref<2x128x128xf32, #tpu.memory_space<vmem>>, vector<1x1x16xf32>,
          %get3A_855 = vector.shape_cast %get3A_854 : vector<1x1x16xf32> to vector<16xf32>
          %mul3A_856 = vector.broadcast %squeeze3A_759 : f32 to vector<16xf32>
          %mul3A_857 = arith.mulf %get3A_855, %mul3A_856 : vector<16xf32>
          %swap3A_858 = arith.constant 0 : i32
          %swap3A_859 = arith.index_cast %swap3A_858 : i32 to index
          %swap3A_860 = arith.index_cast %add3A_757 : i32 to index
          %swap3A_861 = arith.constant 96 : index
          %swap3A_862 = tpu.vector_load %arg10[%swap3A_859, %swap3A_860, %swap3A_861] {strides = array<i32>} : memref<2x128x128xf32, #tpu.memory_space<vmem>>, vector<1x1x16xf32>,
          %swap3A_863 = vector.shape_cast %swap3A_862 : vector<1x1x16xf32> to vector<16xf32>
          %swap3A_864 = vector.shape_cast %mul3A_857 : vector<16xf32> to vector<1x1x16xf32>
          tpu.vector_store %arg10[%swap3A_859, %swap3A_860, %swap3A_861], %swap3A_864 {strides = array<i32>} : memref<2x128x128xf32, #tpu.memory_space<vmem>>, vector<1x1x16xf32>,
          %get3A_865 = arith.constant 0 : i32
          %get3A_866 = arith.index_cast %get3A_865 : i32 to index
          %get3A_867 = arith.index_cast %add3A_757 : i32 to index
          %get3A_868 = arith.constant 112 : index
          %get3A_869 = tpu.vector_load %arg10[%get3A_866, %get3A_867, %get3A_868] {strides = array<i32>} : memref<2x128x128xf32, #tpu.memory_space<vmem>>, vector<1x1x16xf32>,
          %get3A_870 = vector.shape_cast %get3A_869 : vector<1x1x16xf32> to vector<16xf32>
          %mul3A_871 = vector.broadcast %squeeze3A_759 : f32 to vector<16xf32>
          %mul3A_872 = arith.mulf %get3A_870, %mul3A_871 : vector<16xf32>
          %swap3A_873 = arith.constant 0 : i32
          %swap3A_874 = arith.index_cast %swap3A_873 : i32 to index
          %swap3A_875 = arith.index_cast %add3A_757 : i32 to index
          %swap3A_876 = arith.constant 112 : index
          %swap3A_877 = tpu.vector_load %arg10[%swap3A_874, %swap3A_875, %swap3A_876] {strides = array<i32>} : memref<2x128x128xf32, #tpu.memory_space<vmem>>, vector<1x1x16xf32>,
          %swap3A_878 = vector.shape_cast %swap3A_877 : vector<1x1x16xf32> to vector<16xf32>
          %swap3A_879 = vector.shape_cast %mul3A_872 : vector<16xf32> to vector<1x1x16xf32>
          tpu.vector_store %arg10[%swap3A_874, %swap3A_875, %swap3A_876], %swap3A_879 {strides = array<i32>} : memref<2x128x128xf32, #tpu.memory_space<vmem>>, vector<1x1x16xf32>,
          %mul3A_880 = arith.constant 16 : i32
          %mul3A_881 = arith.muli %scan3A_120, %mul3A_880 : i32
          %add3A_882 = arith.constant 6 : i32
          %add3A_883 = arith.addi %mul3A_881, %add3A_882 : i32
          %slice3A_884 = vector.extract_strided_slice %get3A_126 {offsets = [6], sizes = [1], strides = [1]} : vector<16xf32> to vector<1xf32>
          %squeeze3A_885 = vector.extract %slice3A_884[0] : f32 from vector<1xf32>
          %get3A_886 = arith.constant 0 : i32
          %get3A_887 = arith.index_cast %get3A_886 : i32 to index
          %get3A_888 = arith.index_cast %add3A_883 : i32 to index
          %get3A_889 = arith.constant 0 : index
          %get3A_890 = tpu.vector_load %arg10[%get3A_887, %get3A_888, %get3A_889] {strides = array<i32>} : memref<2x128x128xf32, #tpu.memory_space<vmem>>, vector<1x1x16xf32>,
          %get3A_891 = vector.shape_cast %get3A_890 : vector<1x1x16xf32> to vector<16xf32>
          %mul3A_892 = vector.broadcast %squeeze3A_885 : f32 to vector<16xf32>
          %mul3A_893 = arith.mulf %get3A_891, %mul3A_892 : vector<16xf32>
          %swap3A_894 = arith.constant 0 : i32
          %swap3A_895 = arith.index_cast %swap3A_894 : i32 to index
          %swap3A_896 = arith.index_cast %add3A_883 : i32 to index
          %swap3A_897 = arith.constant 0 : index
          %swap3A_898 = tpu.vector_load %arg10[%swap3A_895, %swap3A_896, %swap3A_897] {strides = array<i32>} : memref<2x128x128xf32, #tpu.memory_space<vmem>>, vector<1x1x16xf32>,
          %swap3A_899 = vector.shape_cast %swap3A_898 : vector<1x1x16xf32> to vector<16xf32>
          %swap3A_900 = vector.shape_cast %mul3A_893 : vector<16xf32> to vector<1x1x16xf32>
          tpu.vector_store %arg10[%swap3A_895, %swap3A_896, %swap3A_897], %swap3A_900 {strides = array<i32>} : memref<2x128x128xf32, #tpu.memory_space<vmem>>, vector<1x1x16xf32>,
          %get3A_901 = arith.constant 0 : i32
          %get3A_902 = arith.index_cast %get3A_901 : i32 to index
          %get3A_903 = arith.index_cast %add3A_883 : i32 to index
          %get3A_904 = arith.constant 16 : index
          %get3A_905 = tpu.vector_load %arg10[%get3A_902, %get3A_903, %get3A_904] {strides = array<i32>} : memref<2x128x128xf32, #tpu.memory_space<vmem>>, vector<1x1x16xf32>,
          %get3A_906 = vector.shape_cast %get3A_905 : vector<1x1x16xf32> to vector<16xf32>
          %mul3A_907 = vector.broadcast %squeeze3A_885 : f32 to vector<16xf32>
          %mul3A_908 = arith.mulf %get3A_906, %mul3A_907 : vector<16xf32>
          %swap3A_909 = arith.constant 0 : i32
          %swap3A_910 = arith.index_cast %swap3A_909 : i32 to index
          %swap3A_911 = arith.index_cast %add3A_883 : i32 to index
          %swap3A_912 = arith.constant 16 : index
          %swap3A_913 = tpu.vector_load %arg10[%swap3A_910, %swap3A_911, %swap3A_912] {strides = array<i32>} : memref<2x128x128xf32, #tpu.memory_space<vmem>>, vector<1x1x16xf32>,
          %swap3A_914 = vector.shape_cast %swap3A_913 : vector<1x1x16xf32> to vector<16xf32>
          %swap3A_915 = vector.shape_cast %mul3A_908 : vector<16xf32> to vector<1x1x16xf32>
          tpu.vector_store %arg10[%swap3A_910, %swap3A_911, %swap3A_912], %swap3A_915 {strides = array<i32>} : memref<2x128x128xf32, #tpu.memory_space<vmem>>, vector<1x1x16xf32>,
          %get3A_916 = arith.constant 0 : i32
          %get3A_917 = arith.index_cast %get3A_916 : i32 to index
          %get3A_918 = arith.index_cast %add3A_883 : i32 to index
          %get3A_919 = arith.constant 32 : index
          %get3A_920 = tpu.vector_load %arg10[%get3A_917, %get3A_918, %get3A_919] {strides = array<i32>} : memref<2x128x128xf32, #tpu.memory_space<vmem>>, vector<1x1x16xf32>,
          %get3A_921 = vector.shape_cast %get3A_920 : vector<1x1x16xf32> to vector<16xf32>
          %mul3A_922 = vector.broadcast %squeeze3A_885 : f32 to vector<16xf32>
          %mul3A_923 = arith.mulf %get3A_921, %mul3A_922 : vector<16xf32>
          %swap3A_924 = arith.constant 0 : i32
          %swap3A_925 = arith.index_cast %swap3A_924 : i32 to index
          %swap3A_926 = arith.index_cast %add3A_883 : i32 to index
          %swap3A_927 = arith.constant 32 : index
          %swap3A_928 = tpu.vector_load %arg10[%swap3A_925, %swap3A_926, %swap3A_927] {strides = array<i32>} : memref<2x128x128xf32, #tpu.memory_space<vmem>>, vector<1x1x16xf32>,
          %swap3A_929 = vector.shape_cast %swap3A_928 : vector<1x1x16xf32> to vector<16xf32>
          %swap3A_930 = vector.shape_cast %mul3A_923 : vector<16xf32> to vector<1x1x16xf32>
          tpu.vector_store %arg10[%swap3A_925, %swap3A_926, %swap3A_927], %swap3A_930 {strides = array<i32>} : memref<2x128x128xf32, #tpu.memory_space<vmem>>, vector<1x1x16xf32>,
          %get3A_931 = arith.constant 0 : i32
          %get3A_932 = arith.index_cast %get3A_931 : i32 to index
          %get3A_933 = arith.index_cast %add3A_883 : i32 to index
          %get3A_934 = arith.constant 48 : index
          %get3A_935 = tpu.vector_load %arg10[%get3A_932, %get3A_933, %get3A_934] {strides = array<i32>} : memref<2x128x128xf32, #tpu.memory_space<vmem>>, vector<1x1x16xf32>,
          %get3A_936 = vector.shape_cast %get3A_935 : vector<1x1x16xf32> to vector<16xf32>
          %mul3A_937 = vector.broadcast %squeeze3A_885 : f32 to vector<16xf32>
          %mul3A_938 = arith.mulf %get3A_936, %mul3A_937 : vector<16xf32>
          %swap3A_939 = arith.constant 0 : i32
          %swap3A_940 = arith.index_cast %swap3A_939 : i32 to index
          %swap3A_941 = arith.index_cast %add3A_883 : i32 to index
          %swap3A_942 = arith.constant 48 : index
          %swap3A_943 = tpu.vector_load %arg10[%swap3A_940, %swap3A_941, %swap3A_942] {strides = array<i32>} : memref<2x128x128xf32, #tpu.memory_space<vmem>>, vector<1x1x16xf32>,
          %swap3A_944 = vector.shape_cast %swap3A_943 : vector<1x1x16xf32> to vector<16xf32>
          %swap3A_945 = vector.shape_cast %mul3A_938 : vector<16xf32> to vector<1x1x16xf32>
          tpu.vector_store %arg10[%swap3A_940, %swap3A_941, %swap3A_942], %swap3A_945 {strides = array<i32>} : memref<2x128x128xf32, #tpu.memory_space<vmem>>, vector<1x1x16xf32>,
          %get3A_946 = arith.constant 0 : i32
          %get3A_947 = arith.index_cast %get3A_946 : i32 to index
          %get3A_948 = arith.index_cast %add3A_883 : i32 to index
          %get3A_949 = arith.constant 64 : index
          %get3A_950 = tpu.vector_load %arg10[%get3A_947, %get3A_948, %get3A_949] {strides = array<i32>} : memref<2x128x128xf32, #tpu.memory_space<vmem>>, vector<1x1x16xf32>,
          %get3A_951 = vector.shape_cast %get3A_950 : vector<1x1x16xf32> to vector<16xf32>
          %mul3A_952 = vector.broadcast %squeeze3A_885 : f32 to vector<16xf32>
          %mul3A_953 = arith.mulf %get3A_951, %mul3A_952 : vector<16xf32>
          %swap3A_954 = arith.constant 0 : i32
          %swap3A_955 = arith.index_cast %swap3A_954 : i32 to index
          %swap3A_956 = arith.index_cast %add3A_883 : i32 to index
          %swap3A_957 = arith.constant 64 : index
          %swap3A_958 = tpu.vector_load %arg10[%swap3A_955, %swap3A_956, %swap3A_957] {strides = array<i32>} : memref<2x128x128xf32, #tpu.memory_space<vmem>>, vector<1x1x16xf32>,
          %swap3A_959 = vector.shape_cast %swap3A_958 : vector<1x1x16xf32> to vector<16xf32>
          %swap3A_960 = vector.shape_cast %mul3A_953 : vector<16xf32> to vector<1x1x16xf32>
          tpu.vector_store %arg10[%swap3A_955, %swap3A_956, %swap3A_957], %swap3A_960 {strides = array<i32>} : memref<2x128x128xf32, #tpu.memory_space<vmem>>, vector<1x1x16xf32>,
          %get3A_961 = arith.constant 0 : i32
          %get3A_962 = arith.index_cast %get3A_961 : i32 to index
          %get3A_963 = arith.index_cast %add3A_883 : i32 to index
          %get3A_964 = arith.constant 80 : index
          %get3A_965 = tpu.vector_load %arg10[%get3A_962, %get3A_963, %get3A_964] {strides = array<i32>} : memref<2x128x128xf32, #tpu.memory_space<vmem>>, vector<1x1x16xf32>,
          %get3A_966 = vector.shape_cast %get3A_965 : vector<1x1x16xf32> to vector<16xf32>
          %mul3A_967 = vector.broadcast %squeeze3A_885 : f32 to vector<16xf32>
          %mul3A_968 = arith.mulf %get3A_966, %mul3A_967 : vector<16xf32>
          %swap3A_969 = arith.constant 0 : i32
          %swap3A_970 = arith.index_cast %swap3A_969 : i32 to index
          %swap3A_971 = arith.index_cast %add3A_883 : i32 to index
          %swap3A_972 = arith.constant 80 : index
          %swap3A_973 = tpu.vector_load %arg10[%swap3A_970, %swap3A_971, %swap3A_972] {strides = array<i32>} : memref<2x128x128xf32, #tpu.memory_space<vmem>>, vector<1x1x16xf32>,
          %swap3A_974 = vector.shape_cast %swap3A_973 : vector<1x1x16xf32> to vector<16xf32>
          %swap3A_975 = vector.shape_cast %mul3A_968 : vector<16xf32> to vector<1x1x16xf32>
          tpu.vector_store %arg10[%swap3A_970, %swap3A_971, %swap3A_972], %swap3A_975 {strides = array<i32>} : memref<2x128x128xf32, #tpu.memory_space<vmem>>, vector<1x1x16xf32>,
          %get3A_976 = arith.constant 0 : i32
          %get3A_977 = arith.index_cast %get3A_976 : i32 to index
          %get3A_978 = arith.index_cast %add3A_883 : i32 to index
          %get3A_979 = arith.constant 96 : index
          %get3A_980 = tpu.vector_load %arg10[%get3A_977, %get3A_978, %get3A_979] {strides = array<i32>} : memref<2x128x128xf32, #tpu.memory_space<vmem>>, vector<1x1x16xf32>,
          %get3A_981 = vector.shape_cast %get3A_980 : vector<1x1x16xf32> to vector<16xf32>
          %mul3A_982 = vector.broadcast %squeeze3A_885 : f32 to vector<16xf32>
          %mul3A_983 = arith.mulf %get3A_981, %mul3A_982 : vector<16xf32>
          %swap3A_984 = arith.constant 0 : i32
          %swap3A_985 = arith.index_cast %swap3A_984 : i32 to index
          %swap3A_986 = arith.index_cast %add3A_883 : i32 to index
          %swap3A_987 = arith.constant 96 : index
          %swap3A_988 = tpu.vector_load %arg10[%swap3A_985, %swap3A_986, %swap3A_987] {strides = array<i32>} : memref<2x128x128xf32, #tpu.memory_space<vmem>>, vector<1x1x16xf32>,
          %swap3A_989 = vector.shape_cast %swap3A_988 : vector<1x1x16xf32> to vector<16xf32>
          %swap3A_990 = vector.shape_cast %mul3A_983 : vector<16xf32> to vector<1x1x16xf32>
          tpu.vector_store %arg10[%swap3A_985, %swap3A_986, %swap3A_987], %swap3A_990 {strides = array<i32>} : memref<2x128x128xf32, #tpu.memory_space<vmem>>, vector<1x1x16xf32>,
          %get3A_991 = arith.constant 0 : i32
          %get3A_992 = arith.index_cast %get3A_991 : i32 to index
          %get3A_993 = arith.index_cast %add3A_883 : i32 to index
          %get3A_994 = arith.constant 112 : index
          %get3A_995 = tpu.vector_load %arg10[%get3A_992, %get3A_993, %get3A_994] {strides = array<i32>} : memref<2x128x128xf32, #tpu.memory_space<vmem>>, vector<1x1x16xf32>,
          %get3A_996 = vector.shape_cast %get3A_995 : vector<1x1x16xf32> to vector<16xf32>
          %mul3A_997 = vector.broadcast %squeeze3A_885 : f32 to vector<16xf32>
          %mul3A_998 = arith.mulf %get3A_996, %mul3A_997 : vector<16xf32>
          %swap3A_999 = arith.constant 0 : i32
          %swap3A_1000 = arith.index_cast %swap3A_999 : i32 to index
          %swap3A_1001 = arith.index_cast %add3A_883 : i32 to index
          %swap3A_1002 = arith.constant 112 : index
          %swap3A_1003 = tpu.vector_load %arg10[%swap3A_1000, %swap3A_1001, %swap3A_1002] {strides = array<i32>} : memref<2x128x128xf32, #tpu.memory_space<vmem>>, vector<1x1x16xf32>,
          %swap3A_1004 = vector.shape_cast %swap3A_1003 : vector<1x1x16xf32> to vector<16xf32>
          %swap3A_1005 = vector.shape_cast %mul3A_998 : vector<16xf32> to vector<1x1x16xf32>
          tpu.vector_store %arg10[%swap3A_1000, %swap3A_1001, %swap3A_1002], %swap3A_1005 {strides = array<i32>} : memref<2x128x128xf32, #tpu.memory_space<vmem>>, vector<1x1x16xf32>,
          %mul3A_1006 = arith.constant 16 : i32
          %mul3A_1007 = arith.muli %scan3A_120, %mul3A_1006 : i32
          %add3A_1008 = arith.constant 7 : i32
          %add3A_1009 = arith.addi %mul3A_1007, %add3A_1008 : i32
          %slice3A_1010 = vector.extract_strided_slice %get3A_126 {offsets = [7], sizes = [1], strides = [1]} : vector<16xf32> to vector<1xf32>
          %squeeze3A_1011 = vector.extract %slice3A_1010[0] : f32 from vector<1xf32>
          %get3A_1012 = arith.constant 0 : i32
          %get3A_1013 = arith.index_cast %get3A_1012 : i32 to index
          %get3A_1014 = arith.index_cast %add3A_1009 : i32 to index
          %get3A_1015 = arith.constant 0 : index
          %get3A_1016 = tpu.vector_load %arg10[%get3A_1013, %get3A_1014, %get3A_1015] {strides = array<i32>} : memref<2x128x128xf32, #tpu.memory_space<vmem>>, vector<1x1x16xf32>,
          %get3A_1017 = vector.shape_cast %get3A_1016 : vector<1x1x16xf32> to vector<16xf32>
          %mul3A_1018 = vector.broadcast %squeeze3A_1011 : f32 to vector<16xf32>
          %mul3A_1019 = arith.mulf %get3A_1017, %mul3A_1018 : vector<16xf32>
          %swap3A_1020 = arith.constant 0 : i32
          %swap3A_1021 = arith.index_cast %swap3A_1020 : i32 to index
          %swap3A_1022 = arith.index_cast %add3A_1009 : i32 to index
          %swap3A_1023 = arith.constant 0 : index
          %swap3A_1024 = tpu.vector_load %arg10[%swap3A_1021, %swap3A_1022, %swap3A_1023] {strides = array<i32>} : memref<2x128x128xf32, #tpu.memory_space<vmem>>, vector<1x1x16xf32>,
          %swap3A_1025 = vector.shape_cast %swap3A_1024 : vector<1x1x16xf32> to vector<16xf32>
          %swap3A_1026 = vector.shape_cast %mul3A_1019 : vector<16xf32> to vector<1x1x16xf32>
          tpu.vector_store %arg10[%swap3A_1021, %swap3A_1022, %swap3A_1023], %swap3A_1026 {strides = array<i32>} : memref<2x128x128xf32, #tpu.memory_space<vmem>>, vector<1x1x16xf32>,
          %get3A_1027 = arith.constant 0 : i32
          %get3A_1028 = arith.index_cast %get3A_1027 : i32 to index
          %get3A_1029 = arith.index_cast %add3A_1009 : i32 to index
          %get3A_1030 = arith.constant 16 : index
          %get3A_1031 = tpu.vector_load %arg10[%get3A_1028, %get3A_1029, %get3A_1030] {strides = array<i32>} : memref<2x128x128xf32, #tpu.memory_space<vmem>>, vector<1x1x16xf32>,
          %get3A_1032 = vector.shape_cast %get3A_1031 : vector<1x1x16xf32> to vector<16xf32>
          %mul3A_1033 = vector.broadcast %squeeze3A_1011 : f32 to vector<16xf32>
          %mul3A_1034 = arith.mulf %get3A_1032, %mul3A_1033 : vector<16xf32>
          %swap3A_1035 = arith.constant 0 : i32
          %swap3A_1036 = arith.index_cast %swap3A_1035 : i32 to index
          %swap3A_1037 = arith.index_cast %add3A_1009 : i32 to index
          %swap3A_1038 = arith.constant 16 : index
          %swap3A_1039 = tpu.vector_load %arg10[%swap3A_1036, %swap3A_1037, %swap3A_1038] {strides = array<i32>} : memref<2x128x128xf32, #tpu.memory_space<vmem>>, vector<1x1x16xf32>,
          %swap3A_1040 = vector.shape_cast %swap3A_1039 : vector<1x1x16xf32> to vector<16xf32>
          %swap3A_1041 = vector.shape_cast %mul3A_1034 : vector<16xf32> to vector<1x1x16xf32>
          tpu.vector_store %arg10[%swap3A_1036, %swap3A_1037, %swap3A_1038], %swap3A_1041 {strides = array<i32>} : memref<2x128x128xf32, #tpu.memory_space<vmem>>, vector<1x1x16xf32>,
          %get3A_1042 = arith.constant 0 : i32
          %get3A_1043 = arith.index_cast %get3A_1042 : i32 to index
          %get3A_1044 = arith.index_cast %add3A_1009 : i32 to index
          %get3A_1045 = arith.constant 32 : index
          %get3A_1046 = tpu.vector_load %arg10[%get3A_1043, %get3A_1044, %get3A_1045] {strides = array<i32>} : memref<2x128x128xf32, #tpu.memory_space<vmem>>, vector<1x1x16xf32>,
          %get3A_1047 = vector.shape_cast %get3A_1046 : vector<1x1x16xf32> to vector<16xf32>
          %mul3A_1048 = vector.broadcast %squeeze3A_1011 : f32 to vector<16xf32>
          %mul3A_1049 = arith.mulf %get3A_1047, %mul3A_1048 : vector<16xf32>
          %swap3A_1050 = arith.constant 0 : i32
          %swap3A_1051 = arith.index_cast %swap3A_1050 : i32 to index
          %swap3A_1052 = arith.index_cast %add3A_1009 : i32 to index
          %swap3A_1053 = arith.constant 32 : index
          %swap3A_1054 = tpu.vector_load %arg10[%swap3A_1051, %swap3A_1052, %swap3A_1053] {strides = array<i32>} : memref<2x128x128xf32, #tpu.memory_space<vmem>>, vector<1x1x16xf32>,
          %swap3A_1055 = vector.shape_cast %swap3A_1054 : vector<1x1x16xf32> to vector<16xf32>
          %swap3A_1056 = vector.shape_cast %mul3A_1049 : vector<16xf32> to vector<1x1x16xf32>
          tpu.vector_store %arg10[%swap3A_1051, %swap3A_1052, %swap3A_1053], %swap3A_1056 {strides = array<i32>} : memref<2x128x128xf32, #tpu.memory_space<vmem>>, vector<1x1x16xf32>,
          %get3A_1057 = arith.constant 0 : i32
          %get3A_1058 = arith.index_cast %get3A_1057 : i32 to index
          %get3A_1059 = arith.index_cast %add3A_1009 : i32 to index
          %get3A_1060 = arith.constant 48 : index
          %get3A_1061 = tpu.vector_load %arg10[%get3A_1058, %get3A_1059, %get3A_1060] {strides = array<i32>} : memref<2x128x128xf32, #tpu.memory_space<vmem>>, vector<1x1x16xf32>,
          %get3A_1062 = vector.shape_cast %get3A_1061 : vector<1x1x16xf32> to vector<16xf32>
          %mul3A_1063 = vector.broadcast %squeeze3A_1011 : f32 to vector<16xf32>
          %mul3A_1064 = arith.mulf %get3A_1062, %mul3A_1063 : vector<16xf32>
          %swap3A_1065 = arith.constant 0 : i32
          %swap3A_1066 = arith.index_cast %swap3A_1065 : i32 to index
          %swap3A_1067 = arith.index_cast %add3A_1009 : i32 to index
          %swap3A_1068 = arith.constant 48 : index
          %swap3A_1069 = tpu.vector_load %arg10[%swap3A_1066, %swap3A_1067, %swap3A_1068] {strides = array<i32>} : memref<2x128x128xf32, #tpu.memory_space<vmem>>, vector<1x1x16xf32>,
          %swap3A_1070 = vector.shape_cast %swap3A_1069 : vector<1x1x16xf32> to vector<16xf32>
          %swap3A_1071 = vector.shape_cast %mul3A_1064 : vector<16xf32> to vector<1x1x16xf32>
          tpu.vector_store %arg10[%swap3A_1066, %swap3A_1067, %swap3A_1068], %swap3A_1071 {strides = array<i32>} : memref<2x128x128xf32, #tpu.memory_space<vmem>>, vector<1x1x16xf32>,
          %get3A_1072 = arith.constant 0 : i32
          %get3A_1073 = arith.index_cast %get3A_1072 : i32 to index
          %get3A_1074 = arith.index_cast %add3A_1009 : i32 to index
          %get3A_1075 = arith.constant 64 : index
          %get3A_1076 = tpu.vector_load %arg10[%get3A_1073, %get3A_1074, %get3A_1075] {strides = array<i32>} : memref<2x128x128xf32, #tpu.memory_space<vmem>>, vector<1x1x16xf32>,
          %get3A_1077 = vector.shape_cast %get3A_1076 : vector<1x1x16xf32> to vector<16xf32>
          %mul3A_1078 = vector.broadcast %squeeze3A_1011 : f32 to vector<16xf32>
          %mul3A_1079 = arith.mulf %get3A_1077, %mul3A_1078 : vector<16xf32>
          %swap3A_1080 = arith.constant 0 : i32
          %swap3A_1081 = arith.index_cast %swap3A_1080 : i32 to index
          %swap3A_1082 = arith.index_cast %add3A_1009 : i32 to index
          %swap3A_1083 = arith.constant 64 : index
          %swap3A_1084 = tpu.vector_load %arg10[%swap3A_1081, %swap3A_1082, %swap3A_1083] {strides = array<i32>} : memref<2x128x128xf32, #tpu.memory_space<vmem>>, vector<1x1x16xf32>,
          %swap3A_1085 = vector.shape_cast %swap3A_1084 : vector<1x1x16xf32> to vector<16xf32>
          %swap3A_1086 = vector.shape_cast %mul3A_1079 : vector<16xf32> to vector<1x1x16xf32>
          tpu.vector_store %arg10[%swap3A_1081, %swap3A_1082, %swap3A_1083], %swap3A_1086 {strides = array<i32>} : memref<2x128x128xf32, #tpu.memory_space<vmem>>, vector<1x1x16xf32>,
          %get3A_1087 = arith.constant 0 : i32
          %get3A_1088 = arith.index_cast %get3A_1087 : i32 to index
          %get3A_1089 = arith.index_cast %add3A_1009 : i32 to index
          %get3A_1090 = arith.constant 80 : index
          %get3A_1091 = tpu.vector_load %arg10[%get3A_1088, %get3A_1089, %get3A_1090] {strides = array<i32>} : memref<2x128x128xf32, #tpu.memory_space<vmem>>, vector<1x1x16xf32>,
          %get3A_1092 = vector.shape_cast %get3A_1091 : vector<1x1x16xf32> to vector<16xf32>
          %mul3A_1093 = vector.broadcast %squeeze3A_1011 : f32 to vector<16xf32>
          %mul3A_1094 = arith.mulf %get3A_1092, %mul3A_1093 : vector<16xf32>
          %swap3A_1095 = arith.constant 0 : i32
          %swap3A_1096 = arith.index_cast %swap3A_1095 : i32 to index
          %swap3A_1097 = arith.index_cast %add3A_1009 : i32 to index
          %swap3A_1098 = arith.constant 80 : index
          %swap3A_1099 = tpu.vector_load %arg10[%swap3A_1096, %swap3A_1097, %swap3A_1098] {strides = array<i32>} : memref<2x128x128xf32, #tpu.memory_space<vmem>>, vector<1x1x16xf32>,
          %swap3A_1100 = vector.shape_cast %swap3A_1099 : vector<1x1x16xf32> to vector<16xf32>
          %swap3A_1101 = vector.shape_cast %mul3A_1094 : vector<16xf32> to vector<1x1x16xf32>
          tpu.vector_store %arg10[%swap3A_1096, %swap3A_1097, %swap3A_1098], %swap3A_1101 {strides = array<i32>} : memref<2x128x128xf32, #tpu.memory_space<vmem>>, vector<1x1x16xf32>,
          %get3A_1102 = arith.constant 0 : i32
          %get3A_1103 = arith.index_cast %get3A_1102 : i32 to index
          %get3A_1104 = arith.index_cast %add3A_1009 : i32 to index
          %get3A_1105 = arith.constant 96 : index
          %get3A_1106 = tpu.vector_load %arg10[%get3A_1103, %get3A_1104, %get3A_1105] {strides = array<i32>} : memref<2x128x128xf32, #tpu.memory_space<vmem>>, vector<1x1x16xf32>,
          %get3A_1107 = vector.shape_cast %get3A_1106 : vector<1x1x16xf32> to vector<16xf32>
          %mul3A_1108 = vector.broadcast %squeeze3A_1011 : f32 to vector<16xf32>
          %mul3A_1109 = arith.mulf %get3A_1107, %mul3A_1108 : vector<16xf32>
          %swap3A_1110 = arith.constant 0 : i32
          %swap3A_1111 = arith.index_cast %swap3A_1110 : i32 to index
          %swap3A_1112 = arith.index_cast %add3A_1009 : i32 to index
          %swap3A_1113 = arith.constant 96 : index
          %swap3A_1114 = tpu.vector_load %arg10[%swap3A_1111, %swap3A_1112, %swap3A_1113] {strides = array<i32>} : memref<2x128x128xf32, #tpu.memory_space<vmem>>, vector<1x1x16xf32>,
          %swap3A_1115 = vector.shape_cast %swap3A_1114 : vector<1x1x16xf32> to vector<16xf32>
          %swap3A_1116 = vector.shape_cast %mul3A_1109 : vector<16xf32> to vector<1x1x16xf32>
          tpu.vector_store %arg10[%swap3A_1111, %swap3A_1112, %swap3A_1113], %swap3A_1116 {strides = array<i32>} : memref<2x128x128xf32, #tpu.memory_space<vmem>>, vector<1x1x16xf32>,
          %get3A_1117 = arith.constant 0 : i32
          %get3A_1118 = arith.index_cast %get3A_1117 : i32 to index
          %get3A_1119 = arith.index_cast %add3A_1009 : i32 to index
          %get3A_1120 = arith.constant 112 : index
          %get3A_1121 = tpu.vector_load %arg10[%get3A_1118, %get3A_1119, %get3A_1120] {strides = array<i32>} : memref<2x128x128xf32, #tpu.memory_space<vmem>>, vector<1x1x16xf32>,
          %get3A_1122 = vector.shape_cast %get3A_1121 : vector<1x1x16xf32> to vector<16xf32>
          %mul3A_1123 = vector.broadcast %squeeze3A_1011 : f32 to vector<16xf32>
          %mul3A_1124 = arith.mulf %get3A_1122, %mul3A_1123 : vector<16xf32>
          %swap3A_1125 = arith.constant 0 : i32
          %swap3A_1126 = arith.index_cast %swap3A_1125 : i32 to index
          %swap3A_1127 = arith.index_cast %add3A_1009 : i32 to index
          %swap3A_1128 = arith.constant 112 : index
          %swap3A_1129 = tpu.vector_load %arg10[%swap3A_1126, %swap3A_1127, %swap3A_1128] {strides = array<i32>} : memref<2x128x128xf32, #tpu.memory_space<vmem>>, vector<1x1x16xf32>,
          %swap3A_1130 = vector.shape_cast %swap3A_1129 : vector<1x1x16xf32> to vector<16xf32>
          %swap3A_1131 = vector.shape_cast %mul3A_1124 : vector<16xf32> to vector<1x1x16xf32>
          tpu.vector_store %arg10[%swap3A_1126, %swap3A_1127, %swap3A_1128], %swap3A_1131 {strides = array<i32>} : memref<2x128x128xf32, #tpu.memory_space<vmem>>, vector<1x1x16xf32>,
          %mul3A_1132 = arith.constant 16 : i32
          %mul3A_1133 = arith.muli %scan3A_120, %mul3A_1132 : i32
          %add3A_1134 = arith.constant 8 : i32
          %add3A_1135 = arith.addi %mul3A_1133, %add3A_1134 : i32
          %slice3A_1136 = vector.extract_strided_slice %get3A_126 {offsets = [8], sizes = [1], strides = [1]} : vector<16xf32> to vector<1xf32>
          %squeeze3A_1137 = vector.extract %slice3A_1136[0] : f32 from vector<1xf32>
          %get3A_1138 = arith.constant 0 : i32
          %get3A_1139 = arith.index_cast %get3A_1138 : i32 to index
          %get3A_1140 = arith.index_cast %add3A_1135 : i32 to index
          %get3A_1141 = arith.constant 0 : index
          %get3A_1142 = tpu.vector_load %arg10[%get3A_1139, %get3A_1140, %get3A_1141] {strides = array<i32>} : memref<2x128x128xf32, #tpu.memory_space<vmem>>, vector<1x1x16xf32>,
          %get3A_1143 = vector.shape_cast %get3A_1142 : vector<1x1x16xf32> to vector<16xf32>
          %mul3A_1144 = vector.broadcast %squeeze3A_1137 : f32 to vector<16xf32>
          %mul3A_1145 = arith.mulf %get3A_1143, %mul3A_1144 : vector<16xf32>
          %swap3A_1146 = arith.constant 0 : i32
          %swap3A_1147 = arith.index_cast %swap3A_1146 : i32 to index
          %swap3A_1148 = arith.index_cast %add3A_1135 : i32 to index
          %swap3A_1149 = arith.constant 0 : index
          %swap3A_1150 = tpu.vector_load %arg10[%swap3A_1147, %swap3A_1148, %swap3A_1149] {strides = array<i32>} : memref<2x128x128xf32, #tpu.memory_space<vmem>>, vector<1x1x16xf32>,
          %swap3A_1151 = vector.shape_cast %swap3A_1150 : vector<1x1x16xf32> to vector<16xf32>
          %swap3A_1152 = vector.shape_cast %mul3A_1145 : vector<16xf32> to vector<1x1x16xf32>
          tpu.vector_store %arg10[%swap3A_1147, %swap3A_1148, %swap3A_1149], %swap3A_1152 {strides = array<i32>} : memref<2x128x128xf32, #tpu.memory_space<vmem>>, vector<1x1x16xf32>,
          %get3A_1153 = arith.constant 0 : i32
          %get3A_1154 = arith.index_cast %get3A_1153 : i32 to index
          %get3A_1155 = arith.index_cast %add3A_1135 : i32 to index
          %get3A_1156 = arith.constant 16 : index
          %get3A_1157 = tpu.vector_load %arg10[%get3A_1154, %get3A_1155, %get3A_1156] {strides = array<i32>} : memref<2x128x128xf32, #tpu.memory_space<vmem>>, vector<1x1x16xf32>,
          %get3A_1158 = vector.shape_cast %get3A_1157 : vector<1x1x16xf32> to vector<16xf32>
          %mul3A_1159 = vector.broadcast %squeeze3A_1137 : f32 to vector<16xf32>
          %mul3A_1160 = arith.mulf %get3A_1158, %mul3A_1159 : vector<16xf32>
          %swap3A_1161 = arith.constant 0 : i32
          %swap3A_1162 = arith.index_cast %swap3A_1161 : i32 to index
          %swap3A_1163 = arith.index_cast %add3A_1135 : i32 to index
          %swap3A_1164 = arith.constant 16 : index
          %swap3A_1165 = tpu.vector_load %arg10[%swap3A_1162, %swap3A_1163, %swap3A_1164] {strides = array<i32>} : memref<2x128x128xf32, #tpu.memory_space<vmem>>, vector<1x1x16xf32>,
          %swap3A_1166 = vector.shape_cast %swap3A_1165 : vector<1x1x16xf32> to vector<16xf32>
          %swap3A_1167 = vector.shape_cast %mul3A_1160 : vector<16xf32> to vector<1x1x16xf32>
          tpu.vector_store %arg10[%swap3A_1162, %swap3A_1163, %swap3A_1164], %swap3A_1167 {strides = array<i32>} : memref<2x128x128xf32, #tpu.memory_space<vmem>>, vector<1x1x16xf32>,
          %get3A_1168 = arith.constant 0 : i32
          %get3A_1169 = arith.index_cast %get3A_1168 : i32 to index
          %get3A_1170 = arith.index_cast %add3A_1135 : i32 to index
          %get3A_1171 = arith.constant 32 : index
          %get3A_1172 = tpu.vector_load %arg10[%get3A_1169, %get3A_1170, %get3A_1171] {strides = array<i32>} : memref<2x128x128xf32, #tpu.memory_space<vmem>>, vector<1x1x16xf32>,
          %get3A_1173 = vector.shape_cast %get3A_1172 : vector<1x1x16xf32> to vector<16xf32>
          %mul3A_1174 = vector.broadcast %squeeze3A_1137 : f32 to vector<16xf32>
          %mul3A_1175 = arith.mulf %get3A_1173, %mul3A_1174 : vector<16xf32>
          %swap3A_1176 = arith.constant 0 : i32
          %swap3A_1177 = arith.index_cast %swap3A_1176 : i32 to index
          %swap3A_1178 = arith.index_cast %add3A_1135 : i32 to index
          %swap3A_1179 = arith.constant 32 : index
          %swap3A_1180 = tpu.vector_load %arg10[%swap3A_1177, %swap3A_1178, %swap3A_1179] {strides = array<i32>} : memref<2x128x128xf32, #tpu.memory_space<vmem>>, vector<1x1x16xf32>,
          %swap3A_1181 = vector.shape_cast %swap3A_1180 : vector<1x1x16xf32> to vector<16xf32>
          %swap3A_1182 = vector.shape_cast %mul3A_1175 : vector<16xf32> to vector<1x1x16xf32>
          tpu.vector_store %arg10[%swap3A_1177, %swap3A_1178, %swap3A_1179], %swap3A_1182 {strides = array<i32>} : memref<2x128x128xf32, #tpu.memory_space<vmem>>, vector<1x1x16xf32>,
          %get3A_1183 = arith.constant 0 : i32
          %get3A_1184 = arith.index_cast %get3A_1183 : i32 to index
          %get3A_1185 = arith.index_cast %add3A_1135 : i32 to index
          %get3A_1186 = arith.constant 48 : index
          %get3A_1187 = tpu.vector_load %arg10[%get3A_1184, %get3A_1185, %get3A_1186] {strides = array<i32>} : memref<2x128x128xf32, #tpu.memory_space<vmem>>, vector<1x1x16xf32>,
          %get3A_1188 = vector.shape_cast %get3A_1187 : vector<1x1x16xf32> to vector<16xf32>
          %mul3A_1189 = vector.broadcast %squeeze3A_1137 : f32 to vector<16xf32>
          %mul3A_1190 = arith.mulf %get3A_1188, %mul3A_1189 : vector<16xf32>
          %swap3A_1191 = arith.constant 0 : i32
          %swap3A_1192 = arith.index_cast %swap3A_1191 : i32 to index
          %swap3A_1193 = arith.index_cast %add3A_1135 : i32 to index
          %swap3A_1194 = arith.constant 48 : index
          %swap3A_1195 = tpu.vector_load %arg10[%swap3A_1192, %swap3A_1193, %swap3A_1194] {strides = array<i32>} : memref<2x128x128xf32, #tpu.memory_space<vmem>>, vector<1x1x16xf32>,
          %swap3A_1196 = vector.shape_cast %swap3A_1195 : vector<1x1x16xf32> to vector<16xf32>
          %swap3A_1197 = vector.shape_cast %mul3A_1190 : vector<16xf32> to vector<1x1x16xf32>
          tpu.vector_store %arg10[%swap3A_1192, %swap3A_1193, %swap3A_1194], %swap3A_1197 {strides = array<i32>} : memref<2x128x128xf32, #tpu.memory_space<vmem>>, vector<1x1x16xf32>,
          %get3A_1198 = arith.constant 0 : i32
          %get3A_1199 = arith.index_cast %get3A_1198 : i32 to index
          %get3A_1200 = arith.index_cast %add3A_1135 : i32 to index
          %get3A_1201 = arith.constant 64 : index
          %get3A_1202 = tpu.vector_load %arg10[%get3A_1199, %get3A_1200, %get3A_1201] {strides = array<i32>} : memref<2x128x128xf32, #tpu.memory_space<vmem>>, vector<1x1x16xf32>,
          %get3A_1203 = vector.shape_cast %get3A_1202 : vector<1x1x16xf32> to vector<16xf32>
          %mul3A_1204 = vector.broadcast %squeeze3A_1137 : f32 to vector<16xf32>
          %mul3A_1205 = arith.mulf %get3A_1203, %mul3A_1204 : vector<16xf32>
          %swap3A_1206 = arith.constant 0 : i32
          %swap3A_1207 = arith.index_cast %swap3A_1206 : i32 to index
          %swap3A_1208 = arith.index_cast %add3A_1135 : i32 to index
          %swap3A_1209 = arith.constant 64 : index
          %swap3A_1210 = tpu.vector_load %arg10[%swap3A_1207, %swap3A_1208, %swap3A_1209] {strides = array<i32>} : memref<2x128x128xf32, #tpu.memory_space<vmem>>, vector<1x1x16xf32>,
          %swap3A_1211 = vector.shape_cast %swap3A_1210 : vector<1x1x16xf32> to vector<16xf32>
          %swap3A_1212 = vector.shape_cast %mul3A_1205 : vector<16xf32> to vector<1x1x16xf32>
          tpu.vector_store %arg10[%swap3A_1207, %swap3A_1208, %swap3A_1209], %swap3A_1212 {strides = array<i32>} : memref<2x128x128xf32, #tpu.memory_space<vmem>>, vector<1x1x16xf32>,
          %get3A_1213 = arith.constant 0 : i32
          %get3A_1214 = arith.index_cast %get3A_1213 : i32 to index
          %get3A_1215 = arith.index_cast %add3A_1135 : i32 to index
          %get3A_1216 = arith.constant 80 : index
          %get3A_1217 = tpu.vector_load %arg10[%get3A_1214, %get3A_1215, %get3A_1216] {strides = array<i32>} : memref<2x128x128xf32, #tpu.memory_space<vmem>>, vector<1x1x16xf32>,
          %get3A_1218 = vector.shape_cast %get3A_1217 : vector<1x1x16xf32> to vector<16xf32>
          %mul3A_1219 = vector.broadcast %squeeze3A_1137 : f32 to vector<16xf32>
          %mul3A_1220 = arith.mulf %get3A_1218, %mul3A_1219 : vector<16xf32>
          %swap3A_1221 = arith.constant 0 : i32
          %swap3A_1222 = arith.index_cast %swap3A_1221 : i32 to index
          %swap3A_1223 = arith.index_cast %add3A_1135 : i32 to index
          %swap3A_1224 = arith.constant 80 : index
          %swap3A_1225 = tpu.vector_load %arg10[%swap3A_1222, %swap3A_1223, %swap3A_1224] {strides = array<i32>} : memref<2x128x128xf32, #tpu.memory_space<vmem>>, vector<1x1x16xf32>,
          %swap3A_1226 = vector.shape_cast %swap3A_1225 : vector<1x1x16xf32> to vector<16xf32>
          %swap3A_1227 = vector.shape_cast %mul3A_1220 : vector<16xf32> to vector<1x1x16xf32>
          tpu.vector_store %arg10[%swap3A_1222, %swap3A_1223, %swap3A_1224], %swap3A_1227 {strides = array<i32>} : memref<2x128x128xf32, #tpu.memory_space<vmem>>, vector<1x1x16xf32>,
          %get3A_1228 = arith.constant 0 : i32
          %get3A_1229 = arith.index_cast %get3A_1228 : i32 to index
          %get3A_1230 = arith.index_cast %add3A_1135 : i32 to index
          %get3A_1231 = arith.constant 96 : index
          %get3A_1232 = tpu.vector_load %arg10[%get3A_1229, %get3A_1230, %get3A_1231] {strides = array<i32>} : memref<2x128x128xf32, #tpu.memory_space<vmem>>, vector<1x1x16xf32>,
          %get3A_1233 = vector.shape_cast %get3A_1232 : vector<1x1x16xf32> to vector<16xf32>
          %mul3A_1234 = vector.broadcast %squeeze3A_1137 : f32 to vector<16xf32>
          %mul3A_1235 = arith.mulf %get3A_1233, %mul3A_1234 : vector<16xf32>
          %swap3A_1236 = arith.constant 0 : i32
          %swap3A_1237 = arith.index_cast %swap3A_1236 : i32 to index
          %swap3A_1238 = arith.index_cast %add3A_1135 : i32 to index
          %swap3A_1239 = arith.constant 96 : index
          %swap3A_1240 = tpu.vector_load %arg10[%swap3A_1237, %swap3A_1238, %swap3A_1239] {strides = array<i32>} : memref<2x128x128xf32, #tpu.memory_space<vmem>>, vector<1x1x16xf32>,
          %swap3A_1241 = vector.shape_cast %swap3A_1240 : vector<1x1x16xf32> to vector<16xf32>
          %swap3A_1242 = vector.shape_cast %mul3A_1235 : vector<16xf32> to vector<1x1x16xf32>
          tpu.vector_store %arg10[%swap3A_1237, %swap3A_1238, %swap3A_1239], %swap3A_1242 {strides = array<i32>} : memref<2x128x128xf32, #tpu.memory_space<vmem>>, vector<1x1x16xf32>,
          %get3A_1243 = arith.constant 0 : i32
          %get3A_1244 = arith.index_cast %get3A_1243 : i32 to index
          %get3A_1245 = arith.index_cast %add3A_1135 : i32 to index
          %get3A_1246 = arith.constant 112 : index
          %get3A_1247 = tpu.vector_load %arg10[%get3A_1244, %get3A_1245, %get3A_1246] {strides = array<i32>} : memref<2x128x128xf32, #tpu.memory_space<vmem>>, vector<1x1x16xf32>,
          %get3A_1248 = vector.shape_cast %get3A_1247 : vector<1x1x16xf32> to vector<16xf32>
          %mul3A_1249 = vector.broadcast %squeeze3A_1137 : f32 to vector<16xf32>
          %mul3A_1250 = arith.mulf %get3A_1248, %mul3A_1249 : vector<16xf32>
          %swap3A_1251 = arith.constant 0 : i32
          %swap3A_1252 = arith.index_cast %swap3A_1251 : i32 to index
          %swap3A_1253 = arith.index_cast %add3A_1135 : i32 to index
          %swap3A_1254 = arith.constant 112 : index
          %swap3A_1255 = tpu.vector_load %arg10[%swap3A_1252, %swap3A_1253, %swap3A_1254] {strides = array<i32>} : memref<2x128x128xf32, #tpu.memory_space<vmem>>, vector<1x1x16xf32>,
          %swap3A_1256 = vector.shape_cast %swap3A_1255 : vector<1x1x16xf32> to vector<16xf32>
          %swap3A_1257 = vector.shape_cast %mul3A_1250 : vector<16xf32> to vector<1x1x16xf32>
          tpu.vector_store %arg10[%swap3A_1252, %swap3A_1253, %swap3A_1254], %swap3A_1257 {strides = array<i32>} : memref<2x128x128xf32, #tpu.memory_space<vmem>>, vector<1x1x16xf32>,
          %mul3A_1258 = arith.constant 16 : i32
          %mul3A_1259 = arith.muli %scan3A_120, %mul3A_1258 : i32
          %add3A_1260 = arith.constant 9 : i32
          %add3A_1261 = arith.addi %mul3A_1259, %add3A_1260 : i32
          %slice3A_1262 = vector.extract_strided_slice %get3A_126 {offsets = [9], sizes = [1], strides = [1]} : vector<16xf32> to vector<1xf32>
          %squeeze3A_1263 = vector.extract %slice3A_1262[0] : f32 from vector<1xf32>
          %get3A_1264 = arith.constant 0 : i32
          %get3A_1265 = arith.index_cast %get3A_1264 : i32 to index
          %get3A_1266 = arith.index_cast %add3A_1261 : i32 to index
          %get3A_1267 = arith.constant 0 : index
          %get3A_1268 = tpu.vector_load %arg10[%get3A_1265, %get3A_1266, %get3A_1267] {strides = array<i32>} : memref<2x128x128xf32, #tpu.memory_space<vmem>>, vector<1x1x16xf32>,
          %get3A_1269 = vector.shape_cast %get3A_1268 : vector<1x1x16xf32> to vector<16xf32>
          %mul3A_1270 = vector.broadcast %squeeze3A_1263 : f32 to vector<16xf32>
          %mul3A_1271 = arith.mulf %get3A_1269, %mul3A_1270 : vector<16xf32>
          %swap3A_1272 = arith.constant 0 : i32
          %swap3A_1273 = arith.index_cast %swap3A_1272 : i32 to index
          %swap3A_1274 = arith.index_cast %add3A_1261 : i32 to index
          %swap3A_1275 = arith.constant 0 : index
          %swap3A_1276 = tpu.vector_load %arg10[%swap3A_1273, %swap3A_1274, %swap3A_1275] {strides = array<i32>} : memref<2x128x128xf32, #tpu.memory_space<vmem>>, vector<1x1x16xf32>,
          %swap3A_1277 = vector.shape_cast %swap3A_1276 : vector<1x1x16xf32> to vector<16xf32>
          %swap3A_1278 = vector.shape_cast %mul3A_1271 : vector<16xf32> to vector<1x1x16xf32>
          tpu.vector_store %arg10[%swap3A_1273, %swap3A_1274, %swap3A_1275], %swap3A_1278 {strides = array<i32>} : memref<2x128x128xf32, #tpu.memory_space<vmem>>, vector<1x1x16xf32>,
          %get3A_1279 = arith.constant 0 : i32
          %get3A_1280 = arith.index_cast %get3A_1279 : i32 to index
          %get3A_1281 = arith.index_cast %add3A_1261 : i32 to index
          %get3A_1282 = arith.constant 16 : index
          %get3A_1283 = tpu.vector_load %arg10[%get3A_1280, %get3A_1281, %get3A_1282] {strides = array<i32>} : memref<2x128x128xf32, #tpu.memory_space<vmem>>, vector<1x1x16xf32>,
          %get3A_1284 = vector.shape_cast %get3A_1283 : vector<1x1x16xf32> to vector<16xf32>
          %mul3A_1285 = vector.broadcast %squeeze3A_1263 : f32 to vector<16xf32>
          %mul3A_1286 = arith.mulf %get3A_1284, %mul3A_1285 : vector<16xf32>
          %swap3A_1287 = arith.constant 0 : i32
          %swap3A_1288 = arith.index_cast %swap3A_1287 : i32 to index
          %swap3A_1289 = arith.index_cast %add3A_1261 : i32 to index
          %swap3A_1290 = arith.constant 16 : index
          %swap3A_1291 = tpu.vector_load %arg10[%swap3A_1288, %swap3A_1289, %swap3A_1290] {strides = array<i32>} : memref<2x128x128xf32, #tpu.memory_space<vmem>>, vector<1x1x16xf32>,
          %swap3A_1292 = vector.shape_cast %swap3A_1291 : vector<1x1x16xf32> to vector<16xf32>
          %swap3A_1293 = vector.shape_cast %mul3A_1286 : vector<16xf32> to vector<1x1x16xf32>
          tpu.vector_store %arg10[%swap3A_1288, %swap3A_1289, %swap3A_1290], %swap3A_1293 {strides = array<i32>} : memref<2x128x128xf32, #tpu.memory_space<vmem>>, vector<1x1x16xf32>,
          %get3A_1294 = arith.constant 0 : i32
          %get3A_1295 = arith.index_cast %get3A_1294 : i32 to index
          %get3A_1296 = arith.index_cast %add3A_1261 : i32 to index
          %get3A_1297 = arith.constant 32 : index
          %get3A_1298 = tpu.vector_load %arg10[%get3A_1295, %get3A_1296, %get3A_1297] {strides = array<i32>} : memref<2x128x128xf32, #tpu.memory_space<vmem>>, vector<1x1x16xf32>,
          %get3A_1299 = vector.shape_cast %get3A_1298 : vector<1x1x16xf32> to vector<16xf32>
          %mul3A_1300 = vector.broadcast %squeeze3A_1263 : f32 to vector<16xf32>
          %mul3A_1301 = arith.mulf %get3A_1299, %mul3A_1300 : vector<16xf32>
          %swap3A_1302 = arith.constant 0 : i32
          %swap3A_1303 = arith.index_cast %swap3A_1302 : i32 to index
          %swap3A_1304 = arith.index_cast %add3A_1261 : i32 to index
          %swap3A_1305 = arith.constant 32 : index
          %swap3A_1306 = tpu.vector_load %arg10[%swap3A_1303, %swap3A_1304, %swap3A_1305] {strides = array<i32>} : memref<2x128x128xf32, #tpu.memory_space<vmem>>, vector<1x1x16xf32>,
          %swap3A_1307 = vector.shape_cast %swap3A_1306 : vector<1x1x16xf32> to vector<16xf32>
          %swap3A_1308 = vector.shape_cast %mul3A_1301 : vector<16xf32> to vector<1x1x16xf32>
          tpu.vector_store %arg10[%swap3A_1303, %swap3A_1304, %swap3A_1305], %swap3A_1308 {strides = array<i32>} : memref<2x128x128xf32, #tpu.memory_space<vmem>>, vector<1x1x16xf32>,
          %get3A_1309 = arith.constant 0 : i32
          %get3A_1310 = arith.index_cast %get3A_1309 : i32 to index
          %get3A_1311 = arith.index_cast %add3A_1261 : i32 to index
          %get3A_1312 = arith.constant 48 : index
          %get3A_1313 = tpu.vector_load %arg10[%get3A_1310, %get3A_1311, %get3A_1312] {strides = array<i32>} : memref<2x128x128xf32, #tpu.memory_space<vmem>>, vector<1x1x16xf32>,
          %get3A_1314 = vector.shape_cast %get3A_1313 : vector<1x1x16xf32> to vector<16xf32>
          %mul3A_1315 = vector.broadcast %squeeze3A_1263 : f32 to vector<16xf32>
          %mul3A_1316 = arith.mulf %get3A_1314, %mul3A_1315 : vector<16xf32>
          %swap3A_1317 = arith.constant 0 : i32
          %swap3A_1318 = arith.index_cast %swap3A_1317 : i32 to index
          %swap3A_1319 = arith.index_cast %add3A_1261 : i32 to index
          %swap3A_1320 = arith.constant 48 : index
          %swap3A_1321 = tpu.vector_load %arg10[%swap3A_1318, %swap3A_1319, %swap3A_1320] {strides = array<i32>} : memref<2x128x128xf32, #tpu.memory_space<vmem>>, vector<1x1x16xf32>,
          %swap3A_1322 = vector.shape_cast %swap3A_1321 : vector<1x1x16xf32> to vector<16xf32>
          %swap3A_1323 = vector.shape_cast %mul3A_1316 : vector<16xf32> to vector<1x1x16xf32>
          tpu.vector_store %arg10[%swap3A_1318, %swap3A_1319, %swap3A_1320], %swap3A_1323 {strides = array<i32>} : memref<2x128x128xf32, #tpu.memory_space<vmem>>, vector<1x1x16xf32>,
          %get3A_1324 = arith.constant 0 : i32
          %get3A_1325 = arith.index_cast %get3A_1324 : i32 to index
          %get3A_1326 = arith.index_cast %add3A_1261 : i32 to index
          %get3A_1327 = arith.constant 64 : index
          %get3A_1328 = tpu.vector_load %arg10[%get3A_1325, %get3A_1326, %get3A_1327] {strides = array<i32>} : memref<2x128x128xf32, #tpu.memory_space<vmem>>, vector<1x1x16xf32>,
          %get3A_1329 = vector.shape_cast %get3A_1328 : vector<1x1x16xf32> to vector<16xf32>
          %mul3A_1330 = vector.broadcast %squeeze3A_1263 : f32 to vector<16xf32>
          %mul3A_1331 = arith.mulf %get3A_1329, %mul3A_1330 : vector<16xf32>
          %swap3A_1332 = arith.constant 0 : i32
          %swap3A_1333 = arith.index_cast %swap3A_1332 : i32 to index
          %swap3A_1334 = arith.index_cast %add3A_1261 : i32 to index
          %swap3A_1335 = arith.constant 64 : index
          %swap3A_1336 = tpu.vector_load %arg10[%swap3A_1333, %swap3A_1334, %swap3A_1335] {strides = array<i32>} : memref<2x128x128xf32, #tpu.memory_space<vmem>>, vector<1x1x16xf32>,
          %swap3A_1337 = vector.shape_cast %swap3A_1336 : vector<1x1x16xf32> to vector<16xf32>
          %swap3A_1338 = vector.shape_cast %mul3A_1331 : vector<16xf32> to vector<1x1x16xf32>
          tpu.vector_store %arg10[%swap3A_1333, %swap3A_1334, %swap3A_1335], %swap3A_1338 {strides = array<i32>} : memref<2x128x128xf32, #tpu.memory_space<vmem>>, vector<1x1x16xf32>,
          %get3A_1339 = arith.constant 0 : i32
          %get3A_1340 = arith.index_cast %get3A_1339 : i32 to index
          %get3A_1341 = arith.index_cast %add3A_1261 : i32 to index
          %get3A_1342 = arith.constant 80 : index
          %get3A_1343 = tpu.vector_load %arg10[%get3A_1340, %get3A_1341, %get3A_1342] {strides = array<i32>} : memref<2x128x128xf32, #tpu.memory_space<vmem>>, vector<1x1x16xf32>,
          %get3A_1344 = vector.shape_cast %get3A_1343 : vector<1x1x16xf32> to vector<16xf32>
          %mul3A_1345 = vector.broadcast %squeeze3A_1263 : f32 to vector<16xf32>
          %mul3A_1346 = arith.mulf %get3A_1344, %mul3A_1345 : vector<16xf32>
          %swap3A_1347 = arith.constant 0 : i32
          %swap3A_1348 = arith.index_cast %swap3A_1347 : i32 to index
          %swap3A_1349 = arith.index_cast %add3A_1261 : i32 to index
          %swap3A_1350 = arith.constant 80 : index
          %swap3A_1351 = tpu.vector_load %arg10[%swap3A_1348, %swap3A_1349, %swap3A_1350] {strides = array<i32>} : memref<2x128x128xf32, #tpu.memory_space<vmem>>, vector<1x1x16xf32>,
          %swap3A_1352 = vector.shape_cast %swap3A_1351 : vector<1x1x16xf32> to vector<16xf32>
          %swap3A_1353 = vector.shape_cast %mul3A_1346 : vector<16xf32> to vector<1x1x16xf32>
          tpu.vector_store %arg10[%swap3A_1348, %swap3A_1349, %swap3A_1350], %swap3A_1353 {strides = array<i32>} : memref<2x128x128xf32, #tpu.memory_space<vmem>>, vector<1x1x16xf32>,
          %get3A_1354 = arith.constant 0 : i32
          %get3A_1355 = arith.index_cast %get3A_1354 : i32 to index
          %get3A_1356 = arith.index_cast %add3A_1261 : i32 to index
          %get3A_1357 = arith.constant 96 : index
          %get3A_1358 = tpu.vector_load %arg10[%get3A_1355, %get3A_1356, %get3A_1357] {strides = array<i32>} : memref<2x128x128xf32, #tpu.memory_space<vmem>>, vector<1x1x16xf32>,
          %get3A_1359 = vector.shape_cast %get3A_1358 : vector<1x1x16xf32> to vector<16xf32>
          %mul3A_1360 = vector.broadcast %squeeze3A_1263 : f32 to vector<16xf32>
          %mul3A_1361 = arith.mulf %get3A_1359, %mul3A_1360 : vector<16xf32>
          %swap3A_1362 = arith.constant 0 : i32
          %swap3A_1363 = arith.index_cast %swap3A_1362 : i32 to index
          %swap3A_1364 = arith.index_cast %add3A_1261 : i32 to index
          %swap3A_1365 = arith.constant 96 : index
          %swap3A_1366 = tpu.vector_load %arg10[%swap3A_1363, %swap3A_1364, %swap3A_1365] {strides = array<i32>} : memref<2x128x128xf32, #tpu.memory_space<vmem>>, vector<1x1x16xf32>,
          %swap3A_1367 = vector.shape_cast %swap3A_1366 : vector<1x1x16xf32> to vector<16xf32>
          %swap3A_1368 = vector.shape_cast %mul3A_1361 : vector<16xf32> to vector<1x1x16xf32>
          tpu.vector_store %arg10[%swap3A_1363, %swap3A_1364, %swap3A_1365], %swap3A_1368 {strides = array<i32>} : memref<2x128x128xf32, #tpu.memory_space<vmem>>, vector<1x1x16xf32>,
          %get3A_1369 = arith.constant 0 : i32
          %get3A_1370 = arith.index_cast %get3A_1369 : i32 to index
          %get3A_1371 = arith.index_cast %add3A_1261 : i32 to index
          %get3A_1372 = arith.constant 112 : index
          %get3A_1373 = tpu.vector_load %arg10[%get3A_1370, %get3A_1371, %get3A_1372] {strides = array<i32>} : memref<2x128x128xf32, #tpu.memory_space<vmem>>, vector<1x1x16xf32>,
          %get3A_1374 = vector.shape_cast %get3A_1373 : vector<1x1x16xf32> to vector<16xf32>
          %mul3A_1375 = vector.broadcast %squeeze3A_1263 : f32 to vector<16xf32>
          %mul3A_1376 = arith.mulf %get3A_1374, %mul3A_1375 : vector<16xf32>
          %swap3A_1377 = arith.constant 0 : i32
          %swap3A_1378 = arith.index_cast %swap3A_1377 : i32 to index
          %swap3A_1379 = arith.index_cast %add3A_1261 : i32 to index
          %swap3A_1380 = arith.constant 112 : index
          %swap3A_1381 = tpu.vector_load %arg10[%swap3A_1378, %swap3A_1379, %swap3A_1380] {strides = array<i32>} : memref<2x128x128xf32, #tpu.memory_space<vmem>>, vector<1x1x16xf32>,
          %swap3A_1382 = vector.shape_cast %swap3A_1381 : vector<1x1x16xf32> to vector<16xf32>
          %swap3A_1383 = vector.shape_cast %mul3A_1376 : vector<16xf32> to vector<1x1x16xf32>
          tpu.vector_store %arg10[%swap3A_1378, %swap3A_1379, %swap3A_1380], %swap3A_1383 {strides = array<i32>} : memref<2x128x128xf32, #tpu.memory_space<vmem>>, vector<1x1x16xf32>,
          %mul3A_1384 = arith.constant 16 : i32
          %mul3A_1385 = arith.muli %scan3A_120, %mul3A_1384 : i32
          %add3A_1386 = arith.constant 10 : i32
          %add3A_1387 = arith.addi %mul3A_1385, %add3A_1386 : i32
          %slice3A_1388 = vector.extract_strided_slice %get3A_126 {offsets = [10], sizes = [1], strides = [1]} : vector<16xf32> to vector<1xf32>
          %squeeze3A_1389 = vector.extract %slice3A_1388[0] : f32 from vector<1xf32>
          %get3A_1390 = arith.constant 0 : i32
          %get3A_1391 = arith.index_cast %get3A_1390 : i32 to index
          %get3A_1392 = arith.index_cast %add3A_1387 : i32 to index
          %get3A_1393 = arith.constant 0 : index
          %get3A_1394 = tpu.vector_load %arg10[%get3A_1391, %get3A_1392, %get3A_1393] {strides = array<i32>} : memref<2x128x128xf32, #tpu.memory_space<vmem>>, vector<1x1x16xf32>,
          %get3A_1395 = vector.shape_cast %get3A_1394 : vector<1x1x16xf32> to vector<16xf32>
          %mul3A_1396 = vector.broadcast %squeeze3A_1389 : f32 to vector<16xf32>
          %mul3A_1397 = arith.mulf %get3A_1395, %mul3A_1396 : vector<16xf32>
          %swap3A_1398 = arith.constant 0 : i32
          %swap3A_1399 = arith.index_cast %swap3A_1398 : i32 to index
          %swap3A_1400 = arith.index_cast %add3A_1387 : i32 to index
          %swap3A_1401 = arith.constant 0 : index
          %swap3A_1402 = tpu.vector_load %arg10[%swap3A_1399, %swap3A_1400, %swap3A_1401] {strides = array<i32>} : memref<2x128x128xf32, #tpu.memory_space<vmem>>, vector<1x1x16xf32>,
          %swap3A_1403 = vector.shape_cast %swap3A_1402 : vector<1x1x16xf32> to vector<16xf32>
          %swap3A_1404 = vector.shape_cast %mul3A_1397 : vector<16xf32> to vector<1x1x16xf32>
          tpu.vector_store %arg10[%swap3A_1399, %swap3A_1400, %swap3A_1401], %swap3A_1404 {strides = array<i32>} : memref<2x128x128xf32, #tpu.memory_space<vmem>>, vector<1x1x16xf32>,
          %get3A_1405 = arith.constant 0 : i32
          %get3A_1406 = arith.index_cast %get3A_1405 : i32 to index
          %get3A_1407 = arith.index_cast %add3A_1387 : i32 to index
          %get3A_1408 = arith.constant 16 : index
          %get3A_1409 = tpu.vector_load %arg10[%get3A_1406, %get3A_1407, %get3A_1408] {strides = array<i32>} : memref<2x128x128xf32, #tpu.memory_space<vmem>>, vector<1x1x16xf32>,
          %get3A_1410 = vector.shape_cast %get3A_1409 : vector<1x1x16xf32> to vector<16xf32>
          %mul3A_1411 = vector.broadcast %squeeze3A_1389 : f32 to vector<16xf32>
          %mul3A_1412 = arith.mulf %get3A_1410, %mul3A_1411 : vector<16xf32>
          %swap3A_1413 = arith.constant 0 : i32
          %swap3A_1414 = arith.index_cast %swap3A_1413 : i32 to index
          %swap3A_1415 = arith.index_cast %add3A_1387 : i32 to index
          %swap3A_1416 = arith.constant 16 : index
          %swap3A_1417 = tpu.vector_load %arg10[%swap3A_1414, %swap3A_1415, %swap3A_1416] {strides = array<i32>} : memref<2x128x128xf32, #tpu.memory_space<vmem>>, vector<1x1x16xf32>,
          %swap3A_1418 = vector.shape_cast %swap3A_1417 : vector<1x1x16xf32> to vector<16xf32>
          %swap3A_1419 = vector.shape_cast %mul3A_1412 : vector<16xf32> to vector<1x1x16xf32>
          tpu.vector_store %arg10[%swap3A_1414, %swap3A_1415, %swap3A_1416], %swap3A_1419 {strides = array<i32>} : memref<2x128x128xf32, #tpu.memory_space<vmem>>, vector<1x1x16xf32>,
          %get3A_1420 = arith.constant 0 : i32
          %get3A_1421 = arith.index_cast %get3A_1420 : i32 to index
          %get3A_1422 = arith.index_cast %add3A_1387 : i32 to index
          %get3A_1423 = arith.constant 32 : index
          %get3A_1424 = tpu.vector_load %arg10[%get3A_1421, %get3A_1422, %get3A_1423] {strides = array<i32>} : memref<2x128x128xf32, #tpu.memory_space<vmem>>, vector<1x1x16xf32>,
          %get3A_1425 = vector.shape_cast %get3A_1424 : vector<1x1x16xf32> to vector<16xf32>
          %mul3A_1426 = vector.broadcast %squeeze3A_1389 : f32 to vector<16xf32>
          %mul3A_1427 = arith.mulf %get3A_1425, %mul3A_1426 : vector<16xf32>
          %swap3A_1428 = arith.constant 0 : i32
          %swap3A_1429 = arith.index_cast %swap3A_1428 : i32 to index
          %swap3A_1430 = arith.index_cast %add3A_1387 : i32 to index
          %swap3A_1431 = arith.constant 32 : index
          %swap3A_1432 = tpu.vector_load %arg10[%swap3A_1429, %swap3A_1430, %swap3A_1431] {strides = array<i32>} : memref<2x128x128xf32, #tpu.memory_space<vmem>>, vector<1x1x16xf32>,
          %swap3A_1433 = vector.shape_cast %swap3A_1432 : vector<1x1x16xf32> to vector<16xf32>
          %swap3A_1434 = vector.shape_cast %mul3A_1427 : vector<16xf32> to vector<1x1x16xf32>
          tpu.vector_store %arg10[%swap3A_1429, %swap3A_1430, %swap3A_1431], %swap3A_1434 {strides = array<i32>} : memref<2x128x128xf32, #tpu.memory_space<vmem>>, vector<1x1x16xf32>,
          %get3A_1435 = arith.constant 0 : i32
          %get3A_1436 = arith.index_cast %get3A_1435 : i32 to index
          %get3A_1437 = arith.index_cast %add3A_1387 : i32 to index
          %get3A_1438 = arith.constant 48 : index
          %get3A_1439 = tpu.vector_load %arg10[%get3A_1436, %get3A_1437, %get3A_1438] {strides = array<i32>} : memref<2x128x128xf32, #tpu.memory_space<vmem>>, vector<1x1x16xf32>,
          %get3A_1440 = vector.shape_cast %get3A_1439 : vector<1x1x16xf32> to vector<16xf32>
          %mul3A_1441 = vector.broadcast %squeeze3A_1389 : f32 to vector<16xf32>
          %mul3A_1442 = arith.mulf %get3A_1440, %mul3A_1441 : vector<16xf32>
          %swap3A_1443 = arith.constant 0 : i32
          %swap3A_1444 = arith.index_cast %swap3A_1443 : i32 to index
          %swap3A_1445 = arith.index_cast %add3A_1387 : i32 to index
          %swap3A_1446 = arith.constant 48 : index
          %swap3A_1447 = tpu.vector_load %arg10[%swap3A_1444, %swap3A_1445, %swap3A_1446] {strides = array<i32>} : memref<2x128x128xf32, #tpu.memory_space<vmem>>, vector<1x1x16xf32>,
          %swap3A_1448 = vector.shape_cast %swap3A_1447 : vector<1x1x16xf32> to vector<16xf32>
          %swap3A_1449 = vector.shape_cast %mul3A_1442 : vector<16xf32> to vector<1x1x16xf32>
          tpu.vector_store %arg10[%swap3A_1444, %swap3A_1445, %swap3A_1446], %swap3A_1449 {strides = array<i32>} : memref<2x128x128xf32, #tpu.memory_space<vmem>>, vector<1x1x16xf32>,
          %get3A_1450 = arith.constant 0 : i32
          %get3A_1451 = arith.index_cast %get3A_1450 : i32 to index
          %get3A_1452 = arith.index_cast %add3A_1387 : i32 to index
          %get3A_1453 = arith.constant 64 : index
          %get3A_1454 = tpu.vector_load %arg10[%get3A_1451, %get3A_1452, %get3A_1453] {strides = array<i32>} : memref<2x128x128xf32, #tpu.memory_space<vmem>>, vector<1x1x16xf32>,
          %get3A_1455 = vector.shape_cast %get3A_1454 : vector<1x1x16xf32> to vector<16xf32>
          %mul3A_1456 = vector.broadcast %squeeze3A_1389 : f32 to vector<16xf32>
          %mul3A_1457 = arith.mulf %get3A_1455, %mul3A_1456 : vector<16xf32>
          %swap3A_1458 = arith.constant 0 : i32
          %swap3A_1459 = arith.index_cast %swap3A_1458 : i32 to index
          %swap3A_1460 = arith.index_cast %add3A_1387 : i32 to index
          %swap3A_1461 = arith.constant 64 : index
          %swap3A_1462 = tpu.vector_load %arg10[%swap3A_1459, %swap3A_1460, %swap3A_1461] {strides = array<i32>} : memref<2x128x128xf32, #tpu.memory_space<vmem>>, vector<1x1x16xf32>,
          %swap3A_1463 = vector.shape_cast %swap3A_1462 : vector<1x1x16xf32> to vector<16xf32>
          %swap3A_1464 = vector.shape_cast %mul3A_1457 : vector<16xf32> to vector<1x1x16xf32>
          tpu.vector_store %arg10[%swap3A_1459, %swap3A_1460, %swap3A_1461], %swap3A_1464 {strides = array<i32>} : memref<2x128x128xf32, #tpu.memory_space<vmem>>, vector<1x1x16xf32>,
          %get3A_1465 = arith.constant 0 : i32
          %get3A_1466 = arith.index_cast %get3A_1465 : i32 to index
          %get3A_1467 = arith.index_cast %add3A_1387 : i32 to index
          %get3A_1468 = arith.constant 80 : index
          %get3A_1469 = tpu.vector_load %arg10[%get3A_1466, %get3A_1467, %get3A_1468] {strides = array<i32>} : memref<2x128x128xf32, #tpu.memory_space<vmem>>, vector<1x1x16xf32>,
          %get3A_1470 = vector.shape_cast %get3A_1469 : vector<1x1x16xf32> to vector<16xf32>
          %mul3A_1471 = vector.broadcast %squeeze3A_1389 : f32 to vector<16xf32>
          %mul3A_1472 = arith.mulf %get3A_1470, %mul3A_1471 : vector<16xf32>
          %swap3A_1473 = arith.constant 0 : i32
          %swap3A_1474 = arith.index_cast %swap3A_1473 : i32 to index
          %swap3A_1475 = arith.index_cast %add3A_1387 : i32 to index
          %swap3A_1476 = arith.constant 80 : index
          %swap3A_1477 = tpu.vector_load %arg10[%swap3A_1474, %swap3A_1475, %swap3A_1476] {strides = array<i32>} : memref<2x128x128xf32, #tpu.memory_space<vmem>>, vector<1x1x16xf32>,
          %swap3A_1478 = vector.shape_cast %swap3A_1477 : vector<1x1x16xf32> to vector<16xf32>
          %swap3A_1479 = vector.shape_cast %mul3A_1472 : vector<16xf32> to vector<1x1x16xf32>
          tpu.vector_store %arg10[%swap3A_1474, %swap3A_1475, %swap3A_1476], %swap3A_1479 {strides = array<i32>} : memref<2x128x128xf32, #tpu.memory_space<vmem>>, vector<1x1x16xf32>,
          %get3A_1480 = arith.constant 0 : i32
          %get3A_1481 = arith.index_cast %get3A_1480 : i32 to index
          %get3A_1482 = arith.index_cast %add3A_1387 : i32 to index
          %get3A_1483 = arith.constant 96 : index
          %get3A_1484 = tpu.vector_load %arg10[%get3A_1481, %get3A_1482, %get3A_1483] {strides = array<i32>} : memref<2x128x128xf32, #tpu.memory_space<vmem>>, vector<1x1x16xf32>,
          %get3A_1485 = vector.shape_cast %get3A_1484 : vector<1x1x16xf32> to vector<16xf32>
          %mul3A_1486 = vector.broadcast %squeeze3A_1389 : f32 to vector<16xf32>
          %mul3A_1487 = arith.mulf %get3A_1485, %mul3A_1486 : vector<16xf32>
          %swap3A_1488 = arith.constant 0 : i32
          %swap3A_1489 = arith.index_cast %swap3A_1488 : i32 to index
          %swap3A_1490 = arith.index_cast %add3A_1387 : i32 to index
          %swap3A_1491 = arith.constant 96 : index
          %swap3A_1492 = tpu.vector_load %arg10[%swap3A_1489, %swap3A_1490, %swap3A_1491] {strides = array<i32>} : memref<2x128x128xf32, #tpu.memory_space<vmem>>, vector<1x1x16xf32>,
          %swap3A_1493 = vector.shape_cast %swap3A_1492 : vector<1x1x16xf32> to vector<16xf32>
          %swap3A_1494 = vector.shape_cast %mul3A_1487 : vector<16xf32> to vector<1x1x16xf32>
          tpu.vector_store %arg10[%swap3A_1489, %swap3A_1490, %swap3A_1491], %swap3A_1494 {strides = array<i32>} : memref<2x128x128xf32, #tpu.memory_space<vmem>>, vector<1x1x16xf32>,
          %get3A_1495 = arith.constant 0 : i32
          %get3A_1496 = arith.index_cast %get3A_1495 : i32 to index
          %get3A_1497 = arith.index_cast %add3A_1387 : i32 to index
          %get3A_1498 = arith.constant 112 : index
          %get3A_1499 = tpu.vector_load %arg10[%get3A_1496, %get3A_1497, %get3A_1498] {strides = array<i32>} : memref<2x128x128xf32, #tpu.memory_space<vmem>>, vector<1x1x16xf32>,
          %get3A_1500 = vector.shape_cast %get3A_1499 : vector<1x1x16xf32> to vector<16xf32>
          %mul3A_1501 = vector.broadcast %squeeze3A_1389 : f32 to vector<16xf32>
          %mul3A_1502 = arith.mulf %get3A_1500, %mul3A_1501 : vector<16xf32>
          %swap3A_1503 = arith.constant 0 : i32
          %swap3A_1504 = arith.index_cast %swap3A_1503 : i32 to index
          %swap3A_1505 = arith.index_cast %add3A_1387 : i32 to index
          %swap3A_1506 = arith.constant 112 : index
          %swap3A_1507 = tpu.vector_load %arg10[%swap3A_1504, %swap3A_1505, %swap3A_1506] {strides = array<i32>} : memref<2x128x128xf32, #tpu.memory_space<vmem>>, vector<1x1x16xf32>,
          %swap3A_1508 = vector.shape_cast %swap3A_1507 : vector<1x1x16xf32> to vector<16xf32>
          %swap3A_1509 = vector.shape_cast %mul3A_1502 : vector<16xf32> to vector<1x1x16xf32>
          tpu.vector_store %arg10[%swap3A_1504, %swap3A_1505, %swap3A_1506], %swap3A_1509 {strides = array<i32>} : memref<2x128x128xf32, #tpu.memory_space<vmem>>, vector<1x1x16xf32>,
          %mul3A_1510 = arith.constant 16 : i32
          %mul3A_1511 = arith.muli %scan3A_120, %mul3A_1510 : i32
          %add3A_1512 = arith.constant 11 : i32
          %add3A_1513 = arith.addi %mul3A_1511, %add3A_1512 : i32
          %slice3A_1514 = vector.extract_strided_slice %get3A_126 {offsets = [11], sizes = [1], strides = [1]} : vector<16xf32> to vector<1xf32>
          %squeeze3A_1515 = vector.extract %slice3A_1514[0] : f32 from vector<1xf32>
          %get3A_1516 = arith.constant 0 : i32
          %get3A_1517 = arith.index_cast %get3A_1516 : i32 to index
          %get3A_1518 = arith.index_cast %add3A_1513 : i32 to index
          %get3A_1519 = arith.constant 0 : index
          %get3A_1520 = tpu.vector_load %arg10[%get3A_1517, %get3A_1518, %get3A_1519] {strides = array<i32>} : memref<2x128x128xf32, #tpu.memory_space<vmem>>, vector<1x1x16xf32>,
          %get3A_1521 = vector.shape_cast %get3A_1520 : vector<1x1x16xf32> to vector<16xf32>
          %mul3A_1522 = vector.broadcast %squeeze3A_1515 : f32 to vector<16xf32>
          %mul3A_1523 = arith.mulf %get3A_1521, %mul3A_1522 : vector<16xf32>
          %swap3A_1524 = arith.constant 0 : i32
          %swap3A_1525 = arith.index_cast %swap3A_1524 : i32 to index
          %swap3A_1526 = arith.index_cast %add3A_1513 : i32 to index
          %swap3A_1527 = arith.constant 0 : index
          %swap3A_1528 = tpu.vector_load %arg10[%swap3A_1525, %swap3A_1526, %swap3A_1527] {strides = array<i32>} : memref<2x128x128xf32, #tpu.memory_space<vmem>>, vector<1x1x16xf32>,
          %swap3A_1529 = vector.shape_cast %swap3A_1528 : vector<1x1x16xf32> to vector<16xf32>
          %swap3A_1530 = vector.shape_cast %mul3A_1523 : vector<16xf32> to vector<1x1x16xf32>
          tpu.vector_store %arg10[%swap3A_1525, %swap3A_1526, %swap3A_1527], %swap3A_1530 {strides = array<i32>} : memref<2x128x128xf32, #tpu.memory_space<vmem>>, vector<1x1x16xf32>,
          %get3A_1531 = arith.constant 0 : i32
          %get3A_1532 = arith.index_cast %get3A_1531 : i32 to index
          %get3A_1533 = arith.index_cast %add3A_1513 : i32 to index
          %get3A_1534 = arith.constant 16 : index
          %get3A_1535 = tpu.vector_load %arg10[%get3A_1532, %get3A_1533, %get3A_1534] {strides = array<i32>} : memref<2x128x128xf32, #tpu.memory_space<vmem>>, vector<1x1x16xf32>,
          %get3A_1536 = vector.shape_cast %get3A_1535 : vector<1x1x16xf32> to vector<16xf32>
          %mul3A_1537 = vector.broadcast %squeeze3A_1515 : f32 to vector<16xf32>
          %mul3A_1538 = arith.mulf %get3A_1536, %mul3A_1537 : vector<16xf32>
          %swap3A_1539 = arith.constant 0 : i32
          %swap3A_1540 = arith.index_cast %swap3A_1539 : i32 to index
          %swap3A_1541 = arith.index_cast %add3A_1513 : i32 to index
          %swap3A_1542 = arith.constant 16 : index
          %swap3A_1543 = tpu.vector_load %arg10[%swap3A_1540, %swap3A_1541, %swap3A_1542] {strides = array<i32>} : memref<2x128x128xf32, #tpu.memory_space<vmem>>, vector<1x1x16xf32>,
          %swap3A_1544 = vector.shape_cast %swap3A_1543 : vector<1x1x16xf32> to vector<16xf32>
          %swap3A_1545 = vector.shape_cast %mul3A_1538 : vector<16xf32> to vector<1x1x16xf32>
          tpu.vector_store %arg10[%swap3A_1540, %swap3A_1541, %swap3A_1542], %swap3A_1545 {strides = array<i32>} : memref<2x128x128xf32, #tpu.memory_space<vmem>>, vector<1x1x16xf32>,
          %get3A_1546 = arith.constant 0 : i32
          %get3A_1547 = arith.index_cast %get3A_1546 : i32 to index
          %get3A_1548 = arith.index_cast %add3A_1513 : i32 to index
          %get3A_1549 = arith.constant 32 : index
          %get3A_1550 = tpu.vector_load %arg10[%get3A_1547, %get3A_1548, %get3A_1549] {strides = array<i32>} : memref<2x128x128xf32, #tpu.memory_space<vmem>>, vector<1x1x16xf32>,
          %get3A_1551 = vector.shape_cast %get3A_1550 : vector<1x1x16xf32> to vector<16xf32>
          %mul3A_1552 = vector.broadcast %squeeze3A_1515 : f32 to vector<16xf32>
          %mul3A_1553 = arith.mulf %get3A_1551, %mul3A_1552 : vector<16xf32>
          %swap3A_1554 = arith.constant 0 : i32
          %swap3A_1555 = arith.index_cast %swap3A_1554 : i32 to index
          %swap3A_1556 = arith.index_cast %add3A_1513 : i32 to index
          %swap3A_1557 = arith.constant 32 : index
          %swap3A_1558 = tpu.vector_load %arg10[%swap3A_1555, %swap3A_1556, %swap3A_1557] {strides = array<i32>} : memref<2x128x128xf32, #tpu.memory_space<vmem>>, vector<1x1x16xf32>,
          %swap3A_1559 = vector.shape_cast %swap3A_1558 : vector<1x1x16xf32> to vector<16xf32>
          %swap3A_1560 = vector.shape_cast %mul3A_1553 : vector<16xf32> to vector<1x1x16xf32>
          tpu.vector_store %arg10[%swap3A_1555, %swap3A_1556, %swap3A_1557], %swap3A_1560 {strides = array<i32>} : memref<2x128x128xf32, #tpu.memory_space<vmem>>, vector<1x1x16xf32>,
          %get3A_1561 = arith.constant 0 : i32
          %get3A_1562 = arith.index_cast %get3A_1561 : i32 to index
          %get3A_1563 = arith.index_cast %add3A_1513 : i32 to index
          %get3A_1564 = arith.constant 48 : index
          %get3A_1565 = tpu.vector_load %arg10[%get3A_1562, %get3A_1563, %get3A_1564] {strides = array<i32>} : memref<2x128x128xf32, #tpu.memory_space<vmem>>, vector<1x1x16xf32>,
          %get3A_1566 = vector.shape_cast %get3A_1565 : vector<1x1x16xf32> to vector<16xf32>
          %mul3A_1567 = vector.broadcast %squeeze3A_1515 : f32 to vector<16xf32>
          %mul3A_1568 = arith.mulf %get3A_1566, %mul3A_1567 : vector<16xf32>
          %swap3A_1569 = arith.constant 0 : i32
          %swap3A_1570 = arith.index_cast %swap3A_1569 : i32 to index
          %swap3A_1571 = arith.index_cast %add3A_1513 : i32 to index
          %swap3A_1572 = arith.constant 48 : index
          %swap3A_1573 = tpu.vector_load %arg10[%swap3A_1570, %swap3A_1571, %swap3A_1572] {strides = array<i32>} : memref<2x128x128xf32, #tpu.memory_space<vmem>>, vector<1x1x16xf32>,
          %swap3A_1574 = vector.shape_cast %swap3A_1573 : vector<1x1x16xf32> to vector<16xf32>
          %swap3A_1575 = vector.shape_cast %mul3A_1568 : vector<16xf32> to vector<1x1x16xf32>
          tpu.vector_store %arg10[%swap3A_1570, %swap3A_1571, %swap3A_1572], %swap3A_1575 {strides = array<i32>} : memref<2x128x128xf32, #tpu.memory_space<vmem>>, vector<1x1x16xf32>,
          %get3A_1576 = arith.constant 0 : i32
          %get3A_1577 = arith.index_cast %get3A_1576 : i32 to index
          %get3A_1578 = arith.index_cast %add3A_1513 : i32 to index
          %get3A_1579 = arith.constant 64 : index
          %get3A_1580 = tpu.vector_load %arg10[%get3A_1577, %get3A_1578, %get3A_1579] {strides = array<i32>} : memref<2x128x128xf32, #tpu.memory_space<vmem>>, vector<1x1x16xf32>,
          %get3A_1581 = vector.shape_cast %get3A_1580 : vector<1x1x16xf32> to vector<16xf32>
          %mul3A_1582 = vector.broadcast %squeeze3A_1515 : f32 to vector<16xf32>
          %mul3A_1583 = arith.mulf %get3A_1581, %mul3A_1582 : vector<16xf32>
          %swap3A_1584 = arith.constant 0 : i32
          %swap3A_1585 = arith.index_cast %swap3A_1584 : i32 to index
          %swap3A_1586 = arith.index_cast %add3A_1513 : i32 to index
          %swap3A_1587 = arith.constant 64 : index
          %swap3A_1588 = tpu.vector_load %arg10[%swap3A_1585, %swap3A_1586, %swap3A_1587] {strides = array<i32>} : memref<2x128x128xf32, #tpu.memory_space<vmem>>, vector<1x1x16xf32>,
          %swap3A_1589 = vector.shape_cast %swap3A_1588 : vector<1x1x16xf32> to vector<16xf32>
          %swap3A_1590 = vector.shape_cast %mul3A_1583 : vector<16xf32> to vector<1x1x16xf32>
          tpu.vector_store %arg10[%swap3A_1585, %swap3A_1586, %swap3A_1587], %swap3A_1590 {strides = array<i32>} : memref<2x128x128xf32, #tpu.memory_space<vmem>>, vector<1x1x16xf32>,
          %get3A_1591 = arith.constant 0 : i32
          %get3A_1592 = arith.index_cast %get3A_1591 : i32 to index
          %get3A_1593 = arith.index_cast %add3A_1513 : i32 to index
          %get3A_1594 = arith.constant 80 : index
          %get3A_1595 = tpu.vector_load %arg10[%get3A_1592, %get3A_1593, %get3A_1594] {strides = array<i32>} : memref<2x128x128xf32, #tpu.memory_space<vmem>>, vector<1x1x16xf32>,
          %get3A_1596 = vector.shape_cast %get3A_1595 : vector<1x1x16xf32> to vector<16xf32>
          %mul3A_1597 = vector.broadcast %squeeze3A_1515 : f32 to vector<16xf32>
          %mul3A_1598 = arith.mulf %get3A_1596, %mul3A_1597 : vector<16xf32>
          %swap3A_1599 = arith.constant 0 : i32
          %swap3A_1600 = arith.index_cast %swap3A_1599 : i32 to index
          %swap3A_1601 = arith.index_cast %add3A_1513 : i32 to index
          %swap3A_1602 = arith.constant 80 : index
          %swap3A_1603 = tpu.vector_load %arg10[%swap3A_1600, %swap3A_1601, %swap3A_1602] {strides = array<i32>} : memref<2x128x128xf32, #tpu.memory_space<vmem>>, vector<1x1x16xf32>,
          %swap3A_1604 = vector.shape_cast %swap3A_1603 : vector<1x1x16xf32> to vector<16xf32>
          %swap3A_1605 = vector.shape_cast %mul3A_1598 : vector<16xf32> to vector<1x1x16xf32>
          tpu.vector_store %arg10[%swap3A_1600, %swap3A_1601, %swap3A_1602], %swap3A_1605 {strides = array<i32>} : memref<2x128x128xf32, #tpu.memory_space<vmem>>, vector<1x1x16xf32>,
          %get3A_1606 = arith.constant 0 : i32
          %get3A_1607 = arith.index_cast %get3A_1606 : i32 to index
          %get3A_1608 = arith.index_cast %add3A_1513 : i32 to index
          %get3A_1609 = arith.constant 96 : index
          %get3A_1610 = tpu.vector_load %arg10[%get3A_1607, %get3A_1608, %get3A_1609] {strides = array<i32>} : memref<2x128x128xf32, #tpu.memory_space<vmem>>, vector<1x1x16xf32>,
          %get3A_1611 = vector.shape_cast %get3A_1610 : vector<1x1x16xf32> to vector<16xf32>
          %mul3A_1612 = vector.broadcast %squeeze3A_1515 : f32 to vector<16xf32>
          %mul3A_1613 = arith.mulf %get3A_1611, %mul3A_1612 : vector<16xf32>
          %swap3A_1614 = arith.constant 0 : i32
          %swap3A_1615 = arith.index_cast %swap3A_1614 : i32 to index
          %swap3A_1616 = arith.index_cast %add3A_1513 : i32 to index
          %swap3A_1617 = arith.constant 96 : index
          %swap3A_1618 = tpu.vector_load %arg10[%swap3A_1615, %swap3A_1616, %swap3A_1617] {strides = array<i32>} : memref<2x128x128xf32, #tpu.memory_space<vmem>>, vector<1x1x16xf32>,
          %swap3A_1619 = vector.shape_cast %swap3A_1618 : vector<1x1x16xf32> to vector<16xf32>
          %swap3A_1620 = vector.shape_cast %mul3A_1613 : vector<16xf32> to vector<1x1x16xf32>
          tpu.vector_store %arg10[%swap3A_1615, %swap3A_1616, %swap3A_1617], %swap3A_1620 {strides = array<i32>} : memref<2x128x128xf32, #tpu.memory_space<vmem>>, vector<1x1x16xf32>,
          %get3A_1621 = arith.constant 0 : i32
          %get3A_1622 = arith.index_cast %get3A_1621 : i32 to index
          %get3A_1623 = arith.index_cast %add3A_1513 : i32 to index
          %get3A_1624 = arith.constant 112 : index
          %get3A_1625 = tpu.vector_load %arg10[%get3A_1622, %get3A_1623, %get3A_1624] {strides = array<i32>} : memref<2x128x128xf32, #tpu.memory_space<vmem>>, vector<1x1x16xf32>,
          %get3A_1626 = vector.shape_cast %get3A_1625 : vector<1x1x16xf32> to vector<16xf32>
          %mul3A_1627 = vector.broadcast %squeeze3A_1515 : f32 to vector<16xf32>
          %mul3A_1628 = arith.mulf %get3A_1626, %mul3A_1627 : vector<16xf32>
          %swap3A_1629 = arith.constant 0 : i32
          %swap3A_1630 = arith.index_cast %swap3A_1629 : i32 to index
          %swap3A_1631 = arith.index_cast %add3A_1513 : i32 to index
          %swap3A_1632 = arith.constant 112 : index
          %swap3A_1633 = tpu.vector_load %arg10[%swap3A_1630, %swap3A_1631, %swap3A_1632] {strides = array<i32>} : memref<2x128x128xf32, #tpu.memory_space<vmem>>, vector<1x1x16xf32>,
          %swap3A_1634 = vector.shape_cast %swap3A_1633 : vector<1x1x16xf32> to vector<16xf32>
          %swap3A_1635 = vector.shape_cast %mul3A_1628 : vector<16xf32> to vector<1x1x16xf32>
          tpu.vector_store %arg10[%swap3A_1630, %swap3A_1631, %swap3A_1632], %swap3A_1635 {strides = array<i32>} : memref<2x128x128xf32, #tpu.memory_space<vmem>>, vector<1x1x16xf32>,
          %mul3A_1636 = arith.constant 16 : i32
          %mul3A_1637 = arith.muli %scan3A_120, %mul3A_1636 : i32
          %add3A_1638 = arith.constant 12 : i32
          %add3A_1639 = arith.addi %mul3A_1637, %add3A_1638 : i32
          %slice3A_1640 = vector.extract_strided_slice %get3A_126 {offsets = [12], sizes = [1], strides = [1]} : vector<16xf32> to vector<1xf32>
          %squeeze3A_1641 = vector.extract %slice3A_1640[0] : f32 from vector<1xf32>
          %get3A_1642 = arith.constant 0 : i32
          %get3A_1643 = arith.index_cast %get3A_1642 : i32 to index
          %get3A_1644 = arith.index_cast %add3A_1639 : i32 to index
          %get3A_1645 = arith.constant 0 : index
          %get3A_1646 = tpu.vector_load %arg10[%get3A_1643, %get3A_1644, %get3A_1645] {strides = array<i32>} : memref<2x128x128xf32, #tpu.memory_space<vmem>>, vector<1x1x16xf32>,
          %get3A_1647 = vector.shape_cast %get3A_1646 : vector<1x1x16xf32> to vector<16xf32>
          %mul3A_1648 = vector.broadcast %squeeze3A_1641 : f32 to vector<16xf32>
          %mul3A_1649 = arith.mulf %get3A_1647, %mul3A_1648 : vector<16xf32>
          %swap3A_1650 = arith.constant 0 : i32
          %swap3A_1651 = arith.index_cast %swap3A_1650 : i32 to index
          %swap3A_1652 = arith.index_cast %add3A_1639 : i32 to index
          %swap3A_1653 = arith.constant 0 : index
          %swap3A_1654 = tpu.vector_load %arg10[%swap3A_1651, %swap3A_1652, %swap3A_1653] {strides = array<i32>} : memref<2x128x128xf32, #tpu.memory_space<vmem>>, vector<1x1x16xf32>,
          %swap3A_1655 = vector.shape_cast %swap3A_1654 : vector<1x1x16xf32> to vector<16xf32>
          %swap3A_1656 = vector.shape_cast %mul3A_1649 : vector<16xf32> to vector<1x1x16xf32>
          tpu.vector_store %arg10[%swap3A_1651, %swap3A_1652, %swap3A_1653], %swap3A_1656 {strides = array<i32>} : memref<2x128x128xf32, #tpu.memory_space<vmem>>, vector<1x1x16xf32>,
          %get3A_1657 = arith.constant 0 : i32
          %get3A_1658 = arith.index_cast %get3A_1657 : i32 to index
          %get3A_1659 = arith.index_cast %add3A_1639 : i32 to index
          %get3A_1660 = arith.constant 16 : index
          %get3A_1661 = tpu.vector_load %arg10[%get3A_1658, %get3A_1659, %get3A_1660] {strides = array<i32>} : memref<2x128x128xf32, #tpu.memory_space<vmem>>, vector<1x1x16xf32>,
          %get3A_1662 = vector.shape_cast %get3A_1661 : vector<1x1x16xf32> to vector<16xf32>
          %mul3A_1663 = vector.broadcast %squeeze3A_1641 : f32 to vector<16xf32>
          %mul3A_1664 = arith.mulf %get3A_1662, %mul3A_1663 : vector<16xf32>
          %swap3A_1665 = arith.constant 0 : i32
          %swap3A_1666 = arith.index_cast %swap3A_1665 : i32 to index
          %swap3A_1667 = arith.index_cast %add3A_1639 : i32 to index
          %swap3A_1668 = arith.constant 16 : index
          %swap3A_1669 = tpu.vector_load %arg10[%swap3A_1666, %swap3A_1667, %swap3A_1668] {strides = array<i32>} : memref<2x128x128xf32, #tpu.memory_space<vmem>>, vector<1x1x16xf32>,
          %swap3A_1670 = vector.shape_cast %swap3A_1669 : vector<1x1x16xf32> to vector<16xf32>
          %swap3A_1671 = vector.shape_cast %mul3A_1664 : vector<16xf32> to vector<1x1x16xf32>
          tpu.vector_store %arg10[%swap3A_1666, %swap3A_1667, %swap3A_1668], %swap3A_1671 {strides = array<i32>} : memref<2x128x128xf32, #tpu.memory_space<vmem>>, vector<1x1x16xf32>,
          %get3A_1672 = arith.constant 0 : i32
          %get3A_1673 = arith.index_cast %get3A_1672 : i32 to index
          %get3A_1674 = arith.index_cast %add3A_1639 : i32 to index
          %get3A_1675 = arith.constant 32 : index
          %get3A_1676 = tpu.vector_load %arg10[%get3A_1673, %get3A_1674, %get3A_1675] {strides = array<i32>} : memref<2x128x128xf32, #tpu.memory_space<vmem>>, vector<1x1x16xf32>,
          %get3A_1677 = vector.shape_cast %get3A_1676 : vector<1x1x16xf32> to vector<16xf32>
          %mul3A_1678 = vector.broadcast %squeeze3A_1641 : f32 to vector<16xf32>
          %mul3A_1679 = arith.mulf %get3A_1677, %mul3A_1678 : vector<16xf32>
          %swap3A_1680 = arith.constant 0 : i32
          %swap3A_1681 = arith.index_cast %swap3A_1680 : i32 to index
          %swap3A_1682 = arith.index_cast %add3A_1639 : i32 to index
          %swap3A_1683 = arith.constant 32 : index
          %swap3A_1684 = tpu.vector_load %arg10[%swap3A_1681, %swap3A_1682, %swap3A_1683] {strides = array<i32>} : memref<2x128x128xf32, #tpu.memory_space<vmem>>, vector<1x1x16xf32>,
          %swap3A_1685 = vector.shape_cast %swap3A_1684 : vector<1x1x16xf32> to vector<16xf32>
          %swap3A_1686 = vector.shape_cast %mul3A_1679 : vector<16xf32> to vector<1x1x16xf32>
          tpu.vector_store %arg10[%swap3A_1681, %swap3A_1682, %swap3A_1683], %swap3A_1686 {strides = array<i32>} : memref<2x128x128xf32, #tpu.memory_space<vmem>>, vector<1x1x16xf32>,
          %get3A_1687 = arith.constant 0 : i32
          %get3A_1688 = arith.index_cast %get3A_1687 : i32 to index
          %get3A_1689 = arith.index_cast %add3A_1639 : i32 to index
          %get3A_1690 = arith.constant 48 : index
          %get3A_1691 = tpu.vector_load %arg10[%get3A_1688, %get3A_1689, %get3A_1690] {strides = array<i32>} : memref<2x128x128xf32, #tpu.memory_space<vmem>>, vector<1x1x16xf32>,
          %get3A_1692 = vector.shape_cast %get3A_1691 : vector<1x1x16xf32> to vector<16xf32>
          %mul3A_1693 = vector.broadcast %squeeze3A_1641 : f32 to vector<16xf32>
          %mul3A_1694 = arith.mulf %get3A_1692, %mul3A_1693 : vector<16xf32>
          %swap3A_1695 = arith.constant 0 : i32
          %swap3A_1696 = arith.index_cast %swap3A_1695 : i32 to index
          %swap3A_1697 = arith.index_cast %add3A_1639 : i32 to index
          %swap3A_1698 = arith.constant 48 : index
          %swap3A_1699 = tpu.vector_load %arg10[%swap3A_1696, %swap3A_1697, %swap3A_1698] {strides = array<i32>} : memref<2x128x128xf32, #tpu.memory_space<vmem>>, vector<1x1x16xf32>,
          %swap3A_1700 = vector.shape_cast %swap3A_1699 : vector<1x1x16xf32> to vector<16xf32>
          %swap3A_1701 = vector.shape_cast %mul3A_1694 : vector<16xf32> to vector<1x1x16xf32>
          tpu.vector_store %arg10[%swap3A_1696, %swap3A_1697, %swap3A_1698], %swap3A_1701 {strides = array<i32>} : memref<2x128x128xf32, #tpu.memory_space<vmem>>, vector<1x1x16xf32>,
          %get3A_1702 = arith.constant 0 : i32
          %get3A_1703 = arith.index_cast %get3A_1702 : i32 to index
          %get3A_1704 = arith.index_cast %add3A_1639 : i32 to index
          %get3A_1705 = arith.constant 64 : index
          %get3A_1706 = tpu.vector_load %arg10[%get3A_1703, %get3A_1704, %get3A_1705] {strides = array<i32>} : memref<2x128x128xf32, #tpu.memory_space<vmem>>, vector<1x1x16xf32>,
          %get3A_1707 = vector.shape_cast %get3A_1706 : vector<1x1x16xf32> to vector<16xf32>
          %mul3A_1708 = vector.broadcast %squeeze3A_1641 : f32 to vector<16xf32>
          %mul3A_1709 = arith.mulf %get3A_1707, %mul3A_1708 : vector<16xf32>
          %swap3A_1710 = arith.constant 0 : i32
          %swap3A_1711 = arith.index_cast %swap3A_1710 : i32 to index
          %swap3A_1712 = arith.index_cast %add3A_1639 : i32 to index
          %swap3A_1713 = arith.constant 64 : index
          %swap3A_1714 = tpu.vector_load %arg10[%swap3A_1711, %swap3A_1712, %swap3A_1713] {strides = array<i32>} : memref<2x128x128xf32, #tpu.memory_space<vmem>>, vector<1x1x16xf32>,
          %swap3A_1715 = vector.shape_cast %swap3A_1714 : vector<1x1x16xf32> to vector<16xf32>
          %swap3A_1716 = vector.shape_cast %mul3A_1709 : vector<16xf32> to vector<1x1x16xf32>
          tpu.vector_store %arg10[%swap3A_1711, %swap3A_1712, %swap3A_1713], %swap3A_1716 {strides = array<i32>} : memref<2x128x128xf32, #tpu.memory_space<vmem>>, vector<1x1x16xf32>,
          %get3A_1717 = arith.constant 0 : i32
          %get3A_1718 = arith.index_cast %get3A_1717 : i32 to index
          %get3A_1719 = arith.index_cast %add3A_1639 : i32 to index
          %get3A_1720 = arith.constant 80 : index
          %get3A_1721 = tpu.vector_load %arg10[%get3A_1718, %get3A_1719, %get3A_1720] {strides = array<i32>} : memref<2x128x128xf32, #tpu.memory_space<vmem>>, vector<1x1x16xf32>,
          %get3A_1722 = vector.shape_cast %get3A_1721 : vector<1x1x16xf32> to vector<16xf32>
          %mul3A_1723 = vector.broadcast %squeeze3A_1641 : f32 to vector<16xf32>
          %mul3A_1724 = arith.mulf %get3A_1722, %mul3A_1723 : vector<16xf32>
          %swap3A_1725 = arith.constant 0 : i32
          %swap3A_1726 = arith.index_cast %swap3A_1725 : i32 to index
          %swap3A_1727 = arith.index_cast %add3A_1639 : i32 to index
          %swap3A_1728 = arith.constant 80 : index
          %swap3A_1729 = tpu.vector_load %arg10[%swap3A_1726, %swap3A_1727, %swap3A_1728] {strides = array<i32>} : memref<2x128x128xf32, #tpu.memory_space<vmem>>, vector<1x1x16xf32>,
          %swap3A_1730 = vector.shape_cast %swap3A_1729 : vector<1x1x16xf32> to vector<16xf32>
          %swap3A_1731 = vector.shape_cast %mul3A_1724 : vector<16xf32> to vector<1x1x16xf32>
          tpu.vector_store %arg10[%swap3A_1726, %swap3A_1727, %swap3A_1728], %swap3A_1731 {strides = array<i32>} : memref<2x128x128xf32, #tpu.memory_space<vmem>>, vector<1x1x16xf32>,
          %get3A_1732 = arith.constant 0 : i32
          %get3A_1733 = arith.index_cast %get3A_1732 : i32 to index
          %get3A_1734 = arith.index_cast %add3A_1639 : i32 to index
          %get3A_1735 = arith.constant 96 : index
          %get3A_1736 = tpu.vector_load %arg10[%get3A_1733, %get3A_1734, %get3A_1735] {strides = array<i32>} : memref<2x128x128xf32, #tpu.memory_space<vmem>>, vector<1x1x16xf32>,
          %get3A_1737 = vector.shape_cast %get3A_1736 : vector<1x1x16xf32> to vector<16xf32>
          %mul3A_1738 = vector.broadcast %squeeze3A_1641 : f32 to vector<16xf32>
          %mul3A_1739 = arith.mulf %get3A_1737, %mul3A_1738 : vector<16xf32>
          %swap3A_1740 = arith.constant 0 : i32
          %swap3A_1741 = arith.index_cast %swap3A_1740 : i32 to index
          %swap3A_1742 = arith.index_cast %add3A_1639 : i32 to index
          %swap3A_1743 = arith.constant 96 : index
          %swap3A_1744 = tpu.vector_load %arg10[%swap3A_1741, %swap3A_1742, %swap3A_1743] {strides = array<i32>} : memref<2x128x128xf32, #tpu.memory_space<vmem>>, vector<1x1x16xf32>,
          %swap3A_1745 = vector.shape_cast %swap3A_1744 : vector<1x1x16xf32> to vector<16xf32>
          %swap3A_1746 = vector.shape_cast %mul3A_1739 : vector<16xf32> to vector<1x1x16xf32>
          tpu.vector_store %arg10[%swap3A_1741, %swap3A_1742, %swap3A_1743], %swap3A_1746 {strides = array<i32>} : memref<2x128x128xf32, #tpu.memory_space<vmem>>, vector<1x1x16xf32>,
          %get3A_1747 = arith.constant 0 : i32
          %get3A_1748 = arith.index_cast %get3A_1747 : i32 to index
          %get3A_1749 = arith.index_cast %add3A_1639 : i32 to index
          %get3A_1750 = arith.constant 112 : index
          %get3A_1751 = tpu.vector_load %arg10[%get3A_1748, %get3A_1749, %get3A_1750] {strides = array<i32>} : memref<2x128x128xf32, #tpu.memory_space<vmem>>, vector<1x1x16xf32>,
          %get3A_1752 = vector.shape_cast %get3A_1751 : vector<1x1x16xf32> to vector<16xf32>
          %mul3A_1753 = vector.broadcast %squeeze3A_1641 : f32 to vector<16xf32>
          %mul3A_1754 = arith.mulf %get3A_1752, %mul3A_1753 : vector<16xf32>
          %swap3A_1755 = arith.constant 0 : i32
          %swap3A_1756 = arith.index_cast %swap3A_1755 : i32 to index
          %swap3A_1757 = arith.index_cast %add3A_1639 : i32 to index
          %swap3A_1758 = arith.constant 112 : index
          %swap3A_1759 = tpu.vector_load %arg10[%swap3A_1756, %swap3A_1757, %swap3A_1758] {strides = array<i32>} : memref<2x128x128xf32, #tpu.memory_space<vmem>>, vector<1x1x16xf32>,
          %swap3A_1760 = vector.shape_cast %swap3A_1759 : vector<1x1x16xf32> to vector<16xf32>
          %swap3A_1761 = vector.shape_cast %mul3A_1754 : vector<16xf32> to vector<1x1x16xf32>
          tpu.vector_store %arg10[%swap3A_1756, %swap3A_1757, %swap3A_1758], %swap3A_1761 {strides = array<i32>} : memref<2x128x128xf32, #tpu.memory_space<vmem>>, vector<1x1x16xf32>,
          %mul3A_1762 = arith.constant 16 : i32
          %mul3A_1763 = arith.muli %scan3A_120, %mul3A_1762 : i32
          %add3A_1764 = arith.constant 13 : i32
          %add3A_1765 = arith.addi %mul3A_1763, %add3A_1764 : i32
          %slice3A_1766 = vector.extract_strided_slice %get3A_126 {offsets = [13], sizes = [1], strides = [1]} : vector<16xf32> to vector<1xf32>
          %squeeze3A_1767 = vector.extract %slice3A_1766[0] : f32 from vector<1xf32>
          %get3A_1768 = arith.constant 0 : i32
          %get3A_1769 = arith.index_cast %get3A_1768 : i32 to index
          %get3A_1770 = arith.index_cast %add3A_1765 : i32 to index
          %get3A_1771 = arith.constant 0 : index
          %get3A_1772 = tpu.vector_load %arg10[%get3A_1769, %get3A_1770, %get3A_1771] {strides = array<i32>} : memref<2x128x128xf32, #tpu.memory_space<vmem>>, vector<1x1x16xf32>,
          %get3A_1773 = vector.shape_cast %get3A_1772 : vector<1x1x16xf32> to vector<16xf32>
          %mul3A_1774 = vector.broadcast %squeeze3A_1767 : f32 to vector<16xf32>
          %mul3A_1775 = arith.mulf %get3A_1773, %mul3A_1774 : vector<16xf32>
          %swap3A_1776 = arith.constant 0 : i32
          %swap3A_1777 = arith.index_cast %swap3A_1776 : i32 to index
          %swap3A_1778 = arith.index_cast %add3A_1765 : i32 to index
          %swap3A_1779 = arith.constant 0 : index
          %swap3A_1780 = tpu.vector_load %arg10[%swap3A_1777, %swap3A_1778, %swap3A_1779] {strides = array<i32>} : memref<2x128x128xf32, #tpu.memory_space<vmem>>, vector<1x1x16xf32>,
          %swap3A_1781 = vector.shape_cast %swap3A_1780 : vector<1x1x16xf32> to vector<16xf32>
          %swap3A_1782 = vector.shape_cast %mul3A_1775 : vector<16xf32> to vector<1x1x16xf32>
          tpu.vector_store %arg10[%swap3A_1777, %swap3A_1778, %swap3A_1779], %swap3A_1782 {strides = array<i32>} : memref<2x128x128xf32, #tpu.memory_space<vmem>>, vector<1x1x16xf32>,
          %get3A_1783 = arith.constant 0 : i32
          %get3A_1784 = arith.index_cast %get3A_1783 : i32 to index
          %get3A_1785 = arith.index_cast %add3A_1765 : i32 to index
          %get3A_1786 = arith.constant 16 : index
          %get3A_1787 = tpu.vector_load %arg10[%get3A_1784, %get3A_1785, %get3A_1786] {strides = array<i32>} : memref<2x128x128xf32, #tpu.memory_space<vmem>>, vector<1x1x16xf32>,
          %get3A_1788 = vector.shape_cast %get3A_1787 : vector<1x1x16xf32> to vector<16xf32>
          %mul3A_1789 = vector.broadcast %squeeze3A_1767 : f32 to vector<16xf32>
          %mul3A_1790 = arith.mulf %get3A_1788, %mul3A_1789 : vector<16xf32>
          %swap3A_1791 = arith.constant 0 : i32
          %swap3A_1792 = arith.index_cast %swap3A_1791 : i32 to index
          %swap3A_1793 = arith.index_cast %add3A_1765 : i32 to index
          %swap3A_1794 = arith.constant 16 : index
          %swap3A_1795 = tpu.vector_load %arg10[%swap3A_1792, %swap3A_1793, %swap3A_1794] {strides = array<i32>} : memref<2x128x128xf32, #tpu.memory_space<vmem>>, vector<1x1x16xf32>,
          %swap3A_1796 = vector.shape_cast %swap3A_1795 : vector<1x1x16xf32> to vector<16xf32>
          %swap3A_1797 = vector.shape_cast %mul3A_1790 : vector<16xf32> to vector<1x1x16xf32>
          tpu.vector_store %arg10[%swap3A_1792, %swap3A_1793, %swap3A_1794], %swap3A_1797 {strides = array<i32>} : memref<2x128x128xf32, #tpu.memory_space<vmem>>, vector<1x1x16xf32>,
          %get3A_1798 = arith.constant 0 : i32
          %get3A_1799 = arith.index_cast %get3A_1798 : i32 to index
          %get3A_1800 = arith.index_cast %add3A_1765 : i32 to index
          %get3A_1801 = arith.constant 32 : index
          %get3A_1802 = tpu.vector_load %arg10[%get3A_1799, %get3A_1800, %get3A_1801] {strides = array<i32>} : memref<2x128x128xf32, #tpu.memory_space<vmem>>, vector<1x1x16xf32>,
          %get3A_1803 = vector.shape_cast %get3A_1802 : vector<1x1x16xf32> to vector<16xf32>
          %mul3A_1804 = vector.broadcast %squeeze3A_1767 : f32 to vector<16xf32>
          %mul3A_1805 = arith.mulf %get3A_1803, %mul3A_1804 : vector<16xf32>
          %swap3A_1806 = arith.constant 0 : i32
          %swap3A_1807 = arith.index_cast %swap3A_1806 : i32 to index
          %swap3A_1808 = arith.index_cast %add3A_1765 : i32 to index
          %swap3A_1809 = arith.constant 32 : index
          %swap3A_1810 = tpu.vector_load %arg10[%swap3A_1807, %swap3A_1808, %swap3A_1809] {strides = array<i32>} : memref<2x128x128xf32, #tpu.memory_space<vmem>>, vector<1x1x16xf32>,
          %swap3A_1811 = vector.shape_cast %swap3A_1810 : vector<1x1x16xf32> to vector<16xf32>
          %swap3A_1812 = vector.shape_cast %mul3A_1805 : vector<16xf32> to vector<1x1x16xf32>
          tpu.vector_store %arg10[%swap3A_1807, %swap3A_1808, %swap3A_1809], %swap3A_1812 {strides = array<i32>} : memref<2x128x128xf32, #tpu.memory_space<vmem>>, vector<1x1x16xf32>,
          %get3A_1813 = arith.constant 0 : i32
          %get3A_1814 = arith.index_cast %get3A_1813 : i32 to index
          %get3A_1815 = arith.index_cast %add3A_1765 : i32 to index
          %get3A_1816 = arith.constant 48 : index
          %get3A_1817 = tpu.vector_load %arg10[%get3A_1814, %get3A_1815, %get3A_1816] {strides = array<i32>} : memref<2x128x128xf32, #tpu.memory_space<vmem>>, vector<1x1x16xf32>,
          %get3A_1818 = vector.shape_cast %get3A_1817 : vector<1x1x16xf32> to vector<16xf32>
          %mul3A_1819 = vector.broadcast %squeeze3A_1767 : f32 to vector<16xf32>
          %mul3A_1820 = arith.mulf %get3A_1818, %mul3A_1819 : vector<16xf32>
          %swap3A_1821 = arith.constant 0 : i32
          %swap3A_1822 = arith.index_cast %swap3A_1821 : i32 to index
          %swap3A_1823 = arith.index_cast %add3A_1765 : i32 to index
          %swap3A_1824 = arith.constant 48 : index
          %swap3A_1825 = tpu.vector_load %arg10[%swap3A_1822, %swap3A_1823, %swap3A_1824] {strides = array<i32>} : memref<2x128x128xf32, #tpu.memory_space<vmem>>, vector<1x1x16xf32>,
          %swap3A_1826 = vector.shape_cast %swap3A_1825 : vector<1x1x16xf32> to vector<16xf32>
          %swap3A_1827 = vector.shape_cast %mul3A_1820 : vector<16xf32> to vector<1x1x16xf32>
          tpu.vector_store %arg10[%swap3A_1822, %swap3A_1823, %swap3A_1824], %swap3A_1827 {strides = array<i32>} : memref<2x128x128xf32, #tpu.memory_space<vmem>>, vector<1x1x16xf32>,
          %get3A_1828 = arith.constant 0 : i32
          %get3A_1829 = arith.index_cast %get3A_1828 : i32 to index
          %get3A_1830 = arith.index_cast %add3A_1765 : i32 to index
          %get3A_1831 = arith.constant 64 : index
          %get3A_1832 = tpu.vector_load %arg10[%get3A_1829, %get3A_1830, %get3A_1831] {strides = array<i32>} : memref<2x128x128xf32, #tpu.memory_space<vmem>>, vector<1x1x16xf32>,
          %get3A_1833 = vector.shape_cast %get3A_1832 : vector<1x1x16xf32> to vector<16xf32>
          %mul3A_1834 = vector.broadcast %squeeze3A_1767 : f32 to vector<16xf32>
          %mul3A_1835 = arith.mulf %get3A_1833, %mul3A_1834 : vector<16xf32>
          %swap3A_1836 = arith.constant 0 : i32
          %swap3A_1837 = arith.index_cast %swap3A_1836 : i32 to index
          %swap3A_1838 = arith.index_cast %add3A_1765 : i32 to index
          %swap3A_1839 = arith.constant 64 : index
          %swap3A_1840 = tpu.vector_load %arg10[%swap3A_1837, %swap3A_1838, %swap3A_1839] {strides = array<i32>} : memref<2x128x128xf32, #tpu.memory_space<vmem>>, vector<1x1x16xf32>,
          %swap3A_1841 = vector.shape_cast %swap3A_1840 : vector<1x1x16xf32> to vector<16xf32>
          %swap3A_1842 = vector.shape_cast %mul3A_1835 : vector<16xf32> to vector<1x1x16xf32>
          tpu.vector_store %arg10[%swap3A_1837, %swap3A_1838, %swap3A_1839], %swap3A_1842 {strides = array<i32>} : memref<2x128x128xf32, #tpu.memory_space<vmem>>, vector<1x1x16xf32>,
          %get3A_1843 = arith.constant 0 : i32
          %get3A_1844 = arith.index_cast %get3A_1843 : i32 to index
          %get3A_1845 = arith.index_cast %add3A_1765 : i32 to index
          %get3A_1846 = arith.constant 80 : index
          %get3A_1847 = tpu.vector_load %arg10[%get3A_1844, %get3A_1845, %get3A_1846] {strides = array<i32>} : memref<2x128x128xf32, #tpu.memory_space<vmem>>, vector<1x1x16xf32>,
          %get3A_1848 = vector.shape_cast %get3A_1847 : vector<1x1x16xf32> to vector<16xf32>
          %mul3A_1849 = vector.broadcast %squeeze3A_1767 : f32 to vector<16xf32>
          %mul3A_1850 = arith.mulf %get3A_1848, %mul3A_1849 : vector<16xf32>
          %swap3A_1851 = arith.constant 0 : i32
          %swap3A_1852 = arith.index_cast %swap3A_1851 : i32 to index
          %swap3A_1853 = arith.index_cast %add3A_1765 : i32 to index
          %swap3A_1854 = arith.constant 80 : index
          %swap3A_1855 = tpu.vector_load %arg10[%swap3A_1852, %swap3A_1853, %swap3A_1854] {strides = array<i32>} : memref<2x128x128xf32, #tpu.memory_space<vmem>>, vector<1x1x16xf32>,
          %swap3A_1856 = vector.shape_cast %swap3A_1855 : vector<1x1x16xf32> to vector<16xf32>
          %swap3A_1857 = vector.shape_cast %mul3A_1850 : vector<16xf32> to vector<1x1x16xf32>
          tpu.vector_store %arg10[%swap3A_1852, %swap3A_1853, %swap3A_1854], %swap3A_1857 {strides = array<i32>} : memref<2x128x128xf32, #tpu.memory_space<vmem>>, vector<1x1x16xf32>,
          %get3A_1858 = arith.constant 0 : i32
          %get3A_1859 = arith.index_cast %get3A_1858 : i32 to index
          %get3A_1860 = arith.index_cast %add3A_1765 : i32 to index
          %get3A_1861 = arith.constant 96 : index
          %get3A_1862 = tpu.vector_load %arg10[%get3A_1859, %get3A_1860, %get3A_1861] {strides = array<i32>} : memref<2x128x128xf32, #tpu.memory_space<vmem>>, vector<1x1x16xf32>,
          %get3A_1863 = vector.shape_cast %get3A_1862 : vector<1x1x16xf32> to vector<16xf32>
          %mul3A_1864 = vector.broadcast %squeeze3A_1767 : f32 to vector<16xf32>
          %mul3A_1865 = arith.mulf %get3A_1863, %mul3A_1864 : vector<16xf32>
          %swap3A_1866 = arith.constant 0 : i32
          %swap3A_1867 = arith.index_cast %swap3A_1866 : i32 to index
          %swap3A_1868 = arith.index_cast %add3A_1765 : i32 to index
          %swap3A_1869 = arith.constant 96 : index
          %swap3A_1870 = tpu.vector_load %arg10[%swap3A_1867, %swap3A_1868, %swap3A_1869] {strides = array<i32>} : memref<2x128x128xf32, #tpu.memory_space<vmem>>, vector<1x1x16xf32>,
          %swap3A_1871 = vector.shape_cast %swap3A_1870 : vector<1x1x16xf32> to vector<16xf32>
          %swap3A_1872 = vector.shape_cast %mul3A_1865 : vector<16xf32> to vector<1x1x16xf32>
          tpu.vector_store %arg10[%swap3A_1867, %swap3A_1868, %swap3A_1869], %swap3A_1872 {strides = array<i32>} : memref<2x128x128xf32, #tpu.memory_space<vmem>>, vector<1x1x16xf32>,
          %get3A_1873 = arith.constant 0 : i32
          %get3A_1874 = arith.index_cast %get3A_1873 : i32 to index
          %get3A_1875 = arith.index_cast %add3A_1765 : i32 to index
          %get3A_1876 = arith.constant 112 : index
          %get3A_1877 = tpu.vector_load %arg10[%get3A_1874, %get3A_1875, %get3A_1876] {strides = array<i32>} : memref<2x128x128xf32, #tpu.memory_space<vmem>>, vector<1x1x16xf32>,
          %get3A_1878 = vector.shape_cast %get3A_1877 : vector<1x1x16xf32> to vector<16xf32>
          %mul3A_1879 = vector.broadcast %squeeze3A_1767 : f32 to vector<16xf32>
          %mul3A_1880 = arith.mulf %get3A_1878, %mul3A_1879 : vector<16xf32>
          %swap3A_1881 = arith.constant 0 : i32
          %swap3A_1882 = arith.index_cast %swap3A_1881 : i32 to index
          %swap3A_1883 = arith.index_cast %add3A_1765 : i32 to index
          %swap3A_1884 = arith.constant 112 : index
          %swap3A_1885 = tpu.vector_load %arg10[%swap3A_1882, %swap3A_1883, %swap3A_1884] {strides = array<i32>} : memref<2x128x128xf32, #tpu.memory_space<vmem>>, vector<1x1x16xf32>,
          %swap3A_1886 = vector.shape_cast %swap3A_1885 : vector<1x1x16xf32> to vector<16xf32>
          %swap3A_1887 = vector.shape_cast %mul3A_1880 : vector<16xf32> to vector<1x1x16xf32>
          tpu.vector_store %arg10[%swap3A_1882, %swap3A_1883, %swap3A_1884], %swap3A_1887 {strides = array<i32>} : memref<2x128x128xf32, #tpu.memory_space<vmem>>, vector<1x1x16xf32>,
          %mul3A_1888 = arith.constant 16 : i32
          %mul3A_1889 = arith.muli %scan3A_120, %mul3A_1888 : i32
          %add3A_1890 = arith.constant 14 : i32
          %add3A_1891 = arith.addi %mul3A_1889, %add3A_1890 : i32
          %slice3A_1892 = vector.extract_strided_slice %get3A_126 {offsets = [14], sizes = [1], strides = [1]} : vector<16xf32> to vector<1xf32>
          %squeeze3A_1893 = vector.extract %slice3A_1892[0] : f32 from vector<1xf32>
          %get3A_1894 = arith.constant 0 : i32
          %get3A_1895 = arith.index_cast %get3A_1894 : i32 to index
          %get3A_1896 = arith.index_cast %add3A_1891 : i32 to index
          %get3A_1897 = arith.constant 0 : index
          %get3A_1898 = tpu.vector_load %arg10[%get3A_1895, %get3A_1896, %get3A_1897] {strides = array<i32>} : memref<2x128x128xf32, #tpu.memory_space<vmem>>, vector<1x1x16xf32>,
          %get3A_1899 = vector.shape_cast %get3A_1898 : vector<1x1x16xf32> to vector<16xf32>
          %mul3A_1900 = vector.broadcast %squeeze3A_1893 : f32 to vector<16xf32>
          %mul3A_1901 = arith.mulf %get3A_1899, %mul3A_1900 : vector<16xf32>
          %swap3A_1902 = arith.constant 0 : i32
          %swap3A_1903 = arith.index_cast %swap3A_1902 : i32 to index
          %swap3A_1904 = arith.index_cast %add3A_1891 : i32 to index
          %swap3A_1905 = arith.constant 0 : index
          %swap3A_1906 = tpu.vector_load %arg10[%swap3A_1903, %swap3A_1904, %swap3A_1905] {strides = array<i32>} : memref<2x128x128xf32, #tpu.memory_space<vmem>>, vector<1x1x16xf32>,
          %swap3A_1907 = vector.shape_cast %swap3A_1906 : vector<1x1x16xf32> to vector<16xf32>
          %swap3A_1908 = vector.shape_cast %mul3A_1901 : vector<16xf32> to vector<1x1x16xf32>
          tpu.vector_store %arg10[%swap3A_1903, %swap3A_1904, %swap3A_1905], %swap3A_1908 {strides = array<i32>} : memref<2x128x128xf32, #tpu.memory_space<vmem>>, vector<1x1x16xf32>,
          %get3A_1909 = arith.constant 0 : i32
          %get3A_1910 = arith.index_cast %get3A_1909 : i32 to index
          %get3A_1911 = arith.index_cast %add3A_1891 : i32 to index
          %get3A_1912 = arith.constant 16 : index
          %get3A_1913 = tpu.vector_load %arg10[%get3A_1910, %get3A_1911, %get3A_1912] {strides = array<i32>} : memref<2x128x128xf32, #tpu.memory_space<vmem>>, vector<1x1x16xf32>,
          %get3A_1914 = vector.shape_cast %get3A_1913 : vector<1x1x16xf32> to vector<16xf32>
          %mul3A_1915 = vector.broadcast %squeeze3A_1893 : f32 to vector<16xf32>
          %mul3A_1916 = arith.mulf %get3A_1914, %mul3A_1915 : vector<16xf32>
          %swap3A_1917 = arith.constant 0 : i32
          %swap3A_1918 = arith.index_cast %swap3A_1917 : i32 to index
          %swap3A_1919 = arith.index_cast %add3A_1891 : i32 to index
          %swap3A_1920 = arith.constant 16 : index
          %swap3A_1921 = tpu.vector_load %arg10[%swap3A_1918, %swap3A_1919, %swap3A_1920] {strides = array<i32>} : memref<2x128x128xf32, #tpu.memory_space<vmem>>, vector<1x1x16xf32>,
          %swap3A_1922 = vector.shape_cast %swap3A_1921 : vector<1x1x16xf32> to vector<16xf32>
          %swap3A_1923 = vector.shape_cast %mul3A_1916 : vector<16xf32> to vector<1x1x16xf32>
          tpu.vector_store %arg10[%swap3A_1918, %swap3A_1919, %swap3A_1920], %swap3A_1923 {strides = array<i32>} : memref<2x128x128xf32, #tpu.memory_space<vmem>>, vector<1x1x16xf32>,
          %get3A_1924 = arith.constant 0 : i32
          %get3A_1925 = arith.index_cast %get3A_1924 : i32 to index
          %get3A_1926 = arith.index_cast %add3A_1891 : i32 to index
          %get3A_1927 = arith.constant 32 : index
          %get3A_1928 = tpu.vector_load %arg10[%get3A_1925, %get3A_1926, %get3A_1927] {strides = array<i32>} : memref<2x128x128xf32, #tpu.memory_space<vmem>>, vector<1x1x16xf32>,
          %get3A_1929 = vector.shape_cast %get3A_1928 : vector<1x1x16xf32> to vector<16xf32>
          %mul3A_1930 = vector.broadcast %squeeze3A_1893 : f32 to vector<16xf32>
          %mul3A_1931 = arith.mulf %get3A_1929, %mul3A_1930 : vector<16xf32>
          %swap3A_1932 = arith.constant 0 : i32
          %swap3A_1933 = arith.index_cast %swap3A_1932 : i32 to index
          %swap3A_1934 = arith.index_cast %add3A_1891 : i32 to index
          %swap3A_1935 = arith.constant 32 : index
          %swap3A_1936 = tpu.vector_load %arg10[%swap3A_1933, %swap3A_1934, %swap3A_1935] {strides = array<i32>} : memref<2x128x128xf32, #tpu.memory_space<vmem>>, vector<1x1x16xf32>,
          %swap3A_1937 = vector.shape_cast %swap3A_1936 : vector<1x1x16xf32> to vector<16xf32>
          %swap3A_1938 = vector.shape_cast %mul3A_1931 : vector<16xf32> to vector<1x1x16xf32>
          tpu.vector_store %arg10[%swap3A_1933, %swap3A_1934, %swap3A_1935], %swap3A_1938 {strides = array<i32>} : memref<2x128x128xf32, #tpu.memory_space<vmem>>, vector<1x1x16xf32>,
          %get3A_1939 = arith.constant 0 : i32
          %get3A_1940 = arith.index_cast %get3A_1939 : i32 to index
          %get3A_1941 = arith.index_cast %add3A_1891 : i32 to index
          %get3A_1942 = arith.constant 48 : index
          %get3A_1943 = tpu.vector_load %arg10[%get3A_1940, %get3A_1941, %get3A_1942] {strides = array<i32>} : memref<2x128x128xf32, #tpu.memory_space<vmem>>, vector<1x1x16xf32>,
          %get3A_1944 = vector.shape_cast %get3A_1943 : vector<1x1x16xf32> to vector<16xf32>
          %mul3A_1945 = vector.broadcast %squeeze3A_1893 : f32 to vector<16xf32>
          %mul3A_1946 = arith.mulf %get3A_1944, %mul3A_1945 : vector<16xf32>
          %swap3A_1947 = arith.constant 0 : i32
          %swap3A_1948 = arith.index_cast %swap3A_1947 : i32 to index
          %swap3A_1949 = arith.index_cast %add3A_1891 : i32 to index
          %swap3A_1950 = arith.constant 48 : index
          %swap3A_1951 = tpu.vector_load %arg10[%swap3A_1948, %swap3A_1949, %swap3A_1950] {strides = array<i32>} : memref<2x128x128xf32, #tpu.memory_space<vmem>>, vector<1x1x16xf32>,
          %swap3A_1952 = vector.shape_cast %swap3A_1951 : vector<1x1x16xf32> to vector<16xf32>
          %swap3A_1953 = vector.shape_cast %mul3A_1946 : vector<16xf32> to vector<1x1x16xf32>
          tpu.vector_store %arg10[%swap3A_1948, %swap3A_1949, %swap3A_1950], %swap3A_1953 {strides = array<i32>} : memref<2x128x128xf32, #tpu.memory_space<vmem>>, vector<1x1x16xf32>,
          %get3A_1954 = arith.constant 0 : i32
          %get3A_1955 = arith.index_cast %get3A_1954 : i32 to index
          %get3A_1956 = arith.index_cast %add3A_1891 : i32 to index
          %get3A_1957 = arith.constant 64 : index
          %get3A_1958 = tpu.vector_load %arg10[%get3A_1955, %get3A_1956, %get3A_1957] {strides = array<i32>} : memref<2x128x128xf32, #tpu.memory_space<vmem>>, vector<1x1x16xf32>,
          %get3A_1959 = vector.shape_cast %get3A_1958 : vector<1x1x16xf32> to vector<16xf32>
          %mul3A_1960 = vector.broadcast %squeeze3A_1893 : f32 to vector<16xf32>
          %mul3A_1961 = arith.mulf %get3A_1959, %mul3A_1960 : vector<16xf32>
          %swap3A_1962 = arith.constant 0 : i32
          %swap3A_1963 = arith.index_cast %swap3A_1962 : i32 to index
          %swap3A_1964 = arith.index_cast %add3A_1891 : i32 to index
          %swap3A_1965 = arith.constant 64 : index
          %swap3A_1966 = tpu.vector_load %arg10[%swap3A_1963, %swap3A_1964, %swap3A_1965] {strides = array<i32>} : memref<2x128x128xf32, #tpu.memory_space<vmem>>, vector<1x1x16xf32>,
          %swap3A_1967 = vector.shape_cast %swap3A_1966 : vector<1x1x16xf32> to vector<16xf32>
          %swap3A_1968 = vector.shape_cast %mul3A_1961 : vector<16xf32> to vector<1x1x16xf32>
          tpu.vector_store %arg10[%swap3A_1963, %swap3A_1964, %swap3A_1965], %swap3A_1968 {strides = array<i32>} : memref<2x128x128xf32, #tpu.memory_space<vmem>>, vector<1x1x16xf32>,
          %get3A_1969 = arith.constant 0 : i32
          %get3A_1970 = arith.index_cast %get3A_1969 : i32 to index
          %get3A_1971 = arith.index_cast %add3A_1891 : i32 to index
          %get3A_1972 = arith.constant 80 : index
          %get3A_1973 = tpu.vector_load %arg10[%get3A_1970, %get3A_1971, %get3A_1972] {strides = array<i32>} : memref<2x128x128xf32, #tpu.memory_space<vmem>>, vector<1x1x16xf32>,
          %get3A_1974 = vector.shape_cast %get3A_1973 : vector<1x1x16xf32> to vector<16xf32>
          %mul3A_1975 = vector.broadcast %squeeze3A_1893 : f32 to vector<16xf32>
          %mul3A_1976 = arith.mulf %get3A_1974, %mul3A_1975 : vector<16xf32>
          %swap3A_1977 = arith.constant 0 : i32
          %swap3A_1978 = arith.index_cast %swap3A_1977 : i32 to index
          %swap3A_1979 = arith.index_cast %add3A_1891 : i32 to index
          %swap3A_1980 = arith.constant 80 : index
          %swap3A_1981 = tpu.vector_load %arg10[%swap3A_1978, %swap3A_1979, %swap3A_1980] {strides = array<i32>} : memref<2x128x128xf32, #tpu.memory_space<vmem>>, vector<1x1x16xf32>,
          %swap3A_1982 = vector.shape_cast %swap3A_1981 : vector<1x1x16xf32> to vector<16xf32>
          %swap3A_1983 = vector.shape_cast %mul3A_1976 : vector<16xf32> to vector<1x1x16xf32>
          tpu.vector_store %arg10[%swap3A_1978, %swap3A_1979, %swap3A_1980], %swap3A_1983 {strides = array<i32>} : memref<2x128x128xf32, #tpu.memory_space<vmem>>, vector<1x1x16xf32>,
          %get3A_1984 = arith.constant 0 : i32
          %get3A_1985 = arith.index_cast %get3A_1984 : i32 to index
          %get3A_1986 = arith.index_cast %add3A_1891 : i32 to index
          %get3A_1987 = arith.constant 96 : index
          %get3A_1988 = tpu.vector_load %arg10[%get3A_1985, %get3A_1986, %get3A_1987] {strides = array<i32>} : memref<2x128x128xf32, #tpu.memory_space<vmem>>, vector<1x1x16xf32>,
          %get3A_1989 = vector.shape_cast %get3A_1988 : vector<1x1x16xf32> to vector<16xf32>
          %mul3A_1990 = vector.broadcast %squeeze3A_1893 : f32 to vector<16xf32>
          %mul3A_1991 = arith.mulf %get3A_1989, %mul3A_1990 : vector<16xf32>
          %swap3A_1992 = arith.constant 0 : i32
          %swap3A_1993 = arith.index_cast %swap3A_1992 : i32 to index
          %swap3A_1994 = arith.index_cast %add3A_1891 : i32 to index
          %swap3A_1995 = arith.constant 96 : index
          %swap3A_1996 = tpu.vector_load %arg10[%swap3A_1993, %swap3A_1994, %swap3A_1995] {strides = array<i32>} : memref<2x128x128xf32, #tpu.memory_space<vmem>>, vector<1x1x16xf32>,
          %swap3A_1997 = vector.shape_cast %swap3A_1996 : vector<1x1x16xf32> to vector<16xf32>
          %swap3A_1998 = vector.shape_cast %mul3A_1991 : vector<16xf32> to vector<1x1x16xf32>
          tpu.vector_store %arg10[%swap3A_1993, %swap3A_1994, %swap3A_1995], %swap3A_1998 {strides = array<i32>} : memref<2x128x128xf32, #tpu.memory_space<vmem>>, vector<1x1x16xf32>,
          %get3A_1999 = arith.constant 0 : i32
          %get3A_2000 = arith.index_cast %get3A_1999 : i32 to index
          %get3A_2001 = arith.index_cast %add3A_1891 : i32 to index
          %get3A_2002 = arith.constant 112 : index
          %get3A_2003 = tpu.vector_load %arg10[%get3A_2000, %get3A_2001, %get3A_2002] {strides = array<i32>} : memref<2x128x128xf32, #tpu.memory_space<vmem>>, vector<1x1x16xf32>,
          %get3A_2004 = vector.shape_cast %get3A_2003 : vector<1x1x16xf32> to vector<16xf32>
          %mul3A_2005 = vector.broadcast %squeeze3A_1893 : f32 to vector<16xf32>
          %mul3A_2006 = arith.mulf %get3A_2004, %mul3A_2005 : vector<16xf32>
          %swap3A_2007 = arith.constant 0 : i32
          %swap3A_2008 = arith.index_cast %swap3A_2007 : i32 to index
          %swap3A_2009 = arith.index_cast %add3A_1891 : i32 to index
          %swap3A_2010 = arith.constant 112 : index
          %swap3A_2011 = tpu.vector_load %arg10[%swap3A_2008, %swap3A_2009, %swap3A_2010] {strides = array<i32>} : memref<2x128x128xf32, #tpu.memory_space<vmem>>, vector<1x1x16xf32>,
          %swap3A_2012 = vector.shape_cast %swap3A_2011 : vector<1x1x16xf32> to vector<16xf32>
          %swap3A_2013 = vector.shape_cast %mul3A_2006 : vector<16xf32> to vector<1x1x16xf32>
          tpu.vector_store %arg10[%swap3A_2008, %swap3A_2009, %swap3A_2010], %swap3A_2013 {strides = array<i32>} : memref<2x128x128xf32, #tpu.memory_space<vmem>>, vector<1x1x16xf32>,
          %mul3A_2014 = arith.constant 16 : i32
          %mul3A_2015 = arith.muli %scan3A_120, %mul3A_2014 : i32
          %add3A_2016 = arith.constant 15 : i32
          %add3A_2017 = arith.addi %mul3A_2015, %add3A_2016 : i32
          %slice3A_2018 = vector.extract_strided_slice %get3A_126 {offsets = [15], sizes = [1], strides = [1]} : vector<16xf32> to vector<1xf32>
          %squeeze3A_2019 = vector.extract %slice3A_2018[0] : f32 from vector<1xf32>
          %get3A_2020 = arith.constant 0 : i32
          %get3A_2021 = arith.index_cast %get3A_2020 : i32 to index
          %get3A_2022 = arith.index_cast %add3A_2017 : i32 to index
          %get3A_2023 = arith.constant 0 : index
          %get3A_2024 = tpu.vector_load %arg10[%get3A_2021, %get3A_2022, %get3A_2023] {strides = array<i32>} : memref<2x128x128xf32, #tpu.memory_space<vmem>>, vector<1x1x16xf32>,
          %get3A_2025 = vector.shape_cast %get3A_2024 : vector<1x1x16xf32> to vector<16xf32>
          %mul3A_2026 = vector.broadcast %squeeze3A_2019 : f32 to vector<16xf32>
          %mul3A_2027 = arith.mulf %get3A_2025, %mul3A_2026 : vector<16xf32>
          %swap3A_2028 = arith.constant 0 : i32
          %swap3A_2029 = arith.index_cast %swap3A_2028 : i32 to index
          %swap3A_2030 = arith.index_cast %add3A_2017 : i32 to index
          %swap3A_2031 = arith.constant 0 : index
          %swap3A_2032 = tpu.vector_load %arg10[%swap3A_2029, %swap3A_2030, %swap3A_2031] {strides = array<i32>} : memref<2x128x128xf32, #tpu.memory_space<vmem>>, vector<1x1x16xf32>,
          %swap3A_2033 = vector.shape_cast %swap3A_2032 : vector<1x1x16xf32> to vector<16xf32>
          %swap3A_2034 = vector.shape_cast %mul3A_2027 : vector<16xf32> to vector<1x1x16xf32>
          tpu.vector_store %arg10[%swap3A_2029, %swap3A_2030, %swap3A_2031], %swap3A_2034 {strides = array<i32>} : memref<2x128x128xf32, #tpu.memory_space<vmem>>, vector<1x1x16xf32>,
          %get3A_2035 = arith.constant 0 : i32
          %get3A_2036 = arith.index_cast %get3A_2035 : i32 to index
          %get3A_2037 = arith.index_cast %add3A_2017 : i32 to index
          %get3A_2038 = arith.constant 16 : index
          %get3A_2039 = tpu.vector_load %arg10[%get3A_2036, %get3A_2037, %get3A_2038] {strides = array<i32>} : memref<2x128x128xf32, #tpu.memory_space<vmem>>, vector<1x1x16xf32>,
          %get3A_2040 = vector.shape_cast %get3A_2039 : vector<1x1x16xf32> to vector<16xf32>
          %mul3A_2041 = vector.broadcast %squeeze3A_2019 : f32 to vector<16xf32>
          %mul3A_2042 = arith.mulf %get3A_2040, %mul3A_2041 : vector<16xf32>
          %swap3A_2043 = arith.constant 0 : i32
          %swap3A_2044 = arith.index_cast %swap3A_2043 : i32 to index
          %swap3A_2045 = arith.index_cast %add3A_2017 : i32 to index
          %swap3A_2046 = arith.constant 16 : index
          %swap3A_2047 = tpu.vector_load %arg10[%swap3A_2044, %swap3A_2045, %swap3A_2046] {strides = array<i32>} : memref<2x128x128xf32, #tpu.memory_space<vmem>>, vector<1x1x16xf32>,
          %swap3A_2048 = vector.shape_cast %swap3A_2047 : vector<1x1x16xf32> to vector<16xf32>
          %swap3A_2049 = vector.shape_cast %mul3A_2042 : vector<16xf32> to vector<1x1x16xf32>
          tpu.vector_store %arg10[%swap3A_2044, %swap3A_2045, %swap3A_2046], %swap3A_2049 {strides = array<i32>} : memref<2x128x128xf32, #tpu.memory_space<vmem>>, vector<1x1x16xf32>,
          %get3A_2050 = arith.constant 0 : i32
          %get3A_2051 = arith.index_cast %get3A_2050 : i32 to index
          %get3A_2052 = arith.index_cast %add3A_2017 : i32 to index
          %get3A_2053 = arith.constant 32 : index
          %get3A_2054 = tpu.vector_load %arg10[%get3A_2051, %get3A_2052, %get3A_2053] {strides = array<i32>} : memref<2x128x128xf32, #tpu.memory_space<vmem>>, vector<1x1x16xf32>,
          %get3A_2055 = vector.shape_cast %get3A_2054 : vector<1x1x16xf32> to vector<16xf32>
          %mul3A_2056 = vector.broadcast %squeeze3A_2019 : f32 to vector<16xf32>
          %mul3A_2057 = arith.mulf %get3A_2055, %mul3A_2056 : vector<16xf32>
          %swap3A_2058 = arith.constant 0 : i32
          %swap3A_2059 = arith.index_cast %swap3A_2058 : i32 to index
          %swap3A_2060 = arith.index_cast %add3A_2017 : i32 to index
          %swap3A_2061 = arith.constant 32 : index
          %swap3A_2062 = tpu.vector_load %arg10[%swap3A_2059, %swap3A_2060, %swap3A_2061] {strides = array<i32>} : memref<2x128x128xf32, #tpu.memory_space<vmem>>, vector<1x1x16xf32>,
          %swap3A_2063 = vector.shape_cast %swap3A_2062 : vector<1x1x16xf32> to vector<16xf32>
          %swap3A_2064 = vector.shape_cast %mul3A_2057 : vector<16xf32> to vector<1x1x16xf32>
          tpu.vector_store %arg10[%swap3A_2059, %swap3A_2060, %swap3A_2061], %swap3A_2064 {strides = array<i32>} : memref<2x128x128xf32, #tpu.memory_space<vmem>>, vector<1x1x16xf32>,
          %get3A_2065 = arith.constant 0 : i32
          %get3A_2066 = arith.index_cast %get3A_2065 : i32 to index
          %get3A_2067 = arith.index_cast %add3A_2017 : i32 to index
          %get3A_2068 = arith.constant 48 : index
          %get3A_2069 = tpu.vector_load %arg10[%get3A_2066, %get3A_2067, %get3A_2068] {strides = array<i32>} : memref<2x128x128xf32, #tpu.memory_space<vmem>>, vector<1x1x16xf32>,
          %get3A_2070 = vector.shape_cast %get3A_2069 : vector<1x1x16xf32> to vector<16xf32>
          %mul3A_2071 = vector.broadcast %squeeze3A_2019 : f32 to vector<16xf32>
          %mul3A_2072 = arith.mulf %get3A_2070, %mul3A_2071 : vector<16xf32>
          %swap3A_2073 = arith.constant 0 : i32
          %swap3A_2074 = arith.index_cast %swap3A_2073 : i32 to index
          %swap3A_2075 = arith.index_cast %add3A_2017 : i32 to index
          %swap3A_2076 = arith.constant 48 : index
          %swap3A_2077 = tpu.vector_load %arg10[%swap3A_2074, %swap3A_2075, %swap3A_2076] {strides = array<i32>} : memref<2x128x128xf32, #tpu.memory_space<vmem>>, vector<1x1x16xf32>,
          %swap3A_2078 = vector.shape_cast %swap3A_2077 : vector<1x1x16xf32> to vector<16xf32>
          %swap3A_2079 = vector.shape_cast %mul3A_2072 : vector<16xf32> to vector<1x1x16xf32>
          tpu.vector_store %arg10[%swap3A_2074, %swap3A_2075, %swap3A_2076], %swap3A_2079 {strides = array<i32>} : memref<2x128x128xf32, #tpu.memory_space<vmem>>, vector<1x1x16xf32>,
          %get3A_2080 = arith.constant 0 : i32
          %get3A_2081 = arith.index_cast %get3A_2080 : i32 to index
          %get3A_2082 = arith.index_cast %add3A_2017 : i32 to index
          %get3A_2083 = arith.constant 64 : index
          %get3A_2084 = tpu.vector_load %arg10[%get3A_2081, %get3A_2082, %get3A_2083] {strides = array<i32>} : memref<2x128x128xf32, #tpu.memory_space<vmem>>, vector<1x1x16xf32>,
          %get3A_2085 = vector.shape_cast %get3A_2084 : vector<1x1x16xf32> to vector<16xf32>
          %mul3A_2086 = vector.broadcast %squeeze3A_2019 : f32 to vector<16xf32>
          %mul3A_2087 = arith.mulf %get3A_2085, %mul3A_2086 : vector<16xf32>
          %swap3A_2088 = arith.constant 0 : i32
          %swap3A_2089 = arith.index_cast %swap3A_2088 : i32 to index
          %swap3A_2090 = arith.index_cast %add3A_2017 : i32 to index
          %swap3A_2091 = arith.constant 64 : index
          %swap3A_2092 = tpu.vector_load %arg10[%swap3A_2089, %swap3A_2090, %swap3A_2091] {strides = array<i32>} : memref<2x128x128xf32, #tpu.memory_space<vmem>>, vector<1x1x16xf32>,
          %swap3A_2093 = vector.shape_cast %swap3A_2092 : vector<1x1x16xf32> to vector<16xf32>
          %swap3A_2094 = vector.shape_cast %mul3A_2087 : vector<16xf32> to vector<1x1x16xf32>
          tpu.vector_store %arg10[%swap3A_2089, %swap3A_2090, %swap3A_2091], %swap3A_2094 {strides = array<i32>} : memref<2x128x128xf32, #tpu.memory_space<vmem>>, vector<1x1x16xf32>,
          %get3A_2095 = arith.constant 0 : i32
          %get3A_2096 = arith.index_cast %get3A_2095 : i32 to index
          %get3A_2097 = arith.index_cast %add3A_2017 : i32 to index
          %get3A_2098 = arith.constant 80 : index
          %get3A_2099 = tpu.vector_load %arg10[%get3A_2096, %get3A_2097, %get3A_2098] {strides = array<i32>} : memref<2x128x128xf32, #tpu.memory_space<vmem>>, vector<1x1x16xf32>,
          %get3A_2100 = vector.shape_cast %get3A_2099 : vector<1x1x16xf32> to vector<16xf32>
          %mul3A_2101 = vector.broadcast %squeeze3A_2019 : f32 to vector<16xf32>
          %mul3A_2102 = arith.mulf %get3A_2100, %mul3A_2101 : vector<16xf32>
          %swap3A_2103 = arith.constant 0 : i32
          %swap3A_2104 = arith.index_cast %swap3A_2103 : i32 to index
          %swap3A_2105 = arith.index_cast %add3A_2017 : i32 to index
          %swap3A_2106 = arith.constant 80 : index
          %swap3A_2107 = tpu.vector_load %arg10[%swap3A_2104, %swap3A_2105, %swap3A_2106] {strides = array<i32>} : memref<2x128x128xf32, #tpu.memory_space<vmem>>, vector<1x1x16xf32>,
          %swap3A_2108 = vector.shape_cast %swap3A_2107 : vector<1x1x16xf32> to vector<16xf32>
          %swap3A_2109 = vector.shape_cast %mul3A_2102 : vector<16xf32> to vector<1x1x16xf32>
          tpu.vector_store %arg10[%swap3A_2104, %swap3A_2105, %swap3A_2106], %swap3A_2109 {strides = array<i32>} : memref<2x128x128xf32, #tpu.memory_space<vmem>>, vector<1x1x16xf32>,
          %get3A_2110 = arith.constant 0 : i32
          %get3A_2111 = arith.index_cast %get3A_2110 : i32 to index
          %get3A_2112 = arith.index_cast %add3A_2017 : i32 to index
          %get3A_2113 = arith.constant 96 : index
          %get3A_2114 = tpu.vector_load %arg10[%get3A_2111, %get3A_2112, %get3A_2113] {strides = array<i32>} : memref<2x128x128xf32, #tpu.memory_space<vmem>>, vector<1x1x16xf32>,
          %get3A_2115 = vector.shape_cast %get3A_2114 : vector<1x1x16xf32> to vector<16xf32>
          %mul3A_2116 = vector.broadcast %squeeze3A_2019 : f32 to vector<16xf32>
          %mul3A_2117 = arith.mulf %get3A_2115, %mul3A_2116 : vector<16xf32>
          %swap3A_2118 = arith.constant 0 : i32
          %swap3A_2119 = arith.index_cast %swap3A_2118 : i32 to index
          %swap3A_2120 = arith.index_cast %add3A_2017 : i32 to index
          %swap3A_2121 = arith.constant 96 : index
          %swap3A_2122 = tpu.vector_load %arg10[%swap3A_2119, %swap3A_2120, %swap3A_2121] {strides = array<i32>} : memref<2x128x128xf32, #tpu.memory_space<vmem>>, vector<1x1x16xf32>,
          %swap3A_2123 = vector.shape_cast %swap3A_2122 : vector<1x1x16xf32> to vector<16xf32>
          %swap3A_2124 = vector.shape_cast %mul3A_2117 : vector<16xf32> to vector<1x1x16xf32>
          tpu.vector_store %arg10[%swap3A_2119, %swap3A_2120, %swap3A_2121], %swap3A_2124 {strides = array<i32>} : memref<2x128x128xf32, #tpu.memory_space<vmem>>, vector<1x1x16xf32>,
          %get3A_2125 = arith.constant 0 : i32
          %get3A_2126 = arith.index_cast %get3A_2125 : i32 to index
          %get3A_2127 = arith.index_cast %add3A_2017 : i32 to index
          %get3A_2128 = arith.constant 112 : index
          %get3A_2129 = tpu.vector_load %arg10[%get3A_2126, %get3A_2127, %get3A_2128] {strides = array<i32>} : memref<2x128x128xf32, #tpu.memory_space<vmem>>, vector<1x1x16xf32>,
          %get3A_2130 = vector.shape_cast %get3A_2129 : vector<1x1x16xf32> to vector<16xf32>
          %mul3A_2131 = vector.broadcast %squeeze3A_2019 : f32 to vector<16xf32>
          %mul3A_2132 = arith.mulf %get3A_2130, %mul3A_2131 : vector<16xf32>
          %swap3A_2133 = arith.constant 0 : i32
          %swap3A_2134 = arith.index_cast %swap3A_2133 : i32 to index
          %swap3A_2135 = arith.index_cast %add3A_2017 : i32 to index
          %swap3A_2136 = arith.constant 112 : index
          %swap3A_2137 = tpu.vector_load %arg10[%swap3A_2134, %swap3A_2135, %swap3A_2136] {strides = array<i32>} : memref<2x128x128xf32, #tpu.memory_space<vmem>>, vector<1x1x16xf32>,
          %swap3A_2138 = vector.shape_cast %swap3A_2137 : vector<1x1x16xf32> to vector<16xf32>
          %swap3A_2139 = vector.shape_cast %mul3A_2132 : vector<16xf32> to vector<1x1x16xf32>
          tpu.vector_store %arg10[%swap3A_2134, %swap3A_2135, %swap3A_2136], %swap3A_2139 {strides = array<i32>} : memref<2x128x128xf32, #tpu.memory_space<vmem>>, vector<1x1x16xf32>,
          %scan3A_2140 = arith.constant 0 : i32
          scf.yield %scan3A_2140 : i32
        }
        %scan3A_94 = arith.constant 8 : i32
        %run_scoped3A_95 = arith.constant 0 : i32
        "tpu.region"() ({
          %run_scoped3A_120 = tpu.sem_alloc : memref<!tpu.dma_semaphore, #tpu.memory_space<semaphore_mem>>
          %dma_start3A_121 = arith.constant 0 : i32
          %dma_start3A_122 = arith.constant 0 : i32
          %dma_start3A_123 = tpu.memref_slice %arg10[%run_scoped3A_95, %dma_start3A_121, %dma_start3A_122] : memref<2x128x128xf32, #tpu.memory_space<vmem>> -> memref<1x128x128xf32, #tpu.memory_space<vmem>>
          %dma_start3A_124 = tpu.memref_squeeze %dma_start3A_123 : memref<1x128x128xf32, #tpu.memory_space<vmem>> -> memref<128x128xf32, #tpu.memory_space<vmem>>
          %dma_start3A_125 = arith.constant 0 : i32
          %dma_start3A_126 = tpu.memref_slice %arg8[%mul3A_62, %dma_start3A_125] : memref<40x128xi32, #tpu.memory_space<vmem>> -> memref<1x128xi32, #tpu.memory_space<vmem>>
          %dma_start3A_127 = tpu.memref_squeeze %dma_start3A_126 : memref<1x128xi32, #tpu.memory_space<vmem>> -> memref<128xi32, #tpu.memory_space<vmem>>
          %dma_start3A_128 = arith.constant 0 : i32
          %dma_start3A_129 = arith.constant 0 : i32
          %dma_start3A_130 = tpu.memref_slice %arg11[%dma_start3A_128, %dma_start3A_129] : memref<10000x128xf32, #tpu.memory_space<vmem_shared>> -> memref<10000x128xf32, #tpu.memory_space<vmem_shared>>
          tpu.enqueue_indirect_dma source(%dma_start3A_124 : memref<128x128xf32, #tpu.memory_space<vmem>>) target(%dma_start3A_130 : memref<10000x128xf32, #tpu.memory_space<vmem_shared>>) offsets(%dma_start3A_127 : memref<128xi32, #tpu.memory_space<vmem>>) semaphore(%run_scoped3A_120 : memref<!tpu.dma_semaphore, #tpu.memory_space<semaphore_mem>>) {add = true}
          %dma_wait3A_131 = arith.constant 0 : i32
          %dma_wait3A_132 = arith.constant 0 : i32
          %dma_wait3A_133 = tpu.memref_slice %arg10[%run_scoped3A_95, %dma_wait3A_131, %dma_wait3A_132] : memref<2x128x128xf32, #tpu.memory_space<vmem>> -> memref<1x128x128xf32, #tpu.memory_space<vmem>>
          %dma_wait3A_134 = tpu.memref_squeeze %dma_wait3A_133 : memref<1x128x128xf32, #tpu.memory_space<vmem>> -> memref<128x128xf32, #tpu.memory_space<vmem>>
          %dma_wait3A_135 = arith.constant 0 : i32
          %dma_wait3A_136 = tpu.memref_slice %arg8[%mul3A_62, %dma_wait3A_135] : memref<40x128xi32, #tpu.memory_space<vmem>> -> memref<1x128xi32, #tpu.memory_space<vmem>>
          %dma_wait3A_137 = tpu.memref_squeeze %dma_wait3A_136 : memref<1x128xi32, #tpu.memory_space<vmem>> -> memref<128xi32, #tpu.memory_space<vmem>>
          %dma_wait3A_138 = arith.constant 0 : i32
          %dma_wait3A_139 = arith.constant 0 : i32
          %dma_wait3A_140 = tpu.memref_slice %arg11[%dma_wait3A_138, %dma_wait3A_139] : memref<10000x128xf32, #tpu.memory_space<vmem_shared>> -> memref<10000x128xf32, #tpu.memory_space<vmem_shared>>
          tpu.wait_indirect_dma semaphore(%run_scoped3A_120 : memref<!tpu.dma_semaphore, #tpu.memory_space<semaphore_mem>>) src(%dma_wait3A_134 : memref<128x128xf32, #tpu.memory_space<vmem>>) dst(%dma_wait3A_140 : memref<10000x128xf32, #tpu.memory_space<vmem_shared>>)
          tpu.yield
        }) : () -> ()
        %dma_wait3A_96 = arith.constant 1 : i32
        %dma_wait3A_97 = arith.constant 0 : i32
        %dma_wait3A_98 = arith.constant 0 : i32
        %dma_wait3A_99 = tpu.memref_slice %arg10[%dma_wait3A_96, %dma_wait3A_97, %dma_wait3A_98] : memref<2x128x128xf32, #tpu.memory_space<vmem>> -> memref<1x128x128xf32, #tpu.memory_space<vmem>>
        %dma_wait3A_100 = tpu.memref_squeeze %dma_wait3A_99 : memref<1x128x128xf32, #tpu.memory_space<vmem>> -> memref<128x128xf32, #tpu.memory_space<vmem>>
        %dma_wait3A_101 = arith.constant 0 : i32
        %dma_wait3A_102 = tpu.memref_slice %arg7[%add3A_66, %dma_wait3A_101] : memref<40x128xi32, #tpu.memory_space<vmem>> -> memref<1x128xi32, #tpu.memory_space<vmem>>
        %dma_wait3A_103 = tpu.memref_squeeze %dma_wait3A_102 : memref<1x128xi32, #tpu.memory_space<vmem>> -> memref<128xi32, #tpu.memory_space<vmem>>
        %dma_wait3A_104 = arith.constant 0 : i32
        %dma_wait3A_105 = arith.constant 0 : i32
        %dma_wait3A_106 = tpu.memref_slice %arg2[%dma_wait3A_104, %dma_wait3A_105] : memref<20000x128xf32, #tpu.memory_space<hbm>> -> memref<20000x128xf32, #tpu.memory_space<hbm>>
        tpu.wait_indirect_dma semaphore(%arg13 : memref<!tpu.dma_semaphore, #tpu.memory_space<semaphore_mem>>) src(%dma_wait3A_106 : memref<20000x128xf32, #tpu.memory_space<hbm>>) dst(%dma_wait3A_100 : memref<128x128xf32, #tpu.memory_space<vmem>>)
        %lt3A = arith.constant 19 : i32
        %lt3A_107 = arith.cmpi slt, %scan3A_59, %lt3A : i32
        %convert_element_type3A_108 = arith.extui %lt3A_107 : i1 to i32
        %cond3A_109 = arith.constant 0 : i32
        %cond3A_110 = arith.cmpi ne, %convert_element_type3A_108, %cond3A_109 : i32
        scf.if %cond3A_110 {
          %add3A_120 = arith.constant 1 : i32
          %add3A_121 = arith.addi %add3A_66, %add3A_120 : i32
          %dma_start3A_122 = arith.constant 0 : i32
          %dma_start3A_123 = arith.constant 0 : i32
          %dma_start3A_124 = arith.constant 0 : i32
          %dma_start3A_125 = tpu.memref_slice %arg10[%dma_start3A_122, %dma_start3A_123, %dma_start3A_124] : memref<2x128x128xf32, #tpu.memory_space<vmem>> -> memref<1x128x128xf32, #tpu.memory_space<vmem>>
          %dma_start3A_126 = tpu.memref_squeeze %dma_start3A_125 : memref<1x128x128xf32, #tpu.memory_space<vmem>> -> memref<128x128xf32, #tpu.memory_space<vmem>>
          %dma_start3A_127 = arith.constant 0 : i32
          %dma_start3A_128 = tpu.memref_slice %arg7[%add3A_121, %dma_start3A_127] : memref<40x128xi32, #tpu.memory_space<vmem>> -> memref<1x128xi32, #tpu.memory_space<vmem>>
          %dma_start3A_129 = tpu.memref_squeeze %dma_start3A_128 : memref<1x128xi32, #tpu.memory_space<vmem>> -> memref<128xi32, #tpu.memory_space<vmem>>
          %dma_start3A_130 = arith.constant 0 : i32
          %dma_start3A_131 = arith.constant 0 : i32
          %dma_start3A_132 = tpu.memref_slice %arg2[%dma_start3A_130, %dma_start3A_131] : memref<20000x128xf32, #tpu.memory_space<hbm>> -> memref<20000x128xf32, #tpu.memory_space<hbm>>
          tpu.enqueue_indirect_dma source(%dma_start3A_132 : memref<20000x128xf32, #tpu.memory_space<hbm>>) target(%dma_start3A_126 : memref<128x128xf32, #tpu.memory_space<vmem>>) offsets(%dma_start3A_129 : memref<128xi32, #tpu.memory_space<vmem>>) semaphore(%arg12 : memref<!tpu.dma_semaphore, #tpu.memory_space<semaphore_mem>>)
        } else {
        }
        %scan3A_111 = arith.constant 0 : i32
        %scan3A_112 = arith.constant 0 : i32
        %scan3A_113 = arith.constant 8 : i32
        %scan3A_114 = arith.addi %scan3A_112, %scan3A_113 : i32
        %scan3A_115 = arith.constant 1 : i32
        %scan3A_116 = scf.for %scan3A_120 = %scan3A_112 to %scan3A_114 step %scan3A_115 iter_args(%scan3A_121 = %scan3A_111) -> (i32)  : i32 {
          %mul3A_122 = arith.constant 16 : i32
          %mul3A_123 = arith.muli %scan3A_120, %mul3A_122 : i32
          %get3A = arith.index_cast %add3A_66 : i32 to index
          %get3A_124 = arith.index_cast %mul3A_123 : i32 to index
          %get3A_125 = tpu.vector_load %arg9[%get3A, %get3A_124] {strides = array<i32>} : memref<40x128xf32, #tpu.memory_space<vmem>>, vector<1x16xf32>,
          %get3A_126 = vector.shape_cast %get3A_125 : vector<1x16xf32> to vector<16xf32>
          %mul3A_127 = arith.constant 16 : i32
          %mul3A_128 = arith.muli %scan3A_120, %mul3A_127 : i32
          %add3A_129 = arith.constant 0 : i32
          %add3A_130 = arith.addi %mul3A_128, %add3A_129 : i32
          %slice3A = vector.extract_strided_slice %get3A_126 {offsets = [0], sizes = [1], strides = [1]} : vector<16xf32> to vector<1xf32>
          %squeeze3A = vector.extract %slice3A[0] : f32 from vector<1xf32>
          %get3A_131 = arith.constant 1 : i32
          %get3A_132 = arith.index_cast %get3A_131 : i32 to index
          %get3A_133 = arith.index_cast %add3A_130 : i32 to index
          %get3A_134 = arith.constant 0 : index
          %get3A_135 = tpu.vector_load %arg10[%get3A_132, %get3A_133, %get3A_134] {strides = array<i32>} : memref<2x128x128xf32, #tpu.memory_space<vmem>>, vector<1x1x16xf32>,
          %get3A_136 = vector.shape_cast %get3A_135 : vector<1x1x16xf32> to vector<16xf32>
          %mul3A_137 = vector.broadcast %squeeze3A : f32 to vector<16xf32>
          %mul3A_138 = arith.mulf %get3A_136, %mul3A_137 : vector<16xf32>
          %swap3A = arith.constant 1 : i32
          %swap3A_139 = arith.index_cast %swap3A : i32 to index
          %swap3A_140 = arith.index_cast %add3A_130 : i32 to index
          %swap3A_141 = arith.constant 0 : index
          %swap3A_142 = tpu.vector_load %arg10[%swap3A_139, %swap3A_140, %swap3A_141] {strides = array<i32>} : memref<2x128x128xf32, #tpu.memory_space<vmem>>, vector<1x1x16xf32>,
          %swap3A_143 = vector.shape_cast %swap3A_142 : vector<1x1x16xf32> to vector<16xf32>
          %swap3A_144 = vector.shape_cast %mul3A_138 : vector<16xf32> to vector<1x1x16xf32>
          tpu.vector_store %arg10[%swap3A_139, %swap3A_140, %swap3A_141], %swap3A_144 {strides = array<i32>} : memref<2x128x128xf32, #tpu.memory_space<vmem>>, vector<1x1x16xf32>,
          %get3A_145 = arith.constant 1 : i32
          %get3A_146 = arith.index_cast %get3A_145 : i32 to index
          %get3A_147 = arith.index_cast %add3A_130 : i32 to index
          %get3A_148 = arith.constant 16 : index
          %get3A_149 = tpu.vector_load %arg10[%get3A_146, %get3A_147, %get3A_148] {strides = array<i32>} : memref<2x128x128xf32, #tpu.memory_space<vmem>>, vector<1x1x16xf32>,
          %get3A_150 = vector.shape_cast %get3A_149 : vector<1x1x16xf32> to vector<16xf32>
          %mul3A_151 = vector.broadcast %squeeze3A : f32 to vector<16xf32>
          %mul3A_152 = arith.mulf %get3A_150, %mul3A_151 : vector<16xf32>
          %swap3A_153 = arith.constant 1 : i32
          %swap3A_154 = arith.index_cast %swap3A_153 : i32 to index
          %swap3A_155 = arith.index_cast %add3A_130 : i32 to index
          %swap3A_156 = arith.constant 16 : index
          %swap3A_157 = tpu.vector_load %arg10[%swap3A_154, %swap3A_155, %swap3A_156] {strides = array<i32>} : memref<2x128x128xf32, #tpu.memory_space<vmem>>, vector<1x1x16xf32>,
          %swap3A_158 = vector.shape_cast %swap3A_157 : vector<1x1x16xf32> to vector<16xf32>
          %swap3A_159 = vector.shape_cast %mul3A_152 : vector<16xf32> to vector<1x1x16xf32>
          tpu.vector_store %arg10[%swap3A_154, %swap3A_155, %swap3A_156], %swap3A_159 {strides = array<i32>} : memref<2x128x128xf32, #tpu.memory_space<vmem>>, vector<1x1x16xf32>,
          %get3A_160 = arith.constant 1 : i32
          %get3A_161 = arith.index_cast %get3A_160 : i32 to index
          %get3A_162 = arith.index_cast %add3A_130 : i32 to index
          %get3A_163 = arith.constant 32 : index
          %get3A_164 = tpu.vector_load %arg10[%get3A_161, %get3A_162, %get3A_163] {strides = array<i32>} : memref<2x128x128xf32, #tpu.memory_space<vmem>>, vector<1x1x16xf32>,
          %get3A_165 = vector.shape_cast %get3A_164 : vector<1x1x16xf32> to vector<16xf32>
          %mul3A_166 = vector.broadcast %squeeze3A : f32 to vector<16xf32>
          %mul3A_167 = arith.mulf %get3A_165, %mul3A_166 : vector<16xf32>
          %swap3A_168 = arith.constant 1 : i32
          %swap3A_169 = arith.index_cast %swap3A_168 : i32 to index
          %swap3A_170 = arith.index_cast %add3A_130 : i32 to index
          %swap3A_171 = arith.constant 32 : index
          %swap3A_172 = tpu.vector_load %arg10[%swap3A_169, %swap3A_170, %swap3A_171] {strides = array<i32>} : memref<2x128x128xf32, #tpu.memory_space<vmem>>, vector<1x1x16xf32>,
          %swap3A_173 = vector.shape_cast %swap3A_172 : vector<1x1x16xf32> to vector<16xf32>
          %swap3A_174 = vector.shape_cast %mul3A_167 : vector<16xf32> to vector<1x1x16xf32>
          tpu.vector_store %arg10[%swap3A_169, %swap3A_170, %swap3A_171], %swap3A_174 {strides = array<i32>} : memref<2x128x128xf32, #tpu.memory_space<vmem>>, vector<1x1x16xf32>,
          %get3A_175 = arith.constant 1 : i32
          %get3A_176 = arith.index_cast %get3A_175 : i32 to index
          %get3A_177 = arith.index_cast %add3A_130 : i32 to index
          %get3A_178 = arith.constant 48 : index
          %get3A_179 = tpu.vector_load %arg10[%get3A_176, %get3A_177, %get3A_178] {strides = array<i32>} : memref<2x128x128xf32, #tpu.memory_space<vmem>>, vector<1x1x16xf32>,
          %get3A_180 = vector.shape_cast %get3A_179 : vector<1x1x16xf32> to vector<16xf32>
          %mul3A_181 = vector.broadcast %squeeze3A : f32 to vector<16xf32>
          %mul3A_182 = arith.mulf %get3A_180, %mul3A_181 : vector<16xf32>
          %swap3A_183 = arith.constant 1 : i32
          %swap3A_184 = arith.index_cast %swap3A_183 : i32 to index
          %swap3A_185 = arith.index_cast %add3A_130 : i32 to index
          %swap3A_186 = arith.constant 48 : index
          %swap3A_187 = tpu.vector_load %arg10[%swap3A_184, %swap3A_185, %swap3A_186] {strides = array<i32>} : memref<2x128x128xf32, #tpu.memory_space<vmem>>, vector<1x1x16xf32>,
          %swap3A_188 = vector.shape_cast %swap3A_187 : vector<1x1x16xf32> to vector<16xf32>
          %swap3A_189 = vector.shape_cast %mul3A_182 : vector<16xf32> to vector<1x1x16xf32>
          tpu.vector_store %arg10[%swap3A_184, %swap3A_185, %swap3A_186], %swap3A_189 {strides = array<i32>} : memref<2x128x128xf32, #tpu.memory_space<vmem>>, vector<1x1x16xf32>,
          %get3A_190 = arith.constant 1 : i32
          %get3A_191 = arith.index_cast %get3A_190 : i32 to index
          %get3A_192 = arith.index_cast %add3A_130 : i32 to index
          %get3A_193 = arith.constant 64 : index
          %get3A_194 = tpu.vector_load %arg10[%get3A_191, %get3A_192, %get3A_193] {strides = array<i32>} : memref<2x128x128xf32, #tpu.memory_space<vmem>>, vector<1x1x16xf32>,
          %get3A_195 = vector.shape_cast %get3A_194 : vector<1x1x16xf32> to vector<16xf32>
          %mul3A_196 = vector.broadcast %squeeze3A : f32 to vector<16xf32>
          %mul3A_197 = arith.mulf %get3A_195, %mul3A_196 : vector<16xf32>
          %swap3A_198 = arith.constant 1 : i32
          %swap3A_199 = arith.index_cast %swap3A_198 : i32 to index
          %swap3A_200 = arith.index_cast %add3A_130 : i32 to index
          %swap3A_201 = arith.constant 64 : index
          %swap3A_202 = tpu.vector_load %arg10[%swap3A_199, %swap3A_200, %swap3A_201] {strides = array<i32>} : memref<2x128x128xf32, #tpu.memory_space<vmem>>, vector<1x1x16xf32>,
          %swap3A_203 = vector.shape_cast %swap3A_202 : vector<1x1x16xf32> to vector<16xf32>
          %swap3A_204 = vector.shape_cast %mul3A_197 : vector<16xf32> to vector<1x1x16xf32>
          tpu.vector_store %arg10[%swap3A_199, %swap3A_200, %swap3A_201], %swap3A_204 {strides = array<i32>} : memref<2x128x128xf32, #tpu.memory_space<vmem>>, vector<1x1x16xf32>,
          %get3A_205 = arith.constant 1 : i32
          %get3A_206 = arith.index_cast %get3A_205 : i32 to index
          %get3A_207 = arith.index_cast %add3A_130 : i32 to index
          %get3A_208 = arith.constant 80 : index
          %get3A_209 = tpu.vector_load %arg10[%get3A_206, %get3A_207, %get3A_208] {strides = array<i32>} : memref<2x128x128xf32, #tpu.memory_space<vmem>>, vector<1x1x16xf32>,
          %get3A_210 = vector.shape_cast %get3A_209 : vector<1x1x16xf32> to vector<16xf32>
          %mul3A_211 = vector.broadcast %squeeze3A : f32 to vector<16xf32>
          %mul3A_212 = arith.mulf %get3A_210, %mul3A_211 : vector<16xf32>
          %swap3A_213 = arith.constant 1 : i32
          %swap3A_214 = arith.index_cast %swap3A_213 : i32 to index
          %swap3A_215 = arith.index_cast %add3A_130 : i32 to index
          %swap3A_216 = arith.constant 80 : index
          %swap3A_217 = tpu.vector_load %arg10[%swap3A_214, %swap3A_215, %swap3A_216] {strides = array<i32>} : memref<2x128x128xf32, #tpu.memory_space<vmem>>, vector<1x1x16xf32>,
          %swap3A_218 = vector.shape_cast %swap3A_217 : vector<1x1x16xf32> to vector<16xf32>
          %swap3A_219 = vector.shape_cast %mul3A_212 : vector<16xf32> to vector<1x1x16xf32>
          tpu.vector_store %arg10[%swap3A_214, %swap3A_215, %swap3A_216], %swap3A_219 {strides = array<i32>} : memref<2x128x128xf32, #tpu.memory_space<vmem>>, vector<1x1x16xf32>,
          %get3A_220 = arith.constant 1 : i32
          %get3A_221 = arith.index_cast %get3A_220 : i32 to index
          %get3A_222 = arith.index_cast %add3A_130 : i32 to index
          %get3A_223 = arith.constant 96 : index
          %get3A_224 = tpu.vector_load %arg10[%get3A_221, %get3A_222, %get3A_223] {strides = array<i32>} : memref<2x128x128xf32, #tpu.memory_space<vmem>>, vector<1x1x16xf32>,
          %get3A_225 = vector.shape_cast %get3A_224 : vector<1x1x16xf32> to vector<16xf32>
          %mul3A_226 = vector.broadcast %squeeze3A : f32 to vector<16xf32>
          %mul3A_227 = arith.mulf %get3A_225, %mul3A_226 : vector<16xf32>
          %swap3A_228 = arith.constant 1 : i32
          %swap3A_229 = arith.index_cast %swap3A_228 : i32 to index
          %swap3A_230 = arith.index_cast %add3A_130 : i32 to index
          %swap3A_231 = arith.constant 96 : index
          %swap3A_232 = tpu.vector_load %arg10[%swap3A_229, %swap3A_230, %swap3A_231] {strides = array<i32>} : memref<2x128x128xf32, #tpu.memory_space<vmem>>, vector<1x1x16xf32>,
          %swap3A_233 = vector.shape_cast %swap3A_232 : vector<1x1x16xf32> to vector<16xf32>
          %swap3A_234 = vector.shape_cast %mul3A_227 : vector<16xf32> to vector<1x1x16xf32>
          tpu.vector_store %arg10[%swap3A_229, %swap3A_230, %swap3A_231], %swap3A_234 {strides = array<i32>} : memref<2x128x128xf32, #tpu.memory_space<vmem>>, vector<1x1x16xf32>,
          %get3A_235 = arith.constant 1 : i32
          %get3A_236 = arith.index_cast %get3A_235 : i32 to index
          %get3A_237 = arith.index_cast %add3A_130 : i32 to index
          %get3A_238 = arith.constant 112 : index
          %get3A_239 = tpu.vector_load %arg10[%get3A_236, %get3A_237, %get3A_238] {strides = array<i32>} : memref<2x128x128xf32, #tpu.memory_space<vmem>>, vector<1x1x16xf32>,
          %get3A_240 = vector.shape_cast %get3A_239 : vector<1x1x16xf32> to vector<16xf32>
          %mul3A_241 = vector.broadcast %squeeze3A : f32 to vector<16xf32>
          %mul3A_242 = arith.mulf %get3A_240, %mul3A_241 : vector<16xf32>
          %swap3A_243 = arith.constant 1 : i32
          %swap3A_244 = arith.index_cast %swap3A_243 : i32 to index
          %swap3A_245 = arith.index_cast %add3A_130 : i32 to index
          %swap3A_246 = arith.constant 112 : index
          %swap3A_247 = tpu.vector_load %arg10[%swap3A_244, %swap3A_245, %swap3A_246] {strides = array<i32>} : memref<2x128x128xf32, #tpu.memory_space<vmem>>, vector<1x1x16xf32>,
          %swap3A_248 = vector.shape_cast %swap3A_247 : vector<1x1x16xf32> to vector<16xf32>
          %swap3A_249 = vector.shape_cast %mul3A_242 : vector<16xf32> to vector<1x1x16xf32>
          tpu.vector_store %arg10[%swap3A_244, %swap3A_245, %swap3A_246], %swap3A_249 {strides = array<i32>} : memref<2x128x128xf32, #tpu.memory_space<vmem>>, vector<1x1x16xf32>,
          %mul3A_250 = arith.constant 16 : i32
          %mul3A_251 = arith.muli %scan3A_120, %mul3A_250 : i32
          %add3A_252 = arith.constant 1 : i32
          %add3A_253 = arith.addi %mul3A_251, %add3A_252 : i32
          %slice3A_254 = vector.extract_strided_slice %get3A_126 {offsets = [1], sizes = [1], strides = [1]} : vector<16xf32> to vector<1xf32>
          %squeeze3A_255 = vector.extract %slice3A_254[0] : f32 from vector<1xf32>
          %get3A_256 = arith.constant 1 : i32
          %get3A_257 = arith.index_cast %get3A_256 : i32 to index
          %get3A_258 = arith.index_cast %add3A_253 : i32 to index
          %get3A_259 = arith.constant 0 : index
          %get3A_260 = tpu.vector_load %arg10[%get3A_257, %get3A_258, %get3A_259] {strides = array<i32>} : memref<2x128x128xf32, #tpu.memory_space<vmem>>, vector<1x1x16xf32>,
          %get3A_261 = vector.shape_cast %get3A_260 : vector<1x1x16xf32> to vector<16xf32>
          %mul3A_262 = vector.broadcast %squeeze3A_255 : f32 to vector<16xf32>
          %mul3A_263 = arith.mulf %get3A_261, %mul3A_262 : vector<16xf32>
          %swap3A_264 = arith.constant 1 : i32
          %swap3A_265 = arith.index_cast %swap3A_264 : i32 to index
          %swap3A_266 = arith.index_cast %add3A_253 : i32 to index
          %swap3A_267 = arith.constant 0 : index
          %swap3A_268 = tpu.vector_load %arg10[%swap3A_265, %swap3A_266, %swap3A_267] {strides = array<i32>} : memref<2x128x128xf32, #tpu.memory_space<vmem>>, vector<1x1x16xf32>,
          %swap3A_269 = vector.shape_cast %swap3A_268 : vector<1x1x16xf32> to vector<16xf32>
          %swap3A_270 = vector.shape_cast %mul3A_263 : vector<16xf32> to vector<1x1x16xf32>
          tpu.vector_store %arg10[%swap3A_265, %swap3A_266, %swap3A_267], %swap3A_270 {strides = array<i32>} : memref<2x128x128xf32, #tpu.memory_space<vmem>>, vector<1x1x16xf32>,
          %get3A_271 = arith.constant 1 : i32
          %get3A_272 = arith.index_cast %get3A_271 : i32 to index
          %get3A_273 = arith.index_cast %add3A_253 : i32 to index
          %get3A_274 = arith.constant 16 : index
          %get3A_275 = tpu.vector_load %arg10[%get3A_272, %get3A_273, %get3A_274] {strides = array<i32>} : memref<2x128x128xf32, #tpu.memory_space<vmem>>, vector<1x1x16xf32>,
          %get3A_276 = vector.shape_cast %get3A_275 : vector<1x1x16xf32> to vector<16xf32>
          %mul3A_277 = vector.broadcast %squeeze3A_255 : f32 to vector<16xf32>
          %mul3A_278 = arith.mulf %get3A_276, %mul3A_277 : vector<16xf32>
          %swap3A_279 = arith.constant 1 : i32
          %swap3A_280 = arith.index_cast %swap3A_279 : i32 to index
          %swap3A_281 = arith.index_cast %add3A_253 : i32 to index
          %swap3A_282 = arith.constant 16 : index
          %swap3A_283 = tpu.vector_load %arg10[%swap3A_280, %swap3A_281, %swap3A_282] {strides = array<i32>} : memref<2x128x128xf32, #tpu.memory_space<vmem>>, vector<1x1x16xf32>,
          %swap3A_284 = vector.shape_cast %swap3A_283 : vector<1x1x16xf32> to vector<16xf32>
          %swap3A_285 = vector.shape_cast %mul3A_278 : vector<16xf32> to vector<1x1x16xf32>
          tpu.vector_store %arg10[%swap3A_280, %swap3A_281, %swap3A_282], %swap3A_285 {strides = array<i32>} : memref<2x128x128xf32, #tpu.memory_space<vmem>>, vector<1x1x16xf32>,
          %get3A_286 = arith.constant 1 : i32
          %get3A_287 = arith.index_cast %get3A_286 : i32 to index
          %get3A_288 = arith.index_cast %add3A_253 : i32 to index
          %get3A_289 = arith.constant 32 : index
          %get3A_290 = tpu.vector_load %arg10[%get3A_287, %get3A_288, %get3A_289] {strides = array<i32>} : memref<2x128x128xf32, #tpu.memory_space<vmem>>, vector<1x1x16xf32>,
          %get3A_291 = vector.shape_cast %get3A_290 : vector<1x1x16xf32> to vector<16xf32>
          %mul3A_292 = vector.broadcast %squeeze3A_255 : f32 to vector<16xf32>
          %mul3A_293 = arith.mulf %get3A_291, %mul3A_292 : vector<16xf32>
          %swap3A_294 = arith.constant 1 : i32
          %swap3A_295 = arith.index_cast %swap3A_294 : i32 to index
          %swap3A_296 = arith.index_cast %add3A_253 : i32 to index
          %swap3A_297 = arith.constant 32 : index
          %swap3A_298 = tpu.vector_load %arg10[%swap3A_295, %swap3A_296, %swap3A_297] {strides = array<i32>} : memref<2x128x128xf32, #tpu.memory_space<vmem>>, vector<1x1x16xf32>,
          %swap3A_299 = vector.shape_cast %swap3A_298 : vector<1x1x16xf32> to vector<16xf32>
          %swap3A_300 = vector.shape_cast %mul3A_293 : vector<16xf32> to vector<1x1x16xf32>
          tpu.vector_store %arg10[%swap3A_295, %swap3A_296, %swap3A_297], %swap3A_300 {strides = array<i32>} : memref<2x128x128xf32, #tpu.memory_space<vmem>>, vector<1x1x16xf32>,
          %get3A_301 = arith.constant 1 : i32
          %get3A_302 = arith.index_cast %get3A_301 : i32 to index
          %get3A_303 = arith.index_cast %add3A_253 : i32 to index
          %get3A_304 = arith.constant 48 : index
          %get3A_305 = tpu.vector_load %arg10[%get3A_302, %get3A_303, %get3A_304] {strides = array<i32>} : memref<2x128x128xf32, #tpu.memory_space<vmem>>, vector<1x1x16xf32>,
          %get3A_306 = vector.shape_cast %get3A_305 : vector<1x1x16xf32> to vector<16xf32>
          %mul3A_307 = vector.broadcast %squeeze3A_255 : f32 to vector<16xf32>
          %mul3A_308 = arith.mulf %get3A_306, %mul3A_307 : vector<16xf32>
          %swap3A_309 = arith.constant 1 : i32
          %swap3A_310 = arith.index_cast %swap3A_309 : i32 to index
          %swap3A_311 = arith.index_cast %add3A_253 : i32 to index
          %swap3A_312 = arith.constant 48 : index
          %swap3A_313 = tpu.vector_load %arg10[%swap3A_310, %swap3A_311, %swap3A_312] {strides = array<i32>} : memref<2x128x128xf32, #tpu.memory_space<vmem>>, vector<1x1x16xf32>,
          %swap3A_314 = vector.shape_cast %swap3A_313 : vector<1x1x16xf32> to vector<16xf32>
          %swap3A_315 = vector.shape_cast %mul3A_308 : vector<16xf32> to vector<1x1x16xf32>
          tpu.vector_store %arg10[%swap3A_310, %swap3A_311, %swap3A_312], %swap3A_315 {strides = array<i32>} : memref<2x128x128xf32, #tpu.memory_space<vmem>>, vector<1x1x16xf32>,
          %get3A_316 = arith.constant 1 : i32
          %get3A_317 = arith.index_cast %get3A_316 : i32 to index
          %get3A_318 = arith.index_cast %add3A_253 : i32 to index
          %get3A_319 = arith.constant 64 : index
          %get3A_320 = tpu.vector_load %arg10[%get3A_317, %get3A_318, %get3A_319] {strides = array<i32>} : memref<2x128x128xf32, #tpu.memory_space<vmem>>, vector<1x1x16xf32>,
          %get3A_321 = vector.shape_cast %get3A_320 : vector<1x1x16xf32> to vector<16xf32>
          %mul3A_322 = vector.broadcast %squeeze3A_255 : f32 to vector<16xf32>
          %mul3A_323 = arith.mulf %get3A_321, %mul3A_322 : vector<16xf32>
          %swap3A_324 = arith.constant 1 : i32
          %swap3A_325 = arith.index_cast %swap3A_324 : i32 to index
          %swap3A_326 = arith.index_cast %add3A_253 : i32 to index
          %swap3A_327 = arith.constant 64 : index
          %swap3A_328 = tpu.vector_load %arg10[%swap3A_325, %swap3A_326, %swap3A_327] {strides = array<i32>} : memref<2x128x128xf32, #tpu.memory_space<vmem>>, vector<1x1x16xf32>,
          %swap3A_329 = vector.shape_cast %swap3A_328 : vector<1x1x16xf32> to vector<16xf32>
          %swap3A_330 = vector.shape_cast %mul3A_323 : vector<16xf32> to vector<1x1x16xf32>
          tpu.vector_store %arg10[%swap3A_325, %swap3A_326, %swap3A_327], %swap3A_330 {strides = array<i32>} : memref<2x128x128xf32, #tpu.memory_space<vmem>>, vector<1x1x16xf32>,
          %get3A_331 = arith.constant 1 : i32
          %get3A_332 = arith.index_cast %get3A_331 : i32 to index
          %get3A_333 = arith.index_cast %add3A_253 : i32 to index
          %get3A_334 = arith.constant 80 : index
          %get3A_335 = tpu.vector_load %arg10[%get3A_332, %get3A_333, %get3A_334] {strides = array<i32>} : memref<2x128x128xf32, #tpu.memory_space<vmem>>, vector<1x1x16xf32>,
          %get3A_336 = vector.shape_cast %get3A_335 : vector<1x1x16xf32> to vector<16xf32>
          %mul3A_337 = vector.broadcast %squeeze3A_255 : f32 to vector<16xf32>
          %mul3A_338 = arith.mulf %get3A_336, %mul3A_337 : vector<16xf32>
          %swap3A_339 = arith.constant 1 : i32
          %swap3A_340 = arith.index_cast %swap3A_339 : i32 to index
          %swap3A_341 = arith.index_cast %add3A_253 : i32 to index
          %swap3A_342 = arith.constant 80 : index
          %swap3A_343 = tpu.vector_load %arg10[%swap3A_340, %swap3A_341, %swap3A_342] {strides = array<i32>} : memref<2x128x128xf32, #tpu.memory_space<vmem>>, vector<1x1x16xf32>,
          %swap3A_344 = vector.shape_cast %swap3A_343 : vector<1x1x16xf32> to vector<16xf32>
          %swap3A_345 = vector.shape_cast %mul3A_338 : vector<16xf32> to vector<1x1x16xf32>
          tpu.vector_store %arg10[%swap3A_340, %swap3A_341, %swap3A_342], %swap3A_345 {strides = array<i32>} : memref<2x128x128xf32, #tpu.memory_space<vmem>>, vector<1x1x16xf32>,
          %get3A_346 = arith.constant 1 : i32
          %get3A_347 = arith.index_cast %get3A_346 : i32 to index
          %get3A_348 = arith.index_cast %add3A_253 : i32 to index
          %get3A_349 = arith.constant 96 : index
          %get3A_350 = tpu.vector_load %arg10[%get3A_347, %get3A_348, %get3A_349] {strides = array<i32>} : memref<2x128x128xf32, #tpu.memory_space<vmem>>, vector<1x1x16xf32>,
          %get3A_351 = vector.shape_cast %get3A_350 : vector<1x1x16xf32> to vector<16xf32>
          %mul3A_352 = vector.broadcast %squeeze3A_255 : f32 to vector<16xf32>
          %mul3A_353 = arith.mulf %get3A_351, %mul3A_352 : vector<16xf32>
          %swap3A_354 = arith.constant 1 : i32
          %swap3A_355 = arith.index_cast %swap3A_354 : i32 to index
          %swap3A_356 = arith.index_cast %add3A_253 : i32 to index
          %swap3A_357 = arith.constant 96 : index
          %swap3A_358 = tpu.vector_load %arg10[%swap3A_355, %swap3A_356, %swap3A_357] {strides = array<i32>} : memref<2x128x128xf32, #tpu.memory_space<vmem>>, vector<1x1x16xf32>,
          %swap3A_359 = vector.shape_cast %swap3A_358 : vector<1x1x16xf32> to vector<16xf32>
          %swap3A_360 = vector.shape_cast %mul3A_353 : vector<16xf32> to vector<1x1x16xf32>
          tpu.vector_store %arg10[%swap3A_355, %swap3A_356, %swap3A_357], %swap3A_360 {strides = array<i32>} : memref<2x128x128xf32, #tpu.memory_space<vmem>>, vector<1x1x16xf32>,
          %get3A_361 = arith.constant 1 : i32
          %get3A_362 = arith.index_cast %get3A_361 : i32 to index
          %get3A_363 = arith.index_cast %add3A_253 : i32 to index
          %get3A_364 = arith.constant 112 : index
          %get3A_365 = tpu.vector_load %arg10[%get3A_362, %get3A_363, %get3A_364] {strides = array<i32>} : memref<2x128x128xf32, #tpu.memory_space<vmem>>, vector<1x1x16xf32>,
          %get3A_366 = vector.shape_cast %get3A_365 : vector<1x1x16xf32> to vector<16xf32>
          %mul3A_367 = vector.broadcast %squeeze3A_255 : f32 to vector<16xf32>
          %mul3A_368 = arith.mulf %get3A_366, %mul3A_367 : vector<16xf32>
          %swap3A_369 = arith.constant 1 : i32
          %swap3A_370 = arith.index_cast %swap3A_369 : i32 to index
          %swap3A_371 = arith.index_cast %add3A_253 : i32 to index
          %swap3A_372 = arith.constant 112 : index
          %swap3A_373 = tpu.vector_load %arg10[%swap3A_370, %swap3A_371, %swap3A_372] {strides = array<i32>} : memref<2x128x128xf32, #tpu.memory_space<vmem>>, vector<1x1x16xf32>,
          %swap3A_374 = vector.shape_cast %swap3A_373 : vector<1x1x16xf32> to vector<16xf32>
          %swap3A_375 = vector.shape_cast %mul3A_368 : vector<16xf32> to vector<1x1x16xf32>
          tpu.vector_store %arg10[%swap3A_370, %swap3A_371, %swap3A_372], %swap3A_375 {strides = array<i32>} : memref<2x128x128xf32, #tpu.memory_space<vmem>>, vector<1x1x16xf32>,
          %mul3A_376 = arith.constant 16 : i32
          %mul3A_377 = arith.muli %scan3A_120, %mul3A_376 : i32
          %add3A_378 = arith.constant 2 : i32
          %add3A_379 = arith.addi %mul3A_377, %add3A_378 : i32
          %slice3A_380 = vector.extract_strided_slice %get3A_126 {offsets = [2], sizes = [1], strides = [1]} : vector<16xf32> to vector<1xf32>
          %squeeze3A_381 = vector.extract %slice3A_380[0] : f32 from vector<1xf32>
          %get3A_382 = arith.constant 1 : i32
          %get3A_383 = arith.index_cast %get3A_382 : i32 to index
          %get3A_384 = arith.index_cast %add3A_379 : i32 to index
          %get3A_385 = arith.constant 0 : index
          %get3A_386 = tpu.vector_load %arg10[%get3A_383, %get3A_384, %get3A_385] {strides = array<i32>} : memref<2x128x128xf32, #tpu.memory_space<vmem>>, vector<1x1x16xf32>,
          %get3A_387 = vector.shape_cast %get3A_386 : vector<1x1x16xf32> to vector<16xf32>
          %mul3A_388 = vector.broadcast %squeeze3A_381 : f32 to vector<16xf32>
          %mul3A_389 = arith.mulf %get3A_387, %mul3A_388 : vector<16xf32>
          %swap3A_390 = arith.constant 1 : i32
          %swap3A_391 = arith.index_cast %swap3A_390 : i32 to index
          %swap3A_392 = arith.index_cast %add3A_379 : i32 to index
          %swap3A_393 = arith.constant 0 : index
          %swap3A_394 = tpu.vector_load %arg10[%swap3A_391, %swap3A_392, %swap3A_393] {strides = array<i32>} : memref<2x128x128xf32, #tpu.memory_space<vmem>>, vector<1x1x16xf32>,
          %swap3A_395 = vector.shape_cast %swap3A_394 : vector<1x1x16xf32> to vector<16xf32>
          %swap3A_396 = vector.shape_cast %mul3A_389 : vector<16xf32> to vector<1x1x16xf32>
          tpu.vector_store %arg10[%swap3A_391, %swap3A_392, %swap3A_393], %swap3A_396 {strides = array<i32>} : memref<2x128x128xf32, #tpu.memory_space<vmem>>, vector<1x1x16xf32>,
          %get3A_397 = arith.constant 1 : i32
          %get3A_398 = arith.index_cast %get3A_397 : i32 to index
          %get3A_399 = arith.index_cast %add3A_379 : i32 to index
          %get3A_400 = arith.constant 16 : index
          %get3A_401 = tpu.vector_load %arg10[%get3A_398, %get3A_399, %get3A_400] {strides = array<i32>} : memref<2x128x128xf32, #tpu.memory_space<vmem>>, vector<1x1x16xf32>,
          %get3A_402 = vector.shape_cast %get3A_401 : vector<1x1x16xf32> to vector<16xf32>
          %mul3A_403 = vector.broadcast %squeeze3A_381 : f32 to vector<16xf32>
          %mul3A_404 = arith.mulf %get3A_402, %mul3A_403 : vector<16xf32>
          %swap3A_405 = arith.constant 1 : i32
          %swap3A_406 = arith.index_cast %swap3A_405 : i32 to index
          %swap3A_407 = arith.index_cast %add3A_379 : i32 to index
          %swap3A_408 = arith.constant 16 : index
          %swap3A_409 = tpu.vector_load %arg10[%swap3A_406, %swap3A_407, %swap3A_408] {strides = array<i32>} : memref<2x128x128xf32, #tpu.memory_space<vmem>>, vector<1x1x16xf32>,
          %swap3A_410 = vector.shape_cast %swap3A_409 : vector<1x1x16xf32> to vector<16xf32>
          %swap3A_411 = vector.shape_cast %mul3A_404 : vector<16xf32> to vector<1x1x16xf32>
          tpu.vector_store %arg10[%swap3A_406, %swap3A_407, %swap3A_408], %swap3A_411 {strides = array<i32>} : memref<2x128x128xf32, #tpu.memory_space<vmem>>, vector<1x1x16xf32>,
          %get3A_412 = arith.constant 1 : i32
          %get3A_413 = arith.index_cast %get3A_412 : i32 to index
          %get3A_414 = arith.index_cast %add3A_379 : i32 to index
          %get3A_415 = arith.constant 32 : index
          %get3A_416 = tpu.vector_load %arg10[%get3A_413, %get3A_414, %get3A_415] {strides = array<i32>} : memref<2x128x128xf32, #tpu.memory_space<vmem>>, vector<1x1x16xf32>,
          %get3A_417 = vector.shape_cast %get3A_416 : vector<1x1x16xf32> to vector<16xf32>
          %mul3A_418 = vector.broadcast %squeeze3A_381 : f32 to vector<16xf32>
          %mul3A_419 = arith.mulf %get3A_417, %mul3A_418 : vector<16xf32>
          %swap3A_420 = arith.constant 1 : i32
          %swap3A_421 = arith.index_cast %swap3A_420 : i32 to index
          %swap3A_422 = arith.index_cast %add3A_379 : i32 to index
          %swap3A_423 = arith.constant 32 : index
          %swap3A_424 = tpu.vector_load %arg10[%swap3A_421, %swap3A_422, %swap3A_423] {strides = array<i32>} : memref<2x128x128xf32, #tpu.memory_space<vmem>>, vector<1x1x16xf32>,
          %swap3A_425 = vector.shape_cast %swap3A_424 : vector<1x1x16xf32> to vector<16xf32>
          %swap3A_426 = vector.shape_cast %mul3A_419 : vector<16xf32> to vector<1x1x16xf32>
          tpu.vector_store %arg10[%swap3A_421, %swap3A_422, %swap3A_423], %swap3A_426 {strides = array<i32>} : memref<2x128x128xf32, #tpu.memory_space<vmem>>, vector<1x1x16xf32>,
          %get3A_427 = arith.constant 1 : i32
          %get3A_428 = arith.index_cast %get3A_427 : i32 to index
          %get3A_429 = arith.index_cast %add3A_379 : i32 to index
          %get3A_430 = arith.constant 48 : index
          %get3A_431 = tpu.vector_load %arg10[%get3A_428, %get3A_429, %get3A_430] {strides = array<i32>} : memref<2x128x128xf32, #tpu.memory_space<vmem>>, vector<1x1x16xf32>,
          %get3A_432 = vector.shape_cast %get3A_431 : vector<1x1x16xf32> to vector<16xf32>
          %mul3A_433 = vector.broadcast %squeeze3A_381 : f32 to vector<16xf32>
          %mul3A_434 = arith.mulf %get3A_432, %mul3A_433 : vector<16xf32>
          %swap3A_435 = arith.constant 1 : i32
          %swap3A_436 = arith.index_cast %swap3A_435 : i32 to index
          %swap3A_437 = arith.index_cast %add3A_379 : i32 to index
          %swap3A_438 = arith.constant 48 : index
          %swap3A_439 = tpu.vector_load %arg10[%swap3A_436, %swap3A_437, %swap3A_438] {strides = array<i32>} : memref<2x128x128xf32, #tpu.memory_space<vmem>>, vector<1x1x16xf32>,
          %swap3A_440 = vector.shape_cast %swap3A_439 : vector<1x1x16xf32> to vector<16xf32>
          %swap3A_441 = vector.shape_cast %mul3A_434 : vector<16xf32> to vector<1x1x16xf32>
          tpu.vector_store %arg10[%swap3A_436, %swap3A_437, %swap3A_438], %swap3A_441 {strides = array<i32>} : memref<2x128x128xf32, #tpu.memory_space<vmem>>, vector<1x1x16xf32>,
          %get3A_442 = arith.constant 1 : i32
          %get3A_443 = arith.index_cast %get3A_442 : i32 to index
          %get3A_444 = arith.index_cast %add3A_379 : i32 to index
          %get3A_445 = arith.constant 64 : index
          %get3A_446 = tpu.vector_load %arg10[%get3A_443, %get3A_444, %get3A_445] {strides = array<i32>} : memref<2x128x128xf32, #tpu.memory_space<vmem>>, vector<1x1x16xf32>,
          %get3A_447 = vector.shape_cast %get3A_446 : vector<1x1x16xf32> to vector<16xf32>
          %mul3A_448 = vector.broadcast %squeeze3A_381 : f32 to vector<16xf32>
          %mul3A_449 = arith.mulf %get3A_447, %mul3A_448 : vector<16xf32>
          %swap3A_450 = arith.constant 1 : i32
          %swap3A_451 = arith.index_cast %swap3A_450 : i32 to index
          %swap3A_452 = arith.index_cast %add3A_379 : i32 to index
          %swap3A_453 = arith.constant 64 : index
          %swap3A_454 = tpu.vector_load %arg10[%swap3A_451, %swap3A_452, %swap3A_453] {strides = array<i32>} : memref<2x128x128xf32, #tpu.memory_space<vmem>>, vector<1x1x16xf32>,
          %swap3A_455 = vector.shape_cast %swap3A_454 : vector<1x1x16xf32> to vector<16xf32>
          %swap3A_456 = vector.shape_cast %mul3A_449 : vector<16xf32> to vector<1x1x16xf32>
          tpu.vector_store %arg10[%swap3A_451, %swap3A_452, %swap3A_453], %swap3A_456 {strides = array<i32>} : memref<2x128x128xf32, #tpu.memory_space<vmem>>, vector<1x1x16xf32>,
          %get3A_457 = arith.constant 1 : i32
          %get3A_458 = arith.index_cast %get3A_457 : i32 to index
          %get3A_459 = arith.index_cast %add3A_379 : i32 to index
          %get3A_460 = arith.constant 80 : index
          %get3A_461 = tpu.vector_load %arg10[%get3A_458, %get3A_459, %get3A_460] {strides = array<i32>} : memref<2x128x128xf32, #tpu.memory_space<vmem>>, vector<1x1x16xf32>,
          %get3A_462 = vector.shape_cast %get3A_461 : vector<1x1x16xf32> to vector<16xf32>
          %mul3A_463 = vector.broadcast %squeeze3A_381 : f32 to vector<16xf32>
          %mul3A_464 = arith.mulf %get3A_462, %mul3A_463 : vector<16xf32>
          %swap3A_465 = arith.constant 1 : i32
          %swap3A_466 = arith.index_cast %swap3A_465 : i32 to index
          %swap3A_467 = arith.index_cast %add3A_379 : i32 to index
          %swap3A_468 = arith.constant 80 : index
          %swap3A_469 = tpu.vector_load %arg10[%swap3A_466, %swap3A_467, %swap3A_468] {strides = array<i32>} : memref<2x128x128xf32, #tpu.memory_space<vmem>>, vector<1x1x16xf32>,
          %swap3A_470 = vector.shape_cast %swap3A_469 : vector<1x1x16xf32> to vector<16xf32>
          %swap3A_471 = vector.shape_cast %mul3A_464 : vector<16xf32> to vector<1x1x16xf32>
          tpu.vector_store %arg10[%swap3A_466, %swap3A_467, %swap3A_468], %swap3A_471 {strides = array<i32>} : memref<2x128x128xf32, #tpu.memory_space<vmem>>, vector<1x1x16xf32>,
          %get3A_472 = arith.constant 1 : i32
          %get3A_473 = arith.index_cast %get3A_472 : i32 to index
          %get3A_474 = arith.index_cast %add3A_379 : i32 to index
          %get3A_475 = arith.constant 96 : index
          %get3A_476 = tpu.vector_load %arg10[%get3A_473, %get3A_474, %get3A_475] {strides = array<i32>} : memref<2x128x128xf32, #tpu.memory_space<vmem>>, vector<1x1x16xf32>,
          %get3A_477 = vector.shape_cast %get3A_476 : vector<1x1x16xf32> to vector<16xf32>
          %mul3A_478 = vector.broadcast %squeeze3A_381 : f32 to vector<16xf32>
          %mul3A_479 = arith.mulf %get3A_477, %mul3A_478 : vector<16xf32>
          %swap3A_480 = arith.constant 1 : i32
          %swap3A_481 = arith.index_cast %swap3A_480 : i32 to index
          %swap3A_482 = arith.index_cast %add3A_379 : i32 to index
          %swap3A_483 = arith.constant 96 : index
          %swap3A_484 = tpu.vector_load %arg10[%swap3A_481, %swap3A_482, %swap3A_483] {strides = array<i32>} : memref<2x128x128xf32, #tpu.memory_space<vmem>>, vector<1x1x16xf32>,
          %swap3A_485 = vector.shape_cast %swap3A_484 : vector<1x1x16xf32> to vector<16xf32>
          %swap3A_486 = vector.shape_cast %mul3A_479 : vector<16xf32> to vector<1x1x16xf32>
          tpu.vector_store %arg10[%swap3A_481, %swap3A_482, %swap3A_483], %swap3A_486 {strides = array<i32>} : memref<2x128x128xf32, #tpu.memory_space<vmem>>, vector<1x1x16xf32>,
          %get3A_487 = arith.constant 1 : i32
          %get3A_488 = arith.index_cast %get3A_487 : i32 to index
          %get3A_489 = arith.index_cast %add3A_379 : i32 to index
          %get3A_490 = arith.constant 112 : index
          %get3A_491 = tpu.vector_load %arg10[%get3A_488, %get3A_489, %get3A_490] {strides = array<i32>} : memref<2x128x128xf32, #tpu.memory_space<vmem>>, vector<1x1x16xf32>,
          %get3A_492 = vector.shape_cast %get3A_491 : vector<1x1x16xf32> to vector<16xf32>
          %mul3A_493 = vector.broadcast %squeeze3A_381 : f32 to vector<16xf32>
          %mul3A_494 = arith.mulf %get3A_492, %mul3A_493 : vector<16xf32>
          %swap3A_495 = arith.constant 1 : i32
          %swap3A_496 = arith.index_cast %swap3A_495 : i32 to index
          %swap3A_497 = arith.index_cast %add3A_379 : i32 to index
          %swap3A_498 = arith.constant 112 : index
          %swap3A_499 = tpu.vector_load %arg10[%swap3A_496, %swap3A_497, %swap3A_498] {strides = array<i32>} : memref<2x128x128xf32, #tpu.memory_space<vmem>>, vector<1x1x16xf32>,
          %swap3A_500 = vector.shape_cast %swap3A_499 : vector<1x1x16xf32> to vector<16xf32>
          %swap3A_501 = vector.shape_cast %mul3A_494 : vector<16xf32> to vector<1x1x16xf32>
          tpu.vector_store %arg10[%swap3A_496, %swap3A_497, %swap3A_498], %swap3A_501 {strides = array<i32>} : memref<2x128x128xf32, #tpu.memory_space<vmem>>, vector<1x1x16xf32>,
          %mul3A_502 = arith.constant 16 : i32
          %mul3A_503 = arith.muli %scan3A_120, %mul3A_502 : i32
          %add3A_504 = arith.constant 3 : i32
          %add3A_505 = arith.addi %mul3A_503, %add3A_504 : i32
          %slice3A_506 = vector.extract_strided_slice %get3A_126 {offsets = [3], sizes = [1], strides = [1]} : vector<16xf32> to vector<1xf32>
          %squeeze3A_507 = vector.extract %slice3A_506[0] : f32 from vector<1xf32>
          %get3A_508 = arith.constant 1 : i32
          %get3A_509 = arith.index_cast %get3A_508 : i32 to index
          %get3A_510 = arith.index_cast %add3A_505 : i32 to index
          %get3A_511 = arith.constant 0 : index
          %get3A_512 = tpu.vector_load %arg10[%get3A_509, %get3A_510, %get3A_511] {strides = array<i32>} : memref<2x128x128xf32, #tpu.memory_space<vmem>>, vector<1x1x16xf32>,
          %get3A_513 = vector.shape_cast %get3A_512 : vector<1x1x16xf32> to vector<16xf32>
          %mul3A_514 = vector.broadcast %squeeze3A_507 : f32 to vector<16xf32>
          %mul3A_515 = arith.mulf %get3A_513, %mul3A_514 : vector<16xf32>
          %swap3A_516 = arith.constant 1 : i32
          %swap3A_517 = arith.index_cast %swap3A_516 : i32 to index
          %swap3A_518 = arith.index_cast %add3A_505 : i32 to index
          %swap3A_519 = arith.constant 0 : index
          %swap3A_520 = tpu.vector_load %arg10[%swap3A_517, %swap3A_518, %swap3A_519] {strides = array<i32>} : memref<2x128x128xf32, #tpu.memory_space<vmem>>, vector<1x1x16xf32>,
          %swap3A_521 = vector.shape_cast %swap3A_520 : vector<1x1x16xf32> to vector<16xf32>
          %swap3A_522 = vector.shape_cast %mul3A_515 : vector<16xf32> to vector<1x1x16xf32>
          tpu.vector_store %arg10[%swap3A_517, %swap3A_518, %swap3A_519], %swap3A_522 {strides = array<i32>} : memref<2x128x128xf32, #tpu.memory_space<vmem>>, vector<1x1x16xf32>,
          %get3A_523 = arith.constant 1 : i32
          %get3A_524 = arith.index_cast %get3A_523 : i32 to index
          %get3A_525 = arith.index_cast %add3A_505 : i32 to index
          %get3A_526 = arith.constant 16 : index
          %get3A_527 = tpu.vector_load %arg10[%get3A_524, %get3A_525, %get3A_526] {strides = array<i32>} : memref<2x128x128xf32, #tpu.memory_space<vmem>>, vector<1x1x16xf32>,
          %get3A_528 = vector.shape_cast %get3A_527 : vector<1x1x16xf32> to vector<16xf32>
          %mul3A_529 = vector.broadcast %squeeze3A_507 : f32 to vector<16xf32>
          %mul3A_530 = arith.mulf %get3A_528, %mul3A_529 : vector<16xf32>
          %swap3A_531 = arith.constant 1 : i32
          %swap3A_532 = arith.index_cast %swap3A_531 : i32 to index
          %swap3A_533 = arith.index_cast %add3A_505 : i32 to index
          %swap3A_534 = arith.constant 16 : index
          %swap3A_535 = tpu.vector_load %arg10[%swap3A_532, %swap3A_533, %swap3A_534] {strides = array<i32>} : memref<2x128x128xf32, #tpu.memory_space<vmem>>, vector<1x1x16xf32>,
          %swap3A_536 = vector.shape_cast %swap3A_535 : vector<1x1x16xf32> to vector<16xf32>
          %swap3A_537 = vector.shape_cast %mul3A_530 : vector<16xf32> to vector<1x1x16xf32>
          tpu.vector_store %arg10[%swap3A_532, %swap3A_533, %swap3A_534], %swap3A_537 {strides = array<i32>} : memref<2x128x128xf32, #tpu.memory_space<vmem>>, vector<1x1x16xf32>,
          %get3A_538 = arith.constant 1 : i32
          %get3A_539 = arith.index_cast %get3A_538 : i32 to index
          %get3A_540 = arith.index_cast %add3A_505 : i32 to index
          %get3A_541 = arith.constant 32 : index
          %get3A_542 = tpu.vector_load %arg10[%get3A_539, %get3A_540, %get3A_541] {strides = array<i32>} : memref<2x128x128xf32, #tpu.memory_space<vmem>>, vector<1x1x16xf32>,
          %get3A_543 = vector.shape_cast %get3A_542 : vector<1x1x16xf32> to vector<16xf32>
          %mul3A_544 = vector.broadcast %squeeze3A_507 : f32 to vector<16xf32>
          %mul3A_545 = arith.mulf %get3A_543, %mul3A_544 : vector<16xf32>
          %swap3A_546 = arith.constant 1 : i32
          %swap3A_547 = arith.index_cast %swap3A_546 : i32 to index
          %swap3A_548 = arith.index_cast %add3A_505 : i32 to index
          %swap3A_549 = arith.constant 32 : index
          %swap3A_550 = tpu.vector_load %arg10[%swap3A_547, %swap3A_548, %swap3A_549] {strides = array<i32>} : memref<2x128x128xf32, #tpu.memory_space<vmem>>, vector<1x1x16xf32>,
          %swap3A_551 = vector.shape_cast %swap3A_550 : vector<1x1x16xf32> to vector<16xf32>
          %swap3A_552 = vector.shape_cast %mul3A_545 : vector<16xf32> to vector<1x1x16xf32>
          tpu.vector_store %arg10[%swap3A_547, %swap3A_548, %swap3A_549], %swap3A_552 {strides = array<i32>} : memref<2x128x128xf32, #tpu.memory_space<vmem>>, vector<1x1x16xf32>,
          %get3A_553 = arith.constant 1 : i32
          %get3A_554 = arith.index_cast %get3A_553 : i32 to index
          %get3A_555 = arith.index_cast %add3A_505 : i32 to index
          %get3A_556 = arith.constant 48 : index
          %get3A_557 = tpu.vector_load %arg10[%get3A_554, %get3A_555, %get3A_556] {strides = array<i32>} : memref<2x128x128xf32, #tpu.memory_space<vmem>>, vector<1x1x16xf32>,
          %get3A_558 = vector.shape_cast %get3A_557 : vector<1x1x16xf32> to vector<16xf32>
          %mul3A_559 = vector.broadcast %squeeze3A_507 : f32 to vector<16xf32>
          %mul3A_560 = arith.mulf %get3A_558, %mul3A_559 : vector<16xf32>
          %swap3A_561 = arith.constant 1 : i32
          %swap3A_562 = arith.index_cast %swap3A_561 : i32 to index
          %swap3A_563 = arith.index_cast %add3A_505 : i32 to index
          %swap3A_564 = arith.constant 48 : index
          %swap3A_565 = tpu.vector_load %arg10[%swap3A_562, %swap3A_563, %swap3A_564] {strides = array<i32>} : memref<2x128x128xf32, #tpu.memory_space<vmem>>, vector<1x1x16xf32>,
          %swap3A_566 = vector.shape_cast %swap3A_565 : vector<1x1x16xf32> to vector<16xf32>
          %swap3A_567 = vector.shape_cast %mul3A_560 : vector<16xf32> to vector<1x1x16xf32>
          tpu.vector_store %arg10[%swap3A_562, %swap3A_563, %swap3A_564], %swap3A_567 {strides = array<i32>} : memref<2x128x128xf32, #tpu.memory_space<vmem>>, vector<1x1x16xf32>,
          %get3A_568 = arith.constant 1 : i32
          %get3A_569 = arith.index_cast %get3A_568 : i32 to index
          %get3A_570 = arith.index_cast %add3A_505 : i32 to index
          %get3A_571 = arith.constant 64 : index
          %get3A_572 = tpu.vector_load %arg10[%get3A_569, %get3A_570, %get3A_571] {strides = array<i32>} : memref<2x128x128xf32, #tpu.memory_space<vmem>>, vector<1x1x16xf32>,
          %get3A_573 = vector.shape_cast %get3A_572 : vector<1x1x16xf32> to vector<16xf32>
          %mul3A_574 = vector.broadcast %squeeze3A_507 : f32 to vector<16xf32>
          %mul3A_575 = arith.mulf %get3A_573, %mul3A_574 : vector<16xf32>
          %swap3A_576 = arith.constant 1 : i32
          %swap3A_577 = arith.index_cast %swap3A_576 : i32 to index
          %swap3A_578 = arith.index_cast %add3A_505 : i32 to index
          %swap3A_579 = arith.constant 64 : index
          %swap3A_580 = tpu.vector_load %arg10[%swap3A_577, %swap3A_578, %swap3A_579] {strides = array<i32>} : memref<2x128x128xf32, #tpu.memory_space<vmem>>, vector<1x1x16xf32>,
          %swap3A_581 = vector.shape_cast %swap3A_580 : vector<1x1x16xf32> to vector<16xf32>
          %swap3A_582 = vector.shape_cast %mul3A_575 : vector<16xf32> to vector<1x1x16xf32>
          tpu.vector_store %arg10[%swap3A_577, %swap3A_578, %swap3A_579], %swap3A_582 {strides = array<i32>} : memref<2x128x128xf32, #tpu.memory_space<vmem>>, vector<1x1x16xf32>,
          %get3A_583 = arith.constant 1 : i32
          %get3A_584 = arith.index_cast %get3A_583 : i32 to index
          %get3A_585 = arith.index_cast %add3A_505 : i32 to index
          %get3A_586 = arith.constant 80 : index
          %get3A_587 = tpu.vector_load %arg10[%get3A_584, %get3A_585, %get3A_586] {strides = array<i32>} : memref<2x128x128xf32, #tpu.memory_space<vmem>>, vector<1x1x16xf32>,
          %get3A_588 = vector.shape_cast %get3A_587 : vector<1x1x16xf32> to vector<16xf32>
          %mul3A_589 = vector.broadcast %squeeze3A_507 : f32 to vector<16xf32>
          %mul3A_590 = arith.mulf %get3A_588, %mul3A_589 : vector<16xf32>
          %swap3A_591 = arith.constant 1 : i32
          %swap3A_592 = arith.index_cast %swap3A_591 : i32 to index
          %swap3A_593 = arith.index_cast %add3A_505 : i32 to index
          %swap3A_594 = arith.constant 80 : index
          %swap3A_595 = tpu.vector_load %arg10[%swap3A_592, %swap3A_593, %swap3A_594] {strides = array<i32>} : memref<2x128x128xf32, #tpu.memory_space<vmem>>, vector<1x1x16xf32>,
          %swap3A_596 = vector.shape_cast %swap3A_595 : vector<1x1x16xf32> to vector<16xf32>
          %swap3A_597 = vector.shape_cast %mul3A_590 : vector<16xf32> to vector<1x1x16xf32>
          tpu.vector_store %arg10[%swap3A_592, %swap3A_593, %swap3A_594], %swap3A_597 {strides = array<i32>} : memref<2x128x128xf32, #tpu.memory_space<vmem>>, vector<1x1x16xf32>,
          %get3A_598 = arith.constant 1 : i32
          %get3A_599 = arith.index_cast %get3A_598 : i32 to index
          %get3A_600 = arith.index_cast %add3A_505 : i32 to index
          %get3A_601 = arith.constant 96 : index
          %get3A_602 = tpu.vector_load %arg10[%get3A_599, %get3A_600, %get3A_601] {strides = array<i32>} : memref<2x128x128xf32, #tpu.memory_space<vmem>>, vector<1x1x16xf32>,
          %get3A_603 = vector.shape_cast %get3A_602 : vector<1x1x16xf32> to vector<16xf32>
          %mul3A_604 = vector.broadcast %squeeze3A_507 : f32 to vector<16xf32>
          %mul3A_605 = arith.mulf %get3A_603, %mul3A_604 : vector<16xf32>
          %swap3A_606 = arith.constant 1 : i32
          %swap3A_607 = arith.index_cast %swap3A_606 : i32 to index
          %swap3A_608 = arith.index_cast %add3A_505 : i32 to index
          %swap3A_609 = arith.constant 96 : index
          %swap3A_610 = tpu.vector_load %arg10[%swap3A_607, %swap3A_608, %swap3A_609] {strides = array<i32>} : memref<2x128x128xf32, #tpu.memory_space<vmem>>, vector<1x1x16xf32>,
          %swap3A_611 = vector.shape_cast %swap3A_610 : vector<1x1x16xf32> to vector<16xf32>
          %swap3A_612 = vector.shape_cast %mul3A_605 : vector<16xf32> to vector<1x1x16xf32>
          tpu.vector_store %arg10[%swap3A_607, %swap3A_608, %swap3A_609], %swap3A_612 {strides = array<i32>} : memref<2x128x128xf32, #tpu.memory_space<vmem>>, vector<1x1x16xf32>,
          %get3A_613 = arith.constant 1 : i32
          %get3A_614 = arith.index_cast %get3A_613 : i32 to index
          %get3A_615 = arith.index_cast %add3A_505 : i32 to index
          %get3A_616 = arith.constant 112 : index
          %get3A_617 = tpu.vector_load %arg10[%get3A_614, %get3A_615, %get3A_616] {strides = array<i32>} : memref<2x128x128xf32, #tpu.memory_space<vmem>>, vector<1x1x16xf32>,
          %get3A_618 = vector.shape_cast %get3A_617 : vector<1x1x16xf32> to vector<16xf32>
          %mul3A_619 = vector.broadcast %squeeze3A_507 : f32 to vector<16xf32>
          %mul3A_620 = arith.mulf %get3A_618, %mul3A_619 : vector<16xf32>
          %swap3A_621 = arith.constant 1 : i32
          %swap3A_622 = arith.index_cast %swap3A_621 : i32 to index
          %swap3A_623 = arith.index_cast %add3A_505 : i32 to index
          %swap3A_624 = arith.constant 112 : index
          %swap3A_625 = tpu.vector_load %arg10[%swap3A_622, %swap3A_623, %swap3A_624] {strides = array<i32>} : memref<2x128x128xf32, #tpu.memory_space<vmem>>, vector<1x1x16xf32>,
          %swap3A_626 = vector.shape_cast %swap3A_625 : vector<1x1x16xf32> to vector<16xf32>
          %swap3A_627 = vector.shape_cast %mul3A_620 : vector<16xf32> to vector<1x1x16xf32>
          tpu.vector_store %arg10[%swap3A_622, %swap3A_623, %swap3A_624], %swap3A_627 {strides = array<i32>} : memref<2x128x128xf32, #tpu.memory_space<vmem>>, vector<1x1x16xf32>,
          %mul3A_628 = arith.constant 16 : i32
          %mul3A_629 = arith.muli %scan3A_120, %mul3A_628 : i32
          %add3A_630 = arith.constant 4 : i32
          %add3A_631 = arith.addi %mul3A_629, %add3A_630 : i32
          %slice3A_632 = vector.extract_strided_slice %get3A_126 {offsets = [4], sizes = [1], strides = [1]} : vector<16xf32> to vector<1xf32>
          %squeeze3A_633 = vector.extract %slice3A_632[0] : f32 from vector<1xf32>
          %get3A_634 = arith.constant 1 : i32
          %get3A_635 = arith.index_cast %get3A_634 : i32 to index
          %get3A_636 = arith.index_cast %add3A_631 : i32 to index
          %get3A_637 = arith.constant 0 : index
          %get3A_638 = tpu.vector_load %arg10[%get3A_635, %get3A_636, %get3A_637] {strides = array<i32>} : memref<2x128x128xf32, #tpu.memory_space<vmem>>, vector<1x1x16xf32>,
          %get3A_639 = vector.shape_cast %get3A_638 : vector<1x1x16xf32> to vector<16xf32>
          %mul3A_640 = vector.broadcast %squeeze3A_633 : f32 to vector<16xf32>
          %mul3A_641 = arith.mulf %get3A_639, %mul3A_640 : vector<16xf32>
          %swap3A_642 = arith.constant 1 : i32
          %swap3A_643 = arith.index_cast %swap3A_642 : i32 to index
          %swap3A_644 = arith.index_cast %add3A_631 : i32 to index
          %swap3A_645 = arith.constant 0 : index
          %swap3A_646 = tpu.vector_load %arg10[%swap3A_643, %swap3A_644, %swap3A_645] {strides = array<i32>} : memref<2x128x128xf32, #tpu.memory_space<vmem>>, vector<1x1x16xf32>,
          %swap3A_647 = vector.shape_cast %swap3A_646 : vector<1x1x16xf32> to vector<16xf32>
          %swap3A_648 = vector.shape_cast %mul3A_641 : vector<16xf32> to vector<1x1x16xf32>
          tpu.vector_store %arg10[%swap3A_643, %swap3A_644, %swap3A_645], %swap3A_648 {strides = array<i32>} : memref<2x128x128xf32, #tpu.memory_space<vmem>>, vector<1x1x16xf32>,
          %get3A_649 = arith.constant 1 : i32
          %get3A_650 = arith.index_cast %get3A_649 : i32 to index
          %get3A_651 = arith.index_cast %add3A_631 : i32 to index
          %get3A_652 = arith.constant 16 : index
          %get3A_653 = tpu.vector_load %arg10[%get3A_650, %get3A_651, %get3A_652] {strides = array<i32>} : memref<2x128x128xf32, #tpu.memory_space<vmem>>, vector<1x1x16xf32>,
          %get3A_654 = vector.shape_cast %get3A_653 : vector<1x1x16xf32> to vector<16xf32>
          %mul3A_655 = vector.broadcast %squeeze3A_633 : f32 to vector<16xf32>
          %mul3A_656 = arith.mulf %get3A_654, %mul3A_655 : vector<16xf32>
          %swap3A_657 = arith.constant 1 : i32
          %swap3A_658 = arith.index_cast %swap3A_657 : i32 to index
          %swap3A_659 = arith.index_cast %add3A_631 : i32 to index
          %swap3A_660 = arith.constant 16 : index
          %swap3A_661 = tpu.vector_load %arg10[%swap3A_658, %swap3A_659, %swap3A_660] {strides = array<i32>} : memref<2x128x128xf32, #tpu.memory_space<vmem>>, vector<1x1x16xf32>,
          %swap3A_662 = vector.shape_cast %swap3A_661 : vector<1x1x16xf32> to vector<16xf32>
          %swap3A_663 = vector.shape_cast %mul3A_656 : vector<16xf32> to vector<1x1x16xf32>
          tpu.vector_store %arg10[%swap3A_658, %swap3A_659, %swap3A_660], %swap3A_663 {strides = array<i32>} : memref<2x128x128xf32, #tpu.memory_space<vmem>>, vector<1x1x16xf32>,
          %get3A_664 = arith.constant 1 : i32
          %get3A_665 = arith.index_cast %get3A_664 : i32 to index
          %get3A_666 = arith.index_cast %add3A_631 : i32 to index
          %get3A_667 = arith.constant 32 : index
          %get3A_668 = tpu.vector_load %arg10[%get3A_665, %get3A_666, %get3A_667] {strides = array<i32>} : memref<2x128x128xf32, #tpu.memory_space<vmem>>, vector<1x1x16xf32>,
          %get3A_669 = vector.shape_cast %get3A_668 : vector<1x1x16xf32> to vector<16xf32>
          %mul3A_670 = vector.broadcast %squeeze3A_633 : f32 to vector<16xf32>
          %mul3A_671 = arith.mulf %get3A_669, %mul3A_670 : vector<16xf32>
          %swap3A_672 = arith.constant 1 : i32
          %swap3A_673 = arith.index_cast %swap3A_672 : i32 to index
          %swap3A_674 = arith.index_cast %add3A_631 : i32 to index
          %swap3A_675 = arith.constant 32 : index
          %swap3A_676 = tpu.vector_load %arg10[%swap3A_673, %swap3A_674, %swap3A_675] {strides = array<i32>} : memref<2x128x128xf32, #tpu.memory_space<vmem>>, vector<1x1x16xf32>,
          %swap3A_677 = vector.shape_cast %swap3A_676 : vector<1x1x16xf32> to vector<16xf32>
          %swap3A_678 = vector.shape_cast %mul3A_671 : vector<16xf32> to vector<1x1x16xf32>
          tpu.vector_store %arg10[%swap3A_673, %swap3A_674, %swap3A_675], %swap3A_678 {strides = array<i32>} : memref<2x128x128xf32, #tpu.memory_space<vmem>>, vector<1x1x16xf32>,
          %get3A_679 = arith.constant 1 : i32
          %get3A_680 = arith.index_cast %get3A_679 : i32 to index
          %get3A_681 = arith.index_cast %add3A_631 : i32 to index
          %get3A_682 = arith.constant 48 : index
          %get3A_683 = tpu.vector_load %arg10[%get3A_680, %get3A_681, %get3A_682] {strides = array<i32>} : memref<2x128x128xf32, #tpu.memory_space<vmem>>, vector<1x1x16xf32>,
          %get3A_684 = vector.shape_cast %get3A_683 : vector<1x1x16xf32> to vector<16xf32>
          %mul3A_685 = vector.broadcast %squeeze3A_633 : f32 to vector<16xf32>
          %mul3A_686 = arith.mulf %get3A_684, %mul3A_685 : vector<16xf32>
          %swap3A_687 = arith.constant 1 : i32
          %swap3A_688 = arith.index_cast %swap3A_687 : i32 to index
          %swap3A_689 = arith.index_cast %add3A_631 : i32 to index
          %swap3A_690 = arith.constant 48 : index
          %swap3A_691 = tpu.vector_load %arg10[%swap3A_688, %swap3A_689, %swap3A_690] {strides = array<i32>} : memref<2x128x128xf32, #tpu.memory_space<vmem>>, vector<1x1x16xf32>,
          %swap3A_692 = vector.shape_cast %swap3A_691 : vector<1x1x16xf32> to vector<16xf32>
          %swap3A_693 = vector.shape_cast %mul3A_686 : vector<16xf32> to vector<1x1x16xf32>
          tpu.vector_store %arg10[%swap3A_688, %swap3A_689, %swap3A_690], %swap3A_693 {strides = array<i32>} : memref<2x128x128xf32, #tpu.memory_space<vmem>>, vector<1x1x16xf32>,
          %get3A_694 = arith.constant 1 : i32
          %get3A_695 = arith.index_cast %get3A_694 : i32 to index
          %get3A_696 = arith.index_cast %add3A_631 : i32 to index
          %get3A_697 = arith.constant 64 : index
          %get3A_698 = tpu.vector_load %arg10[%get3A_695, %get3A_696, %get3A_697] {strides = array<i32>} : memref<2x128x128xf32, #tpu.memory_space<vmem>>, vector<1x1x16xf32>,
          %get3A_699 = vector.shape_cast %get3A_698 : vector<1x1x16xf32> to vector<16xf32>
          %mul3A_700 = vector.broadcast %squeeze3A_633 : f32 to vector<16xf32>
          %mul3A_701 = arith.mulf %get3A_699, %mul3A_700 : vector<16xf32>
          %swap3A_702 = arith.constant 1 : i32
          %swap3A_703 = arith.index_cast %swap3A_702 : i32 to index
          %swap3A_704 = arith.index_cast %add3A_631 : i32 to index
          %swap3A_705 = arith.constant 64 : index
          %swap3A_706 = tpu.vector_load %arg10[%swap3A_703, %swap3A_704, %swap3A_705] {strides = array<i32>} : memref<2x128x128xf32, #tpu.memory_space<vmem>>, vector<1x1x16xf32>,
          %swap3A_707 = vector.shape_cast %swap3A_706 : vector<1x1x16xf32> to vector<16xf32>
          %swap3A_708 = vector.shape_cast %mul3A_701 : vector<16xf32> to vector<1x1x16xf32>
          tpu.vector_store %arg10[%swap3A_703, %swap3A_704, %swap3A_705], %swap3A_708 {strides = array<i32>} : memref<2x128x128xf32, #tpu.memory_space<vmem>>, vector<1x1x16xf32>,
          %get3A_709 = arith.constant 1 : i32
          %get3A_710 = arith.index_cast %get3A_709 : i32 to index
          %get3A_711 = arith.index_cast %add3A_631 : i32 to index
          %get3A_712 = arith.constant 80 : index
          %get3A_713 = tpu.vector_load %arg10[%get3A_710, %get3A_711, %get3A_712] {strides = array<i32>} : memref<2x128x128xf32, #tpu.memory_space<vmem>>, vector<1x1x16xf32>,
          %get3A_714 = vector.shape_cast %get3A_713 : vector<1x1x16xf32> to vector<16xf32>
          %mul3A_715 = vector.broadcast %squeeze3A_633 : f32 to vector<16xf32>
          %mul3A_716 = arith.mulf %get3A_714, %mul3A_715 : vector<16xf32>
          %swap3A_717 = arith.constant 1 : i32
          %swap3A_718 = arith.index_cast %swap3A_717 : i32 to index
          %swap3A_719 = arith.index_cast %add3A_631 : i32 to index
          %swap3A_720 = arith.constant 80 : index
          %swap3A_721 = tpu.vector_load %arg10[%swap3A_718, %swap3A_719, %swap3A_720] {strides = array<i32>} : memref<2x128x128xf32, #tpu.memory_space<vmem>>, vector<1x1x16xf32>,
          %swap3A_722 = vector.shape_cast %swap3A_721 : vector<1x1x16xf32> to vector<16xf32>
          %swap3A_723 = vector.shape_cast %mul3A_716 : vector<16xf32> to vector<1x1x16xf32>
          tpu.vector_store %arg10[%swap3A_718, %swap3A_719, %swap3A_720], %swap3A_723 {strides = array<i32>} : memref<2x128x128xf32, #tpu.memory_space<vmem>>, vector<1x1x16xf32>,
          %get3A_724 = arith.constant 1 : i32
          %get3A_725 = arith.index_cast %get3A_724 : i32 to index
          %get3A_726 = arith.index_cast %add3A_631 : i32 to index
          %get3A_727 = arith.constant 96 : index
          %get3A_728 = tpu.vector_load %arg10[%get3A_725, %get3A_726, %get3A_727] {strides = array<i32>} : memref<2x128x128xf32, #tpu.memory_space<vmem>>, vector<1x1x16xf32>,
          %get3A_729 = vector.shape_cast %get3A_728 : vector<1x1x16xf32> to vector<16xf32>
          %mul3A_730 = vector.broadcast %squeeze3A_633 : f32 to vector<16xf32>
          %mul3A_731 = arith.mulf %get3A_729, %mul3A_730 : vector<16xf32>
          %swap3A_732 = arith.constant 1 : i32
          %swap3A_733 = arith.index_cast %swap3A_732 : i32 to index
          %swap3A_734 = arith.index_cast %add3A_631 : i32 to index
          %swap3A_735 = arith.constant 96 : index
          %swap3A_736 = tpu.vector_load %arg10[%swap3A_733, %swap3A_734, %swap3A_735] {strides = array<i32>} : memref<2x128x128xf32, #tpu.memory_space<vmem>>, vector<1x1x16xf32>,
          %swap3A_737 = vector.shape_cast %swap3A_736 : vector<1x1x16xf32> to vector<16xf32>
          %swap3A_738 = vector.shape_cast %mul3A_731 : vector<16xf32> to vector<1x1x16xf32>
          tpu.vector_store %arg10[%swap3A_733, %swap3A_734, %swap3A_735], %swap3A_738 {strides = array<i32>} : memref<2x128x128xf32, #tpu.memory_space<vmem>>, vector<1x1x16xf32>,
          %get3A_739 = arith.constant 1 : i32
          %get3A_740 = arith.index_cast %get3A_739 : i32 to index
          %get3A_741 = arith.index_cast %add3A_631 : i32 to index
          %get3A_742 = arith.constant 112 : index
          %get3A_743 = tpu.vector_load %arg10[%get3A_740, %get3A_741, %get3A_742] {strides = array<i32>} : memref<2x128x128xf32, #tpu.memory_space<vmem>>, vector<1x1x16xf32>,
          %get3A_744 = vector.shape_cast %get3A_743 : vector<1x1x16xf32> to vector<16xf32>
          %mul3A_745 = vector.broadcast %squeeze3A_633 : f32 to vector<16xf32>
          %mul3A_746 = arith.mulf %get3A_744, %mul3A_745 : vector<16xf32>
          %swap3A_747 = arith.constant 1 : i32
          %swap3A_748 = arith.index_cast %swap3A_747 : i32 to index
          %swap3A_749 = arith.index_cast %add3A_631 : i32 to index
          %swap3A_750 = arith.constant 112 : index
          %swap3A_751 = tpu.vector_load %arg10[%swap3A_748, %swap3A_749, %swap3A_750] {strides = array<i32>} : memref<2x128x128xf32, #tpu.memory_space<vmem>>, vector<1x1x16xf32>,
          %swap3A_752 = vector.shape_cast %swap3A_751 : vector<1x1x16xf32> to vector<16xf32>
          %swap3A_753 = vector.shape_cast %mul3A_746 : vector<16xf32> to vector<1x1x16xf32>
          tpu.vector_store %arg10[%swap3A_748, %swap3A_749, %swap3A_750], %swap3A_753 {strides = array<i32>} : memref<2x128x128xf32, #tpu.memory_space<vmem>>, vector<1x1x16xf32>,
          %mul3A_754 = arith.constant 16 : i32
          %mul3A_755 = arith.muli %scan3A_120, %mul3A_754 : i32
          %add3A_756 = arith.constant 5 : i32
          %add3A_757 = arith.addi %mul3A_755, %add3A_756 : i32
          %slice3A_758 = vector.extract_strided_slice %get3A_126 {offsets = [5], sizes = [1], strides = [1]} : vector<16xf32> to vector<1xf32>
          %squeeze3A_759 = vector.extract %slice3A_758[0] : f32 from vector<1xf32>
          %get3A_760 = arith.constant 1 : i32
          %get3A_761 = arith.index_cast %get3A_760 : i32 to index
          %get3A_762 = arith.index_cast %add3A_757 : i32 to index
          %get3A_763 = arith.constant 0 : index
          %get3A_764 = tpu.vector_load %arg10[%get3A_761, %get3A_762, %get3A_763] {strides = array<i32>} : memref<2x128x128xf32, #tpu.memory_space<vmem>>, vector<1x1x16xf32>,
          %get3A_765 = vector.shape_cast %get3A_764 : vector<1x1x16xf32> to vector<16xf32>
          %mul3A_766 = vector.broadcast %squeeze3A_759 : f32 to vector<16xf32>
          %mul3A_767 = arith.mulf %get3A_765, %mul3A_766 : vector<16xf32>
          %swap3A_768 = arith.constant 1 : i32
          %swap3A_769 = arith.index_cast %swap3A_768 : i32 to index
          %swap3A_770 = arith.index_cast %add3A_757 : i32 to index
          %swap3A_771 = arith.constant 0 : index
          %swap3A_772 = tpu.vector_load %arg10[%swap3A_769, %swap3A_770, %swap3A_771] {strides = array<i32>} : memref<2x128x128xf32, #tpu.memory_space<vmem>>, vector<1x1x16xf32>,
          %swap3A_773 = vector.shape_cast %swap3A_772 : vector<1x1x16xf32> to vector<16xf32>
          %swap3A_774 = vector.shape_cast %mul3A_767 : vector<16xf32> to vector<1x1x16xf32>
          tpu.vector_store %arg10[%swap3A_769, %swap3A_770, %swap3A_771], %swap3A_774 {strides = array<i32>} : memref<2x128x128xf32, #tpu.memory_space<vmem>>, vector<1x1x16xf32>,
          %get3A_775 = arith.constant 1 : i32
          %get3A_776 = arith.index_cast %get3A_775 : i32 to index
          %get3A_777 = arith.index_cast %add3A_757 : i32 to index
          %get3A_778 = arith.constant 16 : index
          %get3A_779 = tpu.vector_load %arg10[%get3A_776, %get3A_777, %get3A_778] {strides = array<i32>} : memref<2x128x128xf32, #tpu.memory_space<vmem>>, vector<1x1x16xf32>,
          %get3A_780 = vector.shape_cast %get3A_779 : vector<1x1x16xf32> to vector<16xf32>
          %mul3A_781 = vector.broadcast %squeeze3A_759 : f32 to vector<16xf32>
          %mul3A_782 = arith.mulf %get3A_780, %mul3A_781 : vector<16xf32>
          %swap3A_783 = arith.constant 1 : i32
          %swap3A_784 = arith.index_cast %swap3A_783 : i32 to index
          %swap3A_785 = arith.index_cast %add3A_757 : i32 to index
          %swap3A_786 = arith.constant 16 : index
          %swap3A_787 = tpu.vector_load %arg10[%swap3A_784, %swap3A_785, %swap3A_786] {strides = array<i32>} : memref<2x128x128xf32, #tpu.memory_space<vmem>>, vector<1x1x16xf32>,
          %swap3A_788 = vector.shape_cast %swap3A_787 : vector<1x1x16xf32> to vector<16xf32>
          %swap3A_789 = vector.shape_cast %mul3A_782 : vector<16xf32> to vector<1x1x16xf32>
          tpu.vector_store %arg10[%swap3A_784, %swap3A_785, %swap3A_786], %swap3A_789 {strides = array<i32>} : memref<2x128x128xf32, #tpu.memory_space<vmem>>, vector<1x1x16xf32>,
          %get3A_790 = arith.constant 1 : i32
          %get3A_791 = arith.index_cast %get3A_790 : i32 to index
          %get3A_792 = arith.index_cast %add3A_757 : i32 to index
          %get3A_793 = arith.constant 32 : index
          %get3A_794 = tpu.vector_load %arg10[%get3A_791, %get3A_792, %get3A_793] {strides = array<i32>} : memref<2x128x128xf32, #tpu.memory_space<vmem>>, vector<1x1x16xf32>,
          %get3A_795 = vector.shape_cast %get3A_794 : vector<1x1x16xf32> to vector<16xf32>
          %mul3A_796 = vector.broadcast %squeeze3A_759 : f32 to vector<16xf32>
          %mul3A_797 = arith.mulf %get3A_795, %mul3A_796 : vector<16xf32>
          %swap3A_798 = arith.constant 1 : i32
          %swap3A_799 = arith.index_cast %swap3A_798 : i32 to index
          %swap3A_800 = arith.index_cast %add3A_757 : i32 to index
          %swap3A_801 = arith.constant 32 : index
          %swap3A_802 = tpu.vector_load %arg10[%swap3A_799, %swap3A_800, %swap3A_801] {strides = array<i32>} : memref<2x128x128xf32, #tpu.memory_space<vmem>>, vector<1x1x16xf32>,
          %swap3A_803 = vector.shape_cast %swap3A_802 : vector<1x1x16xf32> to vector<16xf32>
          %swap3A_804 = vector.shape_cast %mul3A_797 : vector<16xf32> to vector<1x1x16xf32>
          tpu.vector_store %arg10[%swap3A_799, %swap3A_800, %swap3A_801], %swap3A_804 {strides = array<i32>} : memref<2x128x128xf32, #tpu.memory_space<vmem>>, vector<1x1x16xf32>,
          %get3A_805 = arith.constant 1 : i32
          %get3A_806 = arith.index_cast %get3A_805 : i32 to index
          %get3A_807 = arith.index_cast %add3A_757 : i32 to index
          %get3A_808 = arith.constant 48 : index
          %get3A_809 = tpu.vector_load %arg10[%get3A_806, %get3A_807, %get3A_808] {strides = array<i32>} : memref<2x128x128xf32, #tpu.memory_space<vmem>>, vector<1x1x16xf32>,
          %get3A_810 = vector.shape_cast %get3A_809 : vector<1x1x16xf32> to vector<16xf32>
          %mul3A_811 = vector.broadcast %squeeze3A_759 : f32 to vector<16xf32>
          %mul3A_812 = arith.mulf %get3A_810, %mul3A_811 : vector<16xf32>
          %swap3A_813 = arith.constant 1 : i32
          %swap3A_814 = arith.index_cast %swap3A_813 : i32 to index
          %swap3A_815 = arith.index_cast %add3A_757 : i32 to index
          %swap3A_816 = arith.constant 48 : index
          %swap3A_817 = tpu.vector_load %arg10[%swap3A_814, %swap3A_815, %swap3A_816] {strides = array<i32>} : memref<2x128x128xf32, #tpu.memory_space<vmem>>, vector<1x1x16xf32>,
          %swap3A_818 = vector.shape_cast %swap3A_817 : vector<1x1x16xf32> to vector<16xf32>
          %swap3A_819 = vector.shape_cast %mul3A_812 : vector<16xf32> to vector<1x1x16xf32>
          tpu.vector_store %arg10[%swap3A_814, %swap3A_815, %swap3A_816], %swap3A_819 {strides = array<i32>} : memref<2x128x128xf32, #tpu.memory_space<vmem>>, vector<1x1x16xf32>,
          %get3A_820 = arith.constant 1 : i32
          %get3A_821 = arith.index_cast %get3A_820 : i32 to index
          %get3A_822 = arith.index_cast %add3A_757 : i32 to index
          %get3A_823 = arith.constant 64 : index
          %get3A_824 = tpu.vector_load %arg10[%get3A_821, %get3A_822, %get3A_823] {strides = array<i32>} : memref<2x128x128xf32, #tpu.memory_space<vmem>>, vector<1x1x16xf32>,
          %get3A_825 = vector.shape_cast %get3A_824 : vector<1x1x16xf32> to vector<16xf32>
          %mul3A_826 = vector.broadcast %squeeze3A_759 : f32 to vector<16xf32>
          %mul3A_827 = arith.mulf %get3A_825, %mul3A_826 : vector<16xf32>
          %swap3A_828 = arith.constant 1 : i32
          %swap3A_829 = arith.index_cast %swap3A_828 : i32 to index
          %swap3A_830 = arith.index_cast %add3A_757 : i32 to index
          %swap3A_831 = arith.constant 64 : index
          %swap3A_832 = tpu.vector_load %arg10[%swap3A_829, %swap3A_830, %swap3A_831] {strides = array<i32>} : memref<2x128x128xf32, #tpu.memory_space<vmem>>, vector<1x1x16xf32>,
          %swap3A_833 = vector.shape_cast %swap3A_832 : vector<1x1x16xf32> to vector<16xf32>
          %swap3A_834 = vector.shape_cast %mul3A_827 : vector<16xf32> to vector<1x1x16xf32>
          tpu.vector_store %arg10[%swap3A_829, %swap3A_830, %swap3A_831], %swap3A_834 {strides = array<i32>} : memref<2x128x128xf32, #tpu.memory_space<vmem>>, vector<1x1x16xf32>,
          %get3A_835 = arith.constant 1 : i32
          %get3A_836 = arith.index_cast %get3A_835 : i32 to index
          %get3A_837 = arith.index_cast %add3A_757 : i32 to index
          %get3A_838 = arith.constant 80 : index
          %get3A_839 = tpu.vector_load %arg10[%get3A_836, %get3A_837, %get3A_838] {strides = array<i32>} : memref<2x128x128xf32, #tpu.memory_space<vmem>>, vector<1x1x16xf32>,
          %get3A_840 = vector.shape_cast %get3A_839 : vector<1x1x16xf32> to vector<16xf32>
          %mul3A_841 = vector.broadcast %squeeze3A_759 : f32 to vector<16xf32>
          %mul3A_842 = arith.mulf %get3A_840, %mul3A_841 : vector<16xf32>
          %swap3A_843 = arith.constant 1 : i32
          %swap3A_844 = arith.index_cast %swap3A_843 : i32 to index
          %swap3A_845 = arith.index_cast %add3A_757 : i32 to index
          %swap3A_846 = arith.constant 80 : index
          %swap3A_847 = tpu.vector_load %arg10[%swap3A_844, %swap3A_845, %swap3A_846] {strides = array<i32>} : memref<2x128x128xf32, #tpu.memory_space<vmem>>, vector<1x1x16xf32>,
          %swap3A_848 = vector.shape_cast %swap3A_847 : vector<1x1x16xf32> to vector<16xf32>
          %swap3A_849 = vector.shape_cast %mul3A_842 : vector<16xf32> to vector<1x1x16xf32>
          tpu.vector_store %arg10[%swap3A_844, %swap3A_845, %swap3A_846], %swap3A_849 {strides = array<i32>} : memref<2x128x128xf32, #tpu.memory_space<vmem>>, vector<1x1x16xf32>,
          %get3A_850 = arith.constant 1 : i32
          %get3A_851 = arith.index_cast %get3A_850 : i32 to index
          %get3A_852 = arith.index_cast %add3A_757 : i32 to index
          %get3A_853 = arith.constant 96 : index
          %get3A_854 = tpu.vector_load %arg10[%get3A_851, %get3A_852, %get3A_853] {strides = array<i32>} : memref<2x128x128xf32, #tpu.memory_space<vmem>>, vector<1x1x16xf32>,
          %get3A_855 = vector.shape_cast %get3A_854 : vector<1x1x16xf32> to vector<16xf32>
          %mul3A_856 = vector.broadcast %squeeze3A_759 : f32 to vector<16xf32>
          %mul3A_857 = arith.mulf %get3A_855, %mul3A_856 : vector<16xf32>
          %swap3A_858 = arith.constant 1 : i32
          %swap3A_859 = arith.index_cast %swap3A_858 : i32 to index
          %swap3A_860 = arith.index_cast %add3A_757 : i32 to index
          %swap3A_861 = arith.constant 96 : index
          %swap3A_862 = tpu.vector_load %arg10[%swap3A_859, %swap3A_860, %swap3A_861] {strides = array<i32>} : memref<2x128x128xf32, #tpu.memory_space<vmem>>, vector<1x1x16xf32>,
          %swap3A_863 = vector.shape_cast %swap3A_862 : vector<1x1x16xf32> to vector<16xf32>
          %swap3A_864 = vector.shape_cast %mul3A_857 : vector<16xf32> to vector<1x1x16xf32>
          tpu.vector_store %arg10[%swap3A_859, %swap3A_860, %swap3A_861], %swap3A_864 {strides = array<i32>} : memref<2x128x128xf32, #tpu.memory_space<vmem>>, vector<1x1x16xf32>,
          %get3A_865 = arith.constant 1 : i32
          %get3A_866 = arith.index_cast %get3A_865 : i32 to index
          %get3A_867 = arith.index_cast %add3A_757 : i32 to index
          %get3A_868 = arith.constant 112 : index
          %get3A_869 = tpu.vector_load %arg10[%get3A_866, %get3A_867, %get3A_868] {strides = array<i32>} : memref<2x128x128xf32, #tpu.memory_space<vmem>>, vector<1x1x16xf32>,
          %get3A_870 = vector.shape_cast %get3A_869 : vector<1x1x16xf32> to vector<16xf32>
          %mul3A_871 = vector.broadcast %squeeze3A_759 : f32 to vector<16xf32>
          %mul3A_872 = arith.mulf %get3A_870, %mul3A_871 : vector<16xf32>
          %swap3A_873 = arith.constant 1 : i32
          %swap3A_874 = arith.index_cast %swap3A_873 : i32 to index
          %swap3A_875 = arith.index_cast %add3A_757 : i32 to index
          %swap3A_876 = arith.constant 112 : index
          %swap3A_877 = tpu.vector_load %arg10[%swap3A_874, %swap3A_875, %swap3A_876] {strides = array<i32>} : memref<2x128x128xf32, #tpu.memory_space<vmem>>, vector<1x1x16xf32>,
          %swap3A_878 = vector.shape_cast %swap3A_877 : vector<1x1x16xf32> to vector<16xf32>
          %swap3A_879 = vector.shape_cast %mul3A_872 : vector<16xf32> to vector<1x1x16xf32>
          tpu.vector_store %arg10[%swap3A_874, %swap3A_875, %swap3A_876], %swap3A_879 {strides = array<i32>} : memref<2x128x128xf32, #tpu.memory_space<vmem>>, vector<1x1x16xf32>,
          %mul3A_880 = arith.constant 16 : i32
          %mul3A_881 = arith.muli %scan3A_120, %mul3A_880 : i32
          %add3A_882 = arith.constant 6 : i32
          %add3A_883 = arith.addi %mul3A_881, %add3A_882 : i32
          %slice3A_884 = vector.extract_strided_slice %get3A_126 {offsets = [6], sizes = [1], strides = [1]} : vector<16xf32> to vector<1xf32>
          %squeeze3A_885 = vector.extract %slice3A_884[0] : f32 from vector<1xf32>
          %get3A_886 = arith.constant 1 : i32
          %get3A_887 = arith.index_cast %get3A_886 : i32 to index
          %get3A_888 = arith.index_cast %add3A_883 : i32 to index
          %get3A_889 = arith.constant 0 : index
          %get3A_890 = tpu.vector_load %arg10[%get3A_887, %get3A_888, %get3A_889] {strides = array<i32>} : memref<2x128x128xf32, #tpu.memory_space<vmem>>, vector<1x1x16xf32>,
          %get3A_891 = vector.shape_cast %get3A_890 : vector<1x1x16xf32> to vector<16xf32>
          %mul3A_892 = vector.broadcast %squeeze3A_885 : f32 to vector<16xf32>
          %mul3A_893 = arith.mulf %get3A_891, %mul3A_892 : vector<16xf32>
          %swap3A_894 = arith.constant 1 : i32
          %swap3A_895 = arith.index_cast %swap3A_894 : i32 to index
          %swap3A_896 = arith.index_cast %add3A_883 : i32 to index
          %swap3A_897 = arith.constant 0 : index
          %swap3A_898 = tpu.vector_load %arg10[%swap3A_895, %swap3A_896, %swap3A_897] {strides = array<i32>} : memref<2x128x128xf32, #tpu.memory_space<vmem>>, vector<1x1x16xf32>,
          %swap3A_899 = vector.shape_cast %swap3A_898 : vector<1x1x16xf32> to vector<16xf32>
          %swap3A_900 = vector.shape_cast %mul3A_893 : vector<16xf32> to vector<1x1x16xf32>
          tpu.vector_store %arg10[%swap3A_895, %swap3A_896, %swap3A_897], %swap3A_900 {strides = array<i32>} : memref<2x128x128xf32, #tpu.memory_space<vmem>>, vector<1x1x16xf32>,
          %get3A_901 = arith.constant 1 : i32
          %get3A_902 = arith.index_cast %get3A_901 : i32 to index
          %get3A_903 = arith.index_cast %add3A_883 : i32 to index
          %get3A_904 = arith.constant 16 : index
          %get3A_905 = tpu.vector_load %arg10[%get3A_902, %get3A_903, %get3A_904] {strides = array<i32>} : memref<2x128x128xf32, #tpu.memory_space<vmem>>, vector<1x1x16xf32>,
          %get3A_906 = vector.shape_cast %get3A_905 : vector<1x1x16xf32> to vector<16xf32>
          %mul3A_907 = vector.broadcast %squeeze3A_885 : f32 to vector<16xf32>
          %mul3A_908 = arith.mulf %get3A_906, %mul3A_907 : vector<16xf32>
          %swap3A_909 = arith.constant 1 : i32
          %swap3A_910 = arith.index_cast %swap3A_909 : i32 to index
          %swap3A_911 = arith.index_cast %add3A_883 : i32 to index
          %swap3A_912 = arith.constant 16 : index
          %swap3A_913 = tpu.vector_load %arg10[%swap3A_910, %swap3A_911, %swap3A_912] {strides = array<i32>} : memref<2x128x128xf32, #tpu.memory_space<vmem>>, vector<1x1x16xf32>,
          %swap3A_914 = vector.shape_cast %swap3A_913 : vector<1x1x16xf32> to vector<16xf32>
          %swap3A_915 = vector.shape_cast %mul3A_908 : vector<16xf32> to vector<1x1x16xf32>
          tpu.vector_store %arg10[%swap3A_910, %swap3A_911, %swap3A_912], %swap3A_915 {strides = array<i32>} : memref<2x128x128xf32, #tpu.memory_space<vmem>>, vector<1x1x16xf32>,
          %get3A_916 = arith.constant 1 : i32
          %get3A_917 = arith.index_cast %get3A_916 : i32 to index
          %get3A_918 = arith.index_cast %add3A_883 : i32 to index
          %get3A_919 = arith.constant 32 : index
          %get3A_920 = tpu.vector_load %arg10[%get3A_917, %get3A_918, %get3A_919] {strides = array<i32>} : memref<2x128x128xf32, #tpu.memory_space<vmem>>, vector<1x1x16xf32>,
          %get3A_921 = vector.shape_cast %get3A_920 : vector<1x1x16xf32> to vector<16xf32>
          %mul3A_922 = vector.broadcast %squeeze3A_885 : f32 to vector<16xf32>
          %mul3A_923 = arith.mulf %get3A_921, %mul3A_922 : vector<16xf32>
          %swap3A_924 = arith.constant 1 : i32
          %swap3A_925 = arith.index_cast %swap3A_924 : i32 to index
          %swap3A_926 = arith.index_cast %add3A_883 : i32 to index
          %swap3A_927 = arith.constant 32 : index
          %swap3A_928 = tpu.vector_load %arg10[%swap3A_925, %swap3A_926, %swap3A_927] {strides = array<i32>} : memref<2x128x128xf32, #tpu.memory_space<vmem>>, vector<1x1x16xf32>,
          %swap3A_929 = vector.shape_cast %swap3A_928 : vector<1x1x16xf32> to vector<16xf32>
          %swap3A_930 = vector.shape_cast %mul3A_923 : vector<16xf32> to vector<1x1x16xf32>
          tpu.vector_store %arg10[%swap3A_925, %swap3A_926, %swap3A_927], %swap3A_930 {strides = array<i32>} : memref<2x128x128xf32, #tpu.memory_space<vmem>>, vector<1x1x16xf32>,
          %get3A_931 = arith.constant 1 : i32
          %get3A_932 = arith.index_cast %get3A_931 : i32 to index
          %get3A_933 = arith.index_cast %add3A_883 : i32 to index
          %get3A_934 = arith.constant 48 : index
          %get3A_935 = tpu.vector_load %arg10[%get3A_932, %get3A_933, %get3A_934] {strides = array<i32>} : memref<2x128x128xf32, #tpu.memory_space<vmem>>, vector<1x1x16xf32>,
          %get3A_936 = vector.shape_cast %get3A_935 : vector<1x1x16xf32> to vector<16xf32>
          %mul3A_937 = vector.broadcast %squeeze3A_885 : f32 to vector<16xf32>
          %mul3A_938 = arith.mulf %get3A_936, %mul3A_937 : vector<16xf32>
          %swap3A_939 = arith.constant 1 : i32
          %swap3A_940 = arith.index_cast %swap3A_939 : i32 to index
          %swap3A_941 = arith.index_cast %add3A_883 : i32 to index
          %swap3A_942 = arith.constant 48 : index
          %swap3A_943 = tpu.vector_load %arg10[%swap3A_940, %swap3A_941, %swap3A_942] {strides = array<i32>} : memref<2x128x128xf32, #tpu.memory_space<vmem>>, vector<1x1x16xf32>,
          %swap3A_944 = vector.shape_cast %swap3A_943 : vector<1x1x16xf32> to vector<16xf32>
          %swap3A_945 = vector.shape_cast %mul3A_938 : vector<16xf32> to vector<1x1x16xf32>
          tpu.vector_store %arg10[%swap3A_940, %swap3A_941, %swap3A_942], %swap3A_945 {strides = array<i32>} : memref<2x128x128xf32, #tpu.memory_space<vmem>>, vector<1x1x16xf32>,
          %get3A_946 = arith.constant 1 : i32
          %get3A_947 = arith.index_cast %get3A_946 : i32 to index
          %get3A_948 = arith.index_cast %add3A_883 : i32 to index
          %get3A_949 = arith.constant 64 : index
          %get3A_950 = tpu.vector_load %arg10[%get3A_947, %get3A_948, %get3A_949] {strides = array<i32>} : memref<2x128x128xf32, #tpu.memory_space<vmem>>, vector<1x1x16xf32>,
          %get3A_951 = vector.shape_cast %get3A_950 : vector<1x1x16xf32> to vector<16xf32>
          %mul3A_952 = vector.broadcast %squeeze3A_885 : f32 to vector<16xf32>
          %mul3A_953 = arith.mulf %get3A_951, %mul3A_952 : vector<16xf32>
          %swap3A_954 = arith.constant 1 : i32
          %swap3A_955 = arith.index_cast %swap3A_954 : i32 to index
          %swap3A_956 = arith.index_cast %add3A_883 : i32 to index
          %swap3A_957 = arith.constant 64 : index
          %swap3A_958 = tpu.vector_load %arg10[%swap3A_955, %swap3A_956, %swap3A_957] {strides = array<i32>} : memref<2x128x128xf32, #tpu.memory_space<vmem>>, vector<1x1x16xf32>,
          %swap3A_959 = vector.shape_cast %swap3A_958 : vector<1x1x16xf32> to vector<16xf32>
          %swap3A_960 = vector.shape_cast %mul3A_953 : vector<16xf32> to vector<1x1x16xf32>
          tpu.vector_store %arg10[%swap3A_955, %swap3A_956, %swap3A_957], %swap3A_960 {strides = array<i32>} : memref<2x128x128xf32, #tpu.memory_space<vmem>>, vector<1x1x16xf32>,
          %get3A_961 = arith.constant 1 : i32
          %get3A_962 = arith.index_cast %get3A_961 : i32 to index
          %get3A_963 = arith.index_cast %add3A_883 : i32 to index
          %get3A_964 = arith.constant 80 : index
          %get3A_965 = tpu.vector_load %arg10[%get3A_962, %get3A_963, %get3A_964] {strides = array<i32>} : memref<2x128x128xf32, #tpu.memory_space<vmem>>, vector<1x1x16xf32>,
          %get3A_966 = vector.shape_cast %get3A_965 : vector<1x1x16xf32> to vector<16xf32>
          %mul3A_967 = vector.broadcast %squeeze3A_885 : f32 to vector<16xf32>
          %mul3A_968 = arith.mulf %get3A_966, %mul3A_967 : vector<16xf32>
          %swap3A_969 = arith.constant 1 : i32
          %swap3A_970 = arith.index_cast %swap3A_969 : i32 to index
          %swap3A_971 = arith.index_cast %add3A_883 : i32 to index
          %swap3A_972 = arith.constant 80 : index
          %swap3A_973 = tpu.vector_load %arg10[%swap3A_970, %swap3A_971, %swap3A_972] {strides = array<i32>} : memref<2x128x128xf32, #tpu.memory_space<vmem>>, vector<1x1x16xf32>,
          %swap3A_974 = vector.shape_cast %swap3A_973 : vector<1x1x16xf32> to vector<16xf32>
          %swap3A_975 = vector.shape_cast %mul3A_968 : vector<16xf32> to vector<1x1x16xf32>
          tpu.vector_store %arg10[%swap3A_970, %swap3A_971, %swap3A_972], %swap3A_975 {strides = array<i32>} : memref<2x128x128xf32, #tpu.memory_space<vmem>>, vector<1x1x16xf32>,
          %get3A_976 = arith.constant 1 : i32
          %get3A_977 = arith.index_cast %get3A_976 : i32 to index
          %get3A_978 = arith.index_cast %add3A_883 : i32 to index
          %get3A_979 = arith.constant 96 : index
          %get3A_980 = tpu.vector_load %arg10[%get3A_977, %get3A_978, %get3A_979] {strides = array<i32>} : memref<2x128x128xf32, #tpu.memory_space<vmem>>, vector<1x1x16xf32>,
          %get3A_981 = vector.shape_cast %get3A_980 : vector<1x1x16xf32> to vector<16xf32>
          %mul3A_982 = vector.broadcast %squeeze3A_885 : f32 to vector<16xf32>
          %mul3A_983 = arith.mulf %get3A_981, %mul3A_982 : vector<16xf32>
          %swap3A_984 = arith.constant 1 : i32
          %swap3A_985 = arith.index_cast %swap3A_984 : i32 to index
          %swap3A_986 = arith.index_cast %add3A_883 : i32 to index
          %swap3A_987 = arith.constant 96 : index
          %swap3A_988 = tpu.vector_load %arg10[%swap3A_985, %swap3A_986, %swap3A_987] {strides = array<i32>} : memref<2x128x128xf32, #tpu.memory_space<vmem>>, vector<1x1x16xf32>,
          %swap3A_989 = vector.shape_cast %swap3A_988 : vector<1x1x16xf32> to vector<16xf32>
          %swap3A_990 = vector.shape_cast %mul3A_983 : vector<16xf32> to vector<1x1x16xf32>
          tpu.vector_store %arg10[%swap3A_985, %swap3A_986, %swap3A_987], %swap3A_990 {strides = array<i32>} : memref<2x128x128xf32, #tpu.memory_space<vmem>>, vector<1x1x16xf32>,
          %get3A_991 = arith.constant 1 : i32
          %get3A_992 = arith.index_cast %get3A_991 : i32 to index
          %get3A_993 = arith.index_cast %add3A_883 : i32 to index
          %get3A_994 = arith.constant 112 : index
          %get3A_995 = tpu.vector_load %arg10[%get3A_992, %get3A_993, %get3A_994] {strides = array<i32>} : memref<2x128x128xf32, #tpu.memory_space<vmem>>, vector<1x1x16xf32>,
          %get3A_996 = vector.shape_cast %get3A_995 : vector<1x1x16xf32> to vector<16xf32>
          %mul3A_997 = vector.broadcast %squeeze3A_885 : f32 to vector<16xf32>
          %mul3A_998 = arith.mulf %get3A_996, %mul3A_997 : vector<16xf32>
          %swap3A_999 = arith.constant 1 : i32
          %swap3A_1000 = arith.index_cast %swap3A_999 : i32 to index
          %swap3A_1001 = arith.index_cast %add3A_883 : i32 to index
          %swap3A_1002 = arith.constant 112 : index
          %swap3A_1003 = tpu.vector_load %arg10[%swap3A_1000, %swap3A_1001, %swap3A_1002] {strides = array<i32>} : memref<2x128x128xf32, #tpu.memory_space<vmem>>, vector<1x1x16xf32>,
          %swap3A_1004 = vector.shape_cast %swap3A_1003 : vector<1x1x16xf32> to vector<16xf32>
          %swap3A_1005 = vector.shape_cast %mul3A_998 : vector<16xf32> to vector<1x1x16xf32>
          tpu.vector_store %arg10[%swap3A_1000, %swap3A_1001, %swap3A_1002], %swap3A_1005 {strides = array<i32>} : memref<2x128x128xf32, #tpu.memory_space<vmem>>, vector<1x1x16xf32>,
          %mul3A_1006 = arith.constant 16 : i32
          %mul3A_1007 = arith.muli %scan3A_120, %mul3A_1006 : i32
          %add3A_1008 = arith.constant 7 : i32
          %add3A_1009 = arith.addi %mul3A_1007, %add3A_1008 : i32
          %slice3A_1010 = vector.extract_strided_slice %get3A_126 {offsets = [7], sizes = [1], strides = [1]} : vector<16xf32> to vector<1xf32>
          %squeeze3A_1011 = vector.extract %slice3A_1010[0] : f32 from vector<1xf32>
          %get3A_1012 = arith.constant 1 : i32
          %get3A_1013 = arith.index_cast %get3A_1012 : i32 to index
          %get3A_1014 = arith.index_cast %add3A_1009 : i32 to index
          %get3A_1015 = arith.constant 0 : index
          %get3A_1016 = tpu.vector_load %arg10[%get3A_1013, %get3A_1014, %get3A_1015] {strides = array<i32>} : memref<2x128x128xf32, #tpu.memory_space<vmem>>, vector<1x1x16xf32>,
          %get3A_1017 = vector.shape_cast %get3A_1016 : vector<1x1x16xf32> to vector<16xf32>
          %mul3A_1018 = vector.broadcast %squeeze3A_1011 : f32 to vector<16xf32>
          %mul3A_1019 = arith.mulf %get3A_1017, %mul3A_1018 : vector<16xf32>
          %swap3A_1020 = arith.constant 1 : i32
          %swap3A_1021 = arith.index_cast %swap3A_1020 : i32 to index
          %swap3A_1022 = arith.index_cast %add3A_1009 : i32 to index
          %swap3A_1023 = arith.constant 0 : index
          %swap3A_1024 = tpu.vector_load %arg10[%swap3A_1021, %swap3A_1022, %swap3A_1023] {strides = array<i32>} : memref<2x128x128xf32, #tpu.memory_space<vmem>>, vector<1x1x16xf32>,
          %swap3A_1025 = vector.shape_cast %swap3A_1024 : vector<1x1x16xf32> to vector<16xf32>
          %swap3A_1026 = vector.shape_cast %mul3A_1019 : vector<16xf32> to vector<1x1x16xf32>
          tpu.vector_store %arg10[%swap3A_1021, %swap3A_1022, %swap3A_1023], %swap3A_1026 {strides = array<i32>} : memref<2x128x128xf32, #tpu.memory_space<vmem>>, vector<1x1x16xf32>,
          %get3A_1027 = arith.constant 1 : i32
          %get3A_1028 = arith.index_cast %get3A_1027 : i32 to index
          %get3A_1029 = arith.index_cast %add3A_1009 : i32 to index
          %get3A_1030 = arith.constant 16 : index
          %get3A_1031 = tpu.vector_load %arg10[%get3A_1028, %get3A_1029, %get3A_1030] {strides = array<i32>} : memref<2x128x128xf32, #tpu.memory_space<vmem>>, vector<1x1x16xf32>,
          %get3A_1032 = vector.shape_cast %get3A_1031 : vector<1x1x16xf32> to vector<16xf32>
          %mul3A_1033 = vector.broadcast %squeeze3A_1011 : f32 to vector<16xf32>
          %mul3A_1034 = arith.mulf %get3A_1032, %mul3A_1033 : vector<16xf32>
          %swap3A_1035 = arith.constant 1 : i32
          %swap3A_1036 = arith.index_cast %swap3A_1035 : i32 to index
          %swap3A_1037 = arith.index_cast %add3A_1009 : i32 to index
          %swap3A_1038 = arith.constant 16 : index
          %swap3A_1039 = tpu.vector_load %arg10[%swap3A_1036, %swap3A_1037, %swap3A_1038] {strides = array<i32>} : memref<2x128x128xf32, #tpu.memory_space<vmem>>, vector<1x1x16xf32>,
          %swap3A_1040 = vector.shape_cast %swap3A_1039 : vector<1x1x16xf32> to vector<16xf32>
          %swap3A_1041 = vector.shape_cast %mul3A_1034 : vector<16xf32> to vector<1x1x16xf32>
          tpu.vector_store %arg10[%swap3A_1036, %swap3A_1037, %swap3A_1038], %swap3A_1041 {strides = array<i32>} : memref<2x128x128xf32, #tpu.memory_space<vmem>>, vector<1x1x16xf32>,
          %get3A_1042 = arith.constant 1 : i32
          %get3A_1043 = arith.index_cast %get3A_1042 : i32 to index
          %get3A_1044 = arith.index_cast %add3A_1009 : i32 to index
          %get3A_1045 = arith.constant 32 : index
          %get3A_1046 = tpu.vector_load %arg10[%get3A_1043, %get3A_1044, %get3A_1045] {strides = array<i32>} : memref<2x128x128xf32, #tpu.memory_space<vmem>>, vector<1x1x16xf32>,
          %get3A_1047 = vector.shape_cast %get3A_1046 : vector<1x1x16xf32> to vector<16xf32>
          %mul3A_1048 = vector.broadcast %squeeze3A_1011 : f32 to vector<16xf32>
          %mul3A_1049 = arith.mulf %get3A_1047, %mul3A_1048 : vector<16xf32>
          %swap3A_1050 = arith.constant 1 : i32
          %swap3A_1051 = arith.index_cast %swap3A_1050 : i32 to index
          %swap3A_1052 = arith.index_cast %add3A_1009 : i32 to index
          %swap3A_1053 = arith.constant 32 : index
          %swap3A_1054 = tpu.vector_load %arg10[%swap3A_1051, %swap3A_1052, %swap3A_1053] {strides = array<i32>} : memref<2x128x128xf32, #tpu.memory_space<vmem>>, vector<1x1x16xf32>,
          %swap3A_1055 = vector.shape_cast %swap3A_1054 : vector<1x1x16xf32> to vector<16xf32>
          %swap3A_1056 = vector.shape_cast %mul3A_1049 : vector<16xf32> to vector<1x1x16xf32>
          tpu.vector_store %arg10[%swap3A_1051, %swap3A_1052, %swap3A_1053], %swap3A_1056 {strides = array<i32>} : memref<2x128x128xf32, #tpu.memory_space<vmem>>, vector<1x1x16xf32>,
          %get3A_1057 = arith.constant 1 : i32
          %get3A_1058 = arith.index_cast %get3A_1057 : i32 to index
          %get3A_1059 = arith.index_cast %add3A_1009 : i32 to index
          %get3A_1060 = arith.constant 48 : index
          %get3A_1061 = tpu.vector_load %arg10[%get3A_1058, %get3A_1059, %get3A_1060] {strides = array<i32>} : memref<2x128x128xf32, #tpu.memory_space<vmem>>, vector<1x1x16xf32>,
          %get3A_1062 = vector.shape_cast %get3A_1061 : vector<1x1x16xf32> to vector<16xf32>
          %mul3A_1063 = vector.broadcast %squeeze3A_1011 : f32 to vector<16xf32>
          %mul3A_1064 = arith.mulf %get3A_1062, %mul3A_1063 : vector<16xf32>
          %swap3A_1065 = arith.constant 1 : i32
          %swap3A_1066 = arith.index_cast %swap3A_1065 : i32 to index
          %swap3A_1067 = arith.index_cast %add3A_1009 : i32 to index
          %swap3A_1068 = arith.constant 48 : index
          %swap3A_1069 = tpu.vector_load %arg10[%swap3A_1066, %swap3A_1067, %swap3A_1068] {strides = array<i32>} : memref<2x128x128xf32, #tpu.memory_space<vmem>>, vector<1x1x16xf32>,
          %swap3A_1070 = vector.shape_cast %swap3A_1069 : vector<1x1x16xf32> to vector<16xf32>
          %swap3A_1071 = vector.shape_cast %mul3A_1064 : vector<16xf32> to vector<1x1x16xf32>
          tpu.vector_store %arg10[%swap3A_1066, %swap3A_1067, %swap3A_1068], %swap3A_1071 {strides = array<i32>} : memref<2x128x128xf32, #tpu.memory_space<vmem>>, vector<1x1x16xf32>,
          %get3A_1072 = arith.constant 1 : i32
          %get3A_1073 = arith.index_cast %get3A_1072 : i32 to index
          %get3A_1074 = arith.index_cast %add3A_1009 : i32 to index
          %get3A_1075 = arith.constant 64 : index
          %get3A_1076 = tpu.vector_load %arg10[%get3A_1073, %get3A_1074, %get3A_1075] {strides = array<i32>} : memref<2x128x128xf32, #tpu.memory_space<vmem>>, vector<1x1x16xf32>,
          %get3A_1077 = vector.shape_cast %get3A_1076 : vector<1x1x16xf32> to vector<16xf32>
          %mul3A_1078 = vector.broadcast %squeeze3A_1011 : f32 to vector<16xf32>
          %mul3A_1079 = arith.mulf %get3A_1077, %mul3A_1078 : vector<16xf32>
          %swap3A_1080 = arith.constant 1 : i32
          %swap3A_1081 = arith.index_cast %swap3A_1080 : i32 to index
          %swap3A_1082 = arith.index_cast %add3A_1009 : i32 to index
          %swap3A_1083 = arith.constant 64 : index
          %swap3A_1084 = tpu.vector_load %arg10[%swap3A_1081, %swap3A_1082, %swap3A_1083] {strides = array<i32>} : memref<2x128x128xf32, #tpu.memory_space<vmem>>, vector<1x1x16xf32>,
          %swap3A_1085 = vector.shape_cast %swap3A_1084 : vector<1x1x16xf32> to vector<16xf32>
          %swap3A_1086 = vector.shape_cast %mul3A_1079 : vector<16xf32> to vector<1x1x16xf32>
          tpu.vector_store %arg10[%swap3A_1081, %swap3A_1082, %swap3A_1083], %swap3A_1086 {strides = array<i32>} : memref<2x128x128xf32, #tpu.memory_space<vmem>>, vector<1x1x16xf32>,
          %get3A_1087 = arith.constant 1 : i32
          %get3A_1088 = arith.index_cast %get3A_1087 : i32 to index
          %get3A_1089 = arith.index_cast %add3A_1009 : i32 to index
          %get3A_1090 = arith.constant 80 : index
          %get3A_1091 = tpu.vector_load %arg10[%get3A_1088, %get3A_1089, %get3A_1090] {strides = array<i32>} : memref<2x128x128xf32, #tpu.memory_space<vmem>>, vector<1x1x16xf32>,
          %get3A_1092 = vector.shape_cast %get3A_1091 : vector<1x1x16xf32> to vector<16xf32>
          %mul3A_1093 = vector.broadcast %squeeze3A_1011 : f32 to vector<16xf32>
          %mul3A_1094 = arith.mulf %get3A_1092, %mul3A_1093 : vector<16xf32>
          %swap3A_1095 = arith.constant 1 : i32
          %swap3A_1096 = arith.index_cast %swap3A_1095 : i32 to index
          %swap3A_1097 = arith.index_cast %add3A_1009 : i32 to index
          %swap3A_1098 = arith.constant 80 : index
          %swap3A_1099 = tpu.vector_load %arg10[%swap3A_1096, %swap3A_1097, %swap3A_1098] {strides = array<i32>} : memref<2x128x128xf32, #tpu.memory_space<vmem>>, vector<1x1x16xf32>,
          %swap3A_1100 = vector.shape_cast %swap3A_1099 : vector<1x1x16xf32> to vector<16xf32>
          %swap3A_1101 = vector.shape_cast %mul3A_1094 : vector<16xf32> to vector<1x1x16xf32>
          tpu.vector_store %arg10[%swap3A_1096, %swap3A_1097, %swap3A_1098], %swap3A_1101 {strides = array<i32>} : memref<2x128x128xf32, #tpu.memory_space<vmem>>, vector<1x1x16xf32>,
          %get3A_1102 = arith.constant 1 : i32
          %get3A_1103 = arith.index_cast %get3A_1102 : i32 to index
          %get3A_1104 = arith.index_cast %add3A_1009 : i32 to index
          %get3A_1105 = arith.constant 96 : index
          %get3A_1106 = tpu.vector_load %arg10[%get3A_1103, %get3A_1104, %get3A_1105] {strides = array<i32>} : memref<2x128x128xf32, #tpu.memory_space<vmem>>, vector<1x1x16xf32>,
          %get3A_1107 = vector.shape_cast %get3A_1106 : vector<1x1x16xf32> to vector<16xf32>
          %mul3A_1108 = vector.broadcast %squeeze3A_1011 : f32 to vector<16xf32>
          %mul3A_1109 = arith.mulf %get3A_1107, %mul3A_1108 : vector<16xf32>
          %swap3A_1110 = arith.constant 1 : i32
          %swap3A_1111 = arith.index_cast %swap3A_1110 : i32 to index
          %swap3A_1112 = arith.index_cast %add3A_1009 : i32 to index
          %swap3A_1113 = arith.constant 96 : index
          %swap3A_1114 = tpu.vector_load %arg10[%swap3A_1111, %swap3A_1112, %swap3A_1113] {strides = array<i32>} : memref<2x128x128xf32, #tpu.memory_space<vmem>>, vector<1x1x16xf32>,
          %swap3A_1115 = vector.shape_cast %swap3A_1114 : vector<1x1x16xf32> to vector<16xf32>
          %swap3A_1116 = vector.shape_cast %mul3A_1109 : vector<16xf32> to vector<1x1x16xf32>
          tpu.vector_store %arg10[%swap3A_1111, %swap3A_1112, %swap3A_1113], %swap3A_1116 {strides = array<i32>} : memref<2x128x128xf32, #tpu.memory_space<vmem>>, vector<1x1x16xf32>,
          %get3A_1117 = arith.constant 1 : i32
          %get3A_1118 = arith.index_cast %get3A_1117 : i32 to index
          %get3A_1119 = arith.index_cast %add3A_1009 : i32 to index
          %get3A_1120 = arith.constant 112 : index
          %get3A_1121 = tpu.vector_load %arg10[%get3A_1118, %get3A_1119, %get3A_1120] {strides = array<i32>} : memref<2x128x128xf32, #tpu.memory_space<vmem>>, vector<1x1x16xf32>,
          %get3A_1122 = vector.shape_cast %get3A_1121 : vector<1x1x16xf32> to vector<16xf32>
          %mul3A_1123 = vector.broadcast %squeeze3A_1011 : f32 to vector<16xf32>
          %mul3A_1124 = arith.mulf %get3A_1122, %mul3A_1123 : vector<16xf32>
          %swap3A_1125 = arith.constant 1 : i32
          %swap3A_1126 = arith.index_cast %swap3A_1125 : i32 to index
          %swap3A_1127 = arith.index_cast %add3A_1009 : i32 to index
          %swap3A_1128 = arith.constant 112 : index
          %swap3A_1129 = tpu.vector_load %arg10[%swap3A_1126, %swap3A_1127, %swap3A_1128] {strides = array<i32>} : memref<2x128x128xf32, #tpu.memory_space<vmem>>, vector<1x1x16xf32>,
          %swap3A_1130 = vector.shape_cast %swap3A_1129 : vector<1x1x16xf32> to vector<16xf32>
          %swap3A_1131 = vector.shape_cast %mul3A_1124 : vector<16xf32> to vector<1x1x16xf32>
          tpu.vector_store %arg10[%swap3A_1126, %swap3A_1127, %swap3A_1128], %swap3A_1131 {strides = array<i32>} : memref<2x128x128xf32, #tpu.memory_space<vmem>>, vector<1x1x16xf32>,
          %mul3A_1132 = arith.constant 16 : i32
          %mul3A_1133 = arith.muli %scan3A_120, %mul3A_1132 : i32
          %add3A_1134 = arith.constant 8 : i32
          %add3A_1135 = arith.addi %mul3A_1133, %add3A_1134 : i32
          %slice3A_1136 = vector.extract_strided_slice %get3A_126 {offsets = [8], sizes = [1], strides = [1]} : vector<16xf32> to vector<1xf32>
          %squeeze3A_1137 = vector.extract %slice3A_1136[0] : f32 from vector<1xf32>
          %get3A_1138 = arith.constant 1 : i32
          %get3A_1139 = arith.index_cast %get3A_1138 : i32 to index
          %get3A_1140 = arith.index_cast %add3A_1135 : i32 to index
          %get3A_1141 = arith.constant 0 : index
          %get3A_1142 = tpu.vector_load %arg10[%get3A_1139, %get3A_1140, %get3A_1141] {strides = array<i32>} : memref<2x128x128xf32, #tpu.memory_space<vmem>>, vector<1x1x16xf32>,
          %get3A_1143 = vector.shape_cast %get3A_1142 : vector<1x1x16xf32> to vector<16xf32>
          %mul3A_1144 = vector.broadcast %squeeze3A_1137 : f32 to vector<16xf32>
          %mul3A_1145 = arith.mulf %get3A_1143, %mul3A_1144 : vector<16xf32>
          %swap3A_1146 = arith.constant 1 : i32
          %swap3A_1147 = arith.index_cast %swap3A_1146 : i32 to index
          %swap3A_1148 = arith.index_cast %add3A_1135 : i32 to index
          %swap3A_1149 = arith.constant 0 : index
          %swap3A_1150 = tpu.vector_load %arg10[%swap3A_1147, %swap3A_1148, %swap3A_1149] {strides = array<i32>} : memref<2x128x128xf32, #tpu.memory_space<vmem>>, vector<1x1x16xf32>,
          %swap3A_1151 = vector.shape_cast %swap3A_1150 : vector<1x1x16xf32> to vector<16xf32>
          %swap3A_1152 = vector.shape_cast %mul3A_1145 : vector<16xf32> to vector<1x1x16xf32>
          tpu.vector_store %arg10[%swap3A_1147, %swap3A_1148, %swap3A_1149], %swap3A_1152 {strides = array<i32>} : memref<2x128x128xf32, #tpu.memory_space<vmem>>, vector<1x1x16xf32>,
          %get3A_1153 = arith.constant 1 : i32
          %get3A_1154 = arith.index_cast %get3A_1153 : i32 to index
          %get3A_1155 = arith.index_cast %add3A_1135 : i32 to index
          %get3A_1156 = arith.constant 16 : index
          %get3A_1157 = tpu.vector_load %arg10[%get3A_1154, %get3A_1155, %get3A_1156] {strides = array<i32>} : memref<2x128x128xf32, #tpu.memory_space<vmem>>, vector<1x1x16xf32>,
          %get3A_1158 = vector.shape_cast %get3A_1157 : vector<1x1x16xf32> to vector<16xf32>
          %mul3A_1159 = vector.broadcast %squeeze3A_1137 : f32 to vector<16xf32>
          %mul3A_1160 = arith.mulf %get3A_1158, %mul3A_1159 : vector<16xf32>
          %swap3A_1161 = arith.constant 1 : i32
          %swap3A_1162 = arith.index_cast %swap3A_1161 : i32 to index
          %swap3A_1163 = arith.index_cast %add3A_1135 : i32 to index
          %swap3A_1164 = arith.constant 16 : index
          %swap3A_1165 = tpu.vector_load %arg10[%swap3A_1162, %swap3A_1163, %swap3A_1164] {strides = array<i32>} : memref<2x128x128xf32, #tpu.memory_space<vmem>>, vector<1x1x16xf32>,
          %swap3A_1166 = vector.shape_cast %swap3A_1165 : vector<1x1x16xf32> to vector<16xf32>
          %swap3A_1167 = vector.shape_cast %mul3A_1160 : vector<16xf32> to vector<1x1x16xf32>
          tpu.vector_store %arg10[%swap3A_1162, %swap3A_1163, %swap3A_1164], %swap3A_1167 {strides = array<i32>} : memref<2x128x128xf32, #tpu.memory_space<vmem>>, vector<1x1x16xf32>,
          %get3A_1168 = arith.constant 1 : i32
          %get3A_1169 = arith.index_cast %get3A_1168 : i32 to index
          %get3A_1170 = arith.index_cast %add3A_1135 : i32 to index
          %get3A_1171 = arith.constant 32 : index
          %get3A_1172 = tpu.vector_load %arg10[%get3A_1169, %get3A_1170, %get3A_1171] {strides = array<i32>} : memref<2x128x128xf32, #tpu.memory_space<vmem>>, vector<1x1x16xf32>,
          %get3A_1173 = vector.shape_cast %get3A_1172 : vector<1x1x16xf32> to vector<16xf32>
          %mul3A_1174 = vector.broadcast %squeeze3A_1137 : f32 to vector<16xf32>
          %mul3A_1175 = arith.mulf %get3A_1173, %mul3A_1174 : vector<16xf32>
          %swap3A_1176 = arith.constant 1 : i32
          %swap3A_1177 = arith.index_cast %swap3A_1176 : i32 to index
          %swap3A_1178 = arith.index_cast %add3A_1135 : i32 to index
          %swap3A_1179 = arith.constant 32 : index
          %swap3A_1180 = tpu.vector_load %arg10[%swap3A_1177, %swap3A_1178, %swap3A_1179] {strides = array<i32>} : memref<2x128x128xf32, #tpu.memory_space<vmem>>, vector<1x1x16xf32>,
          %swap3A_1181 = vector.shape_cast %swap3A_1180 : vector<1x1x16xf32> to vector<16xf32>
          %swap3A_1182 = vector.shape_cast %mul3A_1175 : vector<16xf32> to vector<1x1x16xf32>
          tpu.vector_store %arg10[%swap3A_1177, %swap3A_1178, %swap3A_1179], %swap3A_1182 {strides = array<i32>} : memref<2x128x128xf32, #tpu.memory_space<vmem>>, vector<1x1x16xf32>,
          %get3A_1183 = arith.constant 1 : i32
          %get3A_1184 = arith.index_cast %get3A_1183 : i32 to index
          %get3A_1185 = arith.index_cast %add3A_1135 : i32 to index
          %get3A_1186 = arith.constant 48 : index
          %get3A_1187 = tpu.vector_load %arg10[%get3A_1184, %get3A_1185, %get3A_1186] {strides = array<i32>} : memref<2x128x128xf32, #tpu.memory_space<vmem>>, vector<1x1x16xf32>,
          %get3A_1188 = vector.shape_cast %get3A_1187 : vector<1x1x16xf32> to vector<16xf32>
          %mul3A_1189 = vector.broadcast %squeeze3A_1137 : f32 to vector<16xf32>
          %mul3A_1190 = arith.mulf %get3A_1188, %mul3A_1189 : vector<16xf32>
          %swap3A_1191 = arith.constant 1 : i32
          %swap3A_1192 = arith.index_cast %swap3A_1191 : i32 to index
          %swap3A_1193 = arith.index_cast %add3A_1135 : i32 to index
          %swap3A_1194 = arith.constant 48 : index
          %swap3A_1195 = tpu.vector_load %arg10[%swap3A_1192, %swap3A_1193, %swap3A_1194] {strides = array<i32>} : memref<2x128x128xf32, #tpu.memory_space<vmem>>, vector<1x1x16xf32>,
          %swap3A_1196 = vector.shape_cast %swap3A_1195 : vector<1x1x16xf32> to vector<16xf32>
          %swap3A_1197 = vector.shape_cast %mul3A_1190 : vector<16xf32> to vector<1x1x16xf32>
          tpu.vector_store %arg10[%swap3A_1192, %swap3A_1193, %swap3A_1194], %swap3A_1197 {strides = array<i32>} : memref<2x128x128xf32, #tpu.memory_space<vmem>>, vector<1x1x16xf32>,
          %get3A_1198 = arith.constant 1 : i32
          %get3A_1199 = arith.index_cast %get3A_1198 : i32 to index
          %get3A_1200 = arith.index_cast %add3A_1135 : i32 to index
          %get3A_1201 = arith.constant 64 : index
          %get3A_1202 = tpu.vector_load %arg10[%get3A_1199, %get3A_1200, %get3A_1201] {strides = array<i32>} : memref<2x128x128xf32, #tpu.memory_space<vmem>>, vector<1x1x16xf32>,
          %get3A_1203 = vector.shape_cast %get3A_1202 : vector<1x1x16xf32> to vector<16xf32>
          %mul3A_1204 = vector.broadcast %squeeze3A_1137 : f32 to vector<16xf32>
          %mul3A_1205 = arith.mulf %get3A_1203, %mul3A_1204 : vector<16xf32>
          %swap3A_1206 = arith.constant 1 : i32
          %swap3A_1207 = arith.index_cast %swap3A_1206 : i32 to index
          %swap3A_1208 = arith.index_cast %add3A_1135 : i32 to index
          %swap3A_1209 = arith.constant 64 : index
          %swap3A_1210 = tpu.vector_load %arg10[%swap3A_1207, %swap3A_1208, %swap3A_1209] {strides = array<i32>} : memref<2x128x128xf32, #tpu.memory_space<vmem>>, vector<1x1x16xf32>,
          %swap3A_1211 = vector.shape_cast %swap3A_1210 : vector<1x1x16xf32> to vector<16xf32>
          %swap3A_1212 = vector.shape_cast %mul3A_1205 : vector<16xf32> to vector<1x1x16xf32>
          tpu.vector_store %arg10[%swap3A_1207, %swap3A_1208, %swap3A_1209], %swap3A_1212 {strides = array<i32>} : memref<2x128x128xf32, #tpu.memory_space<vmem>>, vector<1x1x16xf32>,
          %get3A_1213 = arith.constant 1 : i32
          %get3A_1214 = arith.index_cast %get3A_1213 : i32 to index
          %get3A_1215 = arith.index_cast %add3A_1135 : i32 to index
          %get3A_1216 = arith.constant 80 : index
          %get3A_1217 = tpu.vector_load %arg10[%get3A_1214, %get3A_1215, %get3A_1216] {strides = array<i32>} : memref<2x128x128xf32, #tpu.memory_space<vmem>>, vector<1x1x16xf32>,
          %get3A_1218 = vector.shape_cast %get3A_1217 : vector<1x1x16xf32> to vector<16xf32>
          %mul3A_1219 = vector.broadcast %squeeze3A_1137 : f32 to vector<16xf32>
          %mul3A_1220 = arith.mulf %get3A_1218, %mul3A_1219 : vector<16xf32>
          %swap3A_1221 = arith.constant 1 : i32
          %swap3A_1222 = arith.index_cast %swap3A_1221 : i32 to index
          %swap3A_1223 = arith.index_cast %add3A_1135 : i32 to index
          %swap3A_1224 = arith.constant 80 : index
          %swap3A_1225 = tpu.vector_load %arg10[%swap3A_1222, %swap3A_1223, %swap3A_1224] {strides = array<i32>} : memref<2x128x128xf32, #tpu.memory_space<vmem>>, vector<1x1x16xf32>,
          %swap3A_1226 = vector.shape_cast %swap3A_1225 : vector<1x1x16xf32> to vector<16xf32>
          %swap3A_1227 = vector.shape_cast %mul3A_1220 : vector<16xf32> to vector<1x1x16xf32>
          tpu.vector_store %arg10[%swap3A_1222, %swap3A_1223, %swap3A_1224], %swap3A_1227 {strides = array<i32>} : memref<2x128x128xf32, #tpu.memory_space<vmem>>, vector<1x1x16xf32>,
          %get3A_1228 = arith.constant 1 : i32
          %get3A_1229 = arith.index_cast %get3A_1228 : i32 to index
          %get3A_1230 = arith.index_cast %add3A_1135 : i32 to index
          %get3A_1231 = arith.constant 96 : index
          %get3A_1232 = tpu.vector_load %arg10[%get3A_1229, %get3A_1230, %get3A_1231] {strides = array<i32>} : memref<2x128x128xf32, #tpu.memory_space<vmem>>, vector<1x1x16xf32>,
          %get3A_1233 = vector.shape_cast %get3A_1232 : vector<1x1x16xf32> to vector<16xf32>
          %mul3A_1234 = vector.broadcast %squeeze3A_1137 : f32 to vector<16xf32>
          %mul3A_1235 = arith.mulf %get3A_1233, %mul3A_1234 : vector<16xf32>
          %swap3A_1236 = arith.constant 1 : i32
          %swap3A_1237 = arith.index_cast %swap3A_1236 : i32 to index
          %swap3A_1238 = arith.index_cast %add3A_1135 : i32 to index
          %swap3A_1239 = arith.constant 96 : index
          %swap3A_1240 = tpu.vector_load %arg10[%swap3A_1237, %swap3A_1238, %swap3A_1239] {strides = array<i32>} : memref<2x128x128xf32, #tpu.memory_space<vmem>>, vector<1x1x16xf32>,
          %swap3A_1241 = vector.shape_cast %swap3A_1240 : vector<1x1x16xf32> to vector<16xf32>
          %swap3A_1242 = vector.shape_cast %mul3A_1235 : vector<16xf32> to vector<1x1x16xf32>
          tpu.vector_store %arg10[%swap3A_1237, %swap3A_1238, %swap3A_1239], %swap3A_1242 {strides = array<i32>} : memref<2x128x128xf32, #tpu.memory_space<vmem>>, vector<1x1x16xf32>,
          %get3A_1243 = arith.constant 1 : i32
          %get3A_1244 = arith.index_cast %get3A_1243 : i32 to index
          %get3A_1245 = arith.index_cast %add3A_1135 : i32 to index
          %get3A_1246 = arith.constant 112 : index
          %get3A_1247 = tpu.vector_load %arg10[%get3A_1244, %get3A_1245, %get3A_1246] {strides = array<i32>} : memref<2x128x128xf32, #tpu.memory_space<vmem>>, vector<1x1x16xf32>,
          %get3A_1248 = vector.shape_cast %get3A_1247 : vector<1x1x16xf32> to vector<16xf32>
          %mul3A_1249 = vector.broadcast %squeeze3A_1137 : f32 to vector<16xf32>
          %mul3A_1250 = arith.mulf %get3A_1248, %mul3A_1249 : vector<16xf32>
          %swap3A_1251 = arith.constant 1 : i32
          %swap3A_1252 = arith.index_cast %swap3A_1251 : i32 to index
          %swap3A_1253 = arith.index_cast %add3A_1135 : i32 to index
          %swap3A_1254 = arith.constant 112 : index
          %swap3A_1255 = tpu.vector_load %arg10[%swap3A_1252, %swap3A_1253, %swap3A_1254] {strides = array<i32>} : memref<2x128x128xf32, #tpu.memory_space<vmem>>, vector<1x1x16xf32>,
          %swap3A_1256 = vector.shape_cast %swap3A_1255 : vector<1x1x16xf32> to vector<16xf32>
          %swap3A_1257 = vector.shape_cast %mul3A_1250 : vector<16xf32> to vector<1x1x16xf32>
          tpu.vector_store %arg10[%swap3A_1252, %swap3A_1253, %swap3A_1254], %swap3A_1257 {strides = array<i32>} : memref<2x128x128xf32, #tpu.memory_space<vmem>>, vector<1x1x16xf32>,
          %mul3A_1258 = arith.constant 16 : i32
          %mul3A_1259 = arith.muli %scan3A_120, %mul3A_1258 : i32
          %add3A_1260 = arith.constant 9 : i32
          %add3A_1261 = arith.addi %mul3A_1259, %add3A_1260 : i32
          %slice3A_1262 = vector.extract_strided_slice %get3A_126 {offsets = [9], sizes = [1], strides = [1]} : vector<16xf32> to vector<1xf32>
          %squeeze3A_1263 = vector.extract %slice3A_1262[0] : f32 from vector<1xf32>
          %get3A_1264 = arith.constant 1 : i32
          %get3A_1265 = arith.index_cast %get3A_1264 : i32 to index
          %get3A_1266 = arith.index_cast %add3A_1261 : i32 to index
          %get3A_1267 = arith.constant 0 : index
          %get3A_1268 = tpu.vector_load %arg10[%get3A_1265, %get3A_1266, %get3A_1267] {strides = array<i32>} : memref<2x128x128xf32, #tpu.memory_space<vmem>>, vector<1x1x16xf32>,
          %get3A_1269 = vector.shape_cast %get3A_1268 : vector<1x1x16xf32> to vector<16xf32>
          %mul3A_1270 = vector.broadcast %squeeze3A_1263 : f32 to vector<16xf32>
          %mul3A_1271 = arith.mulf %get3A_1269, %mul3A_1270 : vector<16xf32>
          %swap3A_1272 = arith.constant 1 : i32
          %swap3A_1273 = arith.index_cast %swap3A_1272 : i32 to index
          %swap3A_1274 = arith.index_cast %add3A_1261 : i32 to index
          %swap3A_1275 = arith.constant 0 : index
          %swap3A_1276 = tpu.vector_load %arg10[%swap3A_1273, %swap3A_1274, %swap3A_1275] {strides = array<i32>} : memref<2x128x128xf32, #tpu.memory_space<vmem>>, vector<1x1x16xf32>,
          %swap3A_1277 = vector.shape_cast %swap3A_1276 : vector<1x1x16xf32> to vector<16xf32>
          %swap3A_1278 = vector.shape_cast %mul3A_1271 : vector<16xf32> to vector<1x1x16xf32>
          tpu.vector_store %arg10[%swap3A_1273, %swap3A_1274, %swap3A_1275], %swap3A_1278 {strides = array<i32>} : memref<2x128x128xf32, #tpu.memory_space<vmem>>, vector<1x1x16xf32>,
          %get3A_1279 = arith.constant 1 : i32
          %get3A_1280 = arith.index_cast %get3A_1279 : i32 to index
          %get3A_1281 = arith.index_cast %add3A_1261 : i32 to index
          %get3A_1282 = arith.constant 16 : index
          %get3A_1283 = tpu.vector_load %arg10[%get3A_1280, %get3A_1281, %get3A_1282] {strides = array<i32>} : memref<2x128x128xf32, #tpu.memory_space<vmem>>, vector<1x1x16xf32>,
          %get3A_1284 = vector.shape_cast %get3A_1283 : vector<1x1x16xf32> to vector<16xf32>
          %mul3A_1285 = vector.broadcast %squeeze3A_1263 : f32 to vector<16xf32>
          %mul3A_1286 = arith.mulf %get3A_1284, %mul3A_1285 : vector<16xf32>
          %swap3A_1287 = arith.constant 1 : i32
          %swap3A_1288 = arith.index_cast %swap3A_1287 : i32 to index
          %swap3A_1289 = arith.index_cast %add3A_1261 : i32 to index
          %swap3A_1290 = arith.constant 16 : index
          %swap3A_1291 = tpu.vector_load %arg10[%swap3A_1288, %swap3A_1289, %swap3A_1290] {strides = array<i32>} : memref<2x128x128xf32, #tpu.memory_space<vmem>>, vector<1x1x16xf32>,
          %swap3A_1292 = vector.shape_cast %swap3A_1291 : vector<1x1x16xf32> to vector<16xf32>
          %swap3A_1293 = vector.shape_cast %mul3A_1286 : vector<16xf32> to vector<1x1x16xf32>
          tpu.vector_store %arg10[%swap3A_1288, %swap3A_1289, %swap3A_1290], %swap3A_1293 {strides = array<i32>} : memref<2x128x128xf32, #tpu.memory_space<vmem>>, vector<1x1x16xf32>,
          %get3A_1294 = arith.constant 1 : i32
          %get3A_1295 = arith.index_cast %get3A_1294 : i32 to index
          %get3A_1296 = arith.index_cast %add3A_1261 : i32 to index
          %get3A_1297 = arith.constant 32 : index
          %get3A_1298 = tpu.vector_load %arg10[%get3A_1295, %get3A_1296, %get3A_1297] {strides = array<i32>} : memref<2x128x128xf32, #tpu.memory_space<vmem>>, vector<1x1x16xf32>,
          %get3A_1299 = vector.shape_cast %get3A_1298 : vector<1x1x16xf32> to vector<16xf32>
          %mul3A_1300 = vector.broadcast %squeeze3A_1263 : f32 to vector<16xf32>
          %mul3A_1301 = arith.mulf %get3A_1299, %mul3A_1300 : vector<16xf32>
          %swap3A_1302 = arith.constant 1 : i32
          %swap3A_1303 = arith.index_cast %swap3A_1302 : i32 to index
          %swap3A_1304 = arith.index_cast %add3A_1261 : i32 to index
          %swap3A_1305 = arith.constant 32 : index
          %swap3A_1306 = tpu.vector_load %arg10[%swap3A_1303, %swap3A_1304, %swap3A_1305] {strides = array<i32>} : memref<2x128x128xf32, #tpu.memory_space<vmem>>, vector<1x1x16xf32>,
          %swap3A_1307 = vector.shape_cast %swap3A_1306 : vector<1x1x16xf32> to vector<16xf32>
          %swap3A_1308 = vector.shape_cast %mul3A_1301 : vector<16xf32> to vector<1x1x16xf32>
          tpu.vector_store %arg10[%swap3A_1303, %swap3A_1304, %swap3A_1305], %swap3A_1308 {strides = array<i32>} : memref<2x128x128xf32, #tpu.memory_space<vmem>>, vector<1x1x16xf32>,
          %get3A_1309 = arith.constant 1 : i32
          %get3A_1310 = arith.index_cast %get3A_1309 : i32 to index
          %get3A_1311 = arith.index_cast %add3A_1261 : i32 to index
          %get3A_1312 = arith.constant 48 : index
          %get3A_1313 = tpu.vector_load %arg10[%get3A_1310, %get3A_1311, %get3A_1312] {strides = array<i32>} : memref<2x128x128xf32, #tpu.memory_space<vmem>>, vector<1x1x16xf32>,
          %get3A_1314 = vector.shape_cast %get3A_1313 : vector<1x1x16xf32> to vector<16xf32>
          %mul3A_1315 = vector.broadcast %squeeze3A_1263 : f32 to vector<16xf32>
          %mul3A_1316 = arith.mulf %get3A_1314, %mul3A_1315 : vector<16xf32>
          %swap3A_1317 = arith.constant 1 : i32
          %swap3A_1318 = arith.index_cast %swap3A_1317 : i32 to index
          %swap3A_1319 = arith.index_cast %add3A_1261 : i32 to index
          %swap3A_1320 = arith.constant 48 : index
          %swap3A_1321 = tpu.vector_load %arg10[%swap3A_1318, %swap3A_1319, %swap3A_1320] {strides = array<i32>} : memref<2x128x128xf32, #tpu.memory_space<vmem>>, vector<1x1x16xf32>,
          %swap3A_1322 = vector.shape_cast %swap3A_1321 : vector<1x1x16xf32> to vector<16xf32>
          %swap3A_1323 = vector.shape_cast %mul3A_1316 : vector<16xf32> to vector<1x1x16xf32>
          tpu.vector_store %arg10[%swap3A_1318, %swap3A_1319, %swap3A_1320], %swap3A_1323 {strides = array<i32>} : memref<2x128x128xf32, #tpu.memory_space<vmem>>, vector<1x1x16xf32>,
          %get3A_1324 = arith.constant 1 : i32
          %get3A_1325 = arith.index_cast %get3A_1324 : i32 to index
          %get3A_1326 = arith.index_cast %add3A_1261 : i32 to index
          %get3A_1327 = arith.constant 64 : index
          %get3A_1328 = tpu.vector_load %arg10[%get3A_1325, %get3A_1326, %get3A_1327] {strides = array<i32>} : memref<2x128x128xf32, #tpu.memory_space<vmem>>, vector<1x1x16xf32>,
          %get3A_1329 = vector.shape_cast %get3A_1328 : vector<1x1x16xf32> to vector<16xf32>
          %mul3A_1330 = vector.broadcast %squeeze3A_1263 : f32 to vector<16xf32>
          %mul3A_1331 = arith.mulf %get3A_1329, %mul3A_1330 : vector<16xf32>
          %swap3A_1332 = arith.constant 1 : i32
          %swap3A_1333 = arith.index_cast %swap3A_1332 : i32 to index
          %swap3A_1334 = arith.index_cast %add3A_1261 : i32 to index
          %swap3A_1335 = arith.constant 64 : index
          %swap3A_1336 = tpu.vector_load %arg10[%swap3A_1333, %swap3A_1334, %swap3A_1335] {strides = array<i32>} : memref<2x128x128xf32, #tpu.memory_space<vmem>>, vector<1x1x16xf32>,
          %swap3A_1337 = vector.shape_cast %swap3A_1336 : vector<1x1x16xf32> to vector<16xf32>
          %swap3A_1338 = vector.shape_cast %mul3A_1331 : vector<16xf32> to vector<1x1x16xf32>
          tpu.vector_store %arg10[%swap3A_1333, %swap3A_1334, %swap3A_1335], %swap3A_1338 {strides = array<i32>} : memref<2x128x128xf32, #tpu.memory_space<vmem>>, vector<1x1x16xf32>,
          %get3A_1339 = arith.constant 1 : i32
          %get3A_1340 = arith.index_cast %get3A_1339 : i32 to index
          %get3A_1341 = arith.index_cast %add3A_1261 : i32 to index
          %get3A_1342 = arith.constant 80 : index
          %get3A_1343 = tpu.vector_load %arg10[%get3A_1340, %get3A_1341, %get3A_1342] {strides = array<i32>} : memref<2x128x128xf32, #tpu.memory_space<vmem>>, vector<1x1x16xf32>,
          %get3A_1344 = vector.shape_cast %get3A_1343 : vector<1x1x16xf32> to vector<16xf32>
          %mul3A_1345 = vector.broadcast %squeeze3A_1263 : f32 to vector<16xf32>
          %mul3A_1346 = arith.mulf %get3A_1344, %mul3A_1345 : vector<16xf32>
          %swap3A_1347 = arith.constant 1 : i32
          %swap3A_1348 = arith.index_cast %swap3A_1347 : i32 to index
          %swap3A_1349 = arith.index_cast %add3A_1261 : i32 to index
          %swap3A_1350 = arith.constant 80 : index
          %swap3A_1351 = tpu.vector_load %arg10[%swap3A_1348, %swap3A_1349, %swap3A_1350] {strides = array<i32>} : memref<2x128x128xf32, #tpu.memory_space<vmem>>, vector<1x1x16xf32>,
          %swap3A_1352 = vector.shape_cast %swap3A_1351 : vector<1x1x16xf32> to vector<16xf32>
          %swap3A_1353 = vector.shape_cast %mul3A_1346 : vector<16xf32> to vector<1x1x16xf32>
          tpu.vector_store %arg10[%swap3A_1348, %swap3A_1349, %swap3A_1350], %swap3A_1353 {strides = array<i32>} : memref<2x128x128xf32, #tpu.memory_space<vmem>>, vector<1x1x16xf32>,
          %get3A_1354 = arith.constant 1 : i32
          %get3A_1355 = arith.index_cast %get3A_1354 : i32 to index
          %get3A_1356 = arith.index_cast %add3A_1261 : i32 to index
          %get3A_1357 = arith.constant 96 : index
          %get3A_1358 = tpu.vector_load %arg10[%get3A_1355, %get3A_1356, %get3A_1357] {strides = array<i32>} : memref<2x128x128xf32, #tpu.memory_space<vmem>>, vector<1x1x16xf32>,
          %get3A_1359 = vector.shape_cast %get3A_1358 : vector<1x1x16xf32> to vector<16xf32>
          %mul3A_1360 = vector.broadcast %squeeze3A_1263 : f32 to vector<16xf32>
          %mul3A_1361 = arith.mulf %get3A_1359, %mul3A_1360 : vector<16xf32>
          %swap3A_1362 = arith.constant 1 : i32
          %swap3A_1363 = arith.index_cast %swap3A_1362 : i32 to index
          %swap3A_1364 = arith.index_cast %add3A_1261 : i32 to index
          %swap3A_1365 = arith.constant 96 : index
          %swap3A_1366 = tpu.vector_load %arg10[%swap3A_1363, %swap3A_1364, %swap3A_1365] {strides = array<i32>} : memref<2x128x128xf32, #tpu.memory_space<vmem>>, vector<1x1x16xf32>,
          %swap3A_1367 = vector.shape_cast %swap3A_1366 : vector<1x1x16xf32> to vector<16xf32>
          %swap3A_1368 = vector.shape_cast %mul3A_1361 : vector<16xf32> to vector<1x1x16xf32>
          tpu.vector_store %arg10[%swap3A_1363, %swap3A_1364, %swap3A_1365], %swap3A_1368 {strides = array<i32>} : memref<2x128x128xf32, #tpu.memory_space<vmem>>, vector<1x1x16xf32>,
          %get3A_1369 = arith.constant 1 : i32
          %get3A_1370 = arith.index_cast %get3A_1369 : i32 to index
          %get3A_1371 = arith.index_cast %add3A_1261 : i32 to index
          %get3A_1372 = arith.constant 112 : index
          %get3A_1373 = tpu.vector_load %arg10[%get3A_1370, %get3A_1371, %get3A_1372] {strides = array<i32>} : memref<2x128x128xf32, #tpu.memory_space<vmem>>, vector<1x1x16xf32>,
          %get3A_1374 = vector.shape_cast %get3A_1373 : vector<1x1x16xf32> to vector<16xf32>
          %mul3A_1375 = vector.broadcast %squeeze3A_1263 : f32 to vector<16xf32>
          %mul3A_1376 = arith.mulf %get3A_1374, %mul3A_1375 : vector<16xf32>
          %swap3A_1377 = arith.constant 1 : i32
          %swap3A_1378 = arith.index_cast %swap3A_1377 : i32 to index
          %swap3A_1379 = arith.index_cast %add3A_1261 : i32 to index
          %swap3A_1380 = arith.constant 112 : index
          %swap3A_1381 = tpu.vector_load %arg10[%swap3A_1378, %swap3A_1379, %swap3A_1380] {strides = array<i32>} : memref<2x128x128xf32, #tpu.memory_space<vmem>>, vector<1x1x16xf32>,
          %swap3A_1382 = vector.shape_cast %swap3A_1381 : vector<1x1x16xf32> to vector<16xf32>
          %swap3A_1383 = vector.shape_cast %mul3A_1376 : vector<16xf32> to vector<1x1x16xf32>
          tpu.vector_store %arg10[%swap3A_1378, %swap3A_1379, %swap3A_1380], %swap3A_1383 {strides = array<i32>} : memref<2x128x128xf32, #tpu.memory_space<vmem>>, vector<1x1x16xf32>,
          %mul3A_1384 = arith.constant 16 : i32
          %mul3A_1385 = arith.muli %scan3A_120, %mul3A_1384 : i32
          %add3A_1386 = arith.constant 10 : i32
          %add3A_1387 = arith.addi %mul3A_1385, %add3A_1386 : i32
          %slice3A_1388 = vector.extract_strided_slice %get3A_126 {offsets = [10], sizes = [1], strides = [1]} : vector<16xf32> to vector<1xf32>
          %squeeze3A_1389 = vector.extract %slice3A_1388[0] : f32 from vector<1xf32>
          %get3A_1390 = arith.constant 1 : i32
          %get3A_1391 = arith.index_cast %get3A_1390 : i32 to index
          %get3A_1392 = arith.index_cast %add3A_1387 : i32 to index
          %get3A_1393 = arith.constant 0 : index
          %get3A_1394 = tpu.vector_load %arg10[%get3A_1391, %get3A_1392, %get3A_1393] {strides = array<i32>} : memref<2x128x128xf32, #tpu.memory_space<vmem>>, vector<1x1x16xf32>,
          %get3A_1395 = vector.shape_cast %get3A_1394 : vector<1x1x16xf32> to vector<16xf32>
          %mul3A_1396 = vector.broadcast %squeeze3A_1389 : f32 to vector<16xf32>
          %mul3A_1397 = arith.mulf %get3A_1395, %mul3A_1396 : vector<16xf32>
          %swap3A_1398 = arith.constant 1 : i32
          %swap3A_1399 = arith.index_cast %swap3A_1398 : i32 to index
          %swap3A_1400 = arith.index_cast %add3A_1387 : i32 to index
          %swap3A_1401 = arith.constant 0 : index
          %swap3A_1402 = tpu.vector_load %arg10[%swap3A_1399, %swap3A_1400, %swap3A_1401] {strides = array<i32>} : memref<2x128x128xf32, #tpu.memory_space<vmem>>, vector<1x1x16xf32>,
          %swap3A_1403 = vector.shape_cast %swap3A_1402 : vector<1x1x16xf32> to vector<16xf32>
          %swap3A_1404 = vector.shape_cast %mul3A_1397 : vector<16xf32> to vector<1x1x16xf32>
          tpu.vector_store %arg10[%swap3A_1399, %swap3A_1400, %swap3A_1401], %swap3A_1404 {strides = array<i32>} : memref<2x128x128xf32, #tpu.memory_space<vmem>>, vector<1x1x16xf32>,
          %get3A_1405 = arith.constant 1 : i32
          %get3A_1406 = arith.index_cast %get3A_1405 : i32 to index
          %get3A_1407 = arith.index_cast %add3A_1387 : i32 to index
          %get3A_1408 = arith.constant 16 : index
          %get3A_1409 = tpu.vector_load %arg10[%get3A_1406, %get3A_1407, %get3A_1408] {strides = array<i32>} : memref<2x128x128xf32, #tpu.memory_space<vmem>>, vector<1x1x16xf32>,
          %get3A_1410 = vector.shape_cast %get3A_1409 : vector<1x1x16xf32> to vector<16xf32>
          %mul3A_1411 = vector.broadcast %squeeze3A_1389 : f32 to vector<16xf32>
          %mul3A_1412 = arith.mulf %get3A_1410, %mul3A_1411 : vector<16xf32>
          %swap3A_1413 = arith.constant 1 : i32
          %swap3A_1414 = arith.index_cast %swap3A_1413 : i32 to index
          %swap3A_1415 = arith.index_cast %add3A_1387 : i32 to index
          %swap3A_1416 = arith.constant 16 : index
          %swap3A_1417 = tpu.vector_load %arg10[%swap3A_1414, %swap3A_1415, %swap3A_1416] {strides = array<i32>} : memref<2x128x128xf32, #tpu.memory_space<vmem>>, vector<1x1x16xf32>,
          %swap3A_1418 = vector.shape_cast %swap3A_1417 : vector<1x1x16xf32> to vector<16xf32>
          %swap3A_1419 = vector.shape_cast %mul3A_1412 : vector<16xf32> to vector<1x1x16xf32>
          tpu.vector_store %arg10[%swap3A_1414, %swap3A_1415, %swap3A_1416], %swap3A_1419 {strides = array<i32>} : memref<2x128x128xf32, #tpu.memory_space<vmem>>, vector<1x1x16xf32>,
          %get3A_1420 = arith.constant 1 : i32
          %get3A_1421 = arith.index_cast %get3A_1420 : i32 to index
          %get3A_1422 = arith.index_cast %add3A_1387 : i32 to index
          %get3A_1423 = arith.constant 32 : index
          %get3A_1424 = tpu.vector_load %arg10[%get3A_1421, %get3A_1422, %get3A_1423] {strides = array<i32>} : memref<2x128x128xf32, #tpu.memory_space<vmem>>, vector<1x1x16xf32>,
          %get3A_1425 = vector.shape_cast %get3A_1424 : vector<1x1x16xf32> to vector<16xf32>
          %mul3A_1426 = vector.broadcast %squeeze3A_1389 : f32 to vector<16xf32>
          %mul3A_1427 = arith.mulf %get3A_1425, %mul3A_1426 : vector<16xf32>
          %swap3A_1428 = arith.constant 1 : i32
          %swap3A_1429 = arith.index_cast %swap3A_1428 : i32 to index
          %swap3A_1430 = arith.index_cast %add3A_1387 : i32 to index
          %swap3A_1431 = arith.constant 32 : index
          %swap3A_1432 = tpu.vector_load %arg10[%swap3A_1429, %swap3A_1430, %swap3A_1431] {strides = array<i32>} : memref<2x128x128xf32, #tpu.memory_space<vmem>>, vector<1x1x16xf32>,
          %swap3A_1433 = vector.shape_cast %swap3A_1432 : vector<1x1x16xf32> to vector<16xf32>
          %swap3A_1434 = vector.shape_cast %mul3A_1427 : vector<16xf32> to vector<1x1x16xf32>
          tpu.vector_store %arg10[%swap3A_1429, %swap3A_1430, %swap3A_1431], %swap3A_1434 {strides = array<i32>} : memref<2x128x128xf32, #tpu.memory_space<vmem>>, vector<1x1x16xf32>,
          %get3A_1435 = arith.constant 1 : i32
          %get3A_1436 = arith.index_cast %get3A_1435 : i32 to index
          %get3A_1437 = arith.index_cast %add3A_1387 : i32 to index
          %get3A_1438 = arith.constant 48 : index
          %get3A_1439 = tpu.vector_load %arg10[%get3A_1436, %get3A_1437, %get3A_1438] {strides = array<i32>} : memref<2x128x128xf32, #tpu.memory_space<vmem>>, vector<1x1x16xf32>,
          %get3A_1440 = vector.shape_cast %get3A_1439 : vector<1x1x16xf32> to vector<16xf32>
          %mul3A_1441 = vector.broadcast %squeeze3A_1389 : f32 to vector<16xf32>
          %mul3A_1442 = arith.mulf %get3A_1440, %mul3A_1441 : vector<16xf32>
          %swap3A_1443 = arith.constant 1 : i32
          %swap3A_1444 = arith.index_cast %swap3A_1443 : i32 to index
          %swap3A_1445 = arith.index_cast %add3A_1387 : i32 to index
          %swap3A_1446 = arith.constant 48 : index
          %swap3A_1447 = tpu.vector_load %arg10[%swap3A_1444, %swap3A_1445, %swap3A_1446] {strides = array<i32>} : memref<2x128x128xf32, #tpu.memory_space<vmem>>, vector<1x1x16xf32>,
          %swap3A_1448 = vector.shape_cast %swap3A_1447 : vector<1x1x16xf32> to vector<16xf32>
          %swap3A_1449 = vector.shape_cast %mul3A_1442 : vector<16xf32> to vector<1x1x16xf32>
          tpu.vector_store %arg10[%swap3A_1444, %swap3A_1445, %swap3A_1446], %swap3A_1449 {strides = array<i32>} : memref<2x128x128xf32, #tpu.memory_space<vmem>>, vector<1x1x16xf32>,
          %get3A_1450 = arith.constant 1 : i32
          %get3A_1451 = arith.index_cast %get3A_1450 : i32 to index
          %get3A_1452 = arith.index_cast %add3A_1387 : i32 to index
          %get3A_1453 = arith.constant 64 : index
          %get3A_1454 = tpu.vector_load %arg10[%get3A_1451, %get3A_1452, %get3A_1453] {strides = array<i32>} : memref<2x128x128xf32, #tpu.memory_space<vmem>>, vector<1x1x16xf32>,
          %get3A_1455 = vector.shape_cast %get3A_1454 : vector<1x1x16xf32> to vector<16xf32>
          %mul3A_1456 = vector.broadcast %squeeze3A_1389 : f32 to vector<16xf32>
          %mul3A_1457 = arith.mulf %get3A_1455, %mul3A_1456 : vector<16xf32>
          %swap3A_1458 = arith.constant 1 : i32
          %swap3A_1459 = arith.index_cast %swap3A_1458 : i32 to index
          %swap3A_1460 = arith.index_cast %add3A_1387 : i32 to index
          %swap3A_1461 = arith.constant 64 : index
          %swap3A_1462 = tpu.vector_load %arg10[%swap3A_1459, %swap3A_1460, %swap3A_1461] {strides = array<i32>} : memref<2x128x128xf32, #tpu.memory_space<vmem>>, vector<1x1x16xf32>,
          %swap3A_1463 = vector.shape_cast %swap3A_1462 : vector<1x1x16xf32> to vector<16xf32>
          %swap3A_1464 = vector.shape_cast %mul3A_1457 : vector<16xf32> to vector<1x1x16xf32>
          tpu.vector_store %arg10[%swap3A_1459, %swap3A_1460, %swap3A_1461], %swap3A_1464 {strides = array<i32>} : memref<2x128x128xf32, #tpu.memory_space<vmem>>, vector<1x1x16xf32>,
          %get3A_1465 = arith.constant 1 : i32
          %get3A_1466 = arith.index_cast %get3A_1465 : i32 to index
          %get3A_1467 = arith.index_cast %add3A_1387 : i32 to index
          %get3A_1468 = arith.constant 80 : index
          %get3A_1469 = tpu.vector_load %arg10[%get3A_1466, %get3A_1467, %get3A_1468] {strides = array<i32>} : memref<2x128x128xf32, #tpu.memory_space<vmem>>, vector<1x1x16xf32>,
          %get3A_1470 = vector.shape_cast %get3A_1469 : vector<1x1x16xf32> to vector<16xf32>
          %mul3A_1471 = vector.broadcast %squeeze3A_1389 : f32 to vector<16xf32>
          %mul3A_1472 = arith.mulf %get3A_1470, %mul3A_1471 : vector<16xf32>
          %swap3A_1473 = arith.constant 1 : i32
          %swap3A_1474 = arith.index_cast %swap3A_1473 : i32 to index
          %swap3A_1475 = arith.index_cast %add3A_1387 : i32 to index
          %swap3A_1476 = arith.constant 80 : index
          %swap3A_1477 = tpu.vector_load %arg10[%swap3A_1474, %swap3A_1475, %swap3A_1476] {strides = array<i32>} : memref<2x128x128xf32, #tpu.memory_space<vmem>>, vector<1x1x16xf32>,
          %swap3A_1478 = vector.shape_cast %swap3A_1477 : vector<1x1x16xf32> to vector<16xf32>
          %swap3A_1479 = vector.shape_cast %mul3A_1472 : vector<16xf32> to vector<1x1x16xf32>
          tpu.vector_store %arg10[%swap3A_1474, %swap3A_1475, %swap3A_1476], %swap3A_1479 {strides = array<i32>} : memref<2x128x128xf32, #tpu.memory_space<vmem>>, vector<1x1x16xf32>,
          %get3A_1480 = arith.constant 1 : i32
          %get3A_1481 = arith.index_cast %get3A_1480 : i32 to index
          %get3A_1482 = arith.index_cast %add3A_1387 : i32 to index
          %get3A_1483 = arith.constant 96 : index
          %get3A_1484 = tpu.vector_load %arg10[%get3A_1481, %get3A_1482, %get3A_1483] {strides = array<i32>} : memref<2x128x128xf32, #tpu.memory_space<vmem>>, vector<1x1x16xf32>,
          %get3A_1485 = vector.shape_cast %get3A_1484 : vector<1x1x16xf32> to vector<16xf32>
          %mul3A_1486 = vector.broadcast %squeeze3A_1389 : f32 to vector<16xf32>
          %mul3A_1487 = arith.mulf %get3A_1485, %mul3A_1486 : vector<16xf32>
          %swap3A_1488 = arith.constant 1 : i32
          %swap3A_1489 = arith.index_cast %swap3A_1488 : i32 to index
          %swap3A_1490 = arith.index_cast %add3A_1387 : i32 to index
          %swap3A_1491 = arith.constant 96 : index
          %swap3A_1492 = tpu.vector_load %arg10[%swap3A_1489, %swap3A_1490, %swap3A_1491] {strides = array<i32>} : memref<2x128x128xf32, #tpu.memory_space<vmem>>, vector<1x1x16xf32>,
          %swap3A_1493 = vector.shape_cast %swap3A_1492 : vector<1x1x16xf32> to vector<16xf32>
          %swap3A_1494 = vector.shape_cast %mul3A_1487 : vector<16xf32> to vector<1x1x16xf32>
          tpu.vector_store %arg10[%swap3A_1489, %swap3A_1490, %swap3A_1491], %swap3A_1494 {strides = array<i32>} : memref<2x128x128xf32, #tpu.memory_space<vmem>>, vector<1x1x16xf32>,
          %get3A_1495 = arith.constant 1 : i32
          %get3A_1496 = arith.index_cast %get3A_1495 : i32 to index
          %get3A_1497 = arith.index_cast %add3A_1387 : i32 to index
          %get3A_1498 = arith.constant 112 : index
          %get3A_1499 = tpu.vector_load %arg10[%get3A_1496, %get3A_1497, %get3A_1498] {strides = array<i32>} : memref<2x128x128xf32, #tpu.memory_space<vmem>>, vector<1x1x16xf32>,
          %get3A_1500 = vector.shape_cast %get3A_1499 : vector<1x1x16xf32> to vector<16xf32>
          %mul3A_1501 = vector.broadcast %squeeze3A_1389 : f32 to vector<16xf32>
          %mul3A_1502 = arith.mulf %get3A_1500, %mul3A_1501 : vector<16xf32>
          %swap3A_1503 = arith.constant 1 : i32
          %swap3A_1504 = arith.index_cast %swap3A_1503 : i32 to index
          %swap3A_1505 = arith.index_cast %add3A_1387 : i32 to index
          %swap3A_1506 = arith.constant 112 : index
          %swap3A_1507 = tpu.vector_load %arg10[%swap3A_1504, %swap3A_1505, %swap3A_1506] {strides = array<i32>} : memref<2x128x128xf32, #tpu.memory_space<vmem>>, vector<1x1x16xf32>,
          %swap3A_1508 = vector.shape_cast %swap3A_1507 : vector<1x1x16xf32> to vector<16xf32>
          %swap3A_1509 = vector.shape_cast %mul3A_1502 : vector<16xf32> to vector<1x1x16xf32>
          tpu.vector_store %arg10[%swap3A_1504, %swap3A_1505, %swap3A_1506], %swap3A_1509 {strides = array<i32>} : memref<2x128x128xf32, #tpu.memory_space<vmem>>, vector<1x1x16xf32>,
          %mul3A_1510 = arith.constant 16 : i32
          %mul3A_1511 = arith.muli %scan3A_120, %mul3A_1510 : i32
          %add3A_1512 = arith.constant 11 : i32
          %add3A_1513 = arith.addi %mul3A_1511, %add3A_1512 : i32
          %slice3A_1514 = vector.extract_strided_slice %get3A_126 {offsets = [11], sizes = [1], strides = [1]} : vector<16xf32> to vector<1xf32>
          %squeeze3A_1515 = vector.extract %slice3A_1514[0] : f32 from vector<1xf32>
          %get3A_1516 = arith.constant 1 : i32
          %get3A_1517 = arith.index_cast %get3A_1516 : i32 to index
          %get3A_1518 = arith.index_cast %add3A_1513 : i32 to index
          %get3A_1519 = arith.constant 0 : index
          %get3A_1520 = tpu.vector_load %arg10[%get3A_1517, %get3A_1518, %get3A_1519] {strides = array<i32>} : memref<2x128x128xf32, #tpu.memory_space<vmem>>, vector<1x1x16xf32>,
          %get3A_1521 = vector.shape_cast %get3A_1520 : vector<1x1x16xf32> to vector<16xf32>
          %mul3A_1522 = vector.broadcast %squeeze3A_1515 : f32 to vector<16xf32>
          %mul3A_1523 = arith.mulf %get3A_1521, %mul3A_1522 : vector<16xf32>
          %swap3A_1524 = arith.constant 1 : i32
          %swap3A_1525 = arith.index_cast %swap3A_1524 : i32 to index
          %swap3A_1526 = arith.index_cast %add3A_1513 : i32 to index
          %swap3A_1527 = arith.constant 0 : index
          %swap3A_1528 = tpu.vector_load %arg10[%swap3A_1525, %swap3A_1526, %swap3A_1527] {strides = array<i32>} : memref<2x128x128xf32, #tpu.memory_space<vmem>>, vector<1x1x16xf32>,
          %swap3A_1529 = vector.shape_cast %swap3A_1528 : vector<1x1x16xf32> to vector<16xf32>
          %swap3A_1530 = vector.shape_cast %mul3A_1523 : vector<16xf32> to vector<1x1x16xf32>
          tpu.vector_store %arg10[%swap3A_1525, %swap3A_1526, %swap3A_1527], %swap3A_1530 {strides = array<i32>} : memref<2x128x128xf32, #tpu.memory_space<vmem>>, vector<1x1x16xf32>,
          %get3A_1531 = arith.constant 1 : i32
          %get3A_1532 = arith.index_cast %get3A_1531 : i32 to index
          %get3A_1533 = arith.index_cast %add3A_1513 : i32 to index
          %get3A_1534 = arith.constant 16 : index
          %get3A_1535 = tpu.vector_load %arg10[%get3A_1532, %get3A_1533, %get3A_1534] {strides = array<i32>} : memref<2x128x128xf32, #tpu.memory_space<vmem>>, vector<1x1x16xf32>,
          %get3A_1536 = vector.shape_cast %get3A_1535 : vector<1x1x16xf32> to vector<16xf32>
          %mul3A_1537 = vector.broadcast %squeeze3A_1515 : f32 to vector<16xf32>
          %mul3A_1538 = arith.mulf %get3A_1536, %mul3A_1537 : vector<16xf32>
          %swap3A_1539 = arith.constant 1 : i32
          %swap3A_1540 = arith.index_cast %swap3A_1539 : i32 to index
          %swap3A_1541 = arith.index_cast %add3A_1513 : i32 to index
          %swap3A_1542 = arith.constant 16 : index
          %swap3A_1543 = tpu.vector_load %arg10[%swap3A_1540, %swap3A_1541, %swap3A_1542] {strides = array<i32>} : memref<2x128x128xf32, #tpu.memory_space<vmem>>, vector<1x1x16xf32>,
          %swap3A_1544 = vector.shape_cast %swap3A_1543 : vector<1x1x16xf32> to vector<16xf32>
          %swap3A_1545 = vector.shape_cast %mul3A_1538 : vector<16xf32> to vector<1x1x16xf32>
          tpu.vector_store %arg10[%swap3A_1540, %swap3A_1541, %swap3A_1542], %swap3A_1545 {strides = array<i32>} : memref<2x128x128xf32, #tpu.memory_space<vmem>>, vector<1x1x16xf32>,
          %get3A_1546 = arith.constant 1 : i32
          %get3A_1547 = arith.index_cast %get3A_1546 : i32 to index
          %get3A_1548 = arith.index_cast %add3A_1513 : i32 to index
          %get3A_1549 = arith.constant 32 : index
          %get3A_1550 = tpu.vector_load %arg10[%get3A_1547, %get3A_1548, %get3A_1549] {strides = array<i32>} : memref<2x128x128xf32, #tpu.memory_space<vmem>>, vector<1x1x16xf32>,
          %get3A_1551 = vector.shape_cast %get3A_1550 : vector<1x1x16xf32> to vector<16xf32>
          %mul3A_1552 = vector.broadcast %squeeze3A_1515 : f32 to vector<16xf32>
          %mul3A_1553 = arith.mulf %get3A_1551, %mul3A_1552 : vector<16xf32>
          %swap3A_1554 = arith.constant 1 : i32
          %swap3A_1555 = arith.index_cast %swap3A_1554 : i32 to index
          %swap3A_1556 = arith.index_cast %add3A_1513 : i32 to index
          %swap3A_1557 = arith.constant 32 : index
          %swap3A_1558 = tpu.vector_load %arg10[%swap3A_1555, %swap3A_1556, %swap3A_1557] {strides = array<i32>} : memref<2x128x128xf32, #tpu.memory_space<vmem>>, vector<1x1x16xf32>,
          %swap3A_1559 = vector.shape_cast %swap3A_1558 : vector<1x1x16xf32> to vector<16xf32>
          %swap3A_1560 = vector.shape_cast %mul3A_1553 : vector<16xf32> to vector<1x1x16xf32>
          tpu.vector_store %arg10[%swap3A_1555, %swap3A_1556, %swap3A_1557], %swap3A_1560 {strides = array<i32>} : memref<2x128x128xf32, #tpu.memory_space<vmem>>, vector<1x1x16xf32>,
          %get3A_1561 = arith.constant 1 : i32
          %get3A_1562 = arith.index_cast %get3A_1561 : i32 to index
          %get3A_1563 = arith.index_cast %add3A_1513 : i32 to index
          %get3A_1564 = arith.constant 48 : index
          %get3A_1565 = tpu.vector_load %arg10[%get3A_1562, %get3A_1563, %get3A_1564] {strides = array<i32>} : memref<2x128x128xf32, #tpu.memory_space<vmem>>, vector<1x1x16xf32>,
          %get3A_1566 = vector.shape_cast %get3A_1565 : vector<1x1x16xf32> to vector<16xf32>
          %mul3A_1567 = vector.broadcast %squeeze3A_1515 : f32 to vector<16xf32>
          %mul3A_1568 = arith.mulf %get3A_1566, %mul3A_1567 : vector<16xf32>
          %swap3A_1569 = arith.constant 1 : i32
          %swap3A_1570 = arith.index_cast %swap3A_1569 : i32 to index
          %swap3A_1571 = arith.index_cast %add3A_1513 : i32 to index
          %swap3A_1572 = arith.constant 48 : index
          %swap3A_1573 = tpu.vector_load %arg10[%swap3A_1570, %swap3A_1571, %swap3A_1572] {strides = array<i32>} : memref<2x128x128xf32, #tpu.memory_space<vmem>>, vector<1x1x16xf32>,
          %swap3A_1574 = vector.shape_cast %swap3A_1573 : vector<1x1x16xf32> to vector<16xf32>
          %swap3A_1575 = vector.shape_cast %mul3A_1568 : vector<16xf32> to vector<1x1x16xf32>
          tpu.vector_store %arg10[%swap3A_1570, %swap3A_1571, %swap3A_1572], %swap3A_1575 {strides = array<i32>} : memref<2x128x128xf32, #tpu.memory_space<vmem>>, vector<1x1x16xf32>,
          %get3A_1576 = arith.constant 1 : i32
          %get3A_1577 = arith.index_cast %get3A_1576 : i32 to index
          %get3A_1578 = arith.index_cast %add3A_1513 : i32 to index
          %get3A_1579 = arith.constant 64 : index
          %get3A_1580 = tpu.vector_load %arg10[%get3A_1577, %get3A_1578, %get3A_1579] {strides = array<i32>} : memref<2x128x128xf32, #tpu.memory_space<vmem>>, vector<1x1x16xf32>,
          %get3A_1581 = vector.shape_cast %get3A_1580 : vector<1x1x16xf32> to vector<16xf32>
          %mul3A_1582 = vector.broadcast %squeeze3A_1515 : f32 to vector<16xf32>
          %mul3A_1583 = arith.mulf %get3A_1581, %mul3A_1582 : vector<16xf32>
          %swap3A_1584 = arith.constant 1 : i32
          %swap3A_1585 = arith.index_cast %swap3A_1584 : i32 to index
          %swap3A_1586 = arith.index_cast %add3A_1513 : i32 to index
          %swap3A_1587 = arith.constant 64 : index
          %swap3A_1588 = tpu.vector_load %arg10[%swap3A_1585, %swap3A_1586, %swap3A_1587] {strides = array<i32>} : memref<2x128x128xf32, #tpu.memory_space<vmem>>, vector<1x1x16xf32>,
          %swap3A_1589 = vector.shape_cast %swap3A_1588 : vector<1x1x16xf32> to vector<16xf32>
          %swap3A_1590 = vector.shape_cast %mul3A_1583 : vector<16xf32> to vector<1x1x16xf32>
          tpu.vector_store %arg10[%swap3A_1585, %swap3A_1586, %swap3A_1587], %swap3A_1590 {strides = array<i32>} : memref<2x128x128xf32, #tpu.memory_space<vmem>>, vector<1x1x16xf32>,
          %get3A_1591 = arith.constant 1 : i32
          %get3A_1592 = arith.index_cast %get3A_1591 : i32 to index
          %get3A_1593 = arith.index_cast %add3A_1513 : i32 to index
          %get3A_1594 = arith.constant 80 : index
          %get3A_1595 = tpu.vector_load %arg10[%get3A_1592, %get3A_1593, %get3A_1594] {strides = array<i32>} : memref<2x128x128xf32, #tpu.memory_space<vmem>>, vector<1x1x16xf32>,
          %get3A_1596 = vector.shape_cast %get3A_1595 : vector<1x1x16xf32> to vector<16xf32>
          %mul3A_1597 = vector.broadcast %squeeze3A_1515 : f32 to vector<16xf32>
          %mul3A_1598 = arith.mulf %get3A_1596, %mul3A_1597 : vector<16xf32>
          %swap3A_1599 = arith.constant 1 : i32
          %swap3A_1600 = arith.index_cast %swap3A_1599 : i32 to index
          %swap3A_1601 = arith.index_cast %add3A_1513 : i32 to index
          %swap3A_1602 = arith.constant 80 : index
          %swap3A_1603 = tpu.vector_load %arg10[%swap3A_1600, %swap3A_1601, %swap3A_1602] {strides = array<i32>} : memref<2x128x128xf32, #tpu.memory_space<vmem>>, vector<1x1x16xf32>,
          %swap3A_1604 = vector.shape_cast %swap3A_1603 : vector<1x1x16xf32> to vector<16xf32>
          %swap3A_1605 = vector.shape_cast %mul3A_1598 : vector<16xf32> to vector<1x1x16xf32>
          tpu.vector_store %arg10[%swap3A_1600, %swap3A_1601, %swap3A_1602], %swap3A_1605 {strides = array<i32>} : memref<2x128x128xf32, #tpu.memory_space<vmem>>, vector<1x1x16xf32>,
          %get3A_1606 = arith.constant 1 : i32
          %get3A_1607 = arith.index_cast %get3A_1606 : i32 to index
          %get3A_1608 = arith.index_cast %add3A_1513 : i32 to index
          %get3A_1609 = arith.constant 96 : index
          %get3A_1610 = tpu.vector_load %arg10[%get3A_1607, %get3A_1608, %get3A_1609] {strides = array<i32>} : memref<2x128x128xf32, #tpu.memory_space<vmem>>, vector<1x1x16xf32>,
          %get3A_1611 = vector.shape_cast %get3A_1610 : vector<1x1x16xf32> to vector<16xf32>
          %mul3A_1612 = vector.broadcast %squeeze3A_1515 : f32 to vector<16xf32>
          %mul3A_1613 = arith.mulf %get3A_1611, %mul3A_1612 : vector<16xf32>
          %swap3A_1614 = arith.constant 1 : i32
          %swap3A_1615 = arith.index_cast %swap3A_1614 : i32 to index
          %swap3A_1616 = arith.index_cast %add3A_1513 : i32 to index
          %swap3A_1617 = arith.constant 96 : index
          %swap3A_1618 = tpu.vector_load %arg10[%swap3A_1615, %swap3A_1616, %swap3A_1617] {strides = array<i32>} : memref<2x128x128xf32, #tpu.memory_space<vmem>>, vector<1x1x16xf32>,
          %swap3A_1619 = vector.shape_cast %swap3A_1618 : vector<1x1x16xf32> to vector<16xf32>
          %swap3A_1620 = vector.shape_cast %mul3A_1613 : vector<16xf32> to vector<1x1x16xf32>
          tpu.vector_store %arg10[%swap3A_1615, %swap3A_1616, %swap3A_1617], %swap3A_1620 {strides = array<i32>} : memref<2x128x128xf32, #tpu.memory_space<vmem>>, vector<1x1x16xf32>,
          %get3A_1621 = arith.constant 1 : i32
          %get3A_1622 = arith.index_cast %get3A_1621 : i32 to index
          %get3A_1623 = arith.index_cast %add3A_1513 : i32 to index
          %get3A_1624 = arith.constant 112 : index
          %get3A_1625 = tpu.vector_load %arg10[%get3A_1622, %get3A_1623, %get3A_1624] {strides = array<i32>} : memref<2x128x128xf32, #tpu.memory_space<vmem>>, vector<1x1x16xf32>,
          %get3A_1626 = vector.shape_cast %get3A_1625 : vector<1x1x16xf32> to vector<16xf32>
          %mul3A_1627 = vector.broadcast %squeeze3A_1515 : f32 to vector<16xf32>
          %mul3A_1628 = arith.mulf %get3A_1626, %mul3A_1627 : vector<16xf32>
          %swap3A_1629 = arith.constant 1 : i32
          %swap3A_1630 = arith.index_cast %swap3A_1629 : i32 to index
          %swap3A_1631 = arith.index_cast %add3A_1513 : i32 to index
          %swap3A_1632 = arith.constant 112 : index
          %swap3A_1633 = tpu.vector_load %arg10[%swap3A_1630, %swap3A_1631, %swap3A_1632] {strides = array<i32>} : memref<2x128x128xf32, #tpu.memory_space<vmem>>, vector<1x1x16xf32>,
          %swap3A_1634 = vector.shape_cast %swap3A_1633 : vector<1x1x16xf32> to vector<16xf32>
          %swap3A_1635 = vector.shape_cast %mul3A_1628 : vector<16xf32> to vector<1x1x16xf32>
          tpu.vector_store %arg10[%swap3A_1630, %swap3A_1631, %swap3A_1632], %swap3A_1635 {strides = array<i32>} : memref<2x128x128xf32, #tpu.memory_space<vmem>>, vector<1x1x16xf32>,
          %mul3A_1636 = arith.constant 16 : i32
          %mul3A_1637 = arith.muli %scan3A_120, %mul3A_1636 : i32
          %add3A_1638 = arith.constant 12 : i32
          %add3A_1639 = arith.addi %mul3A_1637, %add3A_1638 : i32
          %slice3A_1640 = vector.extract_strided_slice %get3A_126 {offsets = [12], sizes = [1], strides = [1]} : vector<16xf32> to vector<1xf32>
          %squeeze3A_1641 = vector.extract %slice3A_1640[0] : f32 from vector<1xf32>
          %get3A_1642 = arith.constant 1 : i32
          %get3A_1643 = arith.index_cast %get3A_1642 : i32 to index
          %get3A_1644 = arith.index_cast %add3A_1639 : i32 to index
          %get3A_1645 = arith.constant 0 : index
          %get3A_1646 = tpu.vector_load %arg10[%get3A_1643, %get3A_1644, %get3A_1645] {strides = array<i32>} : memref<2x128x128xf32, #tpu.memory_space<vmem>>, vector<1x1x16xf32>,
          %get3A_1647 = vector.shape_cast %get3A_1646 : vector<1x1x16xf32> to vector<16xf32>
          %mul3A_1648 = vector.broadcast %squeeze3A_1641 : f32 to vector<16xf32>
          %mul3A_1649 = arith.mulf %get3A_1647, %mul3A_1648 : vector<16xf32>
          %swap3A_1650 = arith.constant 1 : i32
          %swap3A_1651 = arith.index_cast %swap3A_1650 : i32 to index
          %swap3A_1652 = arith.index_cast %add3A_1639 : i32 to index
          %swap3A_1653 = arith.constant 0 : index
          %swap3A_1654 = tpu.vector_load %arg10[%swap3A_1651, %swap3A_1652, %swap3A_1653] {strides = array<i32>} : memref<2x128x128xf32, #tpu.memory_space<vmem>>, vector<1x1x16xf32>,
          %swap3A_1655 = vector.shape_cast %swap3A_1654 : vector<1x1x16xf32> to vector<16xf32>
          %swap3A_1656 = vector.shape_cast %mul3A_1649 : vector<16xf32> to vector<1x1x16xf32>
          tpu.vector_store %arg10[%swap3A_1651, %swap3A_1652, %swap3A_1653], %swap3A_1656 {strides = array<i32>} : memref<2x128x128xf32, #tpu.memory_space<vmem>>, vector<1x1x16xf32>,
          %get3A_1657 = arith.constant 1 : i32
          %get3A_1658 = arith.index_cast %get3A_1657 : i32 to index
          %get3A_1659 = arith.index_cast %add3A_1639 : i32 to index
          %get3A_1660 = arith.constant 16 : index
          %get3A_1661 = tpu.vector_load %arg10[%get3A_1658, %get3A_1659, %get3A_1660] {strides = array<i32>} : memref<2x128x128xf32, #tpu.memory_space<vmem>>, vector<1x1x16xf32>,
          %get3A_1662 = vector.shape_cast %get3A_1661 : vector<1x1x16xf32> to vector<16xf32>
          %mul3A_1663 = vector.broadcast %squeeze3A_1641 : f32 to vector<16xf32>
          %mul3A_1664 = arith.mulf %get3A_1662, %mul3A_1663 : vector<16xf32>
          %swap3A_1665 = arith.constant 1 : i32
          %swap3A_1666 = arith.index_cast %swap3A_1665 : i32 to index
          %swap3A_1667 = arith.index_cast %add3A_1639 : i32 to index
          %swap3A_1668 = arith.constant 16 : index
          %swap3A_1669 = tpu.vector_load %arg10[%swap3A_1666, %swap3A_1667, %swap3A_1668] {strides = array<i32>} : memref<2x128x128xf32, #tpu.memory_space<vmem>>, vector<1x1x16xf32>,
          %swap3A_1670 = vector.shape_cast %swap3A_1669 : vector<1x1x16xf32> to vector<16xf32>
          %swap3A_1671 = vector.shape_cast %mul3A_1664 : vector<16xf32> to vector<1x1x16xf32>
          tpu.vector_store %arg10[%swap3A_1666, %swap3A_1667, %swap3A_1668], %swap3A_1671 {strides = array<i32>} : memref<2x128x128xf32, #tpu.memory_space<vmem>>, vector<1x1x16xf32>,
          %get3A_1672 = arith.constant 1 : i32
          %get3A_1673 = arith.index_cast %get3A_1672 : i32 to index
          %get3A_1674 = arith.index_cast %add3A_1639 : i32 to index
          %get3A_1675 = arith.constant 32 : index
          %get3A_1676 = tpu.vector_load %arg10[%get3A_1673, %get3A_1674, %get3A_1675] {strides = array<i32>} : memref<2x128x128xf32, #tpu.memory_space<vmem>>, vector<1x1x16xf32>,
          %get3A_1677 = vector.shape_cast %get3A_1676 : vector<1x1x16xf32> to vector<16xf32>
          %mul3A_1678 = vector.broadcast %squeeze3A_1641 : f32 to vector<16xf32>
          %mul3A_1679 = arith.mulf %get3A_1677, %mul3A_1678 : vector<16xf32>
          %swap3A_1680 = arith.constant 1 : i32
          %swap3A_1681 = arith.index_cast %swap3A_1680 : i32 to index
          %swap3A_1682 = arith.index_cast %add3A_1639 : i32 to index
          %swap3A_1683 = arith.constant 32 : index
          %swap3A_1684 = tpu.vector_load %arg10[%swap3A_1681, %swap3A_1682, %swap3A_1683] {strides = array<i32>} : memref<2x128x128xf32, #tpu.memory_space<vmem>>, vector<1x1x16xf32>,
          %swap3A_1685 = vector.shape_cast %swap3A_1684 : vector<1x1x16xf32> to vector<16xf32>
          %swap3A_1686 = vector.shape_cast %mul3A_1679 : vector<16xf32> to vector<1x1x16xf32>
          tpu.vector_store %arg10[%swap3A_1681, %swap3A_1682, %swap3A_1683], %swap3A_1686 {strides = array<i32>} : memref<2x128x128xf32, #tpu.memory_space<vmem>>, vector<1x1x16xf32>,
          %get3A_1687 = arith.constant 1 : i32
          %get3A_1688 = arith.index_cast %get3A_1687 : i32 to index
          %get3A_1689 = arith.index_cast %add3A_1639 : i32 to index
          %get3A_1690 = arith.constant 48 : index
          %get3A_1691 = tpu.vector_load %arg10[%get3A_1688, %get3A_1689, %get3A_1690] {strides = array<i32>} : memref<2x128x128xf32, #tpu.memory_space<vmem>>, vector<1x1x16xf32>,
          %get3A_1692 = vector.shape_cast %get3A_1691 : vector<1x1x16xf32> to vector<16xf32>
          %mul3A_1693 = vector.broadcast %squeeze3A_1641 : f32 to vector<16xf32>
          %mul3A_1694 = arith.mulf %get3A_1692, %mul3A_1693 : vector<16xf32>
          %swap3A_1695 = arith.constant 1 : i32
          %swap3A_1696 = arith.index_cast %swap3A_1695 : i32 to index
          %swap3A_1697 = arith.index_cast %add3A_1639 : i32 to index
          %swap3A_1698 = arith.constant 48 : index
          %swap3A_1699 = tpu.vector_load %arg10[%swap3A_1696, %swap3A_1697, %swap3A_1698] {strides = array<i32>} : memref<2x128x128xf32, #tpu.memory_space<vmem>>, vector<1x1x16xf32>,
          %swap3A_1700 = vector.shape_cast %swap3A_1699 : vector<1x1x16xf32> to vector<16xf32>
          %swap3A_1701 = vector.shape_cast %mul3A_1694 : vector<16xf32> to vector<1x1x16xf32>
          tpu.vector_store %arg10[%swap3A_1696, %swap3A_1697, %swap3A_1698], %swap3A_1701 {strides = array<i32>} : memref<2x128x128xf32, #tpu.memory_space<vmem>>, vector<1x1x16xf32>,
          %get3A_1702 = arith.constant 1 : i32
          %get3A_1703 = arith.index_cast %get3A_1702 : i32 to index
          %get3A_1704 = arith.index_cast %add3A_1639 : i32 to index
          %get3A_1705 = arith.constant 64 : index
          %get3A_1706 = tpu.vector_load %arg10[%get3A_1703, %get3A_1704, %get3A_1705] {strides = array<i32>} : memref<2x128x128xf32, #tpu.memory_space<vmem>>, vector<1x1x16xf32>,
          %get3A_1707 = vector.shape_cast %get3A_1706 : vector<1x1x16xf32> to vector<16xf32>
          %mul3A_1708 = vector.broadcast %squeeze3A_1641 : f32 to vector<16xf32>
          %mul3A_1709 = arith.mulf %get3A_1707, %mul3A_1708 : vector<16xf32>
          %swap3A_1710 = arith.constant 1 : i32
          %swap3A_1711 = arith.index_cast %swap3A_1710 : i32 to index
          %swap3A_1712 = arith.index_cast %add3A_1639 : i32 to index
          %swap3A_1713 = arith.constant 64 : index
          %swap3A_1714 = tpu.vector_load %arg10[%swap3A_1711, %swap3A_1712, %swap3A_1713] {strides = array<i32>} : memref<2x128x128xf32, #tpu.memory_space<vmem>>, vector<1x1x16xf32>,
          %swap3A_1715 = vector.shape_cast %swap3A_1714 : vector<1x1x16xf32> to vector<16xf32>
          %swap3A_1716 = vector.shape_cast %mul3A_1709 : vector<16xf32> to vector<1x1x16xf32>
          tpu.vector_store %arg10[%swap3A_1711, %swap3A_1712, %swap3A_1713], %swap3A_1716 {strides = array<i32>} : memref<2x128x128xf32, #tpu.memory_space<vmem>>, vector<1x1x16xf32>,
          %get3A_1717 = arith.constant 1 : i32
          %get3A_1718 = arith.index_cast %get3A_1717 : i32 to index
          %get3A_1719 = arith.index_cast %add3A_1639 : i32 to index
          %get3A_1720 = arith.constant 80 : index
          %get3A_1721 = tpu.vector_load %arg10[%get3A_1718, %get3A_1719, %get3A_1720] {strides = array<i32>} : memref<2x128x128xf32, #tpu.memory_space<vmem>>, vector<1x1x16xf32>,
          %get3A_1722 = vector.shape_cast %get3A_1721 : vector<1x1x16xf32> to vector<16xf32>
          %mul3A_1723 = vector.broadcast %squeeze3A_1641 : f32 to vector<16xf32>
          %mul3A_1724 = arith.mulf %get3A_1722, %mul3A_1723 : vector<16xf32>
          %swap3A_1725 = arith.constant 1 : i32
          %swap3A_1726 = arith.index_cast %swap3A_1725 : i32 to index
          %swap3A_1727 = arith.index_cast %add3A_1639 : i32 to index
          %swap3A_1728 = arith.constant 80 : index
          %swap3A_1729 = tpu.vector_load %arg10[%swap3A_1726, %swap3A_1727, %swap3A_1728] {strides = array<i32>} : memref<2x128x128xf32, #tpu.memory_space<vmem>>, vector<1x1x16xf32>,
          %swap3A_1730 = vector.shape_cast %swap3A_1729 : vector<1x1x16xf32> to vector<16xf32>
          %swap3A_1731 = vector.shape_cast %mul3A_1724 : vector<16xf32> to vector<1x1x16xf32>
          tpu.vector_store %arg10[%swap3A_1726, %swap3A_1727, %swap3A_1728], %swap3A_1731 {strides = array<i32>} : memref<2x128x128xf32, #tpu.memory_space<vmem>>, vector<1x1x16xf32>,
          %get3A_1732 = arith.constant 1 : i32
          %get3A_1733 = arith.index_cast %get3A_1732 : i32 to index
          %get3A_1734 = arith.index_cast %add3A_1639 : i32 to index
          %get3A_1735 = arith.constant 96 : index
          %get3A_1736 = tpu.vector_load %arg10[%get3A_1733, %get3A_1734, %get3A_1735] {strides = array<i32>} : memref<2x128x128xf32, #tpu.memory_space<vmem>>, vector<1x1x16xf32>,
          %get3A_1737 = vector.shape_cast %get3A_1736 : vector<1x1x16xf32> to vector<16xf32>
          %mul3A_1738 = vector.broadcast %squeeze3A_1641 : f32 to vector<16xf32>
          %mul3A_1739 = arith.mulf %get3A_1737, %mul3A_1738 : vector<16xf32>
          %swap3A_1740 = arith.constant 1 : i32
          %swap3A_1741 = arith.index_cast %swap3A_1740 : i32 to index
          %swap3A_1742 = arith.index_cast %add3A_1639 : i32 to index
          %swap3A_1743 = arith.constant 96 : index
          %swap3A_1744 = tpu.vector_load %arg10[%swap3A_1741, %swap3A_1742, %swap3A_1743] {strides = array<i32>} : memref<2x128x128xf32, #tpu.memory_space<vmem>>, vector<1x1x16xf32>,
          %swap3A_1745 = vector.shape_cast %swap3A_1744 : vector<1x1x16xf32> to vector<16xf32>
          %swap3A_1746 = vector.shape_cast %mul3A_1739 : vector<16xf32> to vector<1x1x16xf32>
          tpu.vector_store %arg10[%swap3A_1741, %swap3A_1742, %swap3A_1743], %swap3A_1746 {strides = array<i32>} : memref<2x128x128xf32, #tpu.memory_space<vmem>>, vector<1x1x16xf32>,
          %get3A_1747 = arith.constant 1 : i32
          %get3A_1748 = arith.index_cast %get3A_1747 : i32 to index
          %get3A_1749 = arith.index_cast %add3A_1639 : i32 to index
          %get3A_1750 = arith.constant 112 : index
          %get3A_1751 = tpu.vector_load %arg10[%get3A_1748, %get3A_1749, %get3A_1750] {strides = array<i32>} : memref<2x128x128xf32, #tpu.memory_space<vmem>>, vector<1x1x16xf32>,
          %get3A_1752 = vector.shape_cast %get3A_1751 : vector<1x1x16xf32> to vector<16xf32>
          %mul3A_1753 = vector.broadcast %squeeze3A_1641 : f32 to vector<16xf32>
          %mul3A_1754 = arith.mulf %get3A_1752, %mul3A_1753 : vector<16xf32>
          %swap3A_1755 = arith.constant 1 : i32
          %swap3A_1756 = arith.index_cast %swap3A_1755 : i32 to index
          %swap3A_1757 = arith.index_cast %add3A_1639 : i32 to index
          %swap3A_1758 = arith.constant 112 : index
          %swap3A_1759 = tpu.vector_load %arg10[%swap3A_1756, %swap3A_1757, %swap3A_1758] {strides = array<i32>} : memref<2x128x128xf32, #tpu.memory_space<vmem>>, vector<1x1x16xf32>,
          %swap3A_1760 = vector.shape_cast %swap3A_1759 : vector<1x1x16xf32> to vector<16xf32>
          %swap3A_1761 = vector.shape_cast %mul3A_1754 : vector<16xf32> to vector<1x1x16xf32>
          tpu.vector_store %arg10[%swap3A_1756, %swap3A_1757, %swap3A_1758], %swap3A_1761 {strides = array<i32>} : memref<2x128x128xf32, #tpu.memory_space<vmem>>, vector<1x1x16xf32>,
          %mul3A_1762 = arith.constant 16 : i32
          %mul3A_1763 = arith.muli %scan3A_120, %mul3A_1762 : i32
          %add3A_1764 = arith.constant 13 : i32
          %add3A_1765 = arith.addi %mul3A_1763, %add3A_1764 : i32
          %slice3A_1766 = vector.extract_strided_slice %get3A_126 {offsets = [13], sizes = [1], strides = [1]} : vector<16xf32> to vector<1xf32>
          %squeeze3A_1767 = vector.extract %slice3A_1766[0] : f32 from vector<1xf32>
          %get3A_1768 = arith.constant 1 : i32
          %get3A_1769 = arith.index_cast %get3A_1768 : i32 to index
          %get3A_1770 = arith.index_cast %add3A_1765 : i32 to index
          %get3A_1771 = arith.constant 0 : index
          %get3A_1772 = tpu.vector_load %arg10[%get3A_1769, %get3A_1770, %get3A_1771] {strides = array<i32>} : memref<2x128x128xf32, #tpu.memory_space<vmem>>, vector<1x1x16xf32>,
          %get3A_1773 = vector.shape_cast %get3A_1772 : vector<1x1x16xf32> to vector<16xf32>
          %mul3A_1774 = vector.broadcast %squeeze3A_1767 : f32 to vector<16xf32>
          %mul3A_1775 = arith.mulf %get3A_1773, %mul3A_1774 : vector<16xf32>
          %swap3A_1776 = arith.constant 1 : i32
          %swap3A_1777 = arith.index_cast %swap3A_1776 : i32 to index
          %swap3A_1778 = arith.index_cast %add3A_1765 : i32 to index
          %swap3A_1779 = arith.constant 0 : index
          %swap3A_1780 = tpu.vector_load %arg10[%swap3A_1777, %swap3A_1778, %swap3A_1779] {strides = array<i32>} : memref<2x128x128xf32, #tpu.memory_space<vmem>>, vector<1x1x16xf32>,
          %swap3A_1781 = vector.shape_cast %swap3A_1780 : vector<1x1x16xf32> to vector<16xf32>
          %swap3A_1782 = vector.shape_cast %mul3A_1775 : vector<16xf32> to vector<1x1x16xf32>
          tpu.vector_store %arg10[%swap3A_1777, %swap3A_1778, %swap3A_1779], %swap3A_1782 {strides = array<i32>} : memref<2x128x128xf32, #tpu.memory_space<vmem>>, vector<1x1x16xf32>,
          %get3A_1783 = arith.constant 1 : i32
          %get3A_1784 = arith.index_cast %get3A_1783 : i32 to index
          %get3A_1785 = arith.index_cast %add3A_1765 : i32 to index
          %get3A_1786 = arith.constant 16 : index
          %get3A_1787 = tpu.vector_load %arg10[%get3A_1784, %get3A_1785, %get3A_1786] {strides = array<i32>} : memref<2x128x128xf32, #tpu.memory_space<vmem>>, vector<1x1x16xf32>,
          %get3A_1788 = vector.shape_cast %get3A_1787 : vector<1x1x16xf32> to vector<16xf32>
          %mul3A_1789 = vector.broadcast %squeeze3A_1767 : f32 to vector<16xf32>
          %mul3A_1790 = arith.mulf %get3A_1788, %mul3A_1789 : vector<16xf32>
          %swap3A_1791 = arith.constant 1 : i32
          %swap3A_1792 = arith.index_cast %swap3A_1791 : i32 to index
          %swap3A_1793 = arith.index_cast %add3A_1765 : i32 to index
          %swap3A_1794 = arith.constant 16 : index
          %swap3A_1795 = tpu.vector_load %arg10[%swap3A_1792, %swap3A_1793, %swap3A_1794] {strides = array<i32>} : memref<2x128x128xf32, #tpu.memory_space<vmem>>, vector<1x1x16xf32>,
          %swap3A_1796 = vector.shape_cast %swap3A_1795 : vector<1x1x16xf32> to vector<16xf32>
          %swap3A_1797 = vector.shape_cast %mul3A_1790 : vector<16xf32> to vector<1x1x16xf32>
          tpu.vector_store %arg10[%swap3A_1792, %swap3A_1793, %swap3A_1794], %swap3A_1797 {strides = array<i32>} : memref<2x128x128xf32, #tpu.memory_space<vmem>>, vector<1x1x16xf32>,
          %get3A_1798 = arith.constant 1 : i32
          %get3A_1799 = arith.index_cast %get3A_1798 : i32 to index
          %get3A_1800 = arith.index_cast %add3A_1765 : i32 to index
          %get3A_1801 = arith.constant 32 : index
          %get3A_1802 = tpu.vector_load %arg10[%get3A_1799, %get3A_1800, %get3A_1801] {strides = array<i32>} : memref<2x128x128xf32, #tpu.memory_space<vmem>>, vector<1x1x16xf32>,
          %get3A_1803 = vector.shape_cast %get3A_1802 : vector<1x1x16xf32> to vector<16xf32>
          %mul3A_1804 = vector.broadcast %squeeze3A_1767 : f32 to vector<16xf32>
          %mul3A_1805 = arith.mulf %get3A_1803, %mul3A_1804 : vector<16xf32>
          %swap3A_1806 = arith.constant 1 : i32
          %swap3A_1807 = arith.index_cast %swap3A_1806 : i32 to index
          %swap3A_1808 = arith.index_cast %add3A_1765 : i32 to index
          %swap3A_1809 = arith.constant 32 : index
          %swap3A_1810 = tpu.vector_load %arg10[%swap3A_1807, %swap3A_1808, %swap3A_1809] {strides = array<i32>} : memref<2x128x128xf32, #tpu.memory_space<vmem>>, vector<1x1x16xf32>,
          %swap3A_1811 = vector.shape_cast %swap3A_1810 : vector<1x1x16xf32> to vector<16xf32>
          %swap3A_1812 = vector.shape_cast %mul3A_1805 : vector<16xf32> to vector<1x1x16xf32>
          tpu.vector_store %arg10[%swap3A_1807, %swap3A_1808, %swap3A_1809], %swap3A_1812 {strides = array<i32>} : memref<2x128x128xf32, #tpu.memory_space<vmem>>, vector<1x1x16xf32>,
          %get3A_1813 = arith.constant 1 : i32
          %get3A_1814 = arith.index_cast %get3A_1813 : i32 to index
          %get3A_1815 = arith.index_cast %add3A_1765 : i32 to index
          %get3A_1816 = arith.constant 48 : index
          %get3A_1817 = tpu.vector_load %arg10[%get3A_1814, %get3A_1815, %get3A_1816] {strides = array<i32>} : memref<2x128x128xf32, #tpu.memory_space<vmem>>, vector<1x1x16xf32>,
          %get3A_1818 = vector.shape_cast %get3A_1817 : vector<1x1x16xf32> to vector<16xf32>
          %mul3A_1819 = vector.broadcast %squeeze3A_1767 : f32 to vector<16xf32>
          %mul3A_1820 = arith.mulf %get3A_1818, %mul3A_1819 : vector<16xf32>
          %swap3A_1821 = arith.constant 1 : i32
          %swap3A_1822 = arith.index_cast %swap3A_1821 : i32 to index
          %swap3A_1823 = arith.index_cast %add3A_1765 : i32 to index
          %swap3A_1824 = arith.constant 48 : index
          %swap3A_1825 = tpu.vector_load %arg10[%swap3A_1822, %swap3A_1823, %swap3A_1824] {strides = array<i32>} : memref<2x128x128xf32, #tpu.memory_space<vmem>>, vector<1x1x16xf32>,
          %swap3A_1826 = vector.shape_cast %swap3A_1825 : vector<1x1x16xf32> to vector<16xf32>
          %swap3A_1827 = vector.shape_cast %mul3A_1820 : vector<16xf32> to vector<1x1x16xf32>
          tpu.vector_store %arg10[%swap3A_1822, %swap3A_1823, %swap3A_1824], %swap3A_1827 {strides = array<i32>} : memref<2x128x128xf32, #tpu.memory_space<vmem>>, vector<1x1x16xf32>,
          %get3A_1828 = arith.constant 1 : i32
          %get3A_1829 = arith.index_cast %get3A_1828 : i32 to index
          %get3A_1830 = arith.index_cast %add3A_1765 : i32 to index
          %get3A_1831 = arith.constant 64 : index
          %get3A_1832 = tpu.vector_load %arg10[%get3A_1829, %get3A_1830, %get3A_1831] {strides = array<i32>} : memref<2x128x128xf32, #tpu.memory_space<vmem>>, vector<1x1x16xf32>,
          %get3A_1833 = vector.shape_cast %get3A_1832 : vector<1x1x16xf32> to vector<16xf32>
          %mul3A_1834 = vector.broadcast %squeeze3A_1767 : f32 to vector<16xf32>
          %mul3A_1835 = arith.mulf %get3A_1833, %mul3A_1834 : vector<16xf32>
          %swap3A_1836 = arith.constant 1 : i32
          %swap3A_1837 = arith.index_cast %swap3A_1836 : i32 to index
          %swap3A_1838 = arith.index_cast %add3A_1765 : i32 to index
          %swap3A_1839 = arith.constant 64 : index
          %swap3A_1840 = tpu.vector_load %arg10[%swap3A_1837, %swap3A_1838, %swap3A_1839] {strides = array<i32>} : memref<2x128x128xf32, #tpu.memory_space<vmem>>, vector<1x1x16xf32>,
          %swap3A_1841 = vector.shape_cast %swap3A_1840 : vector<1x1x16xf32> to vector<16xf32>
          %swap3A_1842 = vector.shape_cast %mul3A_1835 : vector<16xf32> to vector<1x1x16xf32>
          tpu.vector_store %arg10[%swap3A_1837, %swap3A_1838, %swap3A_1839], %swap3A_1842 {strides = array<i32>} : memref<2x128x128xf32, #tpu.memory_space<vmem>>, vector<1x1x16xf32>,
          %get3A_1843 = arith.constant 1 : i32
          %get3A_1844 = arith.index_cast %get3A_1843 : i32 to index
          %get3A_1845 = arith.index_cast %add3A_1765 : i32 to index
          %get3A_1846 = arith.constant 80 : index
          %get3A_1847 = tpu.vector_load %arg10[%get3A_1844, %get3A_1845, %get3A_1846] {strides = array<i32>} : memref<2x128x128xf32, #tpu.memory_space<vmem>>, vector<1x1x16xf32>,
          %get3A_1848 = vector.shape_cast %get3A_1847 : vector<1x1x16xf32> to vector<16xf32>
          %mul3A_1849 = vector.broadcast %squeeze3A_1767 : f32 to vector<16xf32>
          %mul3A_1850 = arith.mulf %get3A_1848, %mul3A_1849 : vector<16xf32>
          %swap3A_1851 = arith.constant 1 : i32
          %swap3A_1852 = arith.index_cast %swap3A_1851 : i32 to index
          %swap3A_1853 = arith.index_cast %add3A_1765 : i32 to index
          %swap3A_1854 = arith.constant 80 : index
          %swap3A_1855 = tpu.vector_load %arg10[%swap3A_1852, %swap3A_1853, %swap3A_1854] {strides = array<i32>} : memref<2x128x128xf32, #tpu.memory_space<vmem>>, vector<1x1x16xf32>,
          %swap3A_1856 = vector.shape_cast %swap3A_1855 : vector<1x1x16xf32> to vector<16xf32>
          %swap3A_1857 = vector.shape_cast %mul3A_1850 : vector<16xf32> to vector<1x1x16xf32>
          tpu.vector_store %arg10[%swap3A_1852, %swap3A_1853, %swap3A_1854], %swap3A_1857 {strides = array<i32>} : memref<2x128x128xf32, #tpu.memory_space<vmem>>, vector<1x1x16xf32>,
          %get3A_1858 = arith.constant 1 : i32
          %get3A_1859 = arith.index_cast %get3A_1858 : i32 to index
          %get3A_1860 = arith.index_cast %add3A_1765 : i32 to index
          %get3A_1861 = arith.constant 96 : index
          %get3A_1862 = tpu.vector_load %arg10[%get3A_1859, %get3A_1860, %get3A_1861] {strides = array<i32>} : memref<2x128x128xf32, #tpu.memory_space<vmem>>, vector<1x1x16xf32>,
          %get3A_1863 = vector.shape_cast %get3A_1862 : vector<1x1x16xf32> to vector<16xf32>
          %mul3A_1864 = vector.broadcast %squeeze3A_1767 : f32 to vector<16xf32>
          %mul3A_1865 = arith.mulf %get3A_1863, %mul3A_1864 : vector<16xf32>
          %swap3A_1866 = arith.constant 1 : i32
          %swap3A_1867 = arith.index_cast %swap3A_1866 : i32 to index
          %swap3A_1868 = arith.index_cast %add3A_1765 : i32 to index
          %swap3A_1869 = arith.constant 96 : index
          %swap3A_1870 = tpu.vector_load %arg10[%swap3A_1867, %swap3A_1868, %swap3A_1869] {strides = array<i32>} : memref<2x128x128xf32, #tpu.memory_space<vmem>>, vector<1x1x16xf32>,
          %swap3A_1871 = vector.shape_cast %swap3A_1870 : vector<1x1x16xf32> to vector<16xf32>
          %swap3A_1872 = vector.shape_cast %mul3A_1865 : vector<16xf32> to vector<1x1x16xf32>
          tpu.vector_store %arg10[%swap3A_1867, %swap3A_1868, %swap3A_1869], %swap3A_1872 {strides = array<i32>} : memref<2x128x128xf32, #tpu.memory_space<vmem>>, vector<1x1x16xf32>,
          %get3A_1873 = arith.constant 1 : i32
          %get3A_1874 = arith.index_cast %get3A_1873 : i32 to index
          %get3A_1875 = arith.index_cast %add3A_1765 : i32 to index
          %get3A_1876 = arith.constant 112 : index
          %get3A_1877 = tpu.vector_load %arg10[%get3A_1874, %get3A_1875, %get3A_1876] {strides = array<i32>} : memref<2x128x128xf32, #tpu.memory_space<vmem>>, vector<1x1x16xf32>,
          %get3A_1878 = vector.shape_cast %get3A_1877 : vector<1x1x16xf32> to vector<16xf32>
          %mul3A_1879 = vector.broadcast %squeeze3A_1767 : f32 to vector<16xf32>
          %mul3A_1880 = arith.mulf %get3A_1878, %mul3A_1879 : vector<16xf32>
          %swap3A_1881 = arith.constant 1 : i32
          %swap3A_1882 = arith.index_cast %swap3A_1881 : i32 to index
          %swap3A_1883 = arith.index_cast %add3A_1765 : i32 to index
          %swap3A_1884 = arith.constant 112 : index
          %swap3A_1885 = tpu.vector_load %arg10[%swap3A_1882, %swap3A_1883, %swap3A_1884] {strides = array<i32>} : memref<2x128x128xf32, #tpu.memory_space<vmem>>, vector<1x1x16xf32>,
          %swap3A_1886 = vector.shape_cast %swap3A_1885 : vector<1x1x16xf32> to vector<16xf32>
          %swap3A_1887 = vector.shape_cast %mul3A_1880 : vector<16xf32> to vector<1x1x16xf32>
          tpu.vector_store %arg10[%swap3A_1882, %swap3A_1883, %swap3A_1884], %swap3A_1887 {strides = array<i32>} : memref<2x128x128xf32, #tpu.memory_space<vmem>>, vector<1x1x16xf32>,
          %mul3A_1888 = arith.constant 16 : i32
          %mul3A_1889 = arith.muli %scan3A_120, %mul3A_1888 : i32
          %add3A_1890 = arith.constant 14 : i32
          %add3A_1891 = arith.addi %mul3A_1889, %add3A_1890 : i32
          %slice3A_1892 = vector.extract_strided_slice %get3A_126 {offsets = [14], sizes = [1], strides = [1]} : vector<16xf32> to vector<1xf32>
          %squeeze3A_1893 = vector.extract %slice3A_1892[0] : f32 from vector<1xf32>
          %get3A_1894 = arith.constant 1 : i32
          %get3A_1895 = arith.index_cast %get3A_1894 : i32 to index
          %get3A_1896 = arith.index_cast %add3A_1891 : i32 to index
          %get3A_1897 = arith.constant 0 : index
          %get3A_1898 = tpu.vector_load %arg10[%get3A_1895, %get3A_1896, %get3A_1897] {strides = array<i32>} : memref<2x128x128xf32, #tpu.memory_space<vmem>>, vector<1x1x16xf32>,
          %get3A_1899 = vector.shape_cast %get3A_1898 : vector<1x1x16xf32> to vector<16xf32>
          %mul3A_1900 = vector.broadcast %squeeze3A_1893 : f32 to vector<16xf32>
          %mul3A_1901 = arith.mulf %get3A_1899, %mul3A_1900 : vector<16xf32>
          %swap3A_1902 = arith.constant 1 : i32
          %swap3A_1903 = arith.index_cast %swap3A_1902 : i32 to index
          %swap3A_1904 = arith.index_cast %add3A_1891 : i32 to index
          %swap3A_1905 = arith.constant 0 : index
          %swap3A_1906 = tpu.vector_load %arg10[%swap3A_1903, %swap3A_1904, %swap3A_1905] {strides = array<i32>} : memref<2x128x128xf32, #tpu.memory_space<vmem>>, vector<1x1x16xf32>,
          %swap3A_1907 = vector.shape_cast %swap3A_1906 : vector<1x1x16xf32> to vector<16xf32>
          %swap3A_1908 = vector.shape_cast %mul3A_1901 : vector<16xf32> to vector<1x1x16xf32>
          tpu.vector_store %arg10[%swap3A_1903, %swap3A_1904, %swap3A_1905], %swap3A_1908 {strides = array<i32>} : memref<2x128x128xf32, #tpu.memory_space<vmem>>, vector<1x1x16xf32>,
          %get3A_1909 = arith.constant 1 : i32
          %get3A_1910 = arith.index_cast %get3A_1909 : i32 to index
          %get3A_1911 = arith.index_cast %add3A_1891 : i32 to index
          %get3A_1912 = arith.constant 16 : index
          %get3A_1913 = tpu.vector_load %arg10[%get3A_1910, %get3A_1911, %get3A_1912] {strides = array<i32>} : memref<2x128x128xf32, #tpu.memory_space<vmem>>, vector<1x1x16xf32>,
          %get3A_1914 = vector.shape_cast %get3A_1913 : vector<1x1x16xf32> to vector<16xf32>
          %mul3A_1915 = vector.broadcast %squeeze3A_1893 : f32 to vector<16xf32>
          %mul3A_1916 = arith.mulf %get3A_1914, %mul3A_1915 : vector<16xf32>
          %swap3A_1917 = arith.constant 1 : i32
          %swap3A_1918 = arith.index_cast %swap3A_1917 : i32 to index
          %swap3A_1919 = arith.index_cast %add3A_1891 : i32 to index
          %swap3A_1920 = arith.constant 16 : index
          %swap3A_1921 = tpu.vector_load %arg10[%swap3A_1918, %swap3A_1919, %swap3A_1920] {strides = array<i32>} : memref<2x128x128xf32, #tpu.memory_space<vmem>>, vector<1x1x16xf32>,
          %swap3A_1922 = vector.shape_cast %swap3A_1921 : vector<1x1x16xf32> to vector<16xf32>
          %swap3A_1923 = vector.shape_cast %mul3A_1916 : vector<16xf32> to vector<1x1x16xf32>
          tpu.vector_store %arg10[%swap3A_1918, %swap3A_1919, %swap3A_1920], %swap3A_1923 {strides = array<i32>} : memref<2x128x128xf32, #tpu.memory_space<vmem>>, vector<1x1x16xf32>,
          %get3A_1924 = arith.constant 1 : i32
          %get3A_1925 = arith.index_cast %get3A_1924 : i32 to index
          %get3A_1926 = arith.index_cast %add3A_1891 : i32 to index
          %get3A_1927 = arith.constant 32 : index
          %get3A_1928 = tpu.vector_load %arg10[%get3A_1925, %get3A_1926, %get3A_1927] {strides = array<i32>} : memref<2x128x128xf32, #tpu.memory_space<vmem>>, vector<1x1x16xf32>,
          %get3A_1929 = vector.shape_cast %get3A_1928 : vector<1x1x16xf32> to vector<16xf32>
          %mul3A_1930 = vector.broadcast %squeeze3A_1893 : f32 to vector<16xf32>
          %mul3A_1931 = arith.mulf %get3A_1929, %mul3A_1930 : vector<16xf32>
          %swap3A_1932 = arith.constant 1 : i32
          %swap3A_1933 = arith.index_cast %swap3A_1932 : i32 to index
          %swap3A_1934 = arith.index_cast %add3A_1891 : i32 to index
          %swap3A_1935 = arith.constant 32 : index
          %swap3A_1936 = tpu.vector_load %arg10[%swap3A_1933, %swap3A_1934, %swap3A_1935] {strides = array<i32>} : memref<2x128x128xf32, #tpu.memory_space<vmem>>, vector<1x1x16xf32>,
          %swap3A_1937 = vector.shape_cast %swap3A_1936 : vector<1x1x16xf32> to vector<16xf32>
          %swap3A_1938 = vector.shape_cast %mul3A_1931 : vector<16xf32> to vector<1x1x16xf32>
          tpu.vector_store %arg10[%swap3A_1933, %swap3A_1934, %swap3A_1935], %swap3A_1938 {strides = array<i32>} : memref<2x128x128xf32, #tpu.memory_space<vmem>>, vector<1x1x16xf32>,
          %get3A_1939 = arith.constant 1 : i32
          %get3A_1940 = arith.index_cast %get3A_1939 : i32 to index
          %get3A_1941 = arith.index_cast %add3A_1891 : i32 to index
          %get3A_1942 = arith.constant 48 : index
          %get3A_1943 = tpu.vector_load %arg10[%get3A_1940, %get3A_1941, %get3A_1942] {strides = array<i32>} : memref<2x128x128xf32, #tpu.memory_space<vmem>>, vector<1x1x16xf32>,
          %get3A_1944 = vector.shape_cast %get3A_1943 : vector<1x1x16xf32> to vector<16xf32>
          %mul3A_1945 = vector.broadcast %squeeze3A_1893 : f32 to vector<16xf32>
          %mul3A_1946 = arith.mulf %get3A_1944, %mul3A_1945 : vector<16xf32>
          %swap3A_1947 = arith.constant 1 : i32
          %swap3A_1948 = arith.index_cast %swap3A_1947 : i32 to index
          %swap3A_1949 = arith.index_cast %add3A_1891 : i32 to index
          %swap3A_1950 = arith.constant 48 : index
          %swap3A_1951 = tpu.vector_load %arg10[%swap3A_1948, %swap3A_1949, %swap3A_1950] {strides = array<i32>} : memref<2x128x128xf32, #tpu.memory_space<vmem>>, vector<1x1x16xf32>,
          %swap3A_1952 = vector.shape_cast %swap3A_1951 : vector<1x1x16xf32> to vector<16xf32>
          %swap3A_1953 = vector.shape_cast %mul3A_1946 : vector<16xf32> to vector<1x1x16xf32>
          tpu.vector_store %arg10[%swap3A_1948, %swap3A_1949, %swap3A_1950], %swap3A_1953 {strides = array<i32>} : memref<2x128x128xf32, #tpu.memory_space<vmem>>, vector<1x1x16xf32>,
          %get3A_1954 = arith.constant 1 : i32
          %get3A_1955 = arith.index_cast %get3A_1954 : i32 to index
          %get3A_1956 = arith.index_cast %add3A_1891 : i32 to index
          %get3A_1957 = arith.constant 64 : index
          %get3A_1958 = tpu.vector_load %arg10[%get3A_1955, %get3A_1956, %get3A_1957] {strides = array<i32>} : memref<2x128x128xf32, #tpu.memory_space<vmem>>, vector<1x1x16xf32>,
          %get3A_1959 = vector.shape_cast %get3A_1958 : vector<1x1x16xf32> to vector<16xf32>
          %mul3A_1960 = vector.broadcast %squeeze3A_1893 : f32 to vector<16xf32>
          %mul3A_1961 = arith.mulf %get3A_1959, %mul3A_1960 : vector<16xf32>
          %swap3A_1962 = arith.constant 1 : i32
          %swap3A_1963 = arith.index_cast %swap3A_1962 : i32 to index
          %swap3A_1964 = arith.index_cast %add3A_1891 : i32 to index
          %swap3A_1965 = arith.constant 64 : index
          %swap3A_1966 = tpu.vector_load %arg10[%swap3A_1963, %swap3A_1964, %swap3A_1965] {strides = array<i32>} : memref<2x128x128xf32, #tpu.memory_space<vmem>>, vector<1x1x16xf32>,
          %swap3A_1967 = vector.shape_cast %swap3A_1966 : vector<1x1x16xf32> to vector<16xf32>
          %swap3A_1968 = vector.shape_cast %mul3A_1961 : vector<16xf32> to vector<1x1x16xf32>
          tpu.vector_store %arg10[%swap3A_1963, %swap3A_1964, %swap3A_1965], %swap3A_1968 {strides = array<i32>} : memref<2x128x128xf32, #tpu.memory_space<vmem>>, vector<1x1x16xf32>,
          %get3A_1969 = arith.constant 1 : i32
          %get3A_1970 = arith.index_cast %get3A_1969 : i32 to index
          %get3A_1971 = arith.index_cast %add3A_1891 : i32 to index
          %get3A_1972 = arith.constant 80 : index
          %get3A_1973 = tpu.vector_load %arg10[%get3A_1970, %get3A_1971, %get3A_1972] {strides = array<i32>} : memref<2x128x128xf32, #tpu.memory_space<vmem>>, vector<1x1x16xf32>,
          %get3A_1974 = vector.shape_cast %get3A_1973 : vector<1x1x16xf32> to vector<16xf32>
          %mul3A_1975 = vector.broadcast %squeeze3A_1893 : f32 to vector<16xf32>
          %mul3A_1976 = arith.mulf %get3A_1974, %mul3A_1975 : vector<16xf32>
          %swap3A_1977 = arith.constant 1 : i32
          %swap3A_1978 = arith.index_cast %swap3A_1977 : i32 to index
          %swap3A_1979 = arith.index_cast %add3A_1891 : i32 to index
          %swap3A_1980 = arith.constant 80 : index
          %swap3A_1981 = tpu.vector_load %arg10[%swap3A_1978, %swap3A_1979, %swap3A_1980] {strides = array<i32>} : memref<2x128x128xf32, #tpu.memory_space<vmem>>, vector<1x1x16xf32>,
          %swap3A_1982 = vector.shape_cast %swap3A_1981 : vector<1x1x16xf32> to vector<16xf32>
          %swap3A_1983 = vector.shape_cast %mul3A_1976 : vector<16xf32> to vector<1x1x16xf32>
          tpu.vector_store %arg10[%swap3A_1978, %swap3A_1979, %swap3A_1980], %swap3A_1983 {strides = array<i32>} : memref<2x128x128xf32, #tpu.memory_space<vmem>>, vector<1x1x16xf32>,
          %get3A_1984 = arith.constant 1 : i32
          %get3A_1985 = arith.index_cast %get3A_1984 : i32 to index
          %get3A_1986 = arith.index_cast %add3A_1891 : i32 to index
          %get3A_1987 = arith.constant 96 : index
          %get3A_1988 = tpu.vector_load %arg10[%get3A_1985, %get3A_1986, %get3A_1987] {strides = array<i32>} : memref<2x128x128xf32, #tpu.memory_space<vmem>>, vector<1x1x16xf32>,
          %get3A_1989 = vector.shape_cast %get3A_1988 : vector<1x1x16xf32> to vector<16xf32>
          %mul3A_1990 = vector.broadcast %squeeze3A_1893 : f32 to vector<16xf32>
          %mul3A_1991 = arith.mulf %get3A_1989, %mul3A_1990 : vector<16xf32>
          %swap3A_1992 = arith.constant 1 : i32
          %swap3A_1993 = arith.index_cast %swap3A_1992 : i32 to index
          %swap3A_1994 = arith.index_cast %add3A_1891 : i32 to index
          %swap3A_1995 = arith.constant 96 : index
          %swap3A_1996 = tpu.vector_load %arg10[%swap3A_1993, %swap3A_1994, %swap3A_1995] {strides = array<i32>} : memref<2x128x128xf32, #tpu.memory_space<vmem>>, vector<1x1x16xf32>,
          %swap3A_1997 = vector.shape_cast %swap3A_1996 : vector<1x1x16xf32> to vector<16xf32>
          %swap3A_1998 = vector.shape_cast %mul3A_1991 : vector<16xf32> to vector<1x1x16xf32>
          tpu.vector_store %arg10[%swap3A_1993, %swap3A_1994, %swap3A_1995], %swap3A_1998 {strides = array<i32>} : memref<2x128x128xf32, #tpu.memory_space<vmem>>, vector<1x1x16xf32>,
          %get3A_1999 = arith.constant 1 : i32
          %get3A_2000 = arith.index_cast %get3A_1999 : i32 to index
          %get3A_2001 = arith.index_cast %add3A_1891 : i32 to index
          %get3A_2002 = arith.constant 112 : index
          %get3A_2003 = tpu.vector_load %arg10[%get3A_2000, %get3A_2001, %get3A_2002] {strides = array<i32>} : memref<2x128x128xf32, #tpu.memory_space<vmem>>, vector<1x1x16xf32>,
          %get3A_2004 = vector.shape_cast %get3A_2003 : vector<1x1x16xf32> to vector<16xf32>
          %mul3A_2005 = vector.broadcast %squeeze3A_1893 : f32 to vector<16xf32>
          %mul3A_2006 = arith.mulf %get3A_2004, %mul3A_2005 : vector<16xf32>
          %swap3A_2007 = arith.constant 1 : i32
          %swap3A_2008 = arith.index_cast %swap3A_2007 : i32 to index
          %swap3A_2009 = arith.index_cast %add3A_1891 : i32 to index
          %swap3A_2010 = arith.constant 112 : index
          %swap3A_2011 = tpu.vector_load %arg10[%swap3A_2008, %swap3A_2009, %swap3A_2010] {strides = array<i32>} : memref<2x128x128xf32, #tpu.memory_space<vmem>>, vector<1x1x16xf32>,
          %swap3A_2012 = vector.shape_cast %swap3A_2011 : vector<1x1x16xf32> to vector<16xf32>
          %swap3A_2013 = vector.shape_cast %mul3A_2006 : vector<16xf32> to vector<1x1x16xf32>
          tpu.vector_store %arg10[%swap3A_2008, %swap3A_2009, %swap3A_2010], %swap3A_2013 {strides = array<i32>} : memref<2x128x128xf32, #tpu.memory_space<vmem>>, vector<1x1x16xf32>,
          %mul3A_2014 = arith.constant 16 : i32
          %mul3A_2015 = arith.muli %scan3A_120, %mul3A_2014 : i32
          %add3A_2016 = arith.constant 15 : i32
          %add3A_2017 = arith.addi %mul3A_2015, %add3A_2016 : i32
          %slice3A_2018 = vector.extract_strided_slice %get3A_126 {offsets = [15], sizes = [1], strides = [1]} : vector<16xf32> to vector<1xf32>
          %squeeze3A_2019 = vector.extract %slice3A_2018[0] : f32 from vector<1xf32>
          %get3A_2020 = arith.constant 1 : i32
          %get3A_2021 = arith.index_cast %get3A_2020 : i32 to index
          %get3A_2022 = arith.index_cast %add3A_2017 : i32 to index
          %get3A_2023 = arith.constant 0 : index
          %get3A_2024 = tpu.vector_load %arg10[%get3A_2021, %get3A_2022, %get3A_2023] {strides = array<i32>} : memref<2x128x128xf32, #tpu.memory_space<vmem>>, vector<1x1x16xf32>,
          %get3A_2025 = vector.shape_cast %get3A_2024 : vector<1x1x16xf32> to vector<16xf32>
          %mul3A_2026 = vector.broadcast %squeeze3A_2019 : f32 to vector<16xf32>
          %mul3A_2027 = arith.mulf %get3A_2025, %mul3A_2026 : vector<16xf32>
          %swap3A_2028 = arith.constant 1 : i32
          %swap3A_2029 = arith.index_cast %swap3A_2028 : i32 to index
          %swap3A_2030 = arith.index_cast %add3A_2017 : i32 to index
          %swap3A_2031 = arith.constant 0 : index
          %swap3A_2032 = tpu.vector_load %arg10[%swap3A_2029, %swap3A_2030, %swap3A_2031] {strides = array<i32>} : memref<2x128x128xf32, #tpu.memory_space<vmem>>, vector<1x1x16xf32>,
          %swap3A_2033 = vector.shape_cast %swap3A_2032 : vector<1x1x16xf32> to vector<16xf32>
          %swap3A_2034 = vector.shape_cast %mul3A_2027 : vector<16xf32> to vector<1x1x16xf32>
          tpu.vector_store %arg10[%swap3A_2029, %swap3A_2030, %swap3A_2031], %swap3A_2034 {strides = array<i32>} : memref<2x128x128xf32, #tpu.memory_space<vmem>>, vector<1x1x16xf32>,
          %get3A_2035 = arith.constant 1 : i32
          %get3A_2036 = arith.index_cast %get3A_2035 : i32 to index
          %get3A_2037 = arith.index_cast %add3A_2017 : i32 to index
          %get3A_2038 = arith.constant 16 : index
          %get3A_2039 = tpu.vector_load %arg10[%get3A_2036, %get3A_2037, %get3A_2038] {strides = array<i32>} : memref<2x128x128xf32, #tpu.memory_space<vmem>>, vector<1x1x16xf32>,
          %get3A_2040 = vector.shape_cast %get3A_2039 : vector<1x1x16xf32> to vector<16xf32>
          %mul3A_2041 = vector.broadcast %squeeze3A_2019 : f32 to vector<16xf32>
          %mul3A_2042 = arith.mulf %get3A_2040, %mul3A_2041 : vector<16xf32>
          %swap3A_2043 = arith.constant 1 : i32
          %swap3A_2044 = arith.index_cast %swap3A_2043 : i32 to index
          %swap3A_2045 = arith.index_cast %add3A_2017 : i32 to index
          %swap3A_2046 = arith.constant 16 : index
          %swap3A_2047 = tpu.vector_load %arg10[%swap3A_2044, %swap3A_2045, %swap3A_2046] {strides = array<i32>} : memref<2x128x128xf32, #tpu.memory_space<vmem>>, vector<1x1x16xf32>,
          %swap3A_2048 = vector.shape_cast %swap3A_2047 : vector<1x1x16xf32> to vector<16xf32>
          %swap3A_2049 = vector.shape_cast %mul3A_2042 : vector<16xf32> to vector<1x1x16xf32>
          tpu.vector_store %arg10[%swap3A_2044, %swap3A_2045, %swap3A_2046], %swap3A_2049 {strides = array<i32>} : memref<2x128x128xf32, #tpu.memory_space<vmem>>, vector<1x1x16xf32>,
          %get3A_2050 = arith.constant 1 : i32
          %get3A_2051 = arith.index_cast %get3A_2050 : i32 to index
          %get3A_2052 = arith.index_cast %add3A_2017 : i32 to index
          %get3A_2053 = arith.constant 32 : index
          %get3A_2054 = tpu.vector_load %arg10[%get3A_2051, %get3A_2052, %get3A_2053] {strides = array<i32>} : memref<2x128x128xf32, #tpu.memory_space<vmem>>, vector<1x1x16xf32>,
          %get3A_2055 = vector.shape_cast %get3A_2054 : vector<1x1x16xf32> to vector<16xf32>
          %mul3A_2056 = vector.broadcast %squeeze3A_2019 : f32 to vector<16xf32>
          %mul3A_2057 = arith.mulf %get3A_2055, %mul3A_2056 : vector<16xf32>
          %swap3A_2058 = arith.constant 1 : i32
          %swap3A_2059 = arith.index_cast %swap3A_2058 : i32 to index
          %swap3A_2060 = arith.index_cast %add3A_2017 : i32 to index
          %swap3A_2061 = arith.constant 32 : index
          %swap3A_2062 = tpu.vector_load %arg10[%swap3A_2059, %swap3A_2060, %swap3A_2061] {strides = array<i32>} : memref<2x128x128xf32, #tpu.memory_space<vmem>>, vector<1x1x16xf32>,
          %swap3A_2063 = vector.shape_cast %swap3A_2062 : vector<1x1x16xf32> to vector<16xf32>
          %swap3A_2064 = vector.shape_cast %mul3A_2057 : vector<16xf32> to vector<1x1x16xf32>
          tpu.vector_store %arg10[%swap3A_2059, %swap3A_2060, %swap3A_2061], %swap3A_2064 {strides = array<i32>} : memref<2x128x128xf32, #tpu.memory_space<vmem>>, vector<1x1x16xf32>,
          %get3A_2065 = arith.constant 1 : i32
          %get3A_2066 = arith.index_cast %get3A_2065 : i32 to index
          %get3A_2067 = arith.index_cast %add3A_2017 : i32 to index
          %get3A_2068 = arith.constant 48 : index
          %get3A_2069 = tpu.vector_load %arg10[%get3A_2066, %get3A_2067, %get3A_2068] {strides = array<i32>} : memref<2x128x128xf32, #tpu.memory_space<vmem>>, vector<1x1x16xf32>,
          %get3A_2070 = vector.shape_cast %get3A_2069 : vector<1x1x16xf32> to vector<16xf32>
          %mul3A_2071 = vector.broadcast %squeeze3A_2019 : f32 to vector<16xf32>
          %mul3A_2072 = arith.mulf %get3A_2070, %mul3A_2071 : vector<16xf32>
          %swap3A_2073 = arith.constant 1 : i32
          %swap3A_2074 = arith.index_cast %swap3A_2073 : i32 to index
          %swap3A_2075 = arith.index_cast %add3A_2017 : i32 to index
          %swap3A_2076 = arith.constant 48 : index
          %swap3A_2077 = tpu.vector_load %arg10[%swap3A_2074, %swap3A_2075, %swap3A_2076] {strides = array<i32>} : memref<2x128x128xf32, #tpu.memory_space<vmem>>, vector<1x1x16xf32>,
          %swap3A_2078 = vector.shape_cast %swap3A_2077 : vector<1x1x16xf32> to vector<16xf32>
          %swap3A_2079 = vector.shape_cast %mul3A_2072 : vector<16xf32> to vector<1x1x16xf32>
          tpu.vector_store %arg10[%swap3A_2074, %swap3A_2075, %swap3A_2076], %swap3A_2079 {strides = array<i32>} : memref<2x128x128xf32, #tpu.memory_space<vmem>>, vector<1x1x16xf32>,
          %get3A_2080 = arith.constant 1 : i32
          %get3A_2081 = arith.index_cast %get3A_2080 : i32 to index
          %get3A_2082 = arith.index_cast %add3A_2017 : i32 to index
          %get3A_2083 = arith.constant 64 : index
          %get3A_2084 = tpu.vector_load %arg10[%get3A_2081, %get3A_2082, %get3A_2083] {strides = array<i32>} : memref<2x128x128xf32, #tpu.memory_space<vmem>>, vector<1x1x16xf32>,
          %get3A_2085 = vector.shape_cast %get3A_2084 : vector<1x1x16xf32> to vector<16xf32>
          %mul3A_2086 = vector.broadcast %squeeze3A_2019 : f32 to vector<16xf32>
          %mul3A_2087 = arith.mulf %get3A_2085, %mul3A_2086 : vector<16xf32>
          %swap3A_2088 = arith.constant 1 : i32
          %swap3A_2089 = arith.index_cast %swap3A_2088 : i32 to index
          %swap3A_2090 = arith.index_cast %add3A_2017 : i32 to index
          %swap3A_2091 = arith.constant 64 : index
          %swap3A_2092 = tpu.vector_load %arg10[%swap3A_2089, %swap3A_2090, %swap3A_2091] {strides = array<i32>} : memref<2x128x128xf32, #tpu.memory_space<vmem>>, vector<1x1x16xf32>,
          %swap3A_2093 = vector.shape_cast %swap3A_2092 : vector<1x1x16xf32> to vector<16xf32>
          %swap3A_2094 = vector.shape_cast %mul3A_2087 : vector<16xf32> to vector<1x1x16xf32>
          tpu.vector_store %arg10[%swap3A_2089, %swap3A_2090, %swap3A_2091], %swap3A_2094 {strides = array<i32>} : memref<2x128x128xf32, #tpu.memory_space<vmem>>, vector<1x1x16xf32>,
          %get3A_2095 = arith.constant 1 : i32
          %get3A_2096 = arith.index_cast %get3A_2095 : i32 to index
          %get3A_2097 = arith.index_cast %add3A_2017 : i32 to index
          %get3A_2098 = arith.constant 80 : index
          %get3A_2099 = tpu.vector_load %arg10[%get3A_2096, %get3A_2097, %get3A_2098] {strides = array<i32>} : memref<2x128x128xf32, #tpu.memory_space<vmem>>, vector<1x1x16xf32>,
          %get3A_2100 = vector.shape_cast %get3A_2099 : vector<1x1x16xf32> to vector<16xf32>
          %mul3A_2101 = vector.broadcast %squeeze3A_2019 : f32 to vector<16xf32>
          %mul3A_2102 = arith.mulf %get3A_2100, %mul3A_2101 : vector<16xf32>
          %swap3A_2103 = arith.constant 1 : i32
          %swap3A_2104 = arith.index_cast %swap3A_2103 : i32 to index
          %swap3A_2105 = arith.index_cast %add3A_2017 : i32 to index
          %swap3A_2106 = arith.constant 80 : index
          %swap3A_2107 = tpu.vector_load %arg10[%swap3A_2104, %swap3A_2105, %swap3A_2106] {strides = array<i32>} : memref<2x128x128xf32, #tpu.memory_space<vmem>>, vector<1x1x16xf32>,
          %swap3A_2108 = vector.shape_cast %swap3A_2107 : vector<1x1x16xf32> to vector<16xf32>
          %swap3A_2109 = vector.shape_cast %mul3A_2102 : vector<16xf32> to vector<1x1x16xf32>
          tpu.vector_store %arg10[%swap3A_2104, %swap3A_2105, %swap3A_2106], %swap3A_2109 {strides = array<i32>} : memref<2x128x128xf32, #tpu.memory_space<vmem>>, vector<1x1x16xf32>,
          %get3A_2110 = arith.constant 1 : i32
          %get3A_2111 = arith.index_cast %get3A_2110 : i32 to index
          %get3A_2112 = arith.index_cast %add3A_2017 : i32 to index
          %get3A_2113 = arith.constant 96 : index
          %get3A_2114 = tpu.vector_load %arg10[%get3A_2111, %get3A_2112, %get3A_2113] {strides = array<i32>} : memref<2x128x128xf32, #tpu.memory_space<vmem>>, vector<1x1x16xf32>,
          %get3A_2115 = vector.shape_cast %get3A_2114 : vector<1x1x16xf32> to vector<16xf32>
          %mul3A_2116 = vector.broadcast %squeeze3A_2019 : f32 to vector<16xf32>
          %mul3A_2117 = arith.mulf %get3A_2115, %mul3A_2116 : vector<16xf32>
          %swap3A_2118 = arith.constant 1 : i32
          %swap3A_2119 = arith.index_cast %swap3A_2118 : i32 to index
          %swap3A_2120 = arith.index_cast %add3A_2017 : i32 to index
          %swap3A_2121 = arith.constant 96 : index
          %swap3A_2122 = tpu.vector_load %arg10[%swap3A_2119, %swap3A_2120, %swap3A_2121] {strides = array<i32>} : memref<2x128x128xf32, #tpu.memory_space<vmem>>, vector<1x1x16xf32>,
          %swap3A_2123 = vector.shape_cast %swap3A_2122 : vector<1x1x16xf32> to vector<16xf32>
          %swap3A_2124 = vector.shape_cast %mul3A_2117 : vector<16xf32> to vector<1x1x16xf32>
          tpu.vector_store %arg10[%swap3A_2119, %swap3A_2120, %swap3A_2121], %swap3A_2124 {strides = array<i32>} : memref<2x128x128xf32, #tpu.memory_space<vmem>>, vector<1x1x16xf32>,
          %get3A_2125 = arith.constant 1 : i32
          %get3A_2126 = arith.index_cast %get3A_2125 : i32 to index
          %get3A_2127 = arith.index_cast %add3A_2017 : i32 to index
          %get3A_2128 = arith.constant 112 : index
          %get3A_2129 = tpu.vector_load %arg10[%get3A_2126, %get3A_2127, %get3A_2128] {strides = array<i32>} : memref<2x128x128xf32, #tpu.memory_space<vmem>>, vector<1x1x16xf32>,
          %get3A_2130 = vector.shape_cast %get3A_2129 : vector<1x1x16xf32> to vector<16xf32>
          %mul3A_2131 = vector.broadcast %squeeze3A_2019 : f32 to vector<16xf32>
          %mul3A_2132 = arith.mulf %get3A_2130, %mul3A_2131 : vector<16xf32>
          %swap3A_2133 = arith.constant 1 : i32
          %swap3A_2134 = arith.index_cast %swap3A_2133 : i32 to index
          %swap3A_2135 = arith.index_cast %add3A_2017 : i32 to index
          %swap3A_2136 = arith.constant 112 : index
          %swap3A_2137 = tpu.vector_load %arg10[%swap3A_2134, %swap3A_2135, %swap3A_2136] {strides = array<i32>} : memref<2x128x128xf32, #tpu.memory_space<vmem>>, vector<1x1x16xf32>,
          %swap3A_2138 = vector.shape_cast %swap3A_2137 : vector<1x1x16xf32> to vector<16xf32>
          %swap3A_2139 = vector.shape_cast %mul3A_2132 : vector<16xf32> to vector<1x1x16xf32>
          tpu.vector_store %arg10[%swap3A_2134, %swap3A_2135, %swap3A_2136], %swap3A_2139 {strides = array<i32>} : memref<2x128x128xf32, #tpu.memory_space<vmem>>, vector<1x1x16xf32>,
          %scan3A_2140 = arith.constant 0 : i32
          scf.yield %scan3A_2140 : i32
        }
        %scan3A_117 = arith.constant 8 : i32
        %run_scoped3A_118 = arith.constant 1 : i32
        "tpu.region"() ({
          %run_scoped3A_120 = tpu.sem_alloc : memref<!tpu.dma_semaphore, #tpu.memory_space<semaphore_mem>>
          %dma_start3A_121 = arith.constant 0 : i32
          %dma_start3A_122 = arith.constant 0 : i32
          %dma_start3A_123 = tpu.memref_slice %arg10[%run_scoped3A_118, %dma_start3A_121, %dma_start3A_122] : memref<2x128x128xf32, #tpu.memory_space<vmem>> -> memref<1x128x128xf32, #tpu.memory_space<vmem>>
          %dma_start3A_124 = tpu.memref_squeeze %dma_start3A_123 : memref<1x128x128xf32, #tpu.memory_space<vmem>> -> memref<128x128xf32, #tpu.memory_space<vmem>>
          %dma_start3A_125 = arith.constant 0 : i32
          %dma_start3A_126 = tpu.memref_slice %arg8[%add3A_66, %dma_start3A_125] : memref<40x128xi32, #tpu.memory_space<vmem>> -> memref<1x128xi32, #tpu.memory_space<vmem>>
          %dma_start3A_127 = tpu.memref_squeeze %dma_start3A_126 : memref<1x128xi32, #tpu.memory_space<vmem>> -> memref<128xi32, #tpu.memory_space<vmem>>
          %dma_start3A_128 = arith.constant 0 : i32
          %dma_start3A_129 = arith.constant 0 : i32
          %dma_start3A_130 = tpu.memref_slice %arg11[%dma_start3A_128, %dma_start3A_129] : memref<10000x128xf32, #tpu.memory_space<vmem_shared>> -> memref<10000x128xf32, #tpu.memory_space<vmem_shared>>
          tpu.enqueue_indirect_dma source(%dma_start3A_124 : memref<128x128xf32, #tpu.memory_space<vmem>>) target(%dma_start3A_130 : memref<10000x128xf32, #tpu.memory_space<vmem_shared>>) offsets(%dma_start3A_127 : memref<128xi32, #tpu.memory_space<vmem>>) semaphore(%run_scoped3A_120 : memref<!tpu.dma_semaphore, #tpu.memory_space<semaphore_mem>>) {add = true}
          %dma_wait3A_131 = arith.constant 0 : i32
          %dma_wait3A_132 = arith.constant 0 : i32
          %dma_wait3A_133 = tpu.memref_slice %arg10[%run_scoped3A_118, %dma_wait3A_131, %dma_wait3A_132] : memref<2x128x128xf32, #tpu.memory_space<vmem>> -> memref<1x128x128xf32, #tpu.memory_space<vmem>>
          %dma_wait3A_134 = tpu.memref_squeeze %dma_wait3A_133 : memref<1x128x128xf32, #tpu.memory_space<vmem>> -> memref<128x128xf32, #tpu.memory_space<vmem>>
          %dma_wait3A_135 = arith.constant 0 : i32
          %dma_wait3A_136 = tpu.memref_slice %arg8[%add3A_66, %dma_wait3A_135] : memref<40x128xi32, #tpu.memory_space<vmem>> -> memref<1x128xi32, #tpu.memory_space<vmem>>
          %dma_wait3A_137 = tpu.memref_squeeze %dma_wait3A_136 : memref<1x128xi32, #tpu.memory_space<vmem>> -> memref<128xi32, #tpu.memory_space<vmem>>
          %dma_wait3A_138 = arith.constant 0 : i32
          %dma_wait3A_139 = arith.constant 0 : i32
          %dma_wait3A_140 = tpu.memref_slice %arg11[%dma_wait3A_138, %dma_wait3A_139] : memref<10000x128xf32, #tpu.memory_space<vmem_shared>> -> memref<10000x128xf32, #tpu.memory_space<vmem_shared>>
          tpu.wait_indirect_dma semaphore(%run_scoped3A_120 : memref<!tpu.dma_semaphore, #tpu.memory_space<semaphore_mem>>) src(%dma_wait3A_134 : memref<128x128xf32, #tpu.memory_space<vmem>>) dst(%dma_wait3A_140 : memref<10000x128xf32, #tpu.memory_space<vmem_shared>>)
          tpu.yield
        }) : () -> ()
        %scan3A_119 = arith.constant 0 : i32
        scf.yield %scan3A_119 : i32
      }
      %scan3A_57 = arith.constant 20 : i32
      %scan3A_58 = arith.constant 0 : i32
      scf.yield %scan3A_58 : i32
    }
    %scan3A_28 = arith.constant 4 : i32
    %barrier3A_29 = arith.constant 0 : index
    tpu.barrier barrier_id(%barrier3A_29)
    %mul3A_30 = arith.constant 10000 : i32
    %mul3A_31 = arith.muli %arg0, %mul3A_30 : i32
    %add3A_32 = arith.addi %mul3A_31, %mul3A_6 : i32
    "tpu.region"() ({
      %run_scoped3A_38 = tpu.sem_alloc : memref<!tpu.dma_semaphore, #tpu.memory_space<semaphore_mem>>
      %dma_start3A = arith.constant 0 : i32
      %dma_start3A_39 = tpu.memref_slice %arg6[%add3A_32, %dma_start3A] : memref<20000x128xf32, #tpu.memory_space<hbm>> -> memref<624x128xf32, #tpu.memory_space<hbm>>
      %dma_start3A_40 = arith.constant 0 : i32
      %dma_start3A_41 = tpu.memref_slice %arg11[%mul3A_6, %dma_start3A_40] : memref<10000x128xf32, #tpu.memory_space<vmem_shared>> -> memref<624x128xf32, #tpu.memory_space<vmem_shared>>
      tpu.enqueue_dma source(%dma_start3A_41 : memref<624x128xf32, #tpu.memory_space<vmem_shared>>) target(%dma_start3A_39 : memref<624x128xf32, #tpu.memory_space<hbm>>) target_semaphore(%run_scoped3A_38 : memref<!tpu.dma_semaphore, #tpu.memory_space<semaphore_mem>>)
      %dma_wait3A = arith.constant 0 : i32
      %dma_wait3A_42 = tpu.memref_slice %arg6[%add3A_32, %dma_wait3A] : memref<20000x128xf32, #tpu.memory_space<hbm>> -> memref<624x128xf32, #tpu.memory_space<hbm>>
      %dma_wait3A_43 = arith.constant 0 : i32
      %dma_wait3A_44 = tpu.memref_slice %arg11[%mul3A_6, %dma_wait3A_43] : memref<10000x128xf32, #tpu.memory_space<vmem_shared>> -> memref<624x128xf32, #tpu.memory_space<vmem_shared>>
      tpu.wait_dma2 semaphore(%run_scoped3A_38 : memref<!tpu.dma_semaphore, #tpu.memory_space<semaphore_mem>>) src(%dma_wait3A_44 : memref<624x128xf32, #tpu.memory_space<vmem_shared>>) dst(%dma_wait3A_42 : memref<624x128xf32, #tpu.memory_space<hbm>>)
      tpu.yield
    }) : () -> ()
    %eq3A_33 = arith.constant 0 : i32
    %eq3A_34 = arith.cmpi eq, %arg1, %eq3A_33 : i32
    %convert_element_type3A_35 = arith.extui %eq3A_34 : i1 to i32
    %cond3A_36 = arith.constant 0 : i32
    %cond3A_37 = arith.cmpi ne, %convert_element_type3A_35, %cond3A_36 : i32
    scf.if %cond3A_37 {
      %mul3A_38 = arith.constant 10000 : i32
      %mul3A_39 = arith.muli %arg0, %mul3A_38 : i32
      %add3A_40 = arith.constant 9984 : i32
      %add3A_41 = arith.addi %mul3A_39, %add3A_40 : i32
      "tpu.region"() ({
        %run_scoped3A_42 = tpu.sem_alloc : memref<!tpu.dma_semaphore, #tpu.memory_space<semaphore_mem>>
        %dma_start3A = arith.constant 0 : i32
        %dma_start3A_43 = tpu.memref_slice %arg6[%add3A_41, %dma_start3A] : memref<20000x128xf32, #tpu.memory_space<hbm>> -> memref<16x128xf32, #tpu.memory_space<hbm>>
        %dma_start3A_44 = arith.constant 9984 : i32
        %dma_start3A_45 = arith.constant 0 : i32
        %dma_start3A_46 = tpu.memref_slice %arg11[%dma_start3A_44, %dma_start3A_45] : memref<10000x128xf32, #tpu.memory_space<vmem_shared>> -> memref<16x128xf32, #tpu.memory_space<vmem_shared>>
        tpu.enqueue_dma source(%dma_start3A_46 : memref<16x128xf32, #tpu.memory_space<vmem_shared>>) target(%dma_start3A_43 : memref<16x128xf32, #tpu.memory_space<hbm>>) target_semaphore(%run_scoped3A_42 : memref<!tpu.dma_semaphore, #tpu.memory_space<semaphore_mem>>)
        %dma_wait3A = arith.constant 0 : i32
        %dma_wait3A_47 = tpu.memref_slice %arg6[%add3A_41, %dma_wait3A] : memref<20000x128xf32, #tpu.memory_space<hbm>> -> memref<16x128xf32, #tpu.memory_space<hbm>>
        %dma_wait3A_48 = arith.constant 9984 : i32
        %dma_wait3A_49 = arith.constant 0 : i32
        %dma_wait3A_50 = tpu.memref_slice %arg11[%dma_wait3A_48, %dma_wait3A_49] : memref<10000x128xf32, #tpu.memory_space<vmem_shared>> -> memref<16x128xf32, #tpu.memory_space<vmem_shared>>
        tpu.wait_dma2 semaphore(%run_scoped3A_42 : memref<!tpu.dma_semaphore, #tpu.memory_space<semaphore_mem>>) src(%dma_wait3A_50 : memref<16x128xf32, #tpu.memory_space<vmem_shared>>) dst(%dma_wait3A_47 : memref<16x128xf32, #tpu.memory_space<hbm>>)
        tpu.yield
      }) : () -> ()
    } else {
    }
    return
  }
}

module attributes {stable_mosaic.version = 14 : i64} {
  func.func @_tc1_body(%arg0: i32, %arg1: memref<1000x128xf32, #tpu.memory_space<vmem>>, %arg2: memref<128x128xf32, #tpu.memory_space<vmem>>, %arg3: memref<1x128xf32, #tpu.memory_space<vmem>>, %arg4: memref<128x128xf32, #tpu.memory_space<vmem>>, %arg5: memref<128x128xf32, #tpu.memory_space<vmem>>, %arg6: memref<2x1000x128xf32, #tpu.memory_space<vmem>>) attributes {dimension_semantics = [#tpu.dimension_semantics<arbitrary>], iteration_bounds = array<i64: 10>, scalar_prefetch = 0 : i64, scratch_operands = 0 : i64, tpu.core_type = #tpu.core_type<tc>, window_params = [{transform_indices = @transform_0, window_bounds = array<i64: 1000, 128>}, {pipeline_mode = #tpu.pipeline_mode<synchronous>, transform_indices = @transform_1, window_bounds = array<i64: 128, 128>}, {pipeline_mode = #tpu.pipeline_mode<synchronous>, transform_indices = @transform_2, window_bounds = array<i64: 1, 128>}, {pipeline_mode = #tpu.pipeline_mode<synchronous>, transform_indices = @transform_3, window_bounds = array<i64: 128, 128>}, {pipeline_mode = #tpu.pipeline_mode<synchronous>, transform_indices = @transform_4, window_bounds = array<i64: 128, 128>}, {transform_indices = @transform_5, window_bounds = array<i64: 2, 1000, 128>}]} {
    %get3A = arith.constant 0 : index
    %get3A_0 = arith.constant 0 : index
    %get3A_1 = vector.load %arg1[%get3A, %get3A_0] : memref<1000x128xf32, #tpu.memory_space<vmem>>, vector<1000x128xf32>
    %get3A_2 = arith.constant 0 : index
    %get3A_3 = arith.constant 0 : index
    %get3A_4 = vector.load %arg2[%get3A_2, %get3A_3] : memref<128x128xf32, #tpu.memory_space<vmem>>, vector<128x128xf32>
    %dot_general3A = arith.constant dense<0.000000e+00> : vector<1000x128xf32>
    %dot_general3A_5 = tpu.matmul %get3A_1, %get3A_4, %dot_general3A {dimension_numbers = #tpu.dot_dimension_numbers<[1], [0], [0], [1], [0, 0, 1, 1], [], []>, transpose_lhs_hint = false} : vector<1000x128xf32>, vector<128x128xf32>, vector<1000x128xf32> -> vector<1000x128xf32>
    %get3A_6 = arith.constant 0 : index
    %get3A_7 = arith.constant 0 : index
    %get3A_8 = vector.load %arg3[%get3A_6, %get3A_7] : memref<1x128xf32, #tpu.memory_space<vmem>>, vector<1x128xf32>
    %add3A = vector.broadcast %get3A_8 : vector<1x128xf32> to vector<1000x128xf32>
    %add3A_9 = arith.addf %dot_general3A_5, %add3A : vector<1000x128xf32>
    %gt3A = arith.constant 0.000000e+00 : f32
    %gt3A_10 = vector.broadcast %gt3A : f32 to vector<1000x128xf32>
    %gt3A_11 = arith.cmpf ogt, %add3A_9, %gt3A_10 : vector<1000x128xf32>
    %min3A = arith.constant 0.000000e+00 : f32
    %min3A_12 = vector.broadcast %min3A : f32 to vector<1000x128xf32>
    %min3A_13 = arith.minimumf %add3A_9, %min3A_12 : vector<1000x128xf32>
    %exp3A = math.exp %min3A_13 : vector<1000x128xf32>
    %sub3A = arith.constant 1.000000e+00 : f32
    %sub3A_14 = vector.broadcast %sub3A : f32 to vector<1000x128xf32>
    %sub3A_15 = arith.subf %exp3A, %sub3A_14 : vector<1000x128xf32>
    %select_n3A = arith.select %gt3A_11, %add3A_9, %sub3A_15 : vector<1000x128xi1>, vector<1000x128xf32>
    %get3A_16 = arith.constant 0 : index
    %get3A_17 = arith.constant 0 : index
    %get3A_18 = vector.load %arg4[%get3A_16, %get3A_17] : memref<128x128xf32, #tpu.memory_space<vmem>>, vector<128x128xf32>
    %dot_general3A_19 = arith.constant dense<0.000000e+00> : vector<1000x128xf32>
    %dot_general3A_20 = tpu.matmul %select_n3A, %get3A_18, %dot_general3A_19 {dimension_numbers = #tpu.dot_dimension_numbers<[1], [0], [0], [1], [0, 0, 1, 1], [], []>, transpose_lhs_hint = false} : vector<1000x128xf32>, vector<128x128xf32>, vector<1000x128xf32> -> vector<1000x128xf32>
    %swap3A = arith.constant 0 : index
    %swap3A_21 = arith.constant 0 : index
    %swap3A_22 = arith.constant 0 : index
    %swap3A_23 = vector.load %arg6[%swap3A, %swap3A_21, %swap3A_22] : memref<2x1000x128xf32, #tpu.memory_space<vmem>>, vector<1x1000x128xf32>
    %swap3A_24 = vector.shape_cast %swap3A_23 : vector<1x1000x128xf32> to vector<1000x128xf32>
    %swap3A_25 = vector.shape_cast %dot_general3A_20 : vector<1000x128xf32> to vector<1x1000x128xf32>
    tpu.vector_store %arg6[%swap3A, %swap3A_21, %swap3A_22], %swap3A_25 {strides = array<i32>} : memref<2x1000x128xf32, #tpu.memory_space<vmem>>, vector<1x1000x128xf32>,
    %get3A_26 = arith.constant 0 : index
    %get3A_27 = arith.constant 0 : index
    %get3A_28 = vector.load %arg5[%get3A_26, %get3A_27] : memref<128x128xf32, #tpu.memory_space<vmem>>, vector<128x128xf32>
    %dot_general3A_29 = arith.constant dense<0.000000e+00> : vector<1000x128xf32>
    %dot_general3A_30 = tpu.matmul %select_n3A, %get3A_28, %dot_general3A_29 {dimension_numbers = #tpu.dot_dimension_numbers<[1], [0], [0], [1], [0, 0, 1, 1], [], []>, transpose_lhs_hint = false} : vector<1000x128xf32>, vector<128x128xf32>, vector<1000x128xf32> -> vector<1000x128xf32>
    %swap3A_31 = arith.constant 1 : index
    %swap3A_32 = arith.constant 0 : index
    %swap3A_33 = arith.constant 0 : index
    %swap3A_34 = vector.load %arg6[%swap3A_31, %swap3A_32, %swap3A_33] : memref<2x1000x128xf32, #tpu.memory_space<vmem>>, vector<1x1000x128xf32>
    %swap3A_35 = vector.shape_cast %swap3A_34 : vector<1x1000x128xf32> to vector<1000x128xf32>
    %swap3A_36 = vector.shape_cast %dot_general3A_30 : vector<1000x128xf32> to vector<1x1000x128xf32>
    tpu.vector_store %arg6[%swap3A_31, %swap3A_32, %swap3A_33], %swap3A_36 {strides = array<i32>} : memref<2x1000x128xf32, #tpu.memory_space<vmem>>, vector<1x1000x128xf32>,
    return
  }
  func.func @transform_0(%arg0: i32) -> (i32, i32) {
    %c0_i32 = arith.constant 0 : i32
    %c0_i32_0 = arith.constant 0 : i32
    return %arg0, %c0_i32 : i32, i32
  }
  func.func @transform_1(%arg0: i32) -> (i32, i32) {
    %c0_i32 = arith.constant 0 : i32
    %c0_i32_0 = arith.constant 0 : i32
    %c0_i32_1 = arith.constant 0 : i32
    return %c0_i32, %c0_i32_0 : i32, i32
  }
  func.func @transform_2(%arg0: i32) -> (i32, i32) {
    %c0_i32 = arith.constant 0 : i32
    %c0_i32_0 = arith.constant 0 : i32
    %c0_i32_1 = arith.constant 0 : i32
    return %c0_i32, %c0_i32_0 : i32, i32
  }
  func.func @transform_3(%arg0: i32) -> (i32, i32) {
    %c0_i32 = arith.constant 0 : i32
    %c0_i32_0 = arith.constant 0 : i32
    %c0_i32_1 = arith.constant 0 : i32
    return %c0_i32, %c0_i32_0 : i32, i32
  }
  func.func @transform_4(%arg0: i32) -> (i32, i32) {
    %c0_i32 = arith.constant 0 : i32
    %c0_i32_0 = arith.constant 0 : i32
    %c0_i32_1 = arith.constant 0 : i32
    return %c0_i32, %c0_i32_0 : i32, i32
  }
  func.func @transform_5(%arg0: i32) -> (i32, i32, i32) {
    %c0_i32 = arith.constant 0 : i32
    %c0_i32_0 = arith.constant 0 : i32
    %c0_i32_1 = arith.constant 0 : i32
    return %c0_i32, %arg0, %c0_i32_0 : i32, i32, i32
  }
}

module attributes {stable_mosaic.version = 14 : i64} {
  func.func @_tc2a_body(%arg0: i32, %arg1: memref<2x1000x128xf32, #tpu.memory_space<vmem>>, %arg2: memref<2x1x128xf32, #tpu.memory_space<vmem>>, %arg3: memref<2x1x128xf32, #tpu.memory_space<vmem>>, %arg4: memref<128x128xf32, #tpu.memory_space<vmem>>, %arg5: memref<1x128xf32, #tpu.memory_space<vmem>>, %arg6: memref<2x1000x128xf32, #tpu.memory_space<vmem>>, %arg7: memref<2x128xf32, #tpu.memory_space<vmem>>) attributes {dimension_semantics = [#tpu.dimension_semantics<arbitrary>], iteration_bounds = array<i64: 10>, scalar_prefetch = 0 : i64, scratch_operands = 0 : i64, tpu.core_type = #tpu.core_type<tc>, window_params = [{transform_indices = @transform_0, window_bounds = array<i64: 2, 1000, 128>}, {pipeline_mode = #tpu.pipeline_mode<synchronous>, transform_indices = @transform_1, window_bounds = array<i64: 2, 1, 128>}, {pipeline_mode = #tpu.pipeline_mode<synchronous>, transform_indices = @transform_2, window_bounds = array<i64: 2, 1, 128>}, {pipeline_mode = #tpu.pipeline_mode<synchronous>, transform_indices = @transform_3, window_bounds = array<i64: 128, 128>}, {pipeline_mode = #tpu.pipeline_mode<synchronous>, transform_indices = @transform_4, window_bounds = array<i64: 1, 128>}, {transform_indices = @transform_5, window_bounds = array<i64: 2, 1000, 128>}, {pipeline_mode = #tpu.pipeline_mode<synchronous>, transform_indices = @transform_6, window_bounds = array<i64: 2, 128>}]} {
    %get3A = arith.constant 0 : index
    %get3A_0 = arith.constant 0 : index
    %get3A_1 = arith.constant 0 : index
    %get3A_2 = vector.load %arg1[%get3A, %get3A_0, %get3A_1] : memref<2x1000x128xf32, #tpu.memory_space<vmem>>, vector<2x1000x128xf32>
    %get3A_3 = arith.constant 0 : index
    %get3A_4 = arith.constant 0 : index
    %get3A_5 = arith.constant 0 : index
    %get3A_6 = vector.load %arg2[%get3A_3, %get3A_4, %get3A_5] : memref<2x1x128xf32, #tpu.memory_space<vmem>>, vector<2x1x128xf32>
    %add3A = vector.broadcast %get3A_6 : vector<2x1x128xf32> to vector<2x1000x128xf32>
    %add3A_7 = arith.addf %get3A_2, %add3A : vector<2x1000x128xf32>
    %ge3A = arith.constant 0.000000e+00 : f32
    %ge3A_8 = vector.broadcast %ge3A : f32 to vector<2x1000x128xf32>
    %ge3A_9 = arith.cmpf oge, %add3A_7, %ge3A_8 : vector<2x1000x128xf32>
    %get3A_10 = arith.constant 0 : index
    %get3A_11 = arith.constant 0 : index
    %get3A_12 = arith.constant 0 : index
    %get3A_13 = vector.load %arg3[%get3A_10, %get3A_11, %get3A_12] : memref<2x1x128xf32, #tpu.memory_space<vmem>>, vector<2x1x128xf32>
    %mul3A = vector.broadcast %get3A_13 : vector<2x1x128xf32> to vector<2x1000x128xf32>
    %mul3A_14 = arith.mulf %mul3A, %add3A_7 : vector<2x1000x128xf32>
    %select_n3A = arith.select %ge3A_9, %add3A_7, %mul3A_14 : vector<2x1000x128xi1>, vector<2x1000x128xf32>
    %swap3A = arith.constant 0 : index
    %swap3A_15 = arith.constant 0 : index
    %swap3A_16 = arith.constant 0 : index
    %swap3A_17 = vector.load %arg6[%swap3A, %swap3A_15, %swap3A_16] : memref<2x1000x128xf32, #tpu.memory_space<vmem>>, vector<2x1000x128xf32>
    tpu.vector_store %arg6[%swap3A, %swap3A_15, %swap3A_16], %select_n3A {strides = array<i32>} : memref<2x1000x128xf32, #tpu.memory_space<vmem>>, vector<2x1000x128xf32>,
    %slice3A = vector.extract_strided_slice %select_n3A {offsets = [0, 0, 0], sizes = [1, 1000, 128], strides = [1, 1, 1]} : vector<2x1000x128xf32> to vector<1x1000x128xf32>
    %squeeze3A = vector.shape_cast %slice3A : vector<1x1000x128xf32> to vector<1000x128xf32>
    %get3A_18 = arith.constant 0 : index
    %get3A_19 = arith.constant 0 : index
    %get3A_20 = vector.load %arg4[%get3A_18, %get3A_19] : memref<128x128xf32, #tpu.memory_space<vmem>>, vector<128x128xf32>
    %dot_general3A = arith.constant dense<0.000000e+00> : vector<1000x128xf32>
    %dot_general3A_21 = tpu.matmul %squeeze3A, %get3A_20, %dot_general3A {dimension_numbers = #tpu.dot_dimension_numbers<[1], [0], [0], [1], [0, 0, 1, 1], [], []>, transpose_lhs_hint = false} : vector<1000x128xf32>, vector<128x128xf32>, vector<1000x128xf32> -> vector<1000x128xf32>
    %get3A_22 = arith.constant 0 : index
    %get3A_23 = arith.constant 0 : index
    %get3A_24 = vector.load %arg5[%get3A_22, %get3A_23] : memref<1x128xf32, #tpu.memory_space<vmem>>, vector<1x128xf32>
    %add3A_25 = vector.broadcast %get3A_24 : vector<1x128xf32> to vector<1000x128xf32>
    %add3A_26 = arith.addf %dot_general3A_21, %add3A_25 : vector<1000x128xf32>
    %tanh3A = math.tanh %add3A_26 : vector<1000x128xf32>
    %slice3A_27 = vector.extract_strided_slice %select_n3A {offsets = [1, 0, 0], sizes = [1, 1000, 128], strides = [1, 1, 1]} : vector<2x1000x128xf32> to vector<1x1000x128xf32>
    %squeeze3A_28 = vector.shape_cast %slice3A_27 : vector<1x1000x128xf32> to vector<1000x128xf32>
    %get3A_29 = arith.constant 0 : index
    %get3A_30 = arith.constant 0 : index
    %get3A_31 = vector.load %arg4[%get3A_29, %get3A_30] : memref<128x128xf32, #tpu.memory_space<vmem>>, vector<128x128xf32>
    %dot_general3A_32 = arith.constant dense<0.000000e+00> : vector<1000x128xf32>
    %dot_general3A_33 = tpu.matmul %squeeze3A_28, %get3A_31, %dot_general3A_32 {dimension_numbers = #tpu.dot_dimension_numbers<[1], [0], [0], [1], [0, 0, 1, 1], [], []>, transpose_lhs_hint = false} : vector<1000x128xf32>, vector<128x128xf32>, vector<1000x128xf32> -> vector<1000x128xf32>
    %get3A_34 = arith.constant 0 : index
    %get3A_35 = arith.constant 0 : index
    %get3A_36 = vector.load %arg5[%get3A_34, %get3A_35] : memref<1x128xf32, #tpu.memory_space<vmem>>, vector<1x128xf32>
    %add3A_37 = vector.broadcast %get3A_36 : vector<1x128xf32> to vector<1000x128xf32>
    %add3A_38 = arith.addf %dot_general3A_33, %add3A_37 : vector<1000x128xf32>
    %tanh3A_39 = math.tanh %add3A_38 : vector<1000x128xf32>
    %reduce_sum3A = arith.constant dense<0.000000e+00> : vector<128xf32>
    %reduce_sum3A_40 = vector.multi_reduction <add>, %tanh3A, %reduce_sum3A [0] : vector<1000x128xf32> to vector<128xf32>
    %reduce_sum3A_41 = arith.constant dense<0.000000e+00> : vector<128xf32>
    %reduce_sum3A_42 = vector.multi_reduction <add>, %tanh3A_39, %reduce_sum3A_41 [0] : vector<1000x128xf32> to vector<128xf32>
    %stack3A = vector.shape_cast %reduce_sum3A_40 : vector<128xf32> to vector<1x128xf32>
    %stack3A_43 = vector.shape_cast %reduce_sum3A_42 : vector<128xf32> to vector<1x128xf32>
    %stack3A_44 = tpu.concatenate %stack3A, %stack3A_43 in 0 : vector<1x128xf32>, vector<1x128xf32> -> vector<2x128xf32>
    %eq3A = arith.constant 0 : i32
    %eq3A_45 = arith.cmpi eq, %arg0, %eq3A : i32
    %convert_element_type3A = arith.extui %eq3A_45 : i1 to i32
    %cond3A = arith.constant 0 : i32
    %cond3A_46 = arith.cmpi ne, %convert_element_type3A, %cond3A : i32
    scf.if %cond3A_46 {
      %swap3A_51 = arith.constant 0 : index
      %swap3A_52 = arith.constant 0 : index
      %swap3A_53 = vector.load %arg7[%swap3A_51, %swap3A_52] : memref<2x128xf32, #tpu.memory_space<vmem>>, vector<2x128xf32>
      tpu.vector_store %arg7[%swap3A_51, %swap3A_52], %stack3A_44 {strides = array<i32>} : memref<2x128xf32, #tpu.memory_space<vmem>>, vector<2x128xf32>,
    } else {
    }
    %gt3A = arith.constant 0 : i32
    %gt3A_47 = arith.cmpi sgt, %arg0, %gt3A : i32
    %convert_element_type3A_48 = arith.extui %gt3A_47 : i1 to i32
    %cond3A_49 = arith.constant 0 : i32
    %cond3A_50 = arith.cmpi ne, %convert_element_type3A_48, %cond3A_49 : i32
    scf.if %cond3A_50 {
      %get3A_51 = arith.constant 0 : index
      %get3A_52 = arith.constant 0 : index
      %get3A_53 = vector.load %arg7[%get3A_51, %get3A_52] : memref<2x128xf32, #tpu.memory_space<vmem>>, vector<2x128xf32>
      %add3A_54 = arith.addf %get3A_53, %stack3A_44 : vector<2x128xf32>
      %swap3A_55 = arith.constant 0 : index
      %swap3A_56 = arith.constant 0 : index
      %swap3A_57 = vector.load %arg7[%swap3A_55, %swap3A_56] : memref<2x128xf32, #tpu.memory_space<vmem>>, vector<2x128xf32>
      tpu.vector_store %arg7[%swap3A_55, %swap3A_56], %add3A_54 {strides = array<i32>} : memref<2x128xf32, #tpu.memory_space<vmem>>, vector<2x128xf32>,
    } else {
    }
    return
  }
  func.func @transform_0(%arg0: i32) -> (i32, i32, i32) {
    %c0_i32 = arith.constant 0 : i32
    %c0_i32_0 = arith.constant 0 : i32
    %c0_i32_1 = arith.constant 0 : i32
    return %c0_i32, %arg0, %c0_i32_0 : i32, i32, i32
  }
  func.func @transform_1(%arg0: i32) -> (i32, i32, i32) {
    %c0_i32 = arith.constant 0 : i32
    %c0_i32_0 = arith.constant 0 : i32
    %c0_i32_1 = arith.constant 0 : i32
    %c0_i32_2 = arith.constant 0 : i32
    return %c0_i32, %c0_i32_0, %c0_i32_1 : i32, i32, i32
  }
  func.func @transform_2(%arg0: i32) -> (i32, i32, i32) {
    %c0_i32 = arith.constant 0 : i32
    %c0_i32_0 = arith.constant 0 : i32
    %c0_i32_1 = arith.constant 0 : i32
    %c0_i32_2 = arith.constant 0 : i32
    return %c0_i32, %c0_i32_0, %c0_i32_1 : i32, i32, i32
  }
  func.func @transform_3(%arg0: i32) -> (i32, i32) {
    %c0_i32 = arith.constant 0 : i32
    %c0_i32_0 = arith.constant 0 : i32
    %c0_i32_1 = arith.constant 0 : i32
    return %c0_i32, %c0_i32_0 : i32, i32
  }
  func.func @transform_4(%arg0: i32) -> (i32, i32) {
    %c0_i32 = arith.constant 0 : i32
    %c0_i32_0 = arith.constant 0 : i32
    %c0_i32_1 = arith.constant 0 : i32
    return %c0_i32, %c0_i32_0 : i32, i32
  }
  func.func @transform_5(%arg0: i32) -> (i32, i32, i32) {
    %c0_i32 = arith.constant 0 : i32
    %c0_i32_0 = arith.constant 0 : i32
    %c0_i32_1 = arith.constant 0 : i32
    return %c0_i32, %arg0, %c0_i32_0 : i32, i32, i32
  }
  func.func @transform_6(%arg0: i32) -> (i32, i32) {
    %c0_i32 = arith.constant 0 : i32
    %c0_i32_0 = arith.constant 0 : i32
    %c0_i32_1 = arith.constant 0 : i32
    return %c0_i32, %c0_i32_0 : i32, i32
  }
}

module attributes {stable_mosaic.version = 14 : i64} {
  func.func @_tc2b_body(%arg0: i32, %arg1: memref<2x1000x128xf32, #tpu.memory_space<vmem>>, %arg2: memref<2x128xf32, #tpu.memory_space<vmem>>, %arg3: memref<1x128xf32, #tpu.memory_space<vmem>>, %arg4: memref<1000x128xf32, #tpu.memory_space<vmem>>) attributes {dimension_semantics = [#tpu.dimension_semantics<arbitrary>], iteration_bounds = array<i64: 10>, scalar_prefetch = 0 : i64, scratch_operands = 0 : i64, tpu.core_type = #tpu.core_type<tc>, window_params = [{transform_indices = @transform_0, window_bounds = array<i64: 2, 1000, 128>}, {pipeline_mode = #tpu.pipeline_mode<synchronous>, transform_indices = @transform_1, window_bounds = array<i64: 2, 128>}, {pipeline_mode = #tpu.pipeline_mode<synchronous>, transform_indices = @transform_2, window_bounds = array<i64: 1, 128>}, {transform_indices = @transform_3, window_bounds = array<i64: 1000, 128>}]} {
    %get3A = arith.constant 0 : index
    %get3A_0 = arith.constant 0 : index
    %get3A_1 = vector.load %arg2[%get3A, %get3A_0] : memref<2x128xf32, #tpu.memory_space<vmem>>, vector<2x128xf32>
    %mul3A = arith.constant 9.99999974E-5 : f32
    %mul3A_2 = vector.broadcast %mul3A : f32 to vector<2x128xf32>
    %mul3A_3 = arith.mulf %get3A_1, %mul3A_2 : vector<2x128xf32>
    %get3A_4 = arith.constant 0 : index
    %get3A_5 = arith.constant 0 : index
    %get3A_6 = vector.load %arg3[%get3A_4, %get3A_5] : memref<1x128xf32, #tpu.memory_space<vmem>>, vector<1x128xf32>
    %mul3A_7 = vector.broadcast %get3A_6 : vector<1x128xf32> to vector<2x128xf32>
    %mul3A_8 = arith.mulf %mul3A_3, %mul3A_7 : vector<2x128xf32>
    %reduce_sum3A = arith.constant dense<0.000000e+00> : vector<2xf32>
    %reduce_sum3A_9 = vector.multi_reduction <add>, %mul3A_8, %reduce_sum3A [1] : vector<2x128xf32> to vector<2xf32>
    %reduce_max3A = vector.shape_cast %reduce_sum3A_9 : vector<2xf32> to vector<1x2xf32>
    %reduce_max3A_10 = arith.constant dense<0xFF800000> : vector<1xf32>
    %reduce_max3A_11 = vector.multi_reduction <maximumf>, %reduce_max3A, %reduce_max3A_10 [1] : vector<1x2xf32> to vector<1xf32>
    %reduce_max3A_12 = vector.shape_cast %reduce_max3A_11 : vector<1xf32> to vector<1x1xf32>
    %reduce_max3A_13 = vector.extract %reduce_max3A_12[0, 0] : f32 from vector<1x1xf32>
    %sub3A = vector.broadcast %reduce_max3A_13 : f32 to vector<2xf32>
    %sub3A_14 = arith.subf %reduce_sum3A_9, %sub3A : vector<2xf32>
    %exp3A = math.exp %sub3A_14 : vector<2xf32>
    %reduce_sum3A_15 = vector.shape_cast %exp3A : vector<2xf32> to vector<1x2xf32>
    %reduce_sum3A_16 = arith.constant dense<0.000000e+00> : vector<1xf32>
    %reduce_sum3A_17 = vector.multi_reduction <add>, %reduce_sum3A_15, %reduce_sum3A_16 [1] : vector<1x2xf32> to vector<1xf32>
    %reduce_sum3A_18 = vector.shape_cast %reduce_sum3A_17 : vector<1xf32> to vector<1x1xf32>
    %reduce_sum3A_19 = vector.extract %reduce_sum3A_18[0, 0] : f32 from vector<1x1xf32>
    %div3A = vector.broadcast %reduce_sum3A_19 : f32 to vector<2xf32>
    %div3A_20 = arith.divf %exp3A, %div3A : vector<2xf32>
    %slice3A = vector.extract_strided_slice %div3A_20 {offsets = [0], sizes = [1], strides = [1]} : vector<2xf32> to vector<1xf32>
    %squeeze3A = vector.extract %slice3A[0] : f32 from vector<1xf32>
    %get3A_21 = arith.constant 0 : index
    %get3A_22 = arith.constant 0 : index
    %get3A_23 = arith.constant 0 : index
    %get3A_24 = vector.load %arg1[%get3A_21, %get3A_22, %get3A_23] : memref<2x1000x128xf32, #tpu.memory_space<vmem>>, vector<1x1000x128xf32>
    %get3A_25 = vector.shape_cast %get3A_24 : vector<1x1000x128xf32> to vector<1000x128xf32>
    %mul3A_26 = vector.broadcast %squeeze3A : f32 to vector<1000x128xf32>
    %mul3A_27 = arith.mulf %mul3A_26, %get3A_25 : vector<1000x128xf32>
    %slice3A_28 = vector.extract_strided_slice %div3A_20 {offsets = [1], sizes = [1], strides = [1]} : vector<2xf32> to vector<1xf32>
    %squeeze3A_29 = vector.extract %slice3A_28[0] : f32 from vector<1xf32>
    %get3A_30 = arith.constant 1 : index
    %get3A_31 = arith.constant 0 : index
    %get3A_32 = arith.constant 0 : index
    %get3A_33 = vector.load %arg1[%get3A_30, %get3A_31, %get3A_32] : memref<2x1000x128xf32, #tpu.memory_space<vmem>>, vector<1x1000x128xf32>
    %get3A_34 = vector.shape_cast %get3A_33 : vector<1x1000x128xf32> to vector<1000x128xf32>
    %mul3A_35 = vector.broadcast %squeeze3A_29 : f32 to vector<1000x128xf32>
    %mul3A_36 = arith.mulf %mul3A_35, %get3A_34 : vector<1000x128xf32>
    %add3A = arith.addf %mul3A_27, %mul3A_36 : vector<1000x128xf32>
    %swap3A = arith.constant 0 : index
    %swap3A_37 = arith.constant 0 : index
    %swap3A_38 = vector.load %arg4[%swap3A, %swap3A_37] : memref<1000x128xf32, #tpu.memory_space<vmem>>, vector<1000x128xf32>
    tpu.vector_store %arg4[%swap3A, %swap3A_37], %add3A {strides = array<i32>} : memref<1000x128xf32, #tpu.memory_space<vmem>>, vector<1000x128xf32>,
    return
  }
  func.func @transform_0(%arg0: i32) -> (i32, i32, i32) {
    %c0_i32 = arith.constant 0 : i32
    %c0_i32_0 = arith.constant 0 : i32
    %c0_i32_1 = arith.constant 0 : i32
    return %c0_i32, %arg0, %c0_i32_0 : i32, i32, i32
  }
  func.func @transform_1(%arg0: i32) -> (i32, i32) {
    %c0_i32 = arith.constant 0 : i32
    %c0_i32_0 = arith.constant 0 : i32
    %c0_i32_1 = arith.constant 0 : i32
    return %c0_i32, %c0_i32_0 : i32, i32
  }
  func.func @transform_2(%arg0: i32) -> (i32, i32) {
    %c0_i32 = arith.constant 0 : i32
    %c0_i32_0 = arith.constant 0 : i32
    %c0_i32_1 = arith.constant 0 : i32
    return %c0_i32, %c0_i32_0 : i32, i32
  }
  func.func @transform_3(%arg0: i32) -> (i32, i32) {
    %c0_i32 = arith.constant 0 : i32
    %c0_i32_0 = arith.constant 0 : i32
    return %arg0, %c0_i32 : i32, i32
  }
}

</mosaic_0001>

<sc_bundles>
// kernel: kernel.6.cloned.1.call-start
scs
__scs_entry_jumppad:
0x0: {  	(pc) =	sbr.rel $0x88, $3  }
0x1: {  	(tag) =	ssettag $0x0;
	lr =	simm.s32 $0x1  }
0x2: {  	[smem:$0x3F91] =	sst lr;
	_ =	strace $0xD0000000  }
0x3: {  	_ = 	snop  }
0x4: {  	_ = 	snop  }
0x5: {  	_ = 	snop  }
0x6: {  	_ = 	snop  }
0x7: {  	_ = 	snop  }
__scs_overlays_trampoline_lowered:
0x8: {  	[smem:$0x3FA0] =	sst s0  }
0x9: {  	[smem:$0x3FA1] =	sst s1  }
0xa: {  	[smem:$0x3FA2] =	sst s2  }
0xb: {  	[smem:$0x3FA3] =	sst s3  }
0xc: {  	[smem:$0x3FA4] =	sst s4  }
0xd: {  	[smem:$0x3FA5] =	sst s5  }
0xe: {  	[smem:$0x3FA6] =	sst s6  }
0xf: {  	[smem:$0x3FA7] =	sst s7  }
0x10: {  	[smem:$0x3FA8] =	sst s8  }
0x11: {  	[smem:$0x3FA9] =	sst s9;
	s0 =	simm.s32 @!p0 $0x0  }
0x12: {  	s1 =	sld [smem:$0x3F8F];
	s0 =	simm.s32 @p0 $0x1  }
0x13: {  	[smem:$0x3FAA] =	sst s0;
	s0 =	simm.s32 @!p1 $0x0  }
0x14: {  	s2 =	sld [smem:$0x3F8E];
	s0 =	simm.s32 @p1 $0x1  }
0x15: {  	[smem:$0x3FAB] =	sst s0;
	s0 =	simm.s32 @!p2 $0x0  }
0x16: {  	s3 =	sld [smem:$0x3FDB];
	s0 =	simm.s32 @p2 $0x1  }
0x17: {  	s4 =	simm.s32 $0x1BF5;
	[smem:$0x3FAD] =	sst s0  }
0x18: {  	s0 =	sld [smem:$0x3F90];
	_ =	swait.ge [sflag:s4], $0x0  }
0x19: {  	s7 =	sld [smem:$0x3F91]  }
0x1a: {  	s8 =	sadd.s32 $0xFFFFE003, lr  }
0x1b: {  	s9 =	sadd.s32 $0xFFFFFEF7, lr;
	s5 =	simm.s32 $0xFFFFFFFF;
	p2 =	slt.u32 s8, $0xFFFFF086  }
0x1c: {  	p1 =	slt.u32 s9, $0xF7A;
	s5 =	simm.s32 @!p2 $0x0  }
0x1d: {  	s5 =	simm.s32 @p1 $0x1;
	p0 =	seq.s32 s7, s2  }
0x1e: {  	s7 =	smul.u32 @!p0 $0xF7A, s2;
	p2 =	seq.s32 @!p0 s5, $0x0  }
0x1f: {  	s9 =	smul.u32 $0xF7A, s1;
	s8 =	simm.s32 @!p0 $0x1BF5;
	p2 =	por !p2, p0  }
0x20: {  	[sflag:s8] =	ssyncset.s32 @!p0 $0xFFFFF086;
	s6 =	sadd.s32 @!p0 s3, s7;
	s7 =	simm.s32 @!p0 $0x108  }
0x21: {  	s3 =	sadd.s32 s3, s9;
	s6 =	sadd.s32 @!p0 $0x88, s6;
	s7 =	simm.s32 @p2 $0x1082  }
0x22: {  	[simem:s7], [sflag:s8] =	dma.local @!p0 [hbm:s6], $0xF7A  }
0x23: {  	s9 =	sor.u32 $0xD0000000, s2;
	s6 =	simm.s32 $0x108;
	_ =	swait.ge @!p0 [sflag:s8], $0x0  }
0x24: {  	s3 =	sadd.s32 $0x88, s3;
	s6 =	simm.s32 @!p1 $0x1082;
	[sflag:s4] =	ssyncset.s32 $0xFFFFF086  }
0x25: {  	[simem:s6], [sflag:s4] =	dma.local [hbm:s3], $0xF7A  }
0x26: {  	[smem:$0x3F91] =	sst s1;
	(tag) =	ssettag s2;
	_ =	strace s9  }
0x27: {  	s1 =	sld [smem:$0x3FA1]  }
0x28: {  	s2 =	sld [smem:$0x3FA2]  }
0x29: {  	s4 =	sld [smem:$0x3FA4]  }
0x2a: {  	p0 =	seq.s32 s5, $0x0;
	s5 =	sld [smem:$0x3FA5]  }
0x2b: {  	s6 =	sld [smem:$0x3FA6]  }
0x2c: {  	s7 =	sld [smem:$0x3FA7]  }
0x2d: {  	s3 =	simm.s32 $0x108;
	s8 =	sld [smem:$0x3FA8]  }
0x2e: {  	s3 =	simm.s32 @!p0 $0x1082;
	s9 =	sld [smem:$0x3FA9]  }
0x2f: {  	lr =	sadd.s32 s0, s3;
	s0 =	sld [smem:$0x3FA0]  }
0x30: {  	s3 =	sld [smem:$0x3FA3]  }
0x31: {  	[smem:$0x3FAC] =	sst s10  }
0x32: {  	s10 =	sld [smem:$0x3FAA];
	_ =	sdelay $0x3  }
0x33: {  	p0 =	seq.s32 s10, $0x1;
	s10 =	sld [smem:$0x3FAC];
	_ =	sdelay $0x3  }
0x34: {  	[smem:$0x3FAC] =	sst s10  }
0x35: {  	s10 =	sld [smem:$0x3FAB];
	_ =	sdelay $0x3  }
0x36: {  	p1 =	seq.s32 s10, $0x1;
	s10 =	sld [smem:$0x3FAC];
	_ =	sdelay $0x3  }
0x37: {  	[smem:$0x3FAC] =	sst s10  }
0x38: {  	s10 =	sld [smem:$0x3FAD]  }
0x39: {  	_ = 	snop;
	(pc) =	sbr.ind lr, $3  }
0x3a: {  	_ = 	snop  }
0x3b: {  	_ = 	snop  }
0x3c: {  	p2 =	seq.s32 s10, $0x1;
	s10 =	sld [smem:$0x3FAC]  }
0x3d: {  	_ =	shalt  }
0x3e: {  	_ =	shalt  }
0x3f: {  	_ =	shalt  }
0x40: {  	_ =	shalt  }
0x41: {  	_ =	shalt  }
0x42: {  	_ =	shalt  }
0x43: {  	_ =	shalt  }
0x44: {  	_ =	shalt  }
0x45: {  	_ =	shalt  }
0x46: {  	_ =	shalt  }
0x47: {  	_ =	shalt  }
0x48: {  	_ =	shalt  }
0x49: {  	_ =	shalt  }
0x4a: {  	_ =	shalt  }
0x4b: {  	_ =	shalt  }
0x4c: {  	_ =	shalt  }
0x4d: {  	_ =	shalt  }
0x4e: {  	_ =	shalt  }
0x4f: {  	_ =	shalt  }
0x50: {  	_ =	shalt  }
0x51: {  	_ =	shalt  }
0x52: {  	_ =	shalt  }
0x53: {  	_ =	shalt  }
0x54: {  	_ =	shalt  }
0x55: {  	_ =	shalt  }
0x56: {  	_ =	shalt  }
0x57: {  	_ =	shalt  }
0x58: {  	_ =	shalt  }
0x59: {  	_ =	shalt  }
0x5a: {  	_ =	shalt  }
0x5b: {  	_ =	shalt  }
0x5c: {  	_ =	shalt  }
0x5d: {  	_ =	shalt  }
0x5e: {  	_ =	shalt  }
0x5f: {  	_ =	shalt  }
0x60: {  	_ =	shalt  }
0x61: {  	_ =	shalt  }
0x62: {  	_ =	shalt  }
0x63: {  	_ =	shalt  }
0x64: {  	_ =	shalt  }
0x65: {  	_ =	shalt  }
0x66: {  	_ =	shalt  }
0x67: {  	_ =	shalt  }
0x68: {  	_ =	shalt  }
0x69: {  	_ =	shalt  }
0x6a: {  	_ =	shalt  }
0x6b: {  	_ =	shalt  }
0x6c: {  	_ =	shalt  }
0x6d: {  	_ =	shalt  }
0x6e: {  	_ =	shalt  }
0x6f: {  	_ =	shalt  }
0x70: {  	_ =	shalt  }
0x71: {  	_ =	shalt  }
0x72: {  	_ =	shalt  }
0x73: {  	_ =	shalt  }
0x74: {  	_ =	shalt  }
0x75: {  	_ =	shalt  }
0x76: {  	_ =	shalt  }
0x77: {  	_ =	shalt  }
0x78: {  	_ =	shalt  }
0x79: {  	_ =	shalt  }
0x7a: {  	_ =	shalt  }
0x7b: {  	_ =	shalt  }
0x7c: {  	_ =	shalt  }
0x7d: {  	_ =	shalt  }
0x7e: {  	_ =	shalt  }
0x7f: {  	_ =	shalt  }
0x80: {  	_ =	shalt  }
0x81: {  	_ =	shalt  }
0x82: {  	_ =	shalt  }
0x83: {  	_ =	shalt  }
0x84: {  	_ =	shalt  }
0x85: {  	_ =	shalt  }
0x86: {  	_ =	shalt  }
0x87: {  	_ =	shalt  }
.Lfunc_end0:
.L_simem_size_0:
called_computation_lowered:
.L_overlay_start_0:
0x88: {  	s2 =	sld [smem:$0x3FD9]  }
0x89: {  	s3 =	sld [smem:$0x3FFE];
	_ =	sdelay $0x1  }
0x8a: {  	s1 =	srdreg.scid  }
0x8b: {  	s0 =	sand.u32 $0x1, s1  }
0x8c: {  	s17 =	sshll.u32 s0, $0xA;
	s2 =	sadd.s32 s3, s2  }
0x8d: {  	s2 =	sadd.s32 s2, s17  }
0x8e: {  	[smem:$0x3FB8] =	sst s2  }
0x8f: {  	_ = 	snop  }
0x90: {  	s2 =	sld [smem:$0x3FD0];
	(tm) =	ssettm $0x1  }
0x91: {  	s18 =	sld [smem:$0x3FFB];
	_ =	sdelay $0x3  }
0x92: {  	_ =	strace s18  }
0x93: {  	s3 =	sld [smem:$0x3FFC];
	_ =	sdelay $0x3  }
0x94: {  	_ =	strace s3  }
0x95: {  	s3 =	sld [smem:$0x3FFD];
	_ =	sdelay $0x3  }
0x96: {  	_ =	strace s3  }
0x97: {  	_ =	strace $0x8FFFFFFF  }
0x98: {  	s19 =	sld [smem:$0x3FDB];
	_ =	sdelay $0x1  }
0x99: {  	s4 =	simm.s32 $_scs_section_size  }
0x9a: {  	s5 =	simm.s32 $_size__tile_overlayer_lowered;
	s6 =	simm.s32 $_tile_overlayer_lowered  }
0x9b: {  	s22 =	simm.s32 $0x1BFF;
	s21 =	sshll.u32 s6, $0x1;
	s3 =	sadd.s32 s4, s19  }
0x9c: {  	s7 =	simm.s32 $0x0;
	s20 =	sshll.u32 s5, $0x1;
	s5 =	sadd.s32 s21, s3  }
0x9d: {  	[timem:s7], [sflag:s22] =	dma.local [hbm:s5], s20  }
0x9e: {  	_ =	swait.ge [sflag:s22], s20  }
0x9f: {  	s4 =	ssub.s32 $0x0, s20;
	[sflag:s22] =	ssyncset.done $0x0  }
0xa0: {  	[sflag:s22] =	ssyncadd.s32 s4;
	_ =	sdelay $0x1  }
0xa1: {  	s23 =	simm.s32 $0x1B8B  }
0xa2: {  	_ =	swait.ge [sflag:s23], $0x1  }
0xa3: {  	[sflag:s23] =	ssyncset.done $0x0  }
0xa4: {  	s25 =	simm.s32 $0x1B8E;
	s24 =	sld [smem:$0x3FFE];
	[sflag:s23] =	ssyncadd.s32 $0xFFFFFFFF  }
0xa5: {  	s26 =	simm.s32 $execute0_lowered;
	[smem:$0x3FD2] =	sst s25  }
0xa6: {  	s5 =	sshll.u32 s26, $0x1;
	_ =	strace $0x80000046;
	[dreg:$0x1] =	wrdreg $0xFFFFFFFF  }
0xa7: {  	s28 =	simm.s32 $_size_execute0_lowered;
	s3 =	sadd.s32 s3, s5;
	[dreg:$0x0] =	wrdreg $0x0  }
0xa8: {  	s5 =	sshll.u32 s28, $0x1;
	[dreg:$0x2] =	wrdreg s3  }
0xa9: {  	[dreg:$0x3] =	wrdreg s5  }
0xaa: {  	[dreg:$0x4] =	wrdreg $0xC0  }
0xab: {  	_ =	task [dreg:s7], $0x5FFFF  }
0xac: {  	[dreg:$0x1] =	wrdreg $0xFFFFFFFF  }
0xad: {  	[dreg:$0x0] =	wrdreg $0x60  }
0xae: {  	[dreg:$0x2] =	wrdreg s24  }
0xaf: {  	[dreg:$0x3] =	wrdreg s2  }
0xb0: {  	[dreg:$0x4] =	wrdreg $0xBC000  }
0xb1: {  	[dreg:$0x5] =	wrdreg $0x9  }
0xb2: {  	_ =	task.clear_ibuf [dreg:s7], $0x6FFFF;
	_ =	strace $0x90000046  }
0xb3: {  	s29 =	simm.s32 $0x9;
	_ =	strace $0x80000048  }
0xb4: {  	_ =	swait.ge [sflag:s29], $0x1  }
0xb5: {  	[sflag:s29] =	ssyncadd.s32 $0xFFFFFFFF  }
0xb6: {  	_ =	strace $0x90000048  }
0xb7: {  	_ =	sfence  }
0xb8: {  	s30 =	sld [smem:$0x0];
	_ =	sdelay $0x2  }
0xb9: {  	s31 =	sshll.u32 s1, $0xD;
	s1 =	sshrl.u32 s1, $0x2  }
0xba: {  	s3 =	sand.u32 $0x4000, s31;
	s1 =	sadd.s32 s1, s30  }
0xbb: {  	s0 =	sor.u32 s3, s0;
	s1 =	sshll.u32 s1, $0x11  }
0xbc: {  	s0 =	sor.u32 s1, s0  }
0xbd: {  	s0 =	sadd.s32 $0x8F2B, s0  }
0xbe: {  	[sflag:s0] =	ssyncadd.remote.s32 $0x1  }
0xbf: {  	_ =	sfence.sel $0xFFFF  }
0xc0: {  	[dreg:$0x0] =	wrdreg $0xFFFFFFFF;
	(pc) =	sbr.abs _section_cstart, $3  }
0xc1: {  	[dreg:$0x1] =	wrdreg $0xFFFFFFFF  }
0xc2: {  	_ =	task.clear_ibuf [dreg:s7], $0x2FFFF;
	_ =	strace $0x9FFFFFFF  }
0xc3: {  	(tm) =	ssettm $0x7FFFFFFF  }
tec
execute0_lowered:
.L_overlay_start_1:
0x0: {  	(tag) =	ssettag $0x1  }
0x1: {  	s0 =	rddreg [dreg:$0x0]  }
0x2: {  	s1 =	rddreg [dreg:$0x1]  }
0x3: {  	s2 =	rddreg [dreg:$0x2]  }
0x4: {  	s3 =	simm.s32 $0x0;
	s18 =	stileid.u32;
	s6 =	srdreg.scid  }
0x5: {  	s19 =	simm.s32 $0x3;
	s20 =	simm.s32 $0x1400;
	s21 =	simm.s32 $0x2800  }
0x6: {  	s22 =	simm.s32 $0x80;
	s23 =	simm.s32 $0x1;
	s24 =	simm.s32 $0x7C00  }
0x7: {  	s25 =	simm.s32 $0x2;
	s26 =	simm.s32 $0x0;
	[smem:$0x7FF] =	sst s3  }
0x8: {  	s4 =	sadd.s32 $0x29A00, s0;
	s5 =	sadd.s32 $0x15A00, s0;
	s8 =	smul.u32 $0x4E000, s18  }
0x9: {  	s7 =	sadd.s32 $0x1A00, s0;
	s0 =	sadd.s32 $0x77C00, s0;
	s9 =	smul.u32 $0x2700, s18  }
0xa: {  	s6 =	sand.u32 $0x1, s6;
	s15 =	smul.u32 $0x5000, s18;
	s13 =	sadd.s32 $0x138000, s2  }
0xb: {  	p0 =	sne.s32 s18, $0x0;
	s18 =	simm.s32 $0x3C00;
	s14 =	smul.u32 $0x50000, s6  }
0xc: {  	_ =	strace $0x80000047;
	s10 =	ssub.s32 $0x2, s6;
	s16 =	smul.u32 $0x138800, s6  }
0xd: {  	s6 =	smul.u32 $0x27100, s6;
	s8 =	sshrl.u32 s8, $0x2;
	s11 =	sshrl.u32 s10, $0x1  }
0xe: {  	s8 =	sadd.s32 s8, s2;
	s17 =	ssub.s32 s10, s11;
	s16 =	sshrl.u32 s16, $0x3  }
0xf: {  	s14 =	sadd.s32 s15, s14;
	s6 =	sadd.s32 s9, s6;
	s29 =	sadd.s32 $0x4000, s8  }
0x10: {  	s30 =	sadd.s32 $0x8000, s8;
	s11 =	sadd.s32 $0xC000, s8;
	s12 =	sadd.s32 $0x10000, s8  }
0x11: {  	s31 =	sadd.s32 s0, s16;
	s15 =	sadd.s32 s0, s6;
	[dreg:$0x4] =	wrdreg s29  }
0x12: {  	v0 =	vimm.f32 $0.0e+00;
	s17 =	smax.u32 s17, $0x1;
	[dreg:$0x5] =	wrdreg s30;
	s16 =	sadd.s32 $0x27000, s31  }
.LBB2_1:
0x13: {  	s0 =	simm.s32 $0x0;
	s6 =	simm.s32 $0x200  }
.LBB2_2:
0x14: {  	p1 =	sne.s32 s6, $0xFE00;
	[tilespmem:s0+$0x3C70] =	vst v0  }
0x15: {  	[tilespmem:s0+$0x3C00] =	vst v0  }
0x16: {  	[tilespmem:s0+$0x3C10] =	vst v0  }
.Ltmp0:
0x17: {  	[tilespmem:s0+$0x3C20] =	vst v0;
	(pc) =	sbr.rel @p1 .LBB2_2-.Ltmp0, $4  }
0x18: {  	[tilespmem:s0+$0x3C30] =	vst v0  }
0x19: {  	[tilespmem:s0+$0x3C40] =	vst v0  }
0x1a: {  	[tilespmem:s0+$0x3C50] =	vst v0  }
0x1b: {  	[tilespmem:s0+$0x3C60] =	vst v0;
	s0 =	sshra.s32 s6, $0x2;
	s6 =	sadd.s32 $0x200, s6  }
0x1c: {  	[tilespmem:s0+$0x3C70] =	vst v0  }
0x1d: {  	[tilespmem:s0+$0x3C00] =	vst v0  }
0x1e: {  	[tilespmem:s0+$0x3C10] =	vst v0  }
0x1f: {  	[tilespmem:s0+$0x3C20] =	vst v0  }
0x20: {  	[tilespmem:s0+$0x3C30] =	vst v0  }
0x21: {  	[tilespmem:s0+$0x3C40] =	vst v0  }
0x22: {  	[tilespmem:s0+$0x3C50] =	vst v0  }
0x23: {  	[tilespmem:s0+$0x3C60] =	vst v0  }
0x24: {  	[spmem:s8] =	stream.linear.scatter [tilespmem:s18], [sflag:$0x3], $0x4000, $0x38;
	[tilespmem:$0x1F480] =	vst v63  }
0x25: {  	_ =	swait.ge [sflag:s19], $0x4000  }
0x26: {  	[sflag:s19] =	ssyncset.done $0x0  }
0x27: {  	s30 =	rddreg [dreg:$0x4];
	[sflag:s19] =	ssyncadd.s32 $0xFFFFC000  }
0x28: {  	[spmem:s30] =	stream.linear.scatter [tilespmem:s18], [sflag:$0x3], $0x4000, $0x38;
	[tilespmem:$0x1F480] =	vst v63  }
0x29: {  	_ =	swait.ge [sflag:s19], $0x4000  }
0x2a: {  	[sflag:s19] =	ssyncset.done $0x0  }
0x2b: {  	s31 =	rddreg [dreg:$0x5];
	[sflag:s19] =	ssyncadd.s32 $0xFFFFC000  }
0x2c: {  	[spmem:s31] =	stream.linear.scatter [tilespmem:s18], [sflag:$0x3], $0x4000, $0x38;
	[tilespmem:$0x1F480] =	vst v63  }
0x2d: {  	_ =	swait.ge [sflag:s19], $0x4000  }
0x2e: {  	[sflag:s19] =	ssyncset.done $0x0  }
0x2f: {  	[sflag:s19] =	ssyncadd.s32 $0xFFFFC000  }
0x30: {  	[spmem:s11] =	stream.linear.scatter [tilespmem:s18], [sflag:$0x3], $0x4000, $0x38;
	[tilespmem:$0x1F480] =	vst v63  }
0x31: {  	_ =	swait.ge [sflag:s19], $0x4000  }
0x32: {  	[sflag:s19] =	ssyncset.done $0x0  }
0x33: {  	[sflag:s19] =	ssyncadd.s32 $0xFFFFC000  }
0x34: {  	[spmem:s12] =	stream.linear.scatter [tilespmem:s18], [sflag:$0x3], $0x3800, $0x38;
	[tilespmem:$0x1F480] =	vst v63  }
0x35: {  	_ =	swait.ge [sflag:s19], $0x3800  }
0x36: {  	[sflag:s19] =	ssyncset.done $0x0  }
0x37: {  	s0 =	simm.s32 @!p0 $0x3C00;
	[sflag:s19] =	ssyncadd.s32 $0xFFFFC800  }
0x38: {  	[spmem:s13] =	stream.linear.scatter @!p0 [tilespmem:s0], [sflag:$0x3], $0x800, $0x38;
	[tilespmem:$0x1F480] =	vst v63  }
0x39: {  	s0 =	simm.s32 @!p0 $0x3  }
0x3a: {  	_ =	swait.ge @!p0 [sflag:s0], $0x800  }
0x3b: {  	[sflag:s0] =	ssyncset.done @!p0 $0x0  }
0x3c: {  	[sflag:s0] =	ssyncadd.s32 @!p0 $0xFFFFF800  }
0x3d: {  	s28 =	simm.s32 $0x0;
	[bflag:$0x0] =	sbarrier.arrive $0xFFFF  }
.LBB2_4:
0x3e: {  	s0 =	smul.u32 $0x1400, s28;
	_ =	sdelay $0x1  }
0x3f: {  	s0 =	sadd.s32 s0, s14  }
0x40: {  	s0 =	sshrl.u32 s0, $0x3  }
0x41: {  	s6 =	sadd.s32 s1, s0  }
0x42: {  	[tilespmem:s26], [sflag:$0x3] =	stream.linear.gather [hbm4b:s6+s26], $0x1400, $0x38;
	[tilespmem:$0x1F480] =	vst v63  }
0x43: {  	_ =	swait.ge [sflag:s19], $0x1400  }
0x44: {  	[sflag:s19] =	ssyncset.done $0x0  }
0x45: {  	s31 =	sadd.s32 s5, s0;
	[sflag:s19] =	ssyncadd.s32 $0xFFFFEC00  }
0x46: {  	[tilespmem:s20], [sflag:$0x3] =	stream.linear.gather [hbm4b:s31+s26], $0x1400, $0x38;
	[tilespmem:$0x1F480] =	vst v63  }
0x47: {  	_ =	swait.ge [sflag:s19], $0x1400  }
0x48: {  	[sflag:s19] =	ssyncset.done $0x0  }
0x49: {  	s0 =	sadd.s32 s7, s0;
	[sflag:s19] =	ssyncadd.s32 $0xFFFFEC00  }
0x4a: {  	[tilespmem:s21], [sflag:$0x3] =	stream.linear.gather [hbm4b:s0+s26], $0x1400, $0x38;
	[tilespmem:$0x1F480] =	vst v63  }
0x4b: {  	_ =	swait.ge [sflag:s19], $0x1400  }
0x4c: {  	[sflag:s19] =	ssyncset.done $0x0  }
0x4d: {  	s29 =	simm.s32 $0x0;
	[sflag:s19] =	ssyncadd.s32 $0xFFFFEC00  }
0x4e: {  	[tilespmem:s18], [sflag:$0x1] =	stream.indirect.gather [hbm4b:s4+s22], $0x80, s26, s22, $0xb8;
	[tilespmem:$0x1F480] =	vst v63  }
.LBB2_5:
0x4f: {  	s31 =	sshll.u32 s29, $0xA  }
0x50: {  	s0 =	sshrl.u32 s31, $0x2  }
0x51: {  	s6 =	sadd.s32 $0x2800, s0  }
0x52: {  	_ =	swait.ge [sflag:s23], $0x4000;
	v1 =	vmov s6  }
0x53: {  	s9 =	sshll.u32 s29, $0x8;
	[sflag:s23] =	ssyncset.done $0x0  }
0x54: {  	s30 =	sor.u32 $0x80, s9;
	s9 =	simm.s32 $0x0;
	[sflag:s23] =	ssyncadd.s32 $0xFFFFC000  }
0x55: {  	[tilespmem:s24], [sflag:$0x2] =	stream.indirect.gather [hbm4b:s4+s22], $0x80, s30, s22, $0xb8;
	[tilespmem:$0x1F480] =	vst v63  }
0x56: {  	s10 =	simm.s32 $0x0;
	s6 =	sand.u32 $0x3FFFFFF0, s9  }
0x57: {  	v2 =	vld.idx.msk [tilespmem:v1+s6+$0x0 ss:$0x1], $0xffff;
	s6 =	sand.u32 $0x3FFFF800, s10  }
0x58: {  	v8 =	vld [tilespmem:s6+$0x3CC0]  }
0x59: {  	v4 =	vld [tilespmem:s6+$0x3C20]  }
0x5a: {  	v5 =	vld [tilespmem:s6+$0x3C30]  }
0x5b: {  	v11 =	vld [tilespmem:s6+$0x3C60]  }
0x5c: {  	v12 =	vld [tilespmem:s6+$0x3C70];
	v3 =	vbroadcast v2, $0x0  }
0x5d: {  	v13 =	vld [tilespmem:s6+$0x3C80]  }
0x5e: {  	v14 =	vld [tilespmem:s6+$0x3C90];
	v4 =	vmul.f32 v4, v3  }
0x5f: {  	v15 =	vld [tilespmem:s6+$0x3CA0];
	v5 =	vmul.f32 v5, v3  }
0x60: {  	v10 =	vld [tilespmem:s6+$0x3CB0];
	v21 =	vbroadcast v2, $0x1;
	v20 =	vmul.f32 v11, v3;
	[tilespmem:s6+$0x3C20] =	vst v4  }
0x61: {  	v9 =	vld [tilespmem:s6+$0x3CD0];
	v12 =	vmul.f32 v12, v3;
	[tilespmem:s6+$0x3C30] =	vst v5  }
0x62: {  	v7 =	vld [tilespmem:s6+$0x4170];
	v13 =	vmul.f32 v13, v21;
	[tilespmem:s6+$0x3C60] =	vst v20  }
0x63: {  	v23 =	vld [tilespmem:s6+$0x3CF0];
	v14 =	vmul.f32 v14, v21;
	[tilespmem:s6+$0x3C70] =	vst v12  }
0x64: {  	v24 =	vld [tilespmem:s6+$0x3D00];
	v15 =	vmul.f32 v15, v21;
	[tilespmem:s6+$0x3C80] =	vst v13  }
0x65: {  	v25 =	vld [tilespmem:s6+$0x3D10];
	v10 =	vmul.f32 v10, v21;
	[tilespmem:s6+$0x3C90] =	vst v14  }
0x66: {  	v22 =	vld [tilespmem:s6+$0x3CE0];
	v8 =	vmul.f32 v8, v21;
	[tilespmem:s6+$0x3CA0] =	vst v15  }
0x67: {  	v26 =	vld [tilespmem:s6+$0x3D20];
	v16 =	vbroadcast v2, $0x2;
	v9 =	vmul.f32 v9, v21;
	[tilespmem:s6+$0x3CB0] =	vst v10  }
0x68: {  	v27 =	vld [tilespmem:s6+$0x3D30];
	v11 =	vmul.f32 v23, v21;
	[tilespmem:s6+$0x3CC0] =	vst v8  }
0x69: {  	v28 =	vld [tilespmem:s6+$0x3D40];
	v6 =	vbroadcast v2, $0xA;
	v30 =	vmul.f32 v24, v16;
	[tilespmem:s6+$0x3CD0] =	vst v9  }
0x6a: {  	v29 =	vld [tilespmem:s6+$0x3D50];
	v32 =	vmul.f32 v25, v16;
	[tilespmem:s6+$0x3CF0] =	vst v11  }
0x6b: {  	v31 =	vld [tilespmem:s6+$0x3D60];
	v4 =	vmul.f32 v7, v6;
	[tilespmem:s6+$0x3D00] =	vst v30  }
0x6c: {  	v33 =	vld [tilespmem:s6+$0x3D70];
	v12 =	vmul.f32 v22, v21;
	[tilespmem:s6+$0x3D10] =	vst v32  }
0x6d: {  	v34 =	vld [tilespmem:s6+$0x3D80];
	v10 =	vmul.f32 v26, v16;
	[tilespmem:s6+$0x4170] =	vst v4  }
0x6e: {  	v35 =	vld [tilespmem:s6+$0x3D90];
	v8 =	vmul.f32 v27, v16;
	[tilespmem:s6+$0x3CE0] =	vst v12  }
0x6f: {  	v36 =	vld [tilespmem:s6+$0x3DA0];
	v9 =	vmul.f32 v28, v16;
	[tilespmem:s6+$0x3D20] =	vst v10  }
0x70: {  	v37 =	vld [tilespmem:s6+$0x3DB0];
	v39 =	vbroadcast v2, $0x3;
	v11 =	vmul.f32 v31, v16;
	[tilespmem:s6+$0x3D30] =	vst v8  }
0x71: {  	v38 =	vld [tilespmem:s6+$0x3DC0];
	v13 =	vmul.f32 v33, v16;
	[tilespmem:s6+$0x3D40] =	vst v9  }
0x72: {  	v40 =	vld [tilespmem:s6+$0x3DD0];
	v14 =	vmul.f32 v34, v39;
	[tilespmem:s6+$0x3D60] =	vst v11  }
0x73: {  	v41 =	vld [tilespmem:s6+$0x3DE0];
	v12 =	vmul.f32 v29, v16;
	[tilespmem:s6+$0x3D70] =	vst v13  }
0x74: {  	v42 =	vld [tilespmem:s6+$0x3DF0];
	v10 =	vmul.f32 v35, v39;
	[tilespmem:s6+$0x3D80] =	vst v14  }
0x75: {  	v43 =	vld [tilespmem:s6+$0x3E00];
	v8 =	vmul.f32 v36, v39;
	[tilespmem:s6+$0x3D50] =	vst v12  }
0x76: {  	v44 =	vld [tilespmem:s6+$0x3E10];
	v9 =	vmul.f32 v37, v39;
	[tilespmem:s6+$0x3D90] =	vst v10  }
0x77: {  	v45 =	vld [tilespmem:s6+$0x3E20];
	v11 =	vmul.f32 v40, v39;
	[tilespmem:s6+$0x3DA0] =	vst v8  }
0x78: {  	v46 =	vld [tilespmem:s6+$0x3E30];
	v13 =	vmul.f32 v41, v39;
	[tilespmem:s6+$0x3DB0] =	vst v9  }
0x79: {  	v47 =	vld [tilespmem:s6+$0x3E40];
	v48 =	vbroadcast v2, $0x4;
	v14 =	vmul.f32 v42, v39;
	[tilespmem:s6+$0x3DD0] =	vst v11  }
0x7a: {  	v49 =	vld [tilespmem:s6+$0x3E50];
	v12 =	vmul.f32 v38, v39;
	[tilespmem:s6+$0x3DE0] =	vst v13  }
0x7b: {  	v50 =	vld [tilespmem:s6+$0x3E60];
	v10 =	vmul.f32 v43, v48;
	[tilespmem:s6+$0x3DF0] =	vst v14  }
0x7c: {  	v51 =	vld [tilespmem:s6+$0x3E70];
	v8 =	vmul.f32 v44, v48;
	[tilespmem:s6+$0x3DC0] =	vst v12  }
0x7d: {  	v52 =	vld [tilespmem:s6+$0x3E80];
	v9 =	vmul.f32 v45, v48;
	[tilespmem:s6+$0x3E00] =	vst v10  }
0x7e: {  	v53 =	vld [tilespmem:s6+$0x3E90];
	v11 =	vmul.f32 v47, v48;
	[tilespmem:s6+$0x3E10] =	vst v8  }
0x7f: {  	v54 =	vld [tilespmem:s6+$0x3EA0];
	v13 =	vmul.f32 v49, v48;
	[tilespmem:s6+$0x3E20] =	vst v9  }
0x80: {  	v55 =	vld [tilespmem:s6+$0x3EB0];
	v14 =	vmul.f32 v50, v48;
	[tilespmem:s6+$0x3E40] =	vst v11  }
0x81: {  	v56 =	vld [tilespmem:s6+$0x3EC0];
	v57 =	vbroadcast v2, $0x5;
	v12 =	vmul.f32 v46, v48;
	[tilespmem:s6+$0x3E50] =	vst v13  }
0x82: {  	v58 =	vld [tilespmem:s6+$0x3ED0];
	v10 =	vmul.f32 v51, v48;
	[tilespmem:s6+$0x3E60] =	vst v14  }
0x83: {  	v59 =	vld [tilespmem:s6+$0x3EE0];
	v8 =	vmul.f32 v52, v57;
	[tilespmem:s6+$0x3E30] =	vst v12  }
0x84: {  	v60 =	vld [tilespmem:s6+$0x3EF0];
	v9 =	vmul.f32 v53, v57;
	[tilespmem:s6+$0x3E70] =	vst v10  }
0x85: {  	v61 =	vld [tilespmem:s6+$0x3F00];
	v11 =	vmul.f32 v55, v57;
	[tilespmem:s6+$0x3E80] =	vst v8  }
0x86: {  	v62 =	vld [tilespmem:s6+$0x3F10];
	v13 =	vmul.f32 v56, v57;
	[tilespmem:s6+$0x3E90] =	vst v9  }
0x87: {  	v63 =	vld [tilespmem:s6+$0x3F20];
	v14 =	vmul.f32 v58, v57;
	[tilespmem:s6+$0x3EB0] =	vst v11  }
0x88: {  	v20 =	vld [tilespmem:s6+$0x3F30];
	v12 =	vmul.f32 v54, v57;
	[tilespmem:s6+$0x3EC0] =	vst v13  }
0x89: {  	v21 =	vld [tilespmem:s6+$0x3F40];
	v22 =	vbroadcast v2, $0x6;
	v10 =	vmul.f32 v59, v57;
	[tilespmem:s6+$0x3ED0] =	vst v14  }
0x8a: {  	v23 =	vld [tilespmem:s6+$0x3F50];
	v8 =	vmul.f32 v60, v57;
	[tilespmem:s6+$0x3EA0] =	vst v12  }
0x8b: {  	v24 =	vld [tilespmem:s6+$0x3F60];
	v9 =	vmul.f32 v61, v22;
	[tilespmem:s6+$0x3EE0] =	vst v10  }
0x8c: {  	v25 =	vld [tilespmem:s6+$0x3F70];
	v11 =	vmul.f32 v63, v22;
	[tilespmem:s6+$0x3EF0] =	vst v8  }
0x8d: {  	v5 =	vld [tilespmem:s6+$0x4180];
	v13 =	vmul.f32 v20, v22;
	[tilespmem:s6+$0x3F00] =	vst v9  }
0x8e: {  	v27 =	vld [tilespmem:s6+$0x3F90];
	v14 =	vmul.f32 v21, v22;
	[tilespmem:s6+$0x3F20] =	vst v11  }
0x8f: {  	v28 =	vld [tilespmem:s6+$0x3FA0];
	v12 =	vmul.f32 v62, v22;
	[tilespmem:s6+$0x3F30] =	vst v13  }
0x90: {  	v29 =	vld [tilespmem:s6+$0x3FB0];
	v10 =	vmul.f32 v23, v22;
	[tilespmem:s6+$0x3F40] =	vst v14  }
0x91: {  	v31 =	vbroadcast v2, $0x7;
	v53 =	vld [tilespmem:s6+$0x4100];
	v8 =	vmul.f32 v24, v22;
	[tilespmem:s6+$0x3F10] =	vst v12  }
0x92: {  	v58 =	vld [tilespmem:s6+$0x4150];
	v9 =	vmul.f32 v25, v22;
	[tilespmem:s6+$0x3F50] =	vst v10  }
0x93: {  	v26 =	vld [tilespmem:s6+$0x3F80];
	v11 =	vmul.f32 v27, v31;
	[tilespmem:s6+$0x3F60] =	vst v8  }
0x94: {  	v30 =	vld [tilespmem:s6+$0x3FC0];
	v13 =	vmul.f32 v28, v31;
	[tilespmem:s6+$0x3F70] =	vst v9  }
0x95: {  	v32 =	vld [tilespmem:s6+$0x3FD0];
	v14 =	vmul.f32 v29, v31;
	[tilespmem:s6+$0x3F90] =	vst v11  }
0x96: {  	v33 =	vld [tilespmem:s6+$0x3FE0];
	v59 =	vmul.f32 v53, v6;
	[tilespmem:s6+$0x3FA0] =	vst v13  }
0x97: {  	v35 =	vld [tilespmem:s6+$0x4000];
	v21 =	vmul.f32 v58, v6;
	[tilespmem:s6+$0x3FB0] =	vst v14  }
0x98: {  	v36 =	vld [tilespmem:s6+$0x4010];
	v12 =	vmul.f32 v26, v31;
	[tilespmem:s6+$0x4100] =	vst v59  }
0x99: {  	v37 =	vld [tilespmem:s6+$0x4020];
	v10 =	vmul.f32 v30, v31;
	[tilespmem:s6+$0x4150] =	vst v21  }
0x9a: {  	v7 =	vld [tilespmem:s6+$0x4190];
	v40 =	vbroadcast v2, $0x8;
	v8 =	vmul.f32 v32, v31;
	[tilespmem:s6+$0x3F80] =	vst v12  }
0x9b: {  	v34 =	vld [tilespmem:s6+$0x3FF0];
	v9 =	vmul.f32 v33, v31;
	[tilespmem:s6+$0x3FC0] =	vst v10  }
0x9c: {  	v57 =	vld [tilespmem:s6+$0x4140];
	v11 =	vmul.f32 v35, v40;
	[tilespmem:s6+$0x3FD0] =	vst v8  }
0x9d: {  	v61 =	vld [tilespmem:s6+$0x3C00];
	v24 =	vbroadcast v2, $0xB;
	v13 =	vmul.f32 v36, v40;
	[tilespmem:s6+$0x3FE0] =	vst v9  }
0x9e: {  	v4 =	vld [tilespmem:s6+$0x43D0];
	v14 =	vmul.f32 v37, v40;
	[tilespmem:s6+$0x4000] =	vst v11  }
0x9f: {  	v38 =	vld [tilespmem:s6+$0x4030];
	v5 =	vmul.f32 v5, v24;
	[tilespmem:s6+$0x4010] =	vst v13  }
0xa0: {  	v39 =	vld [tilespmem:s6+$0x4040];
	v7 =	vmul.f32 v7, v24;
	[tilespmem:s6+$0x4020] =	vst v14  }
0xa1: {  	v41 =	vld [tilespmem:s6+$0x4050];
	v19 =	vmul.f32 v57, v6;
	[tilespmem:s6+$0x4180] =	vst v5  }
0xa2: {  	v43 =	vld [tilespmem:s6+$0x4070];
	v25 =	vmul.f32 v3, v61;
	[tilespmem:s6+$0x4190] =	vst v7  }
0xa3: {  	v44 =	vld [tilespmem:s6+$0x4080];
	v12 =	vmul.f32 v34, v31;
	[tilespmem:s6+$0x4140] =	vst v19  }
0xa4: {  	v45 =	vld [tilespmem:s6+$0x4090];
	v10 =	vmul.f32 v38, v40;
	[tilespmem:s6+$0x3C00] =	vst v25  }
0xa5: {  	v27 =	vld [tilespmem:s6+$0x41D0];
	v8 =	vmul.f32 v39, v40;
	[tilespmem:s6+$0x3FF0] =	vst v12  }
0xa6: {  	v49 =	vbroadcast v2, $0x9;
	v29 =	vld [tilespmem:s6+$0x41F0];
	v9 =	vmul.f32 v41, v40;
	[tilespmem:s6+$0x4030] =	vst v10  }
0xa7: {  	v42 =	vld [tilespmem:s6+$0x4060];
	v11 =	vmul.f32 v43, v40;
	[tilespmem:s6+$0x4040] =	vst v8  }
0xa8: {  	v46 =	vld [tilespmem:s6+$0x40A0];
	v13 =	vmul.f32 v44, v49;
	[tilespmem:s6+$0x4050] =	vst v9  }
0xa9: {  	v47 =	vld [tilespmem:s6+$0x40B0];
	v14 =	vmul.f32 v45, v49;
	[tilespmem:s6+$0x4070] =	vst v11  }
0xaa: {  	v48 =	vld [tilespmem:s6+$0x40C0];
	v32 =	vmul.f32 v27, v24;
	[tilespmem:s6+$0x4080] =	vst v13  }
0xab: {  	v51 =	vld [tilespmem:s6+$0x40E0];
	v7 =	vmul.f32 v29, v24;
	[tilespmem:s6+$0x4090] =	vst v14  }
0xac: {  	v52 =	vld [tilespmem:s6+$0x40F0];
	v12 =	vmul.f32 v42, v40;
	[tilespmem:s6+$0x41D0] =	vst v32  }
0xad: {  	v10 =	vmul.f32 v46, v49;
	[tilespmem:s6+$0x41F0] =	vst v7  }
0xae: {  	v28 =	vld [tilespmem:s6+$0x41E0];
	v8 =	vmul.f32 v47, v49;
	[tilespmem:s6+$0x4060] =	vst v12  }
0xaf: {  	v30 =	vld [tilespmem:s6+$0x4200];
	v9 =	vmul.f32 v48, v49;
	[tilespmem:s6+$0x40A0] =	vst v10  }
0xb0: {  	v50 =	vld [tilespmem:s6+$0x40D0];
	v5 =	vbroadcast v2, $0xF;
	v11 =	vmul.f32 v51, v49;
	[tilespmem:s6+$0x40B0] =	vst v8  }
0xb1: {  	v54 =	vld [tilespmem:s6+$0x4110];
	v13 =	vmul.f32 v52, v49;
	[tilespmem:s6+$0x40C0] =	vst v9  }
0xb2: {  	v55 =	vld [tilespmem:s6+$0x4120];
	v35 =	vbroadcast v2, $0xC;
	v4 =	vmul.f32 v4, v5;
	[tilespmem:s6+$0x40E0] =	vst v11  }
0xb3: {  	v56 =	vld [tilespmem:s6+$0x4130];
	v40 =	vmul.f32 v28, v24;
	[tilespmem:s6+$0x40F0] =	vst v13  }
0xb4: {  	v60 =	vld [tilespmem:s6+$0x4160];
	v16 =	vmul.f32 v30, v35;
	[tilespmem:s6+$0x43D0] =	vst v4  }
0xb5: {  	v62 =	vld [tilespmem:s6+$0x3C10];
	v12 =	vmul.f32 v50, v49;
	[tilespmem:s6+$0x41E0] =	vst v40  }
0xb6: {  	v63 =	vld [tilespmem:s6+$0x3C40];
	v10 =	vmul.f32 v54, v6;
	[tilespmem:s6+$0x4200] =	vst v16  }
0xb7: {  	v20 =	vld [tilespmem:s6+$0x3C50];
	v8 =	vmul.f32 v55, v6;
	[tilespmem:s6+$0x40D0] =	vst v12  }
0xb8: {  	v33 =	vld [tilespmem:s6+$0x4230];
	v9 =	vmul.f32 v56, v6;
	[tilespmem:s6+$0x4110] =	vst v10  }
0xb9: {  	v61 =	vld [tilespmem:s6+$0x43F0];
	v6 =	vmul.f32 v60, v6;
	[tilespmem:s6+$0x4120] =	vst v8  }
0xba: {  	v38 =	vld [tilespmem:s6+$0x4270];
	v13 =	vmul.f32 v62, v3;
	[tilespmem:s6+$0x4130] =	vst v9  }
0xbb: {  	v22 =	vld [tilespmem:s6+$0x41A0];
	v4 =	vmul.f32 v63, v3;
	[tilespmem:s6+$0x4160] =	vst v6  }
0xbc: {  	v23 =	vld [tilespmem:s6+$0x41B0];
	v3 =	vmul.f32 v20, v3;
	[tilespmem:s6+$0x3C10] =	vst v13  }
0xbd: {  	v26 =	vld [tilespmem:s6+$0x41C0];
	v62 =	vmul.f32 v33, v35;
	[tilespmem:s6+$0x3C40] =	vst v4  }
0xbe: {  	v31 =	vld [tilespmem:s6+$0x4210];
	v63 =	vmul.f32 v61, v5;
	[tilespmem:s6+$0x3C50] =	vst v3  }
0xbf: {  	v34 =	vld [tilespmem:s6+$0x4240];
	v16 =	vmul.f32 v38, v35;
	[tilespmem:s6+$0x4230] =	vst v62  }
0xc0: {  	v41 =	vld [tilespmem:s6+$0x42A0];
	v8 =	vmul.f32 v22, v24;
	[tilespmem:s6+$0x43F0] =	vst v63  }
0xc1: {  	v46 =	vld [tilespmem:s6+$0x42E0];
	v9 =	vmul.f32 v23, v24;
	[tilespmem:s6+$0x4270] =	vst v16  }
0xc2: {  	v6 =	vmul.f32 v26, v24;
	v3 =	vld [tilespmem:s6+$0x4290];
	[tilespmem:s6+$0x41A0] =	vst v8  }
0xc3: {  	v36 =	vld [tilespmem:s6+$0x4250];
	v44 =	vbroadcast v2, $0xD;
	v10 =	vmul.f32 v31, v35;
	[tilespmem:s6+$0x41B0] =	vst v9  }
0xc4: {  	v37 =	vld [tilespmem:s6+$0x4260];
	v13 =	vmul.f32 v34, v35;
	[tilespmem:s6+$0x41C0] =	vst v6  }
0xc5: {  	v39 =	vld [tilespmem:s6+$0x4280];
	v12 =	vmul.f32 v41, v44;
	[tilespmem:s6+$0x4210] =	vst v10  }
0xc6: {  	v42 =	vld [tilespmem:s6+$0x42B0];
	v51 =	vmul.f32 v46, v44;
	[tilespmem:s6+$0x4240] =	vst v13  }
0xc7: {  	v48 =	vld [tilespmem:s6+$0x4310];
	[tilespmem:s6+$0x42A0] =	vst v12;
	v3 =	vmul.f32 v3, v44  }
0xc8: {  	v49 =	vld [tilespmem:s6+$0x4320];
	v9 =	vmul.f32 v36, v35;
	[tilespmem:s6+$0x42E0] =	vst v51  }
0xc9: {  	v6 =	vmul.f32 v37, v35;
	[tilespmem:s6+$0x4290] =	vst v3;
	v3 =	vld [tilespmem:s6+$0x4300]  }
0xca: {  	v2 =	vbroadcast v2, $0xE;
	v50 =	vld [tilespmem:s6+$0x4330];
	v10 =	vmul.f32 v39, v44;
	[tilespmem:s6+$0x4250] =	vst v9  }
0xcb: {  	v45 =	vld [tilespmem:s6+$0x42D0];
	v13 =	vmul.f32 v42, v44;
	[tilespmem:s6+$0x4260] =	vst v6  }
0xcc: {  	v47 =	vld [tilespmem:s6+$0x42F0];
	v12 =	vmul.f32 v48, v2;
	[tilespmem:s6+$0x4280] =	vst v10  }
0xcd: {  	v43 =	vld [tilespmem:s6+$0x42C0];
	v11 =	vmul.f32 v49, v2;
	[tilespmem:s6+$0x42B0] =	vst v13  }
0xce: {  	v55 =	vld [tilespmem:s6+$0x4380];
	[tilespmem:s6+$0x4310] =	vst v12;
	v3 =	vmul.f32 v3, v2  }
0xcf: {  	v57 =	vld [tilespmem:s6+$0x43A0];
	v7 =	vmul.f32 v50, v2;
	[tilespmem:s6+$0x4320] =	vst v11  }
0xd0: {  	v6 =	vmul.f32 v45, v44;
	[tilespmem:s6+$0x4300] =	vst v3;
	v3 =	vld [tilespmem:s6+$0x4370]  }
0xd1: {  	v52 =	vld [tilespmem:s6+$0x4340];
	v10 =	vmul.f32 v47, v44;
	[tilespmem:s6+$0x4330] =	vst v7  }
0xd2: {  	v56 =	vld [tilespmem:s6+$0x4390];
	v9 =	vmul.f32 v43, v44;
	[tilespmem:s6+$0x42D0] =	vst v6  }
0xd3: {  	v54 =	vld [tilespmem:s6+$0x4360];
	v12 =	vmul.f32 v55, v5;
	[tilespmem:s6+$0x42F0] =	vst v10  }
0xd4: {  	v58 =	vld [tilespmem:s6+$0x43B0];
	v7 =	vmul.f32 v57, v5;
	[tilespmem:s6+$0x42C0] =	vst v9  }
0xd5: {  	v53 =	vld [tilespmem:s6+$0x4350];
	[tilespmem:s6+$0x4380] =	vst v12;
	v3 =	vmul.f32 v3, v2  }
0xd6: {  	v59 =	vld [tilespmem:s6+$0x43C0];
	v6 =	vmul.f32 v52, v2;
	[tilespmem:s6+$0x43A0] =	vst v7  }
0xd7: {  	v60 =	vld [tilespmem:s6+$0x43E0];
	[tilespmem:s6+$0x4370] =	vst v3;
	v3 =	vmul.f32 v56, v5  }
0xd8: {  	v10 =	vmul.f32 v54, v2;
	[tilespmem:s6+$0x4340] =	vst v6  }
0xd9: {  	v4 =	vld [tilespmem:s6+$0x4220];
	[tilespmem:s6+$0x4390] =	vst v3;
	v3 =	vmul.f32 v58, v5  }
0xda: {  	[tilespmem:s6+$0x4360] =	vst v10;
	v2 =	vmul.f32 v53, v2  }
0xdb: {  	[tilespmem:s6+$0x43B0] =	vst v3;
	v3 =	vmul.f32 v59, v5  }
0xdc: {  	[tilespmem:s6+$0x4350] =	vst v2;
	v5 =	vmul.f32 v60, v5  }
0xdd: {  	[tilespmem:s6+$0x43C0] =	vst v3  }
0xde: {  	s9 =	simm.s32 $0x1;
	v3 =	vmul.f32 v4, v35;
	[tilespmem:s6+$0x43E0] =	vst v5  }
.LBB2_6:
0xdf: {  	s10 =	sshll.u32 s9, $0x4  }
0xe0: {  	p1 =	sne.s32 s9, $0x7;
	[tilespmem:s6+$0x4220] =	vst v3;
	s6 =	smov.u32 s9;
	s9 =	sadd.s32 $0x1, s9  }
0xe1: {  	s10 =	sand.u32 $0x3FFFFFF0, s10  }
0xe2: {  	v2 =	vld.idx.msk [tilespmem:v1+s10+$0x0 ss:$0x1], $0xffff  }
0xe3: {  	s6 =	sshll.u32 s6, $0xB  }
0xe4: {  	s6 =	sand.u32 $0x3FFFF800, s6  }
0xe5: {  	v9 =	vld [tilespmem:s6+$0x3CC0]  }
0xe6: {  	v10 =	vld [tilespmem:s6+$0x3CD0]  }
0xe7: {  	v11 =	vld [tilespmem:s6+$0x3CB0]  }
0xe8: {  	v3 =	vbroadcast v2, $0x0;
	v8 =	vbroadcast v2, $0x4;
	v4 =	vld [tilespmem:s6+$0x3C20]  }
0xe9: {  	v6 =	vld [tilespmem:s6+$0x3C30]  }
0xea: {  	v7 =	vld [tilespmem:s6+$0x4170]  }
0xeb: {  	v12 =	vld [tilespmem:s6+$0x3C60]  }
0xec: {  	v13 =	vld [tilespmem:s6+$0x3C70]  }
0xed: {  	v5 =	vbroadcast v2, $0xA;
	v4 =	vmul.f32 v4, v3;
	v14 =	vld [tilespmem:s6+$0x3C80]  }
0xee: {  	v6 =	vmul.f32 v6, v3;
	v15 =	vld [tilespmem:s6+$0x3C90]  }
0xef: {  	[tilespmem:s6+$0x3C20] =	vst v4;
	v16 =	vld [tilespmem:s6+$0x3CA0];
	v4 =	vmul.f32 v7, v5  }
0xf0: {  	[tilespmem:s6+$0x3C30] =	vst v6;
	v7 =	vmul.f32 v12, v3;
	v12 =	vbroadcast v2, $0x1;
	v6 =	vld [tilespmem:s6+$0x4180]  }
0xf1: {  	v13 =	vmul.f32 v13, v3;
	[tilespmem:s6+$0x4170] =	vst v4;
	v4 =	vld [tilespmem:s6+$0x43D0]  }
0xf2: {  	[tilespmem:s6+$0x3C60] =	vst v7;
	v14 =	vmul.f32 v14, v12;
	v7 =	vld [tilespmem:s6+$0x4190]  }
0xf3: {  	[tilespmem:s6+$0x3C70] =	vst v13;
	v13 =	vmul.f32 v15, v12;
	v15 =	vld [tilespmem:s6+$0x3CE0]  }
0xf4: {  	[tilespmem:s6+$0x3C80] =	vst v14;
	v14 =	vmul.f32 v16, v12;
	v16 =	vld [tilespmem:s6+$0x3CF0]  }
0xf5: {  	v11 =	vmul.f32 v11, v12;
	[tilespmem:s6+$0x3C90] =	vst v13;
	v13 =	vld [tilespmem:s6+$0x3D00]  }
0xf6: {  	v9 =	vmul.f32 v9, v12;
	[tilespmem:s6+$0x3CA0] =	vst v14;
	v14 =	vld [tilespmem:s6+$0x3D10]  }
0xf7: {  	v10 =	vmul.f32 v10, v12;
	[tilespmem:s6+$0x3CB0] =	vst v11;
	v11 =	vld [tilespmem:s6+$0x3D20]  }
0xf8: {  	[tilespmem:s6+$0x3CC0] =	vst v9;
	v9 =	vmul.f32 v15, v12;
	v15 =	vbroadcast v2, $0x2;
	v17 =	vld [tilespmem:s6+$0x3D30]  }
0xf9: {  	[tilespmem:s6+$0x3CD0] =	vst v10;
	v10 =	vmul.f32 v16, v12;
	v12 =	vld [tilespmem:s6+$0x3D40]  }
0xfa: {  	[tilespmem:s6+$0x3CE0] =	vst v9;
	v9 =	vmul.f32 v13, v15;
	v13 =	vld [tilespmem:s6+$0x3D50]  }
0xfb: {  	[tilespmem:s6+$0x3CF0] =	vst v10;
	v10 =	vmul.f32 v14, v15;
	v14 =	vld [tilespmem:s6+$0x3D60]  }
0xfc: {  	[tilespmem:s6+$0x3D00] =	vst v9;
	v9 =	vmul.f32 v11, v15;
	v11 =	vld [tilespmem:s6+$0x3D70]  }
0xfd: {  	[tilespmem:s6+$0x3D10] =	vst v10;
	v10 =	vmul.f32 v17, v15;
	v16 =	vld [tilespmem:s6+$0x3D80]  }
0xfe: {  	[tilespmem:s6+$0x3D20] =	vst v9;
	v9 =	vmul.f32 v12, v15;
	v12 =	vld [tilespmem:s6+$0x3D90]  }
0xff: {  	[tilespmem:s6+$0x3D30] =	vst v10;
	v10 =	vmul.f32 v13, v15;
	v13 =	vld [tilespmem:s6+$0x3DA0]  }
0x100: {  	[tilespmem:s6+$0x3D40] =	vst v9;
	v9 =	vmul.f32 v14, v15;
	v14 =	vbroadcast v2, $0x3;
	v17 =	vld [tilespmem:s6+$0x3DB0]  }
0x101: {  	[tilespmem:s6+$0x3D50] =	vst v10;
	v10 =	vmul.f32 v11, v15;
	v11 =	vld [tilespmem:s6+$0x3DC0]  }
0x102: {  	[tilespmem:s6+$0x3D60] =	vst v9;
	v9 =	vmul.f32 v16, v14;
	v15 =	vld [tilespmem:s6+$0x3DD0]  }
0x103: {  	[tilespmem:s6+$0x3D70] =	vst v10;
	v10 =	vmul.f32 v12, v14;
	v12 =	vld [tilespmem:s6+$0x3DE0]  }
0x104: {  	[tilespmem:s6+$0x3D80] =	vst v9;
	v9 =	vmul.f32 v13, v14;
	v13 =	vld [tilespmem:s6+$0x3DF0]  }
0x105: {  	[tilespmem:s6+$0x3D90] =	vst v10;
	v10 =	vmul.f32 v17, v14;
	v16 =	vld [tilespmem:s6+$0x3E00]  }
0x106: {  	[tilespmem:s6+$0x3DA0] =	vst v9;
	v9 =	vmul.f32 v11, v14;
	v11 =	vld [tilespmem:s6+$0x3E10]  }
0x107: {  	[tilespmem:s6+$0x3DB0] =	vst v10;
	v10 =	vmul.f32 v15, v14;
	v15 =	vld [tilespmem:s6+$0x3E20]  }
0x108: {  	[tilespmem:s6+$0x3DC0] =	vst v9;
	v9 =	vmul.f32 v12, v14;
	v12 =	vld [tilespmem:s6+$0x3E30]  }
0x109: {  	[tilespmem:s6+$0x3DD0] =	vst v10;
	v10 =	vmul.f32 v13, v14;
	v13 =	vld [tilespmem:s6+$0x3E40]  }
0x10a: {  	[tilespmem:s6+$0x3DE0] =	vst v9;
	v9 =	vmul.f32 v16, v8;
	v14 =	vld [tilespmem:s6+$0x3E50]  }
0x10b: {  	[tilespmem:s6+$0x3DF0] =	vst v10;
	v10 =	vmul.f32 v11, v8;
	v11 =	vld [tilespmem:s6+$0x3E60]  }
0x10c: {  	[tilespmem:s6+$0x3E00] =	vst v9;
	v9 =	vmul.f32 v15, v8;
	v15 =	vld [tilespmem:s6+$0x3E70]  }
0x10d: {  	[tilespmem:s6+$0x3E10] =	vst v10;
	v10 =	vmul.f32 v12, v8;
	v12 =	vld [tilespmem:s6+$0x3E80]  }
0x10e: {  	[tilespmem:s6+$0x3E20] =	vst v9;
	v9 =	vmul.f32 v13, v8;
	v13 =	vld [tilespmem:s6+$0x3E90]  }
0x10f: {  	[tilespmem:s6+$0x3E30] =	vst v10;
	v10 =	vmul.f32 v14, v8;
	v14 =	vld [tilespmem:s6+$0x3EA0]  }
0x110: {  	[tilespmem:s6+$0x3E40] =	vst v9;
	v9 =	vmul.f32 v11, v8;
	v11 =	vbroadcast v2, $0x5;
	v16 =	vld [tilespmem:s6+$0x3EB0]  }
0x111: {  	[tilespmem:s6+$0x3E50] =	vst v10;
	v8 =	vmul.f32 v15, v8;
	v10 =	vld [tilespmem:s6+$0x3EC0]  }
0x112: {  	[tilespmem:s6+$0x3E60] =	vst v9;
	v9 =	vmul.f32 v12, v11;
	v12 =	vld [tilespmem:s6+$0x3ED0]  }
0x113: {  	[tilespmem:s6+$0x3E70] =	vst v8;
	v8 =	vmul.f32 v13, v11;
	v13 =	vld [tilespmem:s6+$0x3EE0]  }
0x114: {  	[tilespmem:s6+$0x3E80] =	vst v9;
	v9 =	vmul.f32 v14, v11;
	v14 =	vld [tilespmem:s6+$0x3EF0]  }
0x115: {  	[tilespmem:s6+$0x3E90] =	vst v8;
	v8 =	vmul.f32 v16, v11;
	v15 =	vld [tilespmem:s6+$0x3F00]  }
0x116: {  	[tilespmem:s6+$0x3EA0] =	vst v9;
	v9 =	vmul.f32 v10, v11;
	v10 =	vld [tilespmem:s6+$0x3F10]  }
0x117: {  	[tilespmem:s6+$0x3EB0] =	vst v8;
	v8 =	vmul.f32 v12, v11;
	v12 =	vld [tilespmem:s6+$0x3F20]  }
0x118: {  	[tilespmem:s6+$0x3EC0] =	vst v9;
	v9 =	vmul.f32 v13, v11;
	v13 =	vbroadcast v2, $0x6;
	v16 =	vld [tilespmem:s6+$0x3F30]  }
0x119: {  	[tilespmem:s6+$0x3ED0] =	vst v8;
	v8 =	vmul.f32 v14, v11;
	v11 =	vld [tilespmem:s6+$0x3F40]  }
0x11a: {  	[tilespmem:s6+$0x3EE0] =	vst v9;
	v9 =	vmul.f32 v15, v13;
	v14 =	vld [tilespmem:s6+$0x3F50]  }
0x11b: {  	[tilespmem:s6+$0x3EF0] =	vst v8;
	v8 =	vmul.f32 v10, v13;
	v10 =	vld [tilespmem:s6+$0x3F60]  }
0x11c: {  	[tilespmem:s6+$0x3F00] =	vst v9;
	v9 =	vmul.f32 v12, v13;
	v12 =	vld [tilespmem:s6+$0x3F70]  }
0x11d: {  	[tilespmem:s6+$0x3F10] =	vst v8;
	v8 =	vmul.f32 v16, v13;
	v15 =	vld [tilespmem:s6+$0x3F80]  }
0x11e: {  	[tilespmem:s6+$0x3F20] =	vst v9;
	v9 =	vmul.f32 v11, v13;
	v11 =	vld [tilespmem:s6+$0x3F90]  }
0x11f: {  	[tilespmem:s6+$0x3F30] =	vst v8;
	v8 =	vmul.f32 v14, v13;
	v14 =	vld [tilespmem:s6+$0x3FA0]  }
0x120: {  	[tilespmem:s6+$0x3F40] =	vst v9;
	v9 =	vmul.f32 v10, v13;
	v10 =	vbroadcast v2, $0x7;
	v16 =	vld [tilespmem:s6+$0x3FB0]  }
0x121: {  	[tilespmem:s6+$0x3F50] =	vst v8;
	v8 =	vmul.f32 v12, v13;
	v12 =	vld [tilespmem:s6+$0x3FC0]  }
0x122: {  	[tilespmem:s6+$0x3F60] =	vst v9;
	v9 =	vmul.f32 v15, v10;
	v13 =	vld [tilespmem:s6+$0x3FD0]  }
0x123: {  	[tilespmem:s6+$0x3F70] =	vst v8;
	v8 =	vmul.f32 v11, v10;
	v11 =	vld [tilespmem:s6+$0x3FE0]  }
0x124: {  	[tilespmem:s6+$0x3F80] =	vst v9;
	v9 =	vmul.f32 v14, v10;
	v14 =	vld [tilespmem:s6+$0x3FF0]  }
0x125: {  	[tilespmem:s6+$0x3F90] =	vst v8;
	v8 =	vmul.f32 v16, v10;
	v15 =	vld [tilespmem:s6+$0x4000]  }
0x126: {  	[tilespmem:s6+$0x3FA0] =	vst v9;
	v9 =	vmul.f32 v12, v10;
	v12 =	vld [tilespmem:s6+$0x4010]  }
0x127: {  	[tilespmem:s6+$0x3FB0] =	vst v8;
	v8 =	vmul.f32 v13, v10;
	v13 =	vld [tilespmem:s6+$0x4020]  }
0x128: {  	[tilespmem:s6+$0x3FC0] =	vst v9;
	v9 =	vmul.f32 v11, v10;
	v11 =	vbroadcast v2, $0x8;
	v16 =	vld [tilespmem:s6+$0x4030]  }
0x129: {  	[tilespmem:s6+$0x3FD0] =	vst v8;
	v8 =	vmul.f32 v14, v10;
	v10 =	vld [tilespmem:s6+$0x4040]  }
0x12a: {  	[tilespmem:s6+$0x3FE0] =	vst v9;
	v9 =	vmul.f32 v15, v11;
	v14 =	vld [tilespmem:s6+$0x4050]  }
0x12b: {  	[tilespmem:s6+$0x3FF0] =	vst v8;
	v8 =	vmul.f32 v12, v11;
	v12 =	vld [tilespmem:s6+$0x4060]  }
0x12c: {  	[tilespmem:s6+$0x4000] =	vst v9;
	v9 =	vmul.f32 v13, v11;
	v13 =	vld [tilespmem:s6+$0x4070]  }
0x12d: {  	[tilespmem:s6+$0x4010] =	vst v8;
	v8 =	vmul.f32 v16, v11;
	v15 =	vld [tilespmem:s6+$0x4080]  }
0x12e: {  	[tilespmem:s6+$0x4020] =	vst v9;
	v9 =	vmul.f32 v10, v11;
	v10 =	vld [tilespmem:s6+$0x4090]  }
0x12f: {  	[tilespmem:s6+$0x4030] =	vst v8;
	v8 =	vmul.f32 v14, v11;
	v14 =	vld [tilespmem:s6+$0x40A0]  }
0x130: {  	[tilespmem:s6+$0x4040] =	vst v9;
	v9 =	vmul.f32 v12, v11;
	v12 =	vbroadcast v2, $0x9;
	v16 =	vld [tilespmem:s6+$0x40B0]  }
0x131: {  	[tilespmem:s6+$0x4050] =	vst v8;
	v8 =	vmul.f32 v13, v11;
	v11 =	vld [tilespmem:s6+$0x40C0]  }
0x132: {  	[tilespmem:s6+$0x4060] =	vst v9;
	v9 =	vmul.f32 v15, v12;
	v13 =	vld [tilespmem:s6+$0x40D0]  }
0x133: {  	[tilespmem:s6+$0x4070] =	vst v8;
	v8 =	vmul.f32 v10, v12;
	v10 =	vld [tilespmem:s6+$0x40E0]  }
0x134: {  	[tilespmem:s6+$0x4080] =	vst v9;
	v9 =	vmul.f32 v14, v12;
	v14 =	vld [tilespmem:s6+$0x40F0]  }
0x135: {  	[tilespmem:s6+$0x4090] =	vst v8;
	v8 =	vmul.f32 v16, v12;
	v15 =	vld [tilespmem:s6+$0x4100]  }
0x136: {  	[tilespmem:s6+$0x40A0] =	vst v9;
	v9 =	vmul.f32 v11, v12;
	v11 =	vld [tilespmem:s6+$0x4110]  }
0x137: {  	[tilespmem:s6+$0x40B0] =	vst v8;
	v8 =	vmul.f32 v13, v12;
	v13 =	vld [tilespmem:s6+$0x4120]  }
0x138: {  	[tilespmem:s6+$0x40C0] =	vst v9;
	v9 =	vmul.f32 v10, v12;
	v10 =	vld [tilespmem:s6+$0x4130]  }
0x139: {  	[tilespmem:s6+$0x40D0] =	vst v8;
	v8 =	vmul.f32 v14, v12;
	v12 =	vld [tilespmem:s6+$0x4140]  }
0x13a: {  	[tilespmem:s6+$0x40E0] =	vst v9;
	v9 =	vmul.f32 v15, v5;
	v14 =	vld [tilespmem:s6+$0x4150]  }
0x13b: {  	[tilespmem:s6+$0x40F0] =	vst v8;
	v8 =	vmul.f32 v11, v5;
	v11 =	vld [tilespmem:s6+$0x4160]  }
0x13c: {  	v15 =	vld [tilespmem:s6+$0x3C00];
	[tilespmem:s6+$0x4100] =	vst v9;
	v9 =	vmul.f32 v13, v5  }
0x13d: {  	v13 =	vld [tilespmem:s6+$0x3C10];
	[tilespmem:s6+$0x4110] =	vst v8;
	v8 =	vmul.f32 v10, v5  }
0x13e: {  	v10 =	vld [tilespmem:s6+$0x3C40];
	[tilespmem:s6+$0x4120] =	vst v9;
	v9 =	vmul.f32 v12, v5  }
0x13f: {  	v12 =	vld [tilespmem:s6+$0x3C50];
	[tilespmem:s6+$0x4130] =	vst v8;
	v8 =	vmul.f32 v14, v5  }
0x140: {  	[tilespmem:s6+$0x4140] =	vst v9;
	v9 =	vmul.f32 v11, v5;
	v11 =	vbroadcast v2, $0xB;
	v14 =	vld [tilespmem:s6+$0x41A0]  }
0x141: {  	v5 =	vbroadcast v2, $0xF;
	v15 =	vmul.f32 v3, v15;
	[tilespmem:s6+$0x4150] =	vst v8;
	v8 =	vld [tilespmem:s6+$0x41B0]  }
0x142: {  	v13 =	vmul.f32 v13, v3;
	[tilespmem:s6+$0x4160] =	vst v9;
	v6 =	vmul.f32 v6, v11;
	v9 =	vld [tilespmem:s6+$0x41C0]  }
0x143: {  	v7 =	vmul.f32 v7, v11;
	[tilespmem:s6+$0x3C00] =	vst v15;
	v10 =	vmul.f32 v10, v3;
	v15 =	vld [tilespmem:s6+$0x41D0]  }
0x144: {  	v4 =	vmul.f32 v4, v5;
	v12 =	vmul.f32 v12, v3;
	[tilespmem:s6+$0x4180] =	vst v6;
	v3 =	vld [tilespmem:s6+$0x41E0]  }
0x145: {  	[tilespmem:s6+$0x4190] =	vst v7;
	v6 =	vmul.f32 v14, v11;
	v7 =	vld [tilespmem:s6+$0x41F0]  }
0x146: {  	v8 =	vmul.f32 v8, v11;
	v14 =	vld [tilespmem:s6+$0x4200];
	[tilespmem:s6+$0x43D0] =	vst v4  }
0x147: {  	[tilespmem:s6+$0x3C10] =	vst v13;
	v4 =	vmul.f32 v9, v11;
	v9 =	vld [tilespmem:s6+$0x4210]  }
0x148: {  	[tilespmem:s6+$0x3C40] =	vst v10;
	v10 =	vmul.f32 v15, v11;
	v13 =	vld [tilespmem:s6+$0x4220]  }
0x149: {  	v15 =	vbroadcast v2, $0xC;
	[tilespmem:s6+$0x41A0] =	vst v6;
	v6 =	vmul.f32 v3, v11;
	v16 =	vld [tilespmem:s6+$0x4230]  }
0x14a: {  	[tilespmem:s6+$0x41D0] =	vst v10;
	v7 =	vmul.f32 v7, v11;
	v10 =	vld [tilespmem:s6+$0x4240]  }
0x14b: {  	[tilespmem:s6+$0x41B0] =	vst v8;
	v3 =	vmul.f32 v14, v15;
	v8 =	vld [tilespmem:s6+$0x4250]  }
0x14c: {  	[tilespmem:s6+$0x41C0] =	vst v4;
	v4 =	vmul.f32 v9, v15;
	v9 =	vld [tilespmem:s6+$0x4260]  }
0x14d: {  	[tilespmem:s6+$0x4200] =	vst v3;
	v3 =	vmul.f32 v13, v15;
	v11 =	vld [tilespmem:s6+$0x4270]  }
0x14e: {  	[tilespmem:s6+$0x4210] =	vst v4;
	v4 =	vld [tilespmem:s6+$0x4280]  }
0x14f: {  	[tilespmem:s6+$0x3C50] =	vst v12;
	v10 =	vmul.f32 v10, v15;
	v12 =	vld [tilespmem:s6+$0x4290]  }
0x150: {  	[tilespmem:s6+$0x41E0] =	vst v6;
	v6 =	vmul.f32 v8, v15;
	v8 =	vld [tilespmem:s6+$0x42A0]  }
0x151: {  	[tilespmem:s6+$0x4240] =	vst v10;
	v9 =	vmul.f32 v9, v15;
	v10 =	vbroadcast v2, $0xD;
	v13 =	vld [tilespmem:s6+$0x42B0]  }
0x152: {  	[tilespmem:s6+$0x4250] =	vst v6;
	v6 =	vmul.f32 v11, v15;
	v11 =	vld [tilespmem:s6+$0x42C0]  }
0x153: {  	[tilespmem:s6+$0x4260] =	vst v9;
	v4 =	vmul.f32 v4, v10;
	v9 =	vld [tilespmem:s6+$0x42D0]  }
0x154: {  	[tilespmem:s6+$0x4270] =	vst v6;
	v6 =	vmul.f32 v12, v10;
	v12 =	vld [tilespmem:s6+$0x42E0]  }
0x155: {  	[tilespmem:s6+$0x4280] =	vst v4;
	v4 =	vmul.f32 v8, v10;
	v8 =	vld [tilespmem:s6+$0x42F0]  }
0x156: {  	[tilespmem:s6+$0x4290] =	vst v6;
	v6 =	vmul.f32 v13, v10;
	v13 =	vld [tilespmem:s6+$0x4300]  }
0x157: {  	[tilespmem:s6+$0x42A0] =	vst v4;
	v4 =	vmul.f32 v11, v10;
	v11 =	vld [tilespmem:s6+$0x4310]  }
0x158: {  	[tilespmem:s6+$0x42B0] =	vst v6;
	v6 =	vmul.f32 v9, v10;
	v9 =	vld [tilespmem:s6+$0x4320]  }
0x159: {  	v2 =	vbroadcast v2, $0xE;
	[tilespmem:s6+$0x41F0] =	vst v7;
	v7 =	vmul.f32 v12, v10;
	v12 =	vld [tilespmem:s6+$0x4330]  }
0x15a: {  	[tilespmem:s6+$0x42D0] =	vst v6;
	v6 =	vmul.f32 v8, v10;
	v8 =	vld [tilespmem:s6+$0x4340]  }
0x15b: {  	[tilespmem:s6+$0x42E0] =	vst v7;
	v7 =	vmul.f32 v13, v2;
	v10 =	vld [tilespmem:s6+$0x4350]  }
0x15c: {  	[tilespmem:s6+$0x42F0] =	vst v6;
	v6 =	vmul.f32 v11, v2;
	v11 =	vld [tilespmem:s6+$0x4360]  }
0x15d: {  	[tilespmem:s6+$0x4300] =	vst v7;
	v7 =	vmul.f32 v9, v2;
	v9 =	vld [tilespmem:s6+$0x4370]  }
0x15e: {  	[tilespmem:s6+$0x4310] =	vst v6;
	v6 =	vmul.f32 v12, v2;
	v12 =	vld [tilespmem:s6+$0x4380]  }
0x15f: {  	[tilespmem:s6+$0x4320] =	vst v7;
	v7 =	vmul.f32 v8, v2;
	v8 =	vld [tilespmem:s6+$0x4390]  }
0x160: {  	[tilespmem:s6+$0x4330] =	vst v6;
	v6 =	vmul.f32 v10, v2;
	v10 =	vld [tilespmem:s6+$0x43A0]  }
0x161: {  	[tilespmem:s6+$0x4340] =	vst v7;
	v7 =	vmul.f32 v11, v2;
	v11 =	vld [tilespmem:s6+$0x43B0]  }
0x162: {  	[tilespmem:s6+$0x42C0] =	vst v4;
	v2 =	vmul.f32 v9, v2;
	v4 =	vld [tilespmem:s6+$0x43C0]  }
0x163: {  	[tilespmem:s6+$0x4360] =	vst v7;
	v7 =	vmul.f32 v12, v5;
	v9 =	vld [tilespmem:s6+$0x43E0]  }
0x164: {  	[tilespmem:s6+$0x4370] =	vst v2;
	v2 =	vmul.f32 v8, v5;
	v8 =	vld [tilespmem:s6+$0x43F0]  }
0x165: {  	[tilespmem:s6+$0x4380] =	vst v7;
	v7 =	vmul.f32 v10, v5  }
0x166: {  	[tilespmem:s6+$0x4390] =	vst v2;
	v2 =	vmul.f32 v11, v5  }
0x167: {  	v10 =	vmul.f32 v16, v15;
	[tilespmem:s6+$0x43A0] =	vst v7  }
0x168: {  	[tilespmem:s6+$0x43B0] =	vst v2;
	v2 =	vmul.f32 v4, v5  }
.Ltmp1:
0x169: {  	[tilespmem:s6+$0x4230] =	vst v10;
	v4 =	vmul.f32 v8, v5;
	(pc) =	sbr.rel @p1 .LBB2_6-.Ltmp1, $4  }
0x16a: {  	[tilespmem:s6+$0x43C0] =	vst v2  }
0x16b: {  	v2 =	vmul.f32 v9, v5;
	[tilespmem:s6+$0x43F0] =	vst v4  }
0x16c: {  	[tilespmem:s6+$0x4350] =	vst v6  }
0x16d: {  	[tilespmem:s6+$0x43E0] =	vst v2  }
0x16e: {  	[tilespmem:s6+$0x4220] =	vst v3;
	s0 =	sadd.s32 $0x1400, s0  }
0x16f: {  	[spmem:s2] =	stream.indirect.scatter.add.f32 [tilespmem:s18], [sflag:$0x3], $0x80, s0, s22, $0xb8;
	[tilespmem:$0x1F480] =	vst v63  }
0x170: {  	_ =	swait.ge [sflag:s19], $0x4000  }
0x171: {  	[sflag:s19] =	ssyncset.done $0x0  }
0x172: {  	s9 =	sadd.s32 $0x2800, s30;
	[sflag:s19] =	ssyncadd.s32 $0xFFFFC000  }
0x173: {  	p1 =	seq.s32 s29, $0x13;
	s10 =	simm.s32 $0x0;
	v1 =	vmov s9;
	_ =	swait.ge [sflag:s25], $0x4000  }
0x174: {  	s6 =	sshrl.u32 @!p1 s31, $0x2;
	s9 =	simm.s32 @!p1 $0x3C00;
	[sflag:s25] =	ssyncset.done $0x0  }
0x175: {  	s0 =	sadd.s32 @!p1 $0x100, s6;
	s6 =	simm.s32 @!p1 $0x80;
	[sflag:s25] =	ssyncadd.s32 $0xFFFFC000  }
0x176: {  	[tilespmem:s9], [sflag:$0x1] =	stream.indirect.gather @!p1 [hbm4b:s4+s6], $0x80, s0, s6, $0xb8;
	[tilespmem:$0x1F480] =	vst v63  }
0x177: {  	s31 =	simm.s32 $0x0;
	s0 =	sand.u32 $0x3FFFFFF0, s10  }
0x178: {  	v2 =	vld.idx.msk [tilespmem:v1+s0+$0x0 ss:$0x1], $0xffff;
	s0 =	sand.u32 $0x3FFFF800, s31  }
0x179: {  	v8 =	vld [tilespmem:s0+$0x7CC0]  }
0x17a: {  	v4 =	vld [tilespmem:s0+$0x7C20]  }
0x17b: {  	v5 =	vld [tilespmem:s0+$0x7C30]  }
0x17c: {  	v11 =	vld [tilespmem:s0+$0x7C60]  }
0x17d: {  	v12 =	vld [tilespmem:s0+$0x7C70];
	v3 =	vbroadcast v2, $0x0  }
0x17e: {  	v13 =	vld [tilespmem:s0+$0x7C80]  }
0x17f: {  	v14 =	vld [tilespmem:s0+$0x7C90];
	v4 =	vmul.f32 v4, v3  }
0x180: {  	v15 =	vld [tilespmem:s0+$0x7CA0];
	v5 =	vmul.f32 v5, v3  }
0x181: {  	v10 =	vld [tilespmem:s0+$0x7CB0];
	v21 =	vbroadcast v2, $0x1;
	v20 =	vmul.f32 v11, v3;
	[tilespmem:s0+$0x7C20] =	vst v4  }
0x182: {  	v9 =	vld [tilespmem:s0+$0x7CD0];
	v12 =	vmul.f32 v12, v3;
	[tilespmem:s0+$0x7C30] =	vst v5  }
0x183: {  	v7 =	vld [tilespmem:s0+$0x8170];
	v13 =	vmul.f32 v13, v21;
	[tilespmem:s0+$0x7C60] =	vst v20  }
0x184: {  	v23 =	vld [tilespmem:s0+$0x7CF0];
	v14 =	vmul.f32 v14, v21;
	[tilespmem:s0+$0x7C70] =	vst v12  }
0x185: {  	v24 =	vld [tilespmem:s0+$0x7D00];
	v15 =	vmul.f32 v15, v21;
	[tilespmem:s0+$0x7C80] =	vst v13  }
0x186: {  	v25 =	vld [tilespmem:s0+$0x7D10];
	v10 =	vmul.f32 v10, v21;
	[tilespmem:s0+$0x7C90] =	vst v14  }
0x187: {  	v22 =	vld [tilespmem:s0+$0x7CE0];
	v8 =	vmul.f32 v8, v21;
	[tilespmem:s0+$0x7CA0] =	vst v15  }
0x188: {  	v26 =	vld [tilespmem:s0+$0x7D20];
	v16 =	vbroadcast v2, $0x2;
	v9 =	vmul.f32 v9, v21;
	[tilespmem:s0+$0x7CB0] =	vst v10  }
0x189: {  	v27 =	vld [tilespmem:s0+$0x7D30];
	v11 =	vmul.f32 v23, v21;
	[tilespmem:s0+$0x7CC0] =	vst v8  }
0x18a: {  	v28 =	vld [tilespmem:s0+$0x7D40];
	v6 =	vbroadcast v2, $0xA;
	v30 =	vmul.f32 v24, v16;
	[tilespmem:s0+$0x7CD0] =	vst v9  }
0x18b: {  	v29 =	vld [tilespmem:s0+$0x7D50];
	v32 =	vmul.f32 v25, v16;
	[tilespmem:s0+$0x7CF0] =	vst v11  }
0x18c: {  	v31 =	vld [tilespmem:s0+$0x7D60];
	v4 =	vmul.f32 v7, v6;
	[tilespmem:s0+$0x7D00] =	vst v30  }
0x18d: {  	v33 =	vld [tilespmem:s0+$0x7D70];
	v12 =	vmul.f32 v22, v21;
	[tilespmem:s0+$0x7D10] =	vst v32  }
0x18e: {  	v34 =	vld [tilespmem:s0+$0x7D80];
	v10 =	vmul.f32 v26, v16;
	[tilespmem:s0+$0x8170] =	vst v4  }
0x18f: {  	v35 =	vld [tilespmem:s0+$0x7D90];
	v8 =	vmul.f32 v27, v16;
	[tilespmem:s0+$0x7CE0] =	vst v12  }
0x190: {  	v36 =	vld [tilespmem:s0+$0x7DA0];
	v9 =	vmul.f32 v28, v16;
	[tilespmem:s0+$0x7D20] =	vst v10  }
0x191: {  	v37 =	vld [tilespmem:s0+$0x7DB0];
	v39 =	vbroadcast v2, $0x3;
	v11 =	vmul.f32 v31, v16;
	[tilespmem:s0+$0x7D30] =	vst v8  }
0x192: {  	v38 =	vld [tilespmem:s0+$0x7DC0];
	v13 =	vmul.f32 v33, v16;
	[tilespmem:s0+$0x7D40] =	vst v9  }
0x193: {  	v40 =	vld [tilespmem:s0+$0x7DD0];
	v14 =	vmul.f32 v34, v39;
	[tilespmem:s0+$0x7D60] =	vst v11  }
0x194: {  	v41 =	vld [tilespmem:s0+$0x7DE0];
	v12 =	vmul.f32 v29, v16;
	[tilespmem:s0+$0x7D70] =	vst v13  }
0x195: {  	v42 =	vld [tilespmem:s0+$0x7DF0];
	v10 =	vmul.f32 v35, v39;
	[tilespmem:s0+$0x7D80] =	vst v14  }
0x196: {  	v43 =	vld [tilespmem:s0+$0x7E00];
	v8 =	vmul.f32 v36, v39;
	[tilespmem:s0+$0x7D50] =	vst v12  }
0x197: {  	v44 =	vld [tilespmem:s0+$0x7E10];
	v9 =	vmul.f32 v37, v39;
	[tilespmem:s0+$0x7D90] =	vst v10  }
0x198: {  	v45 =	vld [tilespmem:s0+$0x7E20];
	v11 =	vmul.f32 v40, v39;
	[tilespmem:s0+$0x7DA0] =	vst v8  }
0x199: {  	v46 =	vld [tilespmem:s0+$0x7E30];
	v13 =	vmul.f32 v41, v39;
	[tilespmem:s0+$0x7DB0] =	vst v9  }
0x19a: {  	v47 =	vld [tilespmem:s0+$0x7E40];
	v48 =	vbroadcast v2, $0x4;
	v14 =	vmul.f32 v42, v39;
	[tilespmem:s0+$0x7DD0] =	vst v11  }
0x19b: {  	v49 =	vld [tilespmem:s0+$0x7E50];
	v12 =	vmul.f32 v38, v39;
	[tilespmem:s0+$0x7DE0] =	vst v13  }
0x19c: {  	v50 =	vld [tilespmem:s0+$0x7E60];
	v10 =	vmul.f32 v43, v48;
	[tilespmem:s0+$0x7DF0] =	vst v14  }
0x19d: {  	v51 =	vld [tilespmem:s0+$0x7E70];
	v8 =	vmul.f32 v44, v48;
	[tilespmem:s0+$0x7DC0] =	vst v12  }
0x19e: {  	v52 =	vld [tilespmem:s0+$0x7E80];
	v9 =	vmul.f32 v45, v48;
	[tilespmem:s0+$0x7E00] =	vst v10  }
0x19f: {  	v53 =	vld [tilespmem:s0+$0x7E90];
	v11 =	vmul.f32 v47, v48;
	[tilespmem:s0+$0x7E10] =	vst v8  }
0x1a0: {  	v54 =	vld [tilespmem:s0+$0x7EA0];
	v13 =	vmul.f32 v49, v48;
	[tilespmem:s0+$0x7E20] =	vst v9  }
0x1a1: {  	v55 =	vld [tilespmem:s0+$0x7EB0];
	v14 =	vmul.f32 v50, v48;
	[tilespmem:s0+$0x7E40] =	vst v11  }
0x1a2: {  	v56 =	vld [tilespmem:s0+$0x7EC0];
	v57 =	vbroadcast v2, $0x5;
	v12 =	vmul.f32 v46, v48;
	[tilespmem:s0+$0x7E50] =	vst v13  }
0x1a3: {  	v58 =	vld [tilespmem:s0+$0x7ED0];
	v10 =	vmul.f32 v51, v48;
	[tilespmem:s0+$0x7E60] =	vst v14  }
0x1a4: {  	v59 =	vld [tilespmem:s0+$0x7EE0];
	v8 =	vmul.f32 v52, v57;
	[tilespmem:s0+$0x7E30] =	vst v12  }
0x1a5: {  	v60 =	vld [tilespmem:s0+$0x7EF0];
	v9 =	vmul.f32 v53, v57;
	[tilespmem:s0+$0x7E70] =	vst v10  }
0x1a6: {  	v61 =	vld [tilespmem:s0+$0x7F00];
	v11 =	vmul.f32 v55, v57;
	[tilespmem:s0+$0x7E80] =	vst v8  }
0x1a7: {  	v62 =	vld [tilespmem:s0+$0x7F10];
	v13 =	vmul.f32 v56, v57;
	[tilespmem:s0+$0x7E90] =	vst v9  }
0x1a8: {  	v63 =	vld [tilespmem:s0+$0x7F20];
	v14 =	vmul.f32 v58, v57;
	[tilespmem:s0+$0x7EB0] =	vst v11  }
0x1a9: {  	v20 =	vld [tilespmem:s0+$0x7F30];
	v12 =	vmul.f32 v54, v57;
	[tilespmem:s0+$0x7EC0] =	vst v13  }
0x1aa: {  	v21 =	vld [tilespmem:s0+$0x7F40];
	v22 =	vbroadcast v2, $0x6;
	v10 =	vmul.f32 v59, v57;
	[tilespmem:s0+$0x7ED0] =	vst v14  }
0x1ab: {  	v23 =	vld [tilespmem:s0+$0x7F50];
	v8 =	vmul.f32 v60, v57;
	[tilespmem:s0+$0x7EA0] =	vst v12  }
0x1ac: {  	v24 =	vld [tilespmem:s0+$0x7F60];
	v9 =	vmul.f32 v61, v22;
	[tilespmem:s0+$0x7EE0] =	vst v10  }
0x1ad: {  	v25 =	vld [tilespmem:s0+$0x7F70];
	v11 =	vmul.f32 v63, v22;
	[tilespmem:s0+$0x7EF0] =	vst v8  }
0x1ae: {  	v5 =	vld [tilespmem:s0+$0x8180];
	v13 =	vmul.f32 v20, v22;
	[tilespmem:s0+$0x7F00] =	vst v9  }
0x1af: {  	v27 =	vld [tilespmem:s0+$0x7F90];
	v14 =	vmul.f32 v21, v22;
	[tilespmem:s0+$0x7F20] =	vst v11  }
0x1b0: {  	v28 =	vld [tilespmem:s0+$0x7FA0];
	v12 =	vmul.f32 v62, v22;
	[tilespmem:s0+$0x7F30] =	vst v13  }
0x1b1: {  	v29 =	vld [tilespmem:s0+$0x7FB0];
	v10 =	vmul.f32 v23, v22;
	[tilespmem:s0+$0x7F40] =	vst v14  }
0x1b2: {  	v31 =	vbroadcast v2, $0x7;
	v53 =	vld [tilespmem:s0+$0x8100];
	v8 =	vmul.f32 v24, v22;
	[tilespmem:s0+$0x7F10] =	vst v12  }
0x1b3: {  	v58 =	vld [tilespmem:s0+$0x8150];
	v9 =	vmul.f32 v25, v22;
	[tilespmem:s0+$0x7F50] =	vst v10  }
0x1b4: {  	v26 =	vld [tilespmem:s0+$0x7F80];
	v11 =	vmul.f32 v27, v31;
	[tilespmem:s0+$0x7F60] =	vst v8  }
0x1b5: {  	v30 =	vld [tilespmem:s0+$0x7FC0];
	v13 =	vmul.f32 v28, v31;
	[tilespmem:s0+$0x7F70] =	vst v9  }
0x1b6: {  	v32 =	vld [tilespmem:s0+$0x7FD0];
	v14 =	vmul.f32 v29, v31;
	[tilespmem:s0+$0x7F90] =	vst v11  }
0x1b7: {  	v33 =	vld [tilespmem:s0+$0x7FE0];
	v59 =	vmul.f32 v53, v6;
	[tilespmem:s0+$0x7FA0] =	vst v13  }
0x1b8: {  	v35 =	vld [tilespmem:s0+$0x8000];
	v21 =	vmul.f32 v58, v6;
	[tilespmem:s0+$0x7FB0] =	vst v14  }
0x1b9: {  	v36 =	vld [tilespmem:s0+$0x8010];
	v12 =	vmul.f32 v26, v31;
	[tilespmem:s0+$0x8100] =	vst v59  }
0x1ba: {  	v37 =	vld [tilespmem:s0+$0x8020];
	v10 =	vmul.f32 v30, v31;
	[tilespmem:s0+$0x8150] =	vst v21  }
0x1bb: {  	v7 =	vld [tilespmem:s0+$0x8190];
	v40 =	vbroadcast v2, $0x8;
	v8 =	vmul.f32 v32, v31;
	[tilespmem:s0+$0x7F80] =	vst v12  }
0x1bc: {  	v34 =	vld [tilespmem:s0+$0x7FF0];
	v9 =	vmul.f32 v33, v31;
	[tilespmem:s0+$0x7FC0] =	vst v10  }
0x1bd: {  	v57 =	vld [tilespmem:s0+$0x8140];
	v11 =	vmul.f32 v35, v40;
	[tilespmem:s0+$0x7FD0] =	vst v8  }
0x1be: {  	v61 =	vld [tilespmem:s0+$0x7C00];
	v24 =	vbroadcast v2, $0xB;
	v13 =	vmul.f32 v36, v40;
	[tilespmem:s0+$0x7FE0] =	vst v9  }
0x1bf: {  	v4 =	vld [tilespmem:s0+$0x83D0];
	v14 =	vmul.f32 v37, v40;
	[tilespmem:s0+$0x8000] =	vst v11  }
0x1c0: {  	v38 =	vld [tilespmem:s0+$0x8030];
	v5 =	vmul.f32 v5, v24;
	[tilespmem:s0+$0x8010] =	vst v13  }
0x1c1: {  	v39 =	vld [tilespmem:s0+$0x8040];
	v7 =	vmul.f32 v7, v24;
	[tilespmem:s0+$0x8020] =	vst v14  }
0x1c2: {  	v41 =	vld [tilespmem:s0+$0x8050];
	v19 =	vmul.f32 v57, v6;
	[tilespmem:s0+$0x8180] =	vst v5  }
0x1c3: {  	v43 =	vld [tilespmem:s0+$0x8070];
	v25 =	vmul.f32 v3, v61;
	[tilespmem:s0+$0x8190] =	vst v7  }
0x1c4: {  	v44 =	vld [tilespmem:s0+$0x8080];
	v12 =	vmul.f32 v34, v31;
	[tilespmem:s0+$0x8140] =	vst v19  }
0x1c5: {  	v45 =	vld [tilespmem:s0+$0x8090];
	v10 =	vmul.f32 v38, v40;
	[tilespmem:s0+$0x7C00] =	vst v25  }
0x1c6: {  	v27 =	vld [tilespmem:s0+$0x81D0];
	v8 =	vmul.f32 v39, v40;
	[tilespmem:s0+$0x7FF0] =	vst v12  }
0x1c7: {  	v49 =	vbroadcast v2, $0x9;
	v29 =	vld [tilespmem:s0+$0x81F0];
	v9 =	vmul.f32 v41, v40;
	[tilespmem:s0+$0x8030] =	vst v10  }
0x1c8: {  	v42 =	vld [tilespmem:s0+$0x8060];
	v11 =	vmul.f32 v43, v40;
	[tilespmem:s0+$0x8040] =	vst v8  }
0x1c9: {  	v46 =	vld [tilespmem:s0+$0x80A0];
	v13 =	vmul.f32 v44, v49;
	[tilespmem:s0+$0x8050] =	vst v9  }
0x1ca: {  	v47 =	vld [tilespmem:s0+$0x80B0];
	v14 =	vmul.f32 v45, v49;
	[tilespmem:s0+$0x8070] =	vst v11  }
0x1cb: {  	v48 =	vld [tilespmem:s0+$0x80C0];
	v32 =	vmul.f32 v27, v24;
	[tilespmem:s0+$0x8080] =	vst v13  }
0x1cc: {  	v51 =	vld [tilespmem:s0+$0x80E0];
	v7 =	vmul.f32 v29, v24;
	[tilespmem:s0+$0x8090] =	vst v14  }
0x1cd: {  	v52 =	vld [tilespmem:s0+$0x80F0];
	v12 =	vmul.f32 v42, v40;
	[tilespmem:s0+$0x81D0] =	vst v32  }
0x1ce: {  	v10 =	vmul.f32 v46, v49;
	[tilespmem:s0+$0x81F0] =	vst v7  }
0x1cf: {  	v28 =	vld [tilespmem:s0+$0x81E0];
	v8 =	vmul.f32 v47, v49;
	[tilespmem:s0+$0x8060] =	vst v12  }
0x1d0: {  	v30 =	vld [tilespmem:s0+$0x8200];
	v9 =	vmul.f32 v48, v49;
	[tilespmem:s0+$0x80A0] =	vst v10  }
0x1d1: {  	v50 =	vld [tilespmem:s0+$0x80D0];
	v5 =	vbroadcast v2, $0xF;
	v11 =	vmul.f32 v51, v49;
	[tilespmem:s0+$0x80B0] =	vst v8  }
0x1d2: {  	v54 =	vld [tilespmem:s0+$0x8110];
	v13 =	vmul.f32 v52, v49;
	[tilespmem:s0+$0x80C0] =	vst v9  }
0x1d3: {  	v55 =	vld [tilespmem:s0+$0x8120];
	v35 =	vbroadcast v2, $0xC;
	v4 =	vmul.f32 v4, v5;
	[tilespmem:s0+$0x80E0] =	vst v11  }
0x1d4: {  	v56 =	vld [tilespmem:s0+$0x8130];
	v40 =	vmul.f32 v28, v24;
	[tilespmem:s0+$0x80F0] =	vst v13  }
0x1d5: {  	v60 =	vld [tilespmem:s0+$0x8160];
	v16 =	vmul.f32 v30, v35;
	[tilespmem:s0+$0x83D0] =	vst v4  }
0x1d6: {  	v62 =	vld [tilespmem:s0+$0x7C10];
	v12 =	vmul.f32 v50, v49;
	[tilespmem:s0+$0x81E0] =	vst v40  }
0x1d7: {  	v63 =	vld [tilespmem:s0+$0x7C40];
	v10 =	vmul.f32 v54, v6;
	[tilespmem:s0+$0x8200] =	vst v16  }
0x1d8: {  	v20 =	vld [tilespmem:s0+$0x7C50];
	v8 =	vmul.f32 v55, v6;
	[tilespmem:s0+$0x80D0] =	vst v12  }
0x1d9: {  	v33 =	vld [tilespmem:s0+$0x8230];
	v9 =	vmul.f32 v56, v6;
	[tilespmem:s0+$0x8110] =	vst v10  }
0x1da: {  	v61 =	vld [tilespmem:s0+$0x83F0];
	v6 =	vmul.f32 v60, v6;
	[tilespmem:s0+$0x8120] =	vst v8  }
0x1db: {  	v38 =	vld [tilespmem:s0+$0x8270];
	v13 =	vmul.f32 v62, v3;
	[tilespmem:s0+$0x8130] =	vst v9  }
0x1dc: {  	v22 =	vld [tilespmem:s0+$0x81A0];
	v4 =	vmul.f32 v63, v3;
	[tilespmem:s0+$0x8160] =	vst v6  }
0x1dd: {  	v23 =	vld [tilespmem:s0+$0x81B0];
	v3 =	vmul.f32 v20, v3;
	[tilespmem:s0+$0x7C10] =	vst v13  }
0x1de: {  	v26 =	vld [tilespmem:s0+$0x81C0];
	v62 =	vmul.f32 v33, v35;
	[tilespmem:s0+$0x7C40] =	vst v4  }
0x1df: {  	v31 =	vld [tilespmem:s0+$0x8210];
	v63 =	vmul.f32 v61, v5;
	[tilespmem:s0+$0x7C50] =	vst v3  }
0x1e0: {  	v34 =	vld [tilespmem:s0+$0x8240];
	v16 =	vmul.f32 v38, v35;
	[tilespmem:s0+$0x8230] =	vst v62  }
0x1e1: {  	v41 =	vld [tilespmem:s0+$0x82A0];
	v8 =	vmul.f32 v22, v24;
	[tilespmem:s0+$0x83F0] =	vst v63  }
0x1e2: {  	v46 =	vld [tilespmem:s0+$0x82E0];
	v9 =	vmul.f32 v23, v24;
	[tilespmem:s0+$0x8270] =	vst v16  }
0x1e3: {  	v6 =	vmul.f32 v26, v24;
	v3 =	vld [tilespmem:s0+$0x8290];
	[tilespmem:s0+$0x81A0] =	vst v8  }
0x1e4: {  	v36 =	vld [tilespmem:s0+$0x8250];
	v44 =	vbroadcast v2, $0xD;
	v10 =	vmul.f32 v31, v35;
	[tilespmem:s0+$0x81B0] =	vst v9  }
0x1e5: {  	v37 =	vld [tilespmem:s0+$0x8260];
	v13 =	vmul.f32 v34, v35;
	[tilespmem:s0+$0x81C0] =	vst v6  }
0x1e6: {  	v39 =	vld [tilespmem:s0+$0x8280];
	v12 =	vmul.f32 v41, v44;
	[tilespmem:s0+$0x8210] =	vst v10  }
0x1e7: {  	v42 =	vld [tilespmem:s0+$0x82B0];
	v51 =	vmul.f32 v46, v44;
	[tilespmem:s0+$0x8240] =	vst v13  }
0x1e8: {  	v48 =	vld [tilespmem:s0+$0x8310];
	[tilespmem:s0+$0x82A0] =	vst v12;
	v3 =	vmul.f32 v3, v44  }
0x1e9: {  	v49 =	vld [tilespmem:s0+$0x8320];
	v9 =	vmul.f32 v36, v35;
	[tilespmem:s0+$0x82E0] =	vst v51  }
0x1ea: {  	v6 =	vmul.f32 v37, v35;
	[tilespmem:s0+$0x8290] =	vst v3;
	v3 =	vld [tilespmem:s0+$0x8300]  }
0x1eb: {  	v2 =	vbroadcast v2, $0xE;
	v50 =	vld [tilespmem:s0+$0x8330];
	v10 =	vmul.f32 v39, v44;
	[tilespmem:s0+$0x8250] =	vst v9  }
0x1ec: {  	v45 =	vld [tilespmem:s0+$0x82D0];
	v13 =	vmul.f32 v42, v44;
	[tilespmem:s0+$0x8260] =	vst v6  }
0x1ed: {  	v47 =	vld [tilespmem:s0+$0x82F0];
	v12 =	vmul.f32 v48, v2;
	[tilespmem:s0+$0x8280] =	vst v10  }
0x1ee: {  	v43 =	vld [tilespmem:s0+$0x82C0];
	v11 =	vmul.f32 v49, v2;
	[tilespmem:s0+$0x82B0] =	vst v13  }
0x1ef: {  	v55 =	vld [tilespmem:s0+$0x8380];
	[tilespmem:s0+$0x8310] =	vst v12;
	v3 =	vmul.f32 v3, v2  }
0x1f0: {  	v57 =	vld [tilespmem:s0+$0x83A0];
	v7 =	vmul.f32 v50, v2;
	[tilespmem:s0+$0x8320] =	vst v11  }
0x1f1: {  	v6 =	vmul.f32 v45, v44;
	[tilespmem:s0+$0x8300] =	vst v3;
	v3 =	vld [tilespmem:s0+$0x8370]  }
0x1f2: {  	v52 =	vld [tilespmem:s0+$0x8340];
	v10 =	vmul.f32 v47, v44;
	[tilespmem:s0+$0x8330] =	vst v7  }
0x1f3: {  	v56 =	vld [tilespmem:s0+$0x8390];
	v9 =	vmul.f32 v43, v44;
	[tilespmem:s0+$0x82D0] =	vst v6  }
0x1f4: {  	v54 =	vld [tilespmem:s0+$0x8360];
	v12 =	vmul.f32 v55, v5;
	[tilespmem:s0+$0x82F0] =	vst v10  }
0x1f5: {  	v58 =	vld [tilespmem:s0+$0x83B0];
	v7 =	vmul.f32 v57, v5;
	[tilespmem:s0+$0x82C0] =	vst v9  }
0x1f6: {  	v53 =	vld [tilespmem:s0+$0x8350];
	[tilespmem:s0+$0x8380] =	vst v12;
	v3 =	vmul.f32 v3, v2  }
0x1f7: {  	v59 =	vld [tilespmem:s0+$0x83C0];
	v6 =	vmul.f32 v52, v2;
	[tilespmem:s0+$0x83A0] =	vst v7  }
0x1f8: {  	v60 =	vld [tilespmem:s0+$0x83E0];
	[tilespmem:s0+$0x8370] =	vst v3;
	v3 =	vmul.f32 v56, v5  }
0x1f9: {  	v10 =	vmul.f32 v54, v2;
	[tilespmem:s0+$0x8340] =	vst v6  }
0x1fa: {  	v4 =	vld [tilespmem:s0+$0x8220];
	[tilespmem:s0+$0x8390] =	vst v3;
	v3 =	vmul.f32 v58, v5  }
0x1fb: {  	[tilespmem:s0+$0x8360] =	vst v10;
	v2 =	vmul.f32 v53, v2  }
0x1fc: {  	[tilespmem:s0+$0x83B0] =	vst v3;
	v3 =	vmul.f32 v59, v5  }
0x1fd: {  	[tilespmem:s0+$0x8350] =	vst v2;
	v5 =	vmul.f32 v60, v5  }
0x1fe: {  	[tilespmem:s0+$0x83C0] =	vst v3  }
0x1ff: {  	s6 =	simm.s32 $0x1;
	v3 =	vmul.f32 v4, v35;
	[tilespmem:s0+$0x83E0] =	vst v5  }
.LBB2_8:
0x200: {  	s9 =	sshll.u32 s6, $0x4  }
0x201: {  	p1 =	sne.s32 s6, $0x7;
	[tilespmem:s0+$0x8220] =	vst v3;
	s0 =	smov.u32 s6;
	s6 =	sadd.s32 $0x1, s6  }
0x202: {  	s9 =	sand.u32 $0x3FFFFFF0, s9  }
0x203: {  	v2 =	vld.idx.msk [tilespmem:v1+s9+$0x0 ss:$0x1], $0xffff  }
0x204: {  	s0 =	sshll.u32 s0, $0xB  }
0x205: {  	s0 =	sand.u32 $0x3FFFF800, s0  }
0x206: {  	v9 =	vld [tilespmem:s0+$0x7CC0]  }
0x207: {  	v10 =	vld [tilespmem:s0+$0x7CD0]  }
0x208: {  	v11 =	vld [tilespmem:s0+$0x7CB0]  }
0x209: {  	v3 =	vbroadcast v2, $0x0;
	v8 =	vbroadcast v2, $0x4;
	v4 =	vld [tilespmem:s0+$0x7C20]  }
0x20a: {  	v6 =	vld [tilespmem:s0+$0x7C30]  }
0x20b: {  	v7 =	vld [tilespmem:s0+$0x8170]  }
0x20c: {  	v12 =	vld [tilespmem:s0+$0x7C60]  }
0x20d: {  	v13 =	vld [tilespmem:s0+$0x7C70]  }
0x20e: {  	v5 =	vbroadcast v2, $0xA;
	v4 =	vmul.f32 v4, v3;
	v14 =	vld [tilespmem:s0+$0x7C80]  }
0x20f: {  	v6 =	vmul.f32 v6, v3;
	v15 =	vld [tilespmem:s0+$0x7C90]  }
0x210: {  	[tilespmem:s0+$0x7C20] =	vst v4;
	v16 =	vld [tilespmem:s0+$0x7CA0];
	v4 =	vmul.f32 v7, v5  }
0x211: {  	[tilespmem:s0+$0x7C30] =	vst v6;
	v7 =	vmul.f32 v12, v3;
	v12 =	vbroadcast v2, $0x1;
	v6 =	vld [tilespmem:s0+$0x8180]  }
0x212: {  	v13 =	vmul.f32 v13, v3;
	[tilespmem:s0+$0x8170] =	vst v4;
	v4 =	vld [tilespmem:s0+$0x83D0]  }
0x213: {  	[tilespmem:s0+$0x7C60] =	vst v7;
	v14 =	vmul.f32 v14, v12;
	v7 =	vld [tilespmem:s0+$0x8190]  }
0x214: {  	[tilespmem:s0+$0x7C70] =	vst v13;
	v13 =	vmul.f32 v15, v12;
	v15 =	vld [tilespmem:s0+$0x7CE0]  }
0x215: {  	[tilespmem:s0+$0x7C80] =	vst v14;
	v14 =	vmul.f32 v16, v12;
	v16 =	vld [tilespmem:s0+$0x7CF0]  }
0x216: {  	v11 =	vmul.f32 v11, v12;
	[tilespmem:s0+$0x7C90] =	vst v13;
	v13 =	vld [tilespmem:s0+$0x7D00]  }
0x217: {  	v9 =	vmul.f32 v9, v12;
	[tilespmem:s0+$0x7CA0] =	vst v14;
	v14 =	vld [tilespmem:s0+$0x7D10]  }
0x218: {  	v10 =	vmul.f32 v10, v12;
	[tilespmem:s0+$0x7CB0] =	vst v11;
	v11 =	vld [tilespmem:s0+$0x7D20]  }
0x219: {  	[tilespmem:s0+$0x7CC0] =	vst v9;
	v9 =	vmul.f32 v15, v12;
	v15 =	vbroadcast v2, $0x2;
	v17 =	vld [tilespmem:s0+$0x7D30]  }
0x21a: {  	[tilespmem:s0+$0x7CD0] =	vst v10;
	v10 =	vmul.f32 v16, v12;
	v12 =	vld [tilespmem:s0+$0x7D40]  }
0x21b: {  	[tilespmem:s0+$0x7CE0] =	vst v9;
	v9 =	vmul.f32 v13, v15;
	v13 =	vld [tilespmem:s0+$0x7D50]  }
0x21c: {  	[tilespmem:s0+$0x7CF0] =	vst v10;
	v10 =	vmul.f32 v14, v15;
	v14 =	vld [tilespmem:s0+$0x7D60]  }
0x21d: {  	[tilespmem:s0+$0x7D00] =	vst v9;
	v9 =	vmul.f32 v11, v15;
	v11 =	vld [tilespmem:s0+$0x7D70]  }
0x21e: {  	[tilespmem:s0+$0x7D10] =	vst v10;
	v10 =	vmul.f32 v17, v15;
	v16 =	vld [tilespmem:s0+$0x7D80]  }
0x21f: {  	[tilespmem:s0+$0x7D20] =	vst v9;
	v9 =	vmul.f32 v12, v15;
	v12 =	vld [tilespmem:s0+$0x7D90]  }
0x220: {  	[tilespmem:s0+$0x7D30] =	vst v10;
	v10 =	vmul.f32 v13, v15;
	v13 =	vld [tilespmem:s0+$0x7DA0]  }
0x221: {  	[tilespmem:s0+$0x7D40] =	vst v9;
	v9 =	vmul.f32 v14, v15;
	v14 =	vbroadcast v2, $0x3;
	v17 =	vld [tilespmem:s0+$0x7DB0]  }
0x222: {  	[tilespmem:s0+$0x7D50] =	vst v10;
	v10 =	vmul.f32 v11, v15;
	v11 =	vld [tilespmem:s0+$0x7DC0]  }
0x223: {  	[tilespmem:s0+$0x7D60] =	vst v9;
	v9 =	vmul.f32 v16, v14;
	v15 =	vld [tilespmem:s0+$0x7DD0]  }
0x224: {  	[tilespmem:s0+$0x7D70] =	vst v10;
	v10 =	vmul.f32 v12, v14;
	v12 =	vld [tilespmem:s0+$0x7DE0]  }
0x225: {  	[tilespmem:s0+$0x7D80] =	vst v9;
	v9 =	vmul.f32 v13, v14;
	v13 =	vld [tilespmem:s0+$0x7DF0]  }
0x226: {  	[tilespmem:s0+$0x7D90] =	vst v10;
	v10 =	vmul.f32 v17, v14;
	v16 =	vld [tilespmem:s0+$0x7E00]  }
0x227: {  	[tilespmem:s0+$0x7DA0] =	vst v9;
	v9 =	vmul.f32 v11, v14;
	v11 =	vld [tilespmem:s0+$0x7E10]  }
0x228: {  	[tilespmem:s0+$0x7DB0] =	vst v10;
	v10 =	vmul.f32 v15, v14;
	v15 =	vld [tilespmem:s0+$0x7E20]  }
0x229: {  	[tilespmem:s0+$0x7DC0] =	vst v9;
	v9 =	vmul.f32 v12, v14;
	v12 =	vld [tilespmem:s0+$0x7E30]  }
0x22a: {  	[tilespmem:s0+$0x7DD0] =	vst v10;
	v10 =	vmul.f32 v13, v14;
	v13 =	vld [tilespmem:s0+$0x7E40]  }
0x22b: {  	[tilespmem:s0+$0x7DE0] =	vst v9;
	v9 =	vmul.f32 v16, v8;
	v14 =	vld [tilespmem:s0+$0x7E50]  }
0x22c: {  	[tilespmem:s0+$0x7DF0] =	vst v10;
	v10 =	vmul.f32 v11, v8;
	v11 =	vld [tilespmem:s0+$0x7E60]  }
0x22d: {  	[tilespmem:s0+$0x7E00] =	vst v9;
	v9 =	vmul.f32 v15, v8;
	v15 =	vld [tilespmem:s0+$0x7E70]  }
0x22e: {  	[tilespmem:s0+$0x7E10] =	vst v10;
	v10 =	vmul.f32 v12, v8;
	v12 =	vld [tilespmem:s0+$0x7E80]  }
0x22f: {  	[tilespmem:s0+$0x7E20] =	vst v9;
	v9 =	vmul.f32 v13, v8;
	v13 =	vld [tilespmem:s0+$0x7E90]  }
0x230: {  	[tilespmem:s0+$0x7E30] =	vst v10;
	v10 =	vmul.f32 v14, v8;
	v14 =	vld [tilespmem:s0+$0x7EA0]  }
0x231: {  	[tilespmem:s0+$0x7E40] =	vst v9;
	v9 =	vmul.f32 v11, v8;
	v11 =	vbroadcast v2, $0x5;
	v16 =	vld [tilespmem:s0+$0x7EB0]  }
0x232: {  	[tilespmem:s0+$0x7E50] =	vst v10;
	v8 =	vmul.f32 v15, v8;
	v10 =	vld [tilespmem:s0+$0x7EC0]  }
0x233: {  	[tilespmem:s0+$0x7E60] =	vst v9;
	v9 =	vmul.f32 v12, v11;
	v12 =	vld [tilespmem:s0+$0x7ED0]  }
0x234: {  	[tilespmem:s0+$0x7E70] =	vst v8;
	v8 =	vmul.f32 v13, v11;
	v13 =	vld [tilespmem:s0+$0x7EE0]  }
0x235: {  	[tilespmem:s0+$0x7E80] =	vst v9;
	v9 =	vmul.f32 v14, v11;
	v14 =	vld [tilespmem:s0+$0x7EF0]  }
0x236: {  	[tilespmem:s0+$0x7E90] =	vst v8;
	v8 =	vmul.f32 v16, v11;
	v15 =	vld [tilespmem:s0+$0x7F00]  }
0x237: {  	[tilespmem:s0+$0x7EA0] =	vst v9;
	v9 =	vmul.f32 v10, v11;
	v10 =	vld [tilespmem:s0+$0x7F10]  }
0x238: {  	[tilespmem:s0+$0x7EB0] =	vst v8;
	v8 =	vmul.f32 v12, v11;
	v12 =	vld [tilespmem:s0+$0x7F20]  }
0x239: {  	[tilespmem:s0+$0x7EC0] =	vst v9;
	v9 =	vmul.f32 v13, v11;
	v13 =	vbroadcast v2, $0x6;
	v16 =	vld [tilespmem:s0+$0x7F30]  }
0x23a: {  	[tilespmem:s0+$0x7ED0] =	vst v8;
	v8 =	vmul.f32 v14, v11;
	v11 =	vld [tilespmem:s0+$0x7F40]  }
0x23b: {  	[tilespmem:s0+$0x7EE0] =	vst v9;
	v9 =	vmul.f32 v15, v13;
	v14 =	vld [tilespmem:s0+$0x7F50]  }
0x23c: {  	[tilespmem:s0+$0x7EF0] =	vst v8;
	v8 =	vmul.f32 v10, v13;
	v10 =	vld [tilespmem:s0+$0x7F60]  }
0x23d: {  	[tilespmem:s0+$0x7F00] =	vst v9;
	v9 =	vmul.f32 v12, v13;
	v12 =	vld [tilespmem:s0+$0x7F70]  }
0x23e: {  	[tilespmem:s0+$0x7F10] =	vst v8;
	v8 =	vmul.f32 v16, v13;
	v15 =	vld [tilespmem:s0+$0x7F80]  }
0x23f: {  	[tilespmem:s0+$0x7F20] =	vst v9;
	v9 =	vmul.f32 v11, v13;
	v11 =	vld [tilespmem:s0+$0x7F90]  }
0x240: {  	[tilespmem:s0+$0x7F30] =	vst v8;
	v8 =	vmul.f32 v14, v13;
	v14 =	vld [tilespmem:s0+$0x7FA0]  }
0x241: {  	[tilespmem:s0+$0x7F40] =	vst v9;
	v9 =	vmul.f32 v10, v13;
	v10 =	vbroadcast v2, $0x7;
	v16 =	vld [tilespmem:s0+$0x7FB0]  }
0x242: {  	[tilespmem:s0+$0x7F50] =	vst v8;
	v8 =	vmul.f32 v12, v13;
	v12 =	vld [tilespmem:s0+$0x7FC0]  }
0x243: {  	[tilespmem:s0+$0x7F60] =	vst v9;
	v9 =	vmul.f32 v15, v10;
	v13 =	vld [tilespmem:s0+$0x7FD0]  }
0x244: {  	[tilespmem:s0+$0x7F70] =	vst v8;
	v8 =	vmul.f32 v11, v10;
	v11 =	vld [tilespmem:s0+$0x7FE0]  }
0x245: {  	[tilespmem:s0+$0x7F80] =	vst v9;
	v9 =	vmul.f32 v14, v10;
	v14 =	vld [tilespmem:s0+$0x7FF0]  }
0x246: {  	[tilespmem:s0+$0x7F90] =	vst v8;
	v8 =	vmul.f32 v16, v10;
	v15 =	vld [tilespmem:s0+$0x8000]  }
0x247: {  	[tilespmem:s0+$0x7FA0] =	vst v9;
	v9 =	vmul.f32 v12, v10;
	v12 =	vld [tilespmem:s0+$0x8010]  }
0x248: {  	[tilespmem:s0+$0x7FB0] =	vst v8;
	v8 =	vmul.f32 v13, v10;
	v13 =	vld [tilespmem:s0+$0x8020]  }
0x249: {  	[tilespmem:s0+$0x7FC0] =	vst v9;
	v9 =	vmul.f32 v11, v10;
	v11 =	vbroadcast v2, $0x8;
	v16 =	vld [tilespmem:s0+$0x8030]  }
0x24a: {  	[tilespmem:s0+$0x7FD0] =	vst v8;
	v8 =	vmul.f32 v14, v10;
	v10 =	vld [tilespmem:s0+$0x8040]  }
0x24b: {  	[tilespmem:s0+$0x7FE0] =	vst v9;
	v9 =	vmul.f32 v15, v11;
	v14 =	vld [tilespmem:s0+$0x8050]  }
0x24c: {  	[tilespmem:s0+$0x7FF0] =	vst v8;
	v8 =	vmul.f32 v12, v11;
	v12 =	vld [tilespmem:s0+$0x8060]  }
0x24d: {  	[tilespmem:s0+$0x8000] =	vst v9;
	v9 =	vmul.f32 v13, v11;
	v13 =	vld [tilespmem:s0+$0x8070]  }
0x24e: {  	[tilespmem:s0+$0x8010] =	vst v8;
	v8 =	vmul.f32 v16, v11;
	v15 =	vld [tilespmem:s0+$0x8080]  }
0x24f: {  	[tilespmem:s0+$0x8020] =	vst v9;
	v9 =	vmul.f32 v10, v11;
	v10 =	vld [tilespmem:s0+$0x8090]  }
0x250: {  	[tilespmem:s0+$0x8030] =	vst v8;
	v8 =	vmul.f32 v14, v11;
	v14 =	vld [tilespmem:s0+$0x80A0]  }
0x251: {  	[tilespmem:s0+$0x8040] =	vst v9;
	v9 =	vmul.f32 v12, v11;
	v12 =	vbroadcast v2, $0x9;
	v16 =	vld [tilespmem:s0+$0x80B0]  }
0x252: {  	[tilespmem:s0+$0x8050] =	vst v8;
	v8 =	vmul.f32 v13, v11;
	v11 =	vld [tilespmem:s0+$0x80C0]  }
0x253: {  	[tilespmem:s0+$0x8060] =	vst v9;
	v9 =	vmul.f32 v15, v12;
	v13 =	vld [tilespmem:s0+$0x80D0]  }
0x254: {  	[tilespmem:s0+$0x8070] =	vst v8;
	v8 =	vmul.f32 v10, v12;
	v10 =	vld [tilespmem:s0+$0x80E0]  }
0x255: {  	[tilespmem:s0+$0x8080] =	vst v9;
	v9 =	vmul.f32 v14, v12;
	v14 =	vld [tilespmem:s0+$0x80F0]  }
0x256: {  	[tilespmem:s0+$0x8090] =	vst v8;
	v8 =	vmul.f32 v16, v12;
	v15 =	vld [tilespmem:s0+$0x8100]  }
0x257: {  	[tilespmem:s0+$0x80A0] =	vst v9;
	v9 =	vmul.f32 v11, v12;
	v11 =	vld [tilespmem:s0+$0x8110]  }
0x258: {  	[tilespmem:s0+$0x80B0] =	vst v8;
	v8 =	vmul.f32 v13, v12;
	v13 =	vld [tilespmem:s0+$0x8120]  }
0x259: {  	[tilespmem:s0+$0x80C0] =	vst v9;
	v9 =	vmul.f32 v10, v12;
	v10 =	vld [tilespmem:s0+$0x8130]  }
0x25a: {  	[tilespmem:s0+$0x80D0] =	vst v8;
	v8 =	vmul.f32 v14, v12;
	v12 =	vld [tilespmem:s0+$0x8140]  }
0x25b: {  	[tilespmem:s0+$0x80E0] =	vst v9;
	v9 =	vmul.f32 v15, v5;
	v14 =	vld [tilespmem:s0+$0x8150]  }
0x25c: {  	[tilespmem:s0+$0x80F0] =	vst v8;
	v8 =	vmul.f32 v11, v5;
	v11 =	vld [tilespmem:s0+$0x8160]  }
0x25d: {  	v15 =	vld [tilespmem:s0+$0x7C00];
	[tilespmem:s0+$0x8100] =	vst v9;
	v9 =	vmul.f32 v13, v5  }
0x25e: {  	v13 =	vld [tilespmem:s0+$0x7C10];
	[tilespmem:s0+$0x8110] =	vst v8;
	v8 =	vmul.f32 v10, v5  }
0x25f: {  	v10 =	vld [tilespmem:s0+$0x7C40];
	[tilespmem:s0+$0x8120] =	vst v9;
	v9 =	vmul.f32 v12, v5  }
0x260: {  	v12 =	vld [tilespmem:s0+$0x7C50];
	[tilespmem:s0+$0x8130] =	vst v8;
	v8 =	vmul.f32 v14, v5  }
0x261: {  	[tilespmem:s0+$0x8140] =	vst v9;
	v9 =	vmul.f32 v11, v5;
	v11 =	vbroadcast v2, $0xB;
	v14 =	vld [tilespmem:s0+$0x81A0]  }
0x262: {  	v5 =	vbroadcast v2, $0xF;
	v15 =	vmul.f32 v3, v15;
	[tilespmem:s0+$0x8150] =	vst v8;
	v8 =	vld [tilespmem:s0+$0x81B0]  }
0x263: {  	v13 =	vmul.f32 v13, v3;
	[tilespmem:s0+$0x8160] =	vst v9;
	v6 =	vmul.f32 v6, v11;
	v9 =	vld [tilespmem:s0+$0x81C0]  }
0x264: {  	v7 =	vmul.f32 v7, v11;
	[tilespmem:s0+$0x7C00] =	vst v15;
	v10 =	vmul.f32 v10, v3;
	v15 =	vld [tilespmem:s0+$0x81D0]  }
0x265: {  	v4 =	vmul.f32 v4, v5;
	v12 =	vmul.f32 v12, v3;
	[tilespmem:s0+$0x8180] =	vst v6;
	v3 =	vld [tilespmem:s0+$0x81E0]  }
0x266: {  	[tilespmem:s0+$0x8190] =	vst v7;
	v6 =	vmul.f32 v14, v11;
	v7 =	vld [tilespmem:s0+$0x81F0]  }
0x267: {  	v8 =	vmul.f32 v8, v11;
	v14 =	vld [tilespmem:s0+$0x8200];
	[tilespmem:s0+$0x83D0] =	vst v4  }
0x268: {  	[tilespmem:s0+$0x7C10] =	vst v13;
	v4 =	vmul.f32 v9, v11;
	v9 =	vld [tilespmem:s0+$0x8210]  }
0x269: {  	[tilespmem:s0+$0x7C40] =	vst v10;
	v10 =	vmul.f32 v15, v11;
	v13 =	vld [tilespmem:s0+$0x8220]  }
0x26a: {  	v15 =	vbroadcast v2, $0xC;
	[tilespmem:s0+$0x81A0] =	vst v6;
	v6 =	vmul.f32 v3, v11;
	v16 =	vld [tilespmem:s0+$0x8230]  }
0x26b: {  	[tilespmem:s0+$0x81D0] =	vst v10;
	v7 =	vmul.f32 v7, v11;
	v10 =	vld [tilespmem:s0+$0x8240]  }
0x26c: {  	[tilespmem:s0+$0x81B0] =	vst v8;
	v3 =	vmul.f32 v14, v15;
	v8 =	vld [tilespmem:s0+$0x8250]  }
0x26d: {  	[tilespmem:s0+$0x81C0] =	vst v4;
	v4 =	vmul.f32 v9, v15;
	v9 =	vld [tilespmem:s0+$0x8260]  }
0x26e: {  	[tilespmem:s0+$0x8200] =	vst v3;
	v3 =	vmul.f32 v13, v15;
	v11 =	vld [tilespmem:s0+$0x8270]  }
0x26f: {  	[tilespmem:s0+$0x8210] =	vst v4;
	v4 =	vld [tilespmem:s0+$0x8280]  }
0x270: {  	[tilespmem:s0+$0x7C50] =	vst v12;
	v10 =	vmul.f32 v10, v15;
	v12 =	vld [tilespmem:s0+$0x8290]  }
0x271: {  	[tilespmem:s0+$0x81E0] =	vst v6;
	v6 =	vmul.f32 v8, v15;
	v8 =	vld [tilespmem:s0+$0x82A0]  }
0x272: {  	[tilespmem:s0+$0x8240] =	vst v10;
	v9 =	vmul.f32 v9, v15;
	v10 =	vbroadcast v2, $0xD;
	v13 =	vld [tilespmem:s0+$0x82B0]  }
0x273: {  	[tilespmem:s0+$0x8250] =	vst v6;
	v6 =	vmul.f32 v11, v15;
	v11 =	vld [tilespmem:s0+$0x82C0]  }
0x274: {  	[tilespmem:s0+$0x8260] =	vst v9;
	v4 =	vmul.f32 v4, v10;
	v9 =	vld [tilespmem:s0+$0x82D0]  }
0x275: {  	[tilespmem:s0+$0x8270] =	vst v6;
	v6 =	vmul.f32 v12, v10;
	v12 =	vld [tilespmem:s0+$0x82E0]  }
0x276: {  	[tilespmem:s0+$0x8280] =	vst v4;
	v4 =	vmul.f32 v8, v10;
	v8 =	vld [tilespmem:s0+$0x82F0]  }
0x277: {  	[tilespmem:s0+$0x8290] =	vst v6;
	v6 =	vmul.f32 v13, v10;
	v13 =	vld [tilespmem:s0+$0x8300]  }
0x278: {  	[tilespmem:s0+$0x82A0] =	vst v4;
	v4 =	vmul.f32 v11, v10;
	v11 =	vld [tilespmem:s0+$0x8310]  }
0x279: {  	[tilespmem:s0+$0x82B0] =	vst v6;
	v6 =	vmul.f32 v9, v10;
	v9 =	vld [tilespmem:s0+$0x8320]  }
0x27a: {  	v2 =	vbroadcast v2, $0xE;
	[tilespmem:s0+$0x81F0] =	vst v7;
	v7 =	vmul.f32 v12, v10;
	v12 =	vld [tilespmem:s0+$0x8330]  }
0x27b: {  	[tilespmem:s0+$0x82D0] =	vst v6;
	v6 =	vmul.f32 v8, v10;
	v8 =	vld [tilespmem:s0+$0x8340]  }
0x27c: {  	[tilespmem:s0+$0x82E0] =	vst v7;
	v7 =	vmul.f32 v13, v2;
	v10 =	vld [tilespmem:s0+$0x8350]  }
0x27d: {  	[tilespmem:s0+$0x82F0] =	vst v6;
	v6 =	vmul.f32 v11, v2;
	v11 =	vld [tilespmem:s0+$0x8360]  }
0x27e: {  	[tilespmem:s0+$0x8300] =	vst v7;
	v7 =	vmul.f32 v9, v2;
	v9 =	vld [tilespmem:s0+$0x8370]  }
0x27f: {  	[tilespmem:s0+$0x8310] =	vst v6;
	v6 =	vmul.f32 v12, v2;
	v12 =	vld [tilespmem:s0+$0x8380]  }
0x280: {  	[tilespmem:s0+$0x8320] =	vst v7;
	v7 =	vmul.f32 v8, v2;
	v8 =	vld [tilespmem:s0+$0x8390]  }
0x281: {  	[tilespmem:s0+$0x8330] =	vst v6;
	v6 =	vmul.f32 v10, v2;
	v10 =	vld [tilespmem:s0+$0x83A0]  }
0x282: {  	[tilespmem:s0+$0x8340] =	vst v7;
	v7 =	vmul.f32 v11, v2;
	v11 =	vld [tilespmem:s0+$0x83B0]  }
0x283: {  	[tilespmem:s0+$0x82C0] =	vst v4;
	v2 =	vmul.f32 v9, v2;
	v4 =	vld [tilespmem:s0+$0x83C0]  }
0x284: {  	[tilespmem:s0+$0x8360] =	vst v7;
	v7 =	vmul.f32 v12, v5;
	v9 =	vld [tilespmem:s0+$0x83E0]  }
0x285: {  	[tilespmem:s0+$0x8370] =	vst v2;
	v2 =	vmul.f32 v8, v5;
	v8 =	vld [tilespmem:s0+$0x83F0]  }
0x286: {  	[tilespmem:s0+$0x8380] =	vst v7;
	v7 =	vmul.f32 v10, v5  }
0x287: {  	[tilespmem:s0+$0x8390] =	vst v2;
	v2 =	vmul.f32 v11, v5  }
0x288: {  	v10 =	vmul.f32 v16, v15;
	[tilespmem:s0+$0x83A0] =	vst v7  }
0x289: {  	[tilespmem:s0+$0x83B0] =	vst v2;
	v2 =	vmul.f32 v4, v5  }
.Ltmp2:
0x28a: {  	[tilespmem:s0+$0x8230] =	vst v10;
	v4 =	vmul.f32 v8, v5;
	(pc) =	sbr.rel @p1 .LBB2_8-.Ltmp2, $4  }
0x28b: {  	[tilespmem:s0+$0x83C0] =	vst v2  }
0x28c: {  	v2 =	vmul.f32 v9, v5;
	[tilespmem:s0+$0x83F0] =	vst v4  }
0x28d: {  	[tilespmem:s0+$0x8350] =	vst v6  }
0x28e: {  	[tilespmem:s0+$0x83E0] =	vst v2  }
0x28f: {  	s29 =	sadd.s32 $0x1, s29  }
0x290: {  	p1 =	sne.s32 s29, $0x14  }
.Ltmp3:
0x291: {  	[tilespmem:s0+$0x8220] =	vst v3;
	s31 =	sadd.s32 $0x1400, s30;
	(pc) =	sbr.rel @p1 .LBB2_5-.Ltmp3, $4  }
0x292: {  	[spmem:s2] =	stream.indirect.scatter.add.f32 [tilespmem:s24], [sflag:$0x3], $0x80, s31, s22, $0xb8;
	[tilespmem:$0x1F480] =	vst v63  }
0x293: {  	_ =	swait.ge [sflag:s19], $0x4000  }
0x294: {  	[sflag:s19] =	ssyncset.done $0x0  }
0x295: {  	[sflag:s19] =	ssyncadd.s32 $0xFFFFC000  }
0x296: {  	s28 =	sadd.s32 $0x1, s28  }
0x297: {  	p1 =	sne.s32 s28, $0x4  }
.Ltmp4:
0x298: {  	_ = 	snop;
	(pc) =	sbr.rel @p1 .LBB2_4-.Ltmp4, $1  }
0x299: {  	_ =	sdelay $0x3  }
0x29a: {  	s0 =	stileid.u32  }
0x29b: {  	s0 =	sshll.u32 s0, $0x6  }
0x29c: {  	[bflag:$0x0] =	sbarrier.arrive $0xFFFF;
	s6 =	sshrl.u32 s8, $0x3;
	s0 =	sor.u32 $0x1C03, s0  }
0x29d: {  	[hbm:s15], [sflag:s0] =	dma.local [spmem:s6], $0x2700  }
0x29e: {  	_ =	swait.ge [sflag:s19], $0x2700  }
0x29f: {  	s3 =	sadd.s32 $0x1, s3;
	[sflag:s19] =	ssyncset.done $0x0  }
0x2a0: {  	p1 =	sne.s32 s3, s17;
	s6 =	sshrl.u32 @!p0 s13, $0x3;
	[sflag:s19] =	ssyncadd.s32 $0xFFFFD900  }
0x2a1: {  	[hbm:s16], [sflag:s0] =	dma.local @!p0 [spmem:s6], $0x100  }
.Ltmp5:
0x2a2: {  	_ = 	snop;
	(pc) =	sbr.rel @p1 .LBB2_1-.Ltmp5, $4  }
0x2a3: {  	s0 =	simm.s32 @!p0 $0x3  }
0x2a4: {  	_ =	swait.ge @!p0 [sflag:s0], $0x100  }
0x2a5: {  	[sflag:s0] =	ssyncset.done @!p0 $0x0  }
0x2a6: {  	[sflag:s0] =	ssyncadd.s32 @!p0 $0xFFFFFF00  }
0x2a7: {  	_ =	sfence.sel $0x180000  }
0x2a8: {  	[bflag:$0x0] =	sbarrier.arrive $0xFFFF  }
0x2a9: {  	_ =	strace $0x90000047  }
0x2aa: {  	[bflag:$0x2] =	sbarrier.arrive $0xFFFF  }
0x2ab: {  	s0 =	rddreg [dreg:$0x3]  }
0x2ac: {  	s0 =	sadd.s32 @!p0 $0x100000, s0  }
0x2ad: {  	[sflag:s0] =	ssyncadd.tile.s32 @!p0 $0x1;
	_ =	shalt  }
.Lfunc_end2:
_tile_overlayer_lowered:
.L_overlay_start_2:
0x2ae: {  	(tag) =	ssettag $0x2  }
0x2af: {  	s0 =	rddreg [dreg:$0x0];
	s2 =	stileid.u32  }
0x2b0: {  	s1 =	rddreg [dreg:$0x1];
	p0 =	sne.s32 s2, $0x0  }
0x2b1: {  	s3 =	rddreg [dreg:$0x2];
	[bflag:$0x3] =	sbarrier.arrive $0xFFFF;
	s2 =	simm.s32 @!p0 $0x1C03  }
0x2b2: {  	[timem:s3], [sflag:s2] =	dma.local @!p0 [hbm:s0], s1  }
0x2b3: {  	s0 =	simm.s32 @!p0 $0x3  }
0x2b4: {  	_ =	swait.ge @!p0 [sflag:s0], s1  }
0x2b5: {  	s1 =	ssub.s32 @!p0 $0x0, s1;
	[sflag:s0] =	ssyncset.done @!p0 $0x0  }
0x2b6: {  	[sflag:s0] =	ssyncadd.s32 @!p0 s1  }
0x2b7: {  	[bflag:$0x3] =	sbarrier.arrive $0xFFFF  }
0x2b8: {  	_ =	shalt  }

</sc_bundles>
